<compile_context>
chip_gen: v7x
topology: tpu7x:2x2x1
jax: 0.10.2.dev20260603
libtpu: 0.0.44.dev20260713+nightly
codegen_flags: <defaults>
</compile_context>

<pallas_src>
import functools

import jax
import jax.numpy as jnp
from jax import lax
from jax.experimental import pallas as pl
from jax.experimental.pallas import tpu as pltpu
from jax.experimental.pallas import tpu_sc as plsc

NF = 32
LANES = 16
NW = 32
TPW = 245
NTILES_FULL = 7812
TAIL_BASE = 999936
RING = 8
CAP = 16
PACKN = 128
TRASH = 16384


def _sc_phase1(batch):
    mesh = plsc.VectorSubcoreMesh(
        core_axis_name="c", subcore_axis_name="s", num_cores=2, num_subcores=16
    )
    num_cores = mesh.num_cores
    nvreg = batch // LANES
    staging = jax.ShapeDtypeStruct((batch + 1, 1, 128), jnp.float32)

    @functools.partial(
        pl.kernel,
        out_type=(staging, staging),
        mesh=mesh,
        compiler_params=pltpu.CompilerParams(
            needs_layout_passes=False, use_tc_tiling_on_sc=True
        ),
        scratch_types=[
            pltpu.VMEM((batch,), jnp.int32),
            pltpu.VMEM((TPW * CAP + 16,), jnp.int32),
            pltpu.VMEM((TPW * CAP + 16,), jnp.int32),
            pltpu.VMEM((TPW + 32,), jnp.int32),
            pltpu.VMEM((RING, NF, 256), jnp.float32),
            pltpu.VMEM((64, NF), jnp.float32),
            pltpu.VMEM((PACKN, 1, 128), jnp.float32),
            pltpu.VMEM((PACKN,), jnp.int32),
            pltpu.SemaphoreType.DMA((RING,)),
            pltpu.SemaphoreType.DMA,
        ],
    )
    def phase1(users_hbm, movies_hbm, ut_hbm, mt_hbm, utail_hbm, mtail_hbm,
               ue_out, me_out,
               idsv, bu, bp, cnt, ring, tailbuf, pack, posx, sem, ssem):
        wid = lax.axis_index("s") * num_cores + lax.axis_index("c")
        tbase = wid * TPW
        lanes = lax.iota(jnp.int32, LANES)
        ones = jnp.ones((LANES,), jnp.int32)
        lane0 = lanes == 0
        nt = jnp.where(wid == NW - 1, NTILES_FULL - 31 * TPW + 1, TPW)
        nt_main = jnp.where(wid == NW - 1, NTILES_FULL - 31 * TPW, TPW)

        def reinit_posx():
            for q in range(PACKN // LANES):
                posx[pl.ds(q * LANES, LANES)] = jnp.full(
                    (LANES,), TRASH, jnp.int32)

        def flush(out_hbm):
            pltpu.async_copy(pack, out_hbm.at[posx], ssem).wait()
            reinit_posx()

        def do_table(ids_hbm, t_hbm, tail_hbm, out_hbm):
            pltpu.sync_copy(ids_hbm, idsv)
            for q in range((TPW + 32) // LANES):
                cnt[pl.ds(q * LANES, LANES)] = jnp.zeros((LANES,), jnp.int32)
            reinit_posx()

            def filt1(v):
                ids16 = idsv[pl.ds(v * LANES, LANES)]
                tl = (ids16 >> 7) - tbase
                inb = (tl >= 0) & (tl < nt)
                tc_ = jnp.clip(tl, 0, TPW - 1)
                rank, _ = plsc.scan_count(tc_, mask=inb)
                cb = plsc.load_gather(cnt, [tc_], mask=inb)
                slot = tc_ * CAP + jnp.minimum(cb + rank - 1, CAP - 1)
                plsc.store_scatter(bu, [slot], ids16, mask=inb)
                plsc.store_scatter(bp, [slot], v * LANES + lanes, mask=inb)
                plsc.addupdate_scatter(cnt, [tc_], ones, mask=inb)

            def filt(v, carry):
                filt1(v * 2)
                filt1(v * 2 + 1)
                return carry

            lax.fori_loop(0, nvreg // 2, filt, 0)



            nq = nt_main // 2
            for r in range(RING - 1):
                pltpu.async_copy(
                    t_hbm.at[:, pl.ds((tbase + 2 * r) * 128, 256)],
                    ring.at[r], sem.at[r])

            def item(i, jc, t, tm, from_tail, off=0):
                j = jc
                u = plsc.load_gather(bu, [jnp.full((LANES,), t * CAP + i,
                                                   jnp.int32)])[0]
                pos = plsc.load_gather(bp, [jnp.full((LANES,), t * CAP + i,
                                                     jnp.int32)])[0]
                ul = u & 127
                if from_tail:
                    uf0 = plsc.load_gather(
                        tailbuf, [jnp.full((LANES,), u - TAIL_BASE, jnp.int32),
                                  lanes])
                    uf1 = plsc.load_gather(
                        tailbuf, [jnp.full((LANES,), u - TAIL_BASE, jnp.int32),
                                  lanes + LANES])
                else:
                    uf0 = plsc.load_gather(
                        ring, [jnp.full((LANES,), tm, jnp.int32), lanes,
                               jnp.full((LANES,), ul + off, jnp.int32)])
                    uf1 = plsc.load_gather(
                        ring, [jnp.full((LANES,), tm, jnp.int32),
                               lanes + LANES,
                               jnp.full((LANES,), ul + off, jnp.int32)])
                pack[j, 0, pl.ds(0, LANES)] = uf0
                pack[j, 0, pl.ds(LANES, LANES)] = uf1
                plsc.store_scatter(posx, [jnp.full((LANES,), j, jnp.int32)],
                                   jnp.full((LANES,), pos, jnp.int32),
                                   mask=lane0)
                j = j + 1

                @pl.when(j == PACKN)
                def _():
                    flush(out_hbm)

                return jnp.where(j == PACKN, 0, j)

            def proc_tile(t, tm, jc, off):
                cvec = cnt[pl.ds(t, LANES)]
                n = cvec[0]
                return lax.fori_loop(
                    0, n, lambda i, j: item(i, j, t, tm, False, off), jc)

            def tile_body(q, jc):
                tm = q % RING
                tn = (q + RING - 1) % RING

                @pl.when(q + RING - 1 < nq)
                def _():
                    pltpu.async_copy(
                        t_hbm.at[:, pl.ds((tbase + 2 * (q + RING - 1)) * 128,
                                          256)],
                        ring.at[tn], sem.at[tn])

                pltpu.make_async_copy(
                    t_hbm.at[:, pl.ds(0, 256)], ring.at[tm], sem.at[tm]
                ).wait()
                jc = proc_tile(2 * q, tm, jc, 0)
                jc = proc_tile(2 * q + 1, tm, jc, 128)
                return jc

            j = lax.fori_loop(0, nq, tile_body, 0)

            t_last = nt_main - 1
            pltpu.sync_copy(
                t_hbm.at[:, pl.ds((tbase + t_last) * 128, 128)],
                ring.at[0, :, pl.ds(0, 128)])
            j = proc_tile(t_last, 0, j, 0)

            @pl.when(wid == NW - 1)
            def _():
                pltpu.sync_copy(tail_hbm, tailbuf)

            def tail_items(jj):
                t = nt_main
                cvec = cnt[pl.ds(t, LANES)]
                n = cvec[0]
                return lax.fori_loop(
                    0, n, lambda i, j2: item(i, j2, t, 0, True), jj)

            j = lax.cond(wid == NW - 1, tail_items, lambda jj: jj, j)

            @pl.when(j > 0)
            def _():
                flush(out_hbm)

        do_table(users_hbm, ut_hbm, utail_hbm, ue_out)
        do_table(movies_hbm, mt_hbm, mtail_hbm, me_out)

    return phase1


def _tc_phase2(batch):
    blk = 1024
    grid = (batch // blk,)

    def body(u_ref, m_ref, o_ref):
        ue = u_ref[...][:, 0, :NF]
        me = m_ref[...][:, 0, :NF]
        dot = jnp.sum(ue * me, axis=1)
        un = jnp.sqrt(jnp.sum(ue * ue, axis=1))
        mn = jnp.sqrt(jnp.sum(me * me, axis=1))
        su = jnp.where(un > 1.0, 1.0 / (un + 1e-7), 1.0)
        sm = jnp.where(mn > 1.0, 1.0 / (mn + 1e-7), 1.0)
        denom = jnp.maximum(un * su * mn * sm, 1e-8)
        o_ref[...] = (dot * su * sm) / denom * 2.0 + 3.0

    return pl.pallas_call(
        body,
        grid=grid,
        in_specs=[
            pl.BlockSpec((blk, 1, 128), lambda i: (i, 0, 0)),
            pl.BlockSpec((blk, 1, 128), lambda i: (i, 0, 0)),
        ],
        out_specs=pl.BlockSpec((blk,), lambda i: (i,)),
        out_shape=jax.ShapeDtypeStruct((batch,), jnp.float32),
    )


def kernel(users, movies, user_table, movie_table):
    batch = users.shape[0]
    utail = user_table[TAIL_BASE:, :]
    mtail = movie_table[TAIL_BASE:, :]
    p1 = _sc_phase1(batch)
    ue_rows, me_rows = p1(users.astype(jnp.int32), movies.astype(jnp.int32),
                          user_table.T, movie_table.T, utail, mtail)
    return _tc_phase2(batch)(ue_rows, me_rows)

# --- scband reference (transcript-rebuilt; emitter-appended) ---
"""Pipeline reference for scband-matrix-factorization-19370302505034 (READ-ONLY COPY).

The authoritative reference and input builder live on the scoring server;
editing this copy changes nothing except your own understanding.
"""

import jax, jax.numpy as jnp
import numpy as np

NUM_USERS = 1000000
NUM_MOVIES = 1000000
NUM_FACTORS = 32
BATCH = 16384


def _renorm(emb, max_norm=1.0):
    # Mimic torch.nn.Embedding(max_norm=1): rows whose L2 norm exceeds max_norm
    # are rescaled to max_norm (torch uses norm + 1e-7 in the denominator).
    norm = jnp.linalg.norm(emb, axis=-1, keepdims=True)
    scale = max_norm / (norm + 1e-7)
    return jnp.where(norm > max_norm, emb * scale, emb)


def setup_inputs(seed: int = 0) -> dict:
    key = jax.random.key(seed)
    k1, k2, k3, k4 = jax.random.split(key, 4)
    users = jax.random.randint(k1, (BATCH,), 0, NUM_USERS)
    movies = jax.random.randint(k2, (BATCH,), 0, NUM_MOVIES)
    user_table = jax.random.uniform(k3, (NUM_USERS, NUM_FACTORS), minval=-0.25, maxval=0.25, dtype=jnp.float32)
    movie_table = jax.random.uniform(k4, (NUM_MOVIES, NUM_FACTORS), minval=-0.25, maxval=0.25, dtype=jnp.float32)
    return {"users": users, "movies": movies, "user_table": user_table, "movie_table": movie_table}


def reference(users, movies, user_table, movie_table):
    ue = _renorm(jnp.take(user_table, users, axis=0))
    me = _renorm(jnp.take(movie_table, movies, axis=0))
    # torch.nn.CosineSimilarity(dim=1, eps=1e-8)
    dot = jnp.sum(ue * me, axis=1)
    un = jnp.linalg.norm(ue, axis=1)
    mn = jnp.linalg.norm(me, axis=1)
    cos = dot / jnp.maximum(un * mn, 1e-8)
    return cos * 2.0 + 3.0

if __name__ == "__main__":
    import jax
    _d = setup_inputs()
    print(jax.jit(kernel)(*tuple(_d.values())))

</pallas_src>

<mosaic_0001>
#map = affine_map<(d0, d1) -> (0)>
#map1 = affine_map<(d0, d1) -> (0, 0)>
#map2 = affine_map<(d0, d1) -> (0, 0, 0)>
module attributes {stable_mosaic.version = 14 : i64} {
  func.func @phase1(%arg0: i32, %arg1: i32, %arg2: memref<16384xi32, #tpu.memory_space<hbm>>, %arg3: memref<16384xi32, #tpu.memory_space<hbm>>, %arg4: memref<32x1000000xf32, #tpu.memory_space<hbm>>, %arg5: memref<32x1000000xf32, #tpu.memory_space<hbm>>, %arg6: memref<64x32xf32, #tpu.memory_space<hbm>>, %arg7: memref<64x32xf32, #tpu.memory_space<hbm>>, %arg8: memref<16385x1x128xf32, #tpu.memory_space<hbm>>, %arg9: memref<16385x1x128xf32, #tpu.memory_space<hbm>>, %arg10: memref<16384xi32, #tpu.memory_space<vmem>>, %arg11: memref<3936xi32, #tpu.memory_space<vmem>>, %arg12: memref<3936xi32, #tpu.memory_space<vmem>>, %arg13: memref<277xi32, #tpu.memory_space<vmem>>, %arg14: memref<8x32x256xf32, #tpu.memory_space<vmem>>, %arg15: memref<64x32xf32, #tpu.memory_space<vmem>>, %arg16: memref<128x1x128xf32, #tpu.memory_space<vmem>>, %arg17: memref<128xi32, #tpu.memory_space<vmem>>, %arg18: memref<8x!tpu.dma_semaphore, #tpu.memory_space<semaphore_mem>>, %arg19: memref<!tpu.dma_semaphore, #tpu.memory_space<semaphore_mem>>) attributes {dimension_semantics = [#tpu.dimension_semantics<core_parallel>, #tpu.dimension_semantics<subcore_parallel>], iteration_bounds = array<i64: 2, 16>, scalar_prefetch = 0 : i64, scratch_operands = 10 : i64, tpu.core_type = #tpu.core_type<sc_vector_subcore>, window_params = [{transform_indices = #map}, {transform_indices = #map}, {transform_indices = #map1}, {transform_indices = #map1}, {transform_indices = #map1}, {transform_indices = #map1}, {transform_indices = #map2}, {transform_indices = #map2}]} {
    %mul3A = arith.constant 2 : i32
    %mul3A_0 = arith.muli %arg1, %mul3A : i32
    %add3A = arith.addi %mul3A_0, %arg0 : i32
    %mul3A_1 = arith.constant 245 : i32
    %mul3A_2 = arith.muli %add3A, %mul3A_1 : i32
    %iota3A = tpu.iota {dimensions = array<i32: 0>} : vector<16xi32>
    %broadcast_in_dim3A = arith.constant 1 : i32
    %broadcast_in_dim3A_3 = vector.broadcast %broadcast_in_dim3A : i32 to vector<16xi32>
    %eq3A = arith.constant 0 : i32
    %eq3A_4 = vector.broadcast %eq3A : i32 to vector<16xi32>
    %eq3A_5 = arith.cmpi eq, %iota3A, %eq3A_4 : vector<16xi32>
    %eq3A_6 = arith.constant 31 : i32
    %eq3A_7 = arith.cmpi eq, %add3A, %eq3A_6 : i32
    %jit3A = arith.constant 218 : i32
    %jit3A_8 = arith.constant 245 : i32
    %select_n3A = arith.select %eq3A_7, %jit3A, %jit3A_8 : i32
    %eq3A_9 = arith.constant 31 : i32
    %eq3A_10 = arith.cmpi eq, %add3A, %eq3A_9 : i32
    %jit3A_11 = arith.constant 217 : i32
    %jit3A_12 = arith.constant 245 : i32
    %select_n3A_13 = arith.select %eq3A_10, %jit3A_11, %jit3A_12 : i32
    "tpu.region"() ({
      %run_scoped3A_635 = tpu.sem_alloc : memref<!tpu.dma_semaphore, #tpu.memory_space<semaphore_mem>>
      tpu.enqueue_dma source(%arg2 : memref<16384xi32, #tpu.memory_space<hbm>>) target(%arg10 : memref<16384xi32, #tpu.memory_space<vmem>>) target_semaphore(%run_scoped3A_635 : memref<!tpu.dma_semaphore, #tpu.memory_space<semaphore_mem>>)
      tpu.wait_dma2 semaphore(%run_scoped3A_635 : memref<!tpu.dma_semaphore, #tpu.memory_space<semaphore_mem>>) src(%arg2 : memref<16384xi32, #tpu.memory_space<hbm>>) dst(%arg10 : memref<16384xi32, #tpu.memory_space<vmem>>)
      tpu.yield
    }) : () -> ()
    %broadcast_in_dim3A_14 = arith.constant 0 : i32
    %broadcast_in_dim3A_15 = vector.broadcast %broadcast_in_dim3A_14 : i32 to vector<16xi32>
    %swap3A = arith.constant 0 : index
    %swap3A_16 = tpu.vector_load %arg13[%swap3A] {strides = array<i32>} : memref<277xi32, #tpu.memory_space<vmem>>, vector<16xi32>,
    tpu.vector_store %arg13[%swap3A], %broadcast_in_dim3A_15 {strides = array<i32>} : memref<277xi32, #tpu.memory_space<vmem>>, vector<16xi32>,
    %broadcast_in_dim3A_17 = arith.constant 0 : i32
    %broadcast_in_dim3A_18 = vector.broadcast %broadcast_in_dim3A_17 : i32 to vector<16xi32>
    %swap3A_19 = arith.constant 16 : index
    %swap3A_20 = tpu.vector_load %arg13[%swap3A_19] {strides = array<i32>} : memref<277xi32, #tpu.memory_space<vmem>>, vector<16xi32>,
    tpu.vector_store %arg13[%swap3A_19], %broadcast_in_dim3A_18 {strides = array<i32>} : memref<277xi32, #tpu.memory_space<vmem>>, vector<16xi32>,
    %broadcast_in_dim3A_21 = arith.constant 0 : i32
    %broadcast_in_dim3A_22 = vector.broadcast %broadcast_in_dim3A_21 : i32 to vector<16xi32>
    %swap3A_23 = arith.constant 32 : index
    %swap3A_24 = tpu.vector_load %arg13[%swap3A_23] {strides = array<i32>} : memref<277xi32, #tpu.memory_space<vmem>>, vector<16xi32>,
    tpu.vector_store %arg13[%swap3A_23], %broadcast_in_dim3A_22 {strides = array<i32>} : memref<277xi32, #tpu.memory_space<vmem>>, vector<16xi32>,
    %broadcast_in_dim3A_25 = arith.constant 0 : i32
    %broadcast_in_dim3A_26 = vector.broadcast %broadcast_in_dim3A_25 : i32 to vector<16xi32>
    %swap3A_27 = arith.constant 48 : index
    %swap3A_28 = tpu.vector_load %arg13[%swap3A_27] {strides = array<i32>} : memref<277xi32, #tpu.memory_space<vmem>>, vector<16xi32>,
    tpu.vector_store %arg13[%swap3A_27], %broadcast_in_dim3A_26 {strides = array<i32>} : memref<277xi32, #tpu.memory_space<vmem>>, vector<16xi32>,
    %broadcast_in_dim3A_29 = arith.constant 0 : i32
    %broadcast_in_dim3A_30 = vector.broadcast %broadcast_in_dim3A_29 : i32 to vector<16xi32>
    %swap3A_31 = arith.constant 64 : index
    %swap3A_32 = tpu.vector_load %arg13[%swap3A_31] {strides = array<i32>} : memref<277xi32, #tpu.memory_space<vmem>>, vector<16xi32>,
    tpu.vector_store %arg13[%swap3A_31], %broadcast_in_dim3A_30 {strides = array<i32>} : memref<277xi32, #tpu.memory_space<vmem>>, vector<16xi32>,
    %broadcast_in_dim3A_33 = arith.constant 0 : i32
    %broadcast_in_dim3A_34 = vector.broadcast %broadcast_in_dim3A_33 : i32 to vector<16xi32>
    %swap3A_35 = arith.constant 80 : index
    %swap3A_36 = tpu.vector_load %arg13[%swap3A_35] {strides = array<i32>} : memref<277xi32, #tpu.memory_space<vmem>>, vector<16xi32>,
    tpu.vector_store %arg13[%swap3A_35], %broadcast_in_dim3A_34 {strides = array<i32>} : memref<277xi32, #tpu.memory_space<vmem>>, vector<16xi32>,
    %broadcast_in_dim3A_37 = arith.constant 0 : i32
    %broadcast_in_dim3A_38 = vector.broadcast %broadcast_in_dim3A_37 : i32 to vector<16xi32>
    %swap3A_39 = arith.constant 96 : index
    %swap3A_40 = tpu.vector_load %arg13[%swap3A_39] {strides = array<i32>} : memref<277xi32, #tpu.memory_space<vmem>>, vector<16xi32>,
    tpu.vector_store %arg13[%swap3A_39], %broadcast_in_dim3A_38 {strides = array<i32>} : memref<277xi32, #tpu.memory_space<vmem>>, vector<16xi32>,
    %broadcast_in_dim3A_41 = arith.constant 0 : i32
    %broadcast_in_dim3A_42 = vector.broadcast %broadcast_in_dim3A_41 : i32 to vector<16xi32>
    %swap3A_43 = arith.constant 112 : index
    %swap3A_44 = tpu.vector_load %arg13[%swap3A_43] {strides = array<i32>} : memref<277xi32, #tpu.memory_space<vmem>>, vector<16xi32>,
    tpu.vector_store %arg13[%swap3A_43], %broadcast_in_dim3A_42 {strides = array<i32>} : memref<277xi32, #tpu.memory_space<vmem>>, vector<16xi32>,
    %broadcast_in_dim3A_45 = arith.constant 0 : i32
    %broadcast_in_dim3A_46 = vector.broadcast %broadcast_in_dim3A_45 : i32 to vector<16xi32>
    %swap3A_47 = arith.constant 128 : index
    %swap3A_48 = tpu.vector_load %arg13[%swap3A_47] {strides = array<i32>} : memref<277xi32, #tpu.memory_space<vmem>>, vector<16xi32>,
    tpu.vector_store %arg13[%swap3A_47], %broadcast_in_dim3A_46 {strides = array<i32>} : memref<277xi32, #tpu.memory_space<vmem>>, vector<16xi32>,
    %broadcast_in_dim3A_49 = arith.constant 0 : i32
    %broadcast_in_dim3A_50 = vector.broadcast %broadcast_in_dim3A_49 : i32 to vector<16xi32>
    %swap3A_51 = arith.constant 144 : index
    %swap3A_52 = tpu.vector_load %arg13[%swap3A_51] {strides = array<i32>} : memref<277xi32, #tpu.memory_space<vmem>>, vector<16xi32>,
    tpu.vector_store %arg13[%swap3A_51], %broadcast_in_dim3A_50 {strides = array<i32>} : memref<277xi32, #tpu.memory_space<vmem>>, vector<16xi32>,
    %broadcast_in_dim3A_53 = arith.constant 0 : i32
    %broadcast_in_dim3A_54 = vector.broadcast %broadcast_in_dim3A_53 : i32 to vector<16xi32>
    %swap3A_55 = arith.constant 160 : index
    %swap3A_56 = tpu.vector_load %arg13[%swap3A_55] {strides = array<i32>} : memref<277xi32, #tpu.memory_space<vmem>>, vector<16xi32>,
    tpu.vector_store %arg13[%swap3A_55], %broadcast_in_dim3A_54 {strides = array<i32>} : memref<277xi32, #tpu.memory_space<vmem>>, vector<16xi32>,
    %broadcast_in_dim3A_57 = arith.constant 0 : i32
    %broadcast_in_dim3A_58 = vector.broadcast %broadcast_in_dim3A_57 : i32 to vector<16xi32>
    %swap3A_59 = arith.constant 176 : index
    %swap3A_60 = tpu.vector_load %arg13[%swap3A_59] {strides = array<i32>} : memref<277xi32, #tpu.memory_space<vmem>>, vector<16xi32>,
    tpu.vector_store %arg13[%swap3A_59], %broadcast_in_dim3A_58 {strides = array<i32>} : memref<277xi32, #tpu.memory_space<vmem>>, vector<16xi32>,
    %broadcast_in_dim3A_61 = arith.constant 0 : i32
    %broadcast_in_dim3A_62 = vector.broadcast %broadcast_in_dim3A_61 : i32 to vector<16xi32>
    %swap3A_63 = arith.constant 192 : index
    %swap3A_64 = tpu.vector_load %arg13[%swap3A_63] {strides = array<i32>} : memref<277xi32, #tpu.memory_space<vmem>>, vector<16xi32>,
    tpu.vector_store %arg13[%swap3A_63], %broadcast_in_dim3A_62 {strides = array<i32>} : memref<277xi32, #tpu.memory_space<vmem>>, vector<16xi32>,
    %broadcast_in_dim3A_65 = arith.constant 0 : i32
    %broadcast_in_dim3A_66 = vector.broadcast %broadcast_in_dim3A_65 : i32 to vector<16xi32>
    %swap3A_67 = arith.constant 208 : index
    %swap3A_68 = tpu.vector_load %arg13[%swap3A_67] {strides = array<i32>} : memref<277xi32, #tpu.memory_space<vmem>>, vector<16xi32>,
    tpu.vector_store %arg13[%swap3A_67], %broadcast_in_dim3A_66 {strides = array<i32>} : memref<277xi32, #tpu.memory_space<vmem>>, vector<16xi32>,
    %broadcast_in_dim3A_69 = arith.constant 0 : i32
    %broadcast_in_dim3A_70 = vector.broadcast %broadcast_in_dim3A_69 : i32 to vector<16xi32>
    %swap3A_71 = arith.constant 224 : index
    %swap3A_72 = tpu.vector_load %arg13[%swap3A_71] {strides = array<i32>} : memref<277xi32, #tpu.memory_space<vmem>>, vector<16xi32>,
    tpu.vector_store %arg13[%swap3A_71], %broadcast_in_dim3A_70 {strides = array<i32>} : memref<277xi32, #tpu.memory_space<vmem>>, vector<16xi32>,
    %broadcast_in_dim3A_73 = arith.constant 0 : i32
    %broadcast_in_dim3A_74 = vector.broadcast %broadcast_in_dim3A_73 : i32 to vector<16xi32>
    %swap3A_75 = arith.constant 240 : index
    %swap3A_76 = tpu.vector_load %arg13[%swap3A_75] {strides = array<i32>} : memref<277xi32, #tpu.memory_space<vmem>>, vector<16xi32>,
    tpu.vector_store %arg13[%swap3A_75], %broadcast_in_dim3A_74 {strides = array<i32>} : memref<277xi32, #tpu.memory_space<vmem>>, vector<16xi32>,
    %broadcast_in_dim3A_77 = arith.constant 0 : i32
    %broadcast_in_dim3A_78 = vector.broadcast %broadcast_in_dim3A_77 : i32 to vector<16xi32>
    %swap3A_79 = arith.constant 256 : index
    %swap3A_80 = tpu.vector_load %arg13[%swap3A_79] {strides = array<i32>} : memref<277xi32, #tpu.memory_space<vmem>>, vector<16xi32>,
    tpu.vector_store %arg13[%swap3A_79], %broadcast_in_dim3A_78 {strides = array<i32>} : memref<277xi32, #tpu.memory_space<vmem>>, vector<16xi32>,
    %broadcast_in_dim3A_81 = arith.constant 16384 : i32
    %broadcast_in_dim3A_82 = vector.broadcast %broadcast_in_dim3A_81 : i32 to vector<16xi32>
    %swap3A_83 = arith.constant 0 : index
    %swap3A_84 = tpu.vector_load %arg17[%swap3A_83] {strides = array<i32>} : memref<128xi32, #tpu.memory_space<vmem>>, vector<16xi32>,
    tpu.vector_store %arg17[%swap3A_83], %broadcast_in_dim3A_82 {strides = array<i32>} : memref<128xi32, #tpu.memory_space<vmem>>, vector<16xi32>,
    %broadcast_in_dim3A_85 = arith.constant 16384 : i32
    %broadcast_in_dim3A_86 = vector.broadcast %broadcast_in_dim3A_85 : i32 to vector<16xi32>
    %swap3A_87 = arith.constant 16 : index
    %swap3A_88 = tpu.vector_load %arg17[%swap3A_87] {strides = array<i32>} : memref<128xi32, #tpu.memory_space<vmem>>, vector<16xi32>,
    tpu.vector_store %arg17[%swap3A_87], %broadcast_in_dim3A_86 {strides = array<i32>} : memref<128xi32, #tpu.memory_space<vmem>>, vector<16xi32>,
    %broadcast_in_dim3A_89 = arith.constant 16384 : i32
    %broadcast_in_dim3A_90 = vector.broadcast %broadcast_in_dim3A_89 : i32 to vector<16xi32>
    %swap3A_91 = arith.constant 32 : index
    %swap3A_92 = tpu.vector_load %arg17[%swap3A_91] {strides = array<i32>} : memref<128xi32, #tpu.memory_space<vmem>>, vector<16xi32>,
    tpu.vector_store %arg17[%swap3A_91], %broadcast_in_dim3A_90 {strides = array<i32>} : memref<128xi32, #tpu.memory_space<vmem>>, vector<16xi32>,
    %broadcast_in_dim3A_93 = arith.constant 16384 : i32
    %broadcast_in_dim3A_94 = vector.broadcast %broadcast_in_dim3A_93 : i32 to vector<16xi32>
    %swap3A_95 = arith.constant 48 : index
    %swap3A_96 = tpu.vector_load %arg17[%swap3A_95] {strides = array<i32>} : memref<128xi32, #tpu.memory_space<vmem>>, vector<16xi32>,
    tpu.vector_store %arg17[%swap3A_95], %broadcast_in_dim3A_94 {strides = array<i32>} : memref<128xi32, #tpu.memory_space<vmem>>, vector<16xi32>,
    %broadcast_in_dim3A_97 = arith.constant 16384 : i32
    %broadcast_in_dim3A_98 = vector.broadcast %broadcast_in_dim3A_97 : i32 to vector<16xi32>
    %swap3A_99 = arith.constant 64 : index
    %swap3A_100 = tpu.vector_load %arg17[%swap3A_99] {strides = array<i32>} : memref<128xi32, #tpu.memory_space<vmem>>, vector<16xi32>,
    tpu.vector_store %arg17[%swap3A_99], %broadcast_in_dim3A_98 {strides = array<i32>} : memref<128xi32, #tpu.memory_space<vmem>>, vector<16xi32>,
    %broadcast_in_dim3A_101 = arith.constant 16384 : i32
    %broadcast_in_dim3A_102 = vector.broadcast %broadcast_in_dim3A_101 : i32 to vector<16xi32>
    %swap3A_103 = arith.constant 80 : index
    %swap3A_104 = tpu.vector_load %arg17[%swap3A_103] {strides = array<i32>} : memref<128xi32, #tpu.memory_space<vmem>>, vector<16xi32>,
    tpu.vector_store %arg17[%swap3A_103], %broadcast_in_dim3A_102 {strides = array<i32>} : memref<128xi32, #tpu.memory_space<vmem>>, vector<16xi32>,
    %broadcast_in_dim3A_105 = arith.constant 16384 : i32
    %broadcast_in_dim3A_106 = vector.broadcast %broadcast_in_dim3A_105 : i32 to vector<16xi32>
    %swap3A_107 = arith.constant 96 : index
    %swap3A_108 = tpu.vector_load %arg17[%swap3A_107] {strides = array<i32>} : memref<128xi32, #tpu.memory_space<vmem>>, vector<16xi32>,
    tpu.vector_store %arg17[%swap3A_107], %broadcast_in_dim3A_106 {strides = array<i32>} : memref<128xi32, #tpu.memory_space<vmem>>, vector<16xi32>,
    %broadcast_in_dim3A_109 = arith.constant 16384 : i32
    %broadcast_in_dim3A_110 = vector.broadcast %broadcast_in_dim3A_109 : i32 to vector<16xi32>
    %swap3A_111 = arith.constant 112 : index
    %swap3A_112 = tpu.vector_load %arg17[%swap3A_111] {strides = array<i32>} : memref<128xi32, #tpu.memory_space<vmem>>, vector<16xi32>,
    tpu.vector_store %arg17[%swap3A_111], %broadcast_in_dim3A_110 {strides = array<i32>} : memref<128xi32, #tpu.memory_space<vmem>>, vector<16xi32>,
    %scan3A = arith.constant 0 : i32
    %scan3A_113 = arith.constant 0 : i32
    %scan3A_114 = arith.constant 512 : i32
    %scan3A_115 = arith.addi %scan3A_113, %scan3A_114 : i32
    %scan3A_116 = arith.constant 1 : i32
    scf.for %scan3A_635 = %scan3A_113 to %scan3A_115 step %scan3A_116  : i32 {
      %mul3A_636 = arith.constant 2 : i32
      %mul3A_637 = arith.muli %scan3A_635, %mul3A_636 : i32
      %mul3A_638 = arith.constant 16 : i32
      %mul3A_639 = arith.muli %mul3A_637, %mul3A_638 : i32
      %get3A_640 = arith.index_cast %mul3A_639 : i32 to index
      %get3A_641 = tpu.vector_load %arg10[%get3A_640] {strides = array<i32>} : memref<16384xi32, #tpu.memory_space<vmem>>, vector<16xi32>,
      %shift_right_arithmetic3A = arith.constant 7 : i32
      %shift_right_arithmetic3A_642 = vector.broadcast %shift_right_arithmetic3A : i32 to vector<16xi32>
      %shift_right_arithmetic3A_643 = arith.shrsi %get3A_641, %shift_right_arithmetic3A_642 : vector<16xi32>
      %sub3A_644 = vector.broadcast %mul3A_2 : i32 to vector<16xi32>
      %sub3A_645 = arith.subi %shift_right_arithmetic3A_643, %sub3A_644 : vector<16xi32>
      %ge3A = arith.constant 0 : i32
      %ge3A_646 = vector.broadcast %ge3A : i32 to vector<16xi32>
      %ge3A_647 = arith.cmpi sge, %sub3A_645, %ge3A_646 : vector<16xi32>
      %lt3A = vector.broadcast %select_n3A : i32 to vector<16xi32>
      %lt3A_648 = arith.cmpi slt, %sub3A_645, %lt3A : vector<16xi32>
      %and3A_649 = arith.andi %ge3A_647, %lt3A_648 : vector<16xi1>
      %jit3A_650 = arith.constant 0 : i32
      %jit3A_651 = arith.constant 244 : i32
      %max3A = vector.broadcast %jit3A_650 : i32 to vector<16xi32>
      %max3A_652 = arith.maxsi %max3A, %sub3A_645 : vector<16xi32>
      %min3A = vector.broadcast %jit3A_651 : i32 to vector<16xi32>
      %min3A_653 = arith.minsi %min3A, %max3A_652 : vector<16xi32>
      %unique3A, %unique3A_654 = tpu.scan_count mask(%and3A_649 : vector<16xi1>) value(%min3A_653 : vector<16xi32>) : vector<16xi1>, vector<16xi32>
      %gather3A = tpu.vector_load_idx %arg13[%min3A_653] masked %and3A_649 : memref<277xi32, #tpu.memory_space<vmem>>[vector<16xi32>], vector<16xi32>, vector<16xi1>
      %mul3A_655 = arith.constant 16 : i32
      %mul3A_656 = vector.broadcast %mul3A_655 : i32 to vector<16xi32>
      %mul3A_657 = arith.muli %min3A_653, %mul3A_656 : vector<16xi32>
      %add3A_658 = arith.addi %gather3A, %unique3A_654 : vector<16xi32>
      %sub3A_659 = arith.constant 1 : i32
      %sub3A_660 = vector.broadcast %sub3A_659 : i32 to vector<16xi32>
      %sub3A_661 = arith.subi %add3A_658, %sub3A_660 : vector<16xi32>
      %min3A_662 = arith.constant 15 : i32
      %min3A_663 = vector.broadcast %min3A_662 : i32 to vector<16xi32>
      %min3A_664 = arith.minsi %sub3A_661, %min3A_663 : vector<16xi32>
      %add3A_665 = arith.addi %mul3A_657, %min3A_664 : vector<16xi32>
      tpu.vector_store_idx %arg11[%add3A_665], %get3A_641 masked %and3A_649 : memref<3936xi32, #tpu.memory_space<vmem>>[vector<16xi32>], vector<16xi32>, vector<16xi1>
      %mul3A_666 = arith.constant 16 : i32
      %mul3A_667 = arith.muli %mul3A_637, %mul3A_666 : i32
      %add3A_668 = vector.broadcast %mul3A_667 : i32 to vector<16xi32>
      %add3A_669 = arith.addi %add3A_668, %iota3A : vector<16xi32>
      tpu.vector_store_idx %arg12[%add3A_665], %add3A_669 masked %and3A_649 : memref<3936xi32, #tpu.memory_space<vmem>>[vector<16xi32>], vector<16xi32>, vector<16xi1>
      tpu.vector_store_idx %arg13[%min3A_653], %broadcast_in_dim3A_3 masked %and3A_649 {add = true} : memref<277xi32, #tpu.memory_space<vmem>>[vector<16xi32>], vector<16xi32>, vector<16xi1>
      %mul3A_670 = arith.constant 2 : i32
      %mul3A_671 = arith.muli %scan3A_635, %mul3A_670 : i32
      %add3A_672 = arith.constant 1 : i32
      %add3A_673 = arith.addi %mul3A_671, %add3A_672 : i32
      %mul3A_674 = arith.constant 16 : i32
      %mul3A_675 = arith.muli %add3A_673, %mul3A_674 : i32
      %get3A_676 = arith.index_cast %mul3A_675 : i32 to index
      %get3A_677 = tpu.vector_load %arg10[%get3A_676] {strides = array<i32>} : memref<16384xi32, #tpu.memory_space<vmem>>, vector<16xi32>,
      %shift_right_arithmetic3A_678 = arith.constant 7 : i32
      %shift_right_arithmetic3A_679 = vector.broadcast %shift_right_arithmetic3A_678 : i32 to vector<16xi32>
      %shift_right_arithmetic3A_680 = arith.shrsi %get3A_677, %shift_right_arithmetic3A_679 : vector<16xi32>
      %sub3A_681 = vector.broadcast %mul3A_2 : i32 to vector<16xi32>
      %sub3A_682 = arith.subi %shift_right_arithmetic3A_680, %sub3A_681 : vector<16xi32>
      %ge3A_683 = arith.constant 0 : i32
      %ge3A_684 = vector.broadcast %ge3A_683 : i32 to vector<16xi32>
      %ge3A_685 = arith.cmpi sge, %sub3A_682, %ge3A_684 : vector<16xi32>
      %lt3A_686 = vector.broadcast %select_n3A : i32 to vector<16xi32>
      %lt3A_687 = arith.cmpi slt, %sub3A_682, %lt3A_686 : vector<16xi32>
      %and3A_688 = arith.andi %ge3A_685, %lt3A_687 : vector<16xi1>
      %jit3A_689 = arith.constant 0 : i32
      %jit3A_690 = arith.constant 244 : i32
      %max3A_691 = vector.broadcast %jit3A_689 : i32 to vector<16xi32>
      %max3A_692 = arith.maxsi %max3A_691, %sub3A_682 : vector<16xi32>
      %min3A_693 = vector.broadcast %jit3A_690 : i32 to vector<16xi32>
      %min3A_694 = arith.minsi %min3A_693, %max3A_692 : vector<16xi32>
      %unique3A_695, %unique3A_696 = tpu.scan_count mask(%and3A_688 : vector<16xi1>) value(%min3A_694 : vector<16xi32>) : vector<16xi1>, vector<16xi32>
      %gather3A_697 = tpu.vector_load_idx %arg13[%min3A_694] masked %and3A_688 : memref<277xi32, #tpu.memory_space<vmem>>[vector<16xi32>], vector<16xi32>, vector<16xi1>
      %mul3A_698 = arith.constant 16 : i32
      %mul3A_699 = vector.broadcast %mul3A_698 : i32 to vector<16xi32>
      %mul3A_700 = arith.muli %min3A_694, %mul3A_699 : vector<16xi32>
      %add3A_701 = arith.addi %gather3A_697, %unique3A_696 : vector<16xi32>
      %sub3A_702 = arith.constant 1 : i32
      %sub3A_703 = vector.broadcast %sub3A_702 : i32 to vector<16xi32>
      %sub3A_704 = arith.subi %add3A_701, %sub3A_703 : vector<16xi32>
      %min3A_705 = arith.constant 15 : i32
      %min3A_706 = vector.broadcast %min3A_705 : i32 to vector<16xi32>
      %min3A_707 = arith.minsi %sub3A_704, %min3A_706 : vector<16xi32>
      %add3A_708 = arith.addi %mul3A_700, %min3A_707 : vector<16xi32>
      tpu.vector_store_idx %arg11[%add3A_708], %get3A_677 masked %and3A_688 : memref<3936xi32, #tpu.memory_space<vmem>>[vector<16xi32>], vector<16xi32>, vector<16xi1>
      %mul3A_709 = arith.constant 16 : i32
      %mul3A_710 = arith.muli %add3A_673, %mul3A_709 : i32
      %add3A_711 = vector.broadcast %mul3A_710 : i32 to vector<16xi32>
      %add3A_712 = arith.addi %add3A_711, %iota3A : vector<16xi32>
      tpu.vector_store_idx %arg12[%add3A_708], %add3A_712 masked %and3A_688 : memref<3936xi32, #tpu.memory_space<vmem>>[vector<16xi32>], vector<16xi32>, vector<16xi1>
      tpu.vector_store_idx %arg13[%min3A_694], %broadcast_in_dim3A_3 masked %and3A_688 {add = true} : memref<277xi32, #tpu.memory_space<vmem>>[vector<16xi32>], vector<16xi32>, vector<16xi1>
    }
    %scan3A_117 = arith.constant 512 : i32
    %jit3A_118 = arith.constant 2 : i32
    %div3A = arith.divsi %select_n3A_13, %jit3A_118 : i32
    %sign3A = arith.constant 0 : i32
    %sign3A_119 = arith.cmpi sgt, %select_n3A_13, %sign3A : i32
    %sign3A_120 = arith.extui %sign3A_119 : i1 to i32
    %sign3A_121 = arith.constant 0 : i32
    %sign3A_122 = arith.cmpi slt, %select_n3A_13, %sign3A_121 : i32
    %sign3A_123 = arith.extui %sign3A_122 : i1 to i32
    %sign3A_124 = arith.subi %sign3A_120, %sign3A_123 : i32
    %sign3A_125 = arith.constant 0 : i32
    %sign3A_126 = arith.cmpi sgt, %jit3A_118, %sign3A_125 : i32
    %sign3A_127 = arith.extui %sign3A_126 : i1 to i32
    %sign3A_128 = arith.constant 0 : i32
    %sign3A_129 = arith.cmpi slt, %jit3A_118, %sign3A_128 : i32
    %sign3A_130 = arith.extui %sign3A_129 : i1 to i32
    %sign3A_131 = arith.subi %sign3A_127, %sign3A_130 : i32
    %ne3A = arith.cmpi ne, %sign3A_124, %sign3A_131 : i32
    %rem3A = arith.remsi %select_n3A_13, %jit3A_118 : i32
    %ne3A_132 = arith.constant 0 : i32
    %ne3A_133 = arith.cmpi ne, %rem3A, %ne3A_132 : i32
    %and3A = arith.andi %ne3A, %ne3A_133 : i1
    %sub3A = arith.constant 1 : i32
    %sub3A_134 = arith.subi %div3A, %sub3A : i32
    %select_n3A_135 = arith.select %and3A, %sub3A_134, %div3A : i32
    %add3A_136 = arith.constant 0 : i32
    %add3A_137 = arith.addi %mul3A_2, %add3A_136 : i32
    %mul3A_138 = arith.constant 128 : i32
    %mul3A_139 = arith.muli %add3A_137, %mul3A_138 : i32
    %dma_start3A = arith.constant 0 : i32
    %dma_start3A_140 = arith.constant 0 : i32
    %dma_start3A_141 = arith.constant 0 : i32
    %dma_start3A_142 = arith.constant 0 : i32
    %dma_start3A_143 = tpu.memref_slice %arg14[%dma_start3A, %dma_start3A_141, %dma_start3A_142] : memref<8x32x256xf32, #tpu.memory_space<vmem>> -> memref<1x32x256xf32, #tpu.memory_space<vmem>>
    %dma_start3A_144 = tpu.memref_squeeze %dma_start3A_143 : memref<1x32x256xf32, #tpu.memory_space<vmem>> -> memref<32x256xf32, #tpu.memory_space<vmem>>
    %dma_start3A_145 = arith.constant 0 : i32
    %dma_start3A_146 = tpu.memref_slice %arg4[%dma_start3A_145, %mul3A_139] : memref<32x1000000xf32, #tpu.memory_space<hbm>> -> memref<32x256xf32, #tpu.memory_space<hbm>>
    %dma_start3A_147 = tpu.memref_slice %arg18[%dma_start3A_140] : memref<8x!tpu.dma_semaphore, #tpu.memory_space<semaphore_mem>> -> memref<1x!tpu.dma_semaphore, #tpu.memory_space<semaphore_mem>>
    %dma_start3A_148 = tpu.memref_squeeze %dma_start3A_147 : memref<1x!tpu.dma_semaphore, #tpu.memory_space<semaphore_mem>> -> memref<!tpu.dma_semaphore, #tpu.memory_space<semaphore_mem>>
    %dma_start3A_149 = arith.constant 0 : i32
    %dma_start3A_150 = arith.constant 0 : i32
    %dma_start3A_151 = tpu.memref_slice %arg14[%dma_start3A, %dma_start3A_149, %dma_start3A_150] : memref<8x32x256xf32, #tpu.memory_space<vmem>> -> memref<1x32x256xf32, #tpu.memory_space<vmem>>
    %dma_start3A_152 = tpu.memref_squeeze %dma_start3A_151 : memref<1x32x256xf32, #tpu.memory_space<vmem>> -> memref<32x256xf32, #tpu.memory_space<vmem>>
    %dma_start3A_153 = arith.constant 0 : i32
    %dma_start3A_154 = tpu.memref_slice %arg4[%dma_start3A_153, %mul3A_139] : memref<32x1000000xf32, #tpu.memory_space<hbm>> -> memref<32x256xf32, #tpu.memory_space<hbm>>
    tpu.enqueue_dma source(%dma_start3A_154 : memref<32x256xf32, #tpu.memory_space<hbm>>) target(%dma_start3A_152 : memref<32x256xf32, #tpu.memory_space<vmem>>) target_semaphore(%dma_start3A_148 : memref<!tpu.dma_semaphore, #tpu.memory_space<semaphore_mem>>)
    %add3A_155 = arith.constant 2 : i32
    %add3A_156 = arith.addi %mul3A_2, %add3A_155 : i32
    %mul3A_157 = arith.constant 128 : i32
    %mul3A_158 = arith.muli %add3A_156, %mul3A_157 : i32
    %dma_start3A_159 = arith.constant 1 : i32
    %dma_start3A_160 = arith.constant 1 : i32
    %dma_start3A_161 = arith.constant 0 : i32
    %dma_start3A_162 = arith.constant 0 : i32
    %dma_start3A_163 = tpu.memref_slice %arg14[%dma_start3A_159, %dma_start3A_161, %dma_start3A_162] : memref<8x32x256xf32, #tpu.memory_space<vmem>> -> memref<1x32x256xf32, #tpu.memory_space<vmem>>
    %dma_start3A_164 = tpu.memref_squeeze %dma_start3A_163 : memref<1x32x256xf32, #tpu.memory_space<vmem>> -> memref<32x256xf32, #tpu.memory_space<vmem>>
    %dma_start3A_165 = arith.constant 0 : i32
    %dma_start3A_166 = tpu.memref_slice %arg4[%dma_start3A_165, %mul3A_158] : memref<32x1000000xf32, #tpu.memory_space<hbm>> -> memref<32x256xf32, #tpu.memory_space<hbm>>
    %dma_start3A_167 = tpu.memref_slice %arg18[%dma_start3A_160] : memref<8x!tpu.dma_semaphore, #tpu.memory_space<semaphore_mem>> -> memref<1x!tpu.dma_semaphore, #tpu.memory_space<semaphore_mem>>
    %dma_start3A_168 = tpu.memref_squeeze %dma_start3A_167 : memref<1x!tpu.dma_semaphore, #tpu.memory_space<semaphore_mem>> -> memref<!tpu.dma_semaphore, #tpu.memory_space<semaphore_mem>>
    %dma_start3A_169 = arith.constant 0 : i32
    %dma_start3A_170 = arith.constant 0 : i32
    %dma_start3A_171 = tpu.memref_slice %arg14[%dma_start3A_159, %dma_start3A_169, %dma_start3A_170] : memref<8x32x256xf32, #tpu.memory_space<vmem>> -> memref<1x32x256xf32, #tpu.memory_space<vmem>>
    %dma_start3A_172 = tpu.memref_squeeze %dma_start3A_171 : memref<1x32x256xf32, #tpu.memory_space<vmem>> -> memref<32x256xf32, #tpu.memory_space<vmem>>
    %dma_start3A_173 = arith.constant 0 : i32
    %dma_start3A_174 = tpu.memref_slice %arg4[%dma_start3A_173, %mul3A_158] : memref<32x1000000xf32, #tpu.memory_space<hbm>> -> memref<32x256xf32, #tpu.memory_space<hbm>>
    tpu.enqueue_dma source(%dma_start3A_174 : memref<32x256xf32, #tpu.memory_space<hbm>>) target(%dma_start3A_172 : memref<32x256xf32, #tpu.memory_space<vmem>>) target_semaphore(%dma_start3A_168 : memref<!tpu.dma_semaphore, #tpu.memory_space<semaphore_mem>>)
    %add3A_175 = arith.constant 4 : i32
    %add3A_176 = arith.addi %mul3A_2, %add3A_175 : i32
    %mul3A_177 = arith.constant 128 : i32
    %mul3A_178 = arith.muli %add3A_176, %mul3A_177 : i32
    %dma_start3A_179 = arith.constant 2 : i32
    %dma_start3A_180 = arith.constant 2 : i32
    %dma_start3A_181 = arith.constant 0 : i32
    %dma_start3A_182 = arith.constant 0 : i32
    %dma_start3A_183 = tpu.memref_slice %arg14[%dma_start3A_179, %dma_start3A_181, %dma_start3A_182] : memref<8x32x256xf32, #tpu.memory_space<vmem>> -> memref<1x32x256xf32, #tpu.memory_space<vmem>>
    %dma_start3A_184 = tpu.memref_squeeze %dma_start3A_183 : memref<1x32x256xf32, #tpu.memory_space<vmem>> -> memref<32x256xf32, #tpu.memory_space<vmem>>
    %dma_start3A_185 = arith.constant 0 : i32
    %dma_start3A_186 = tpu.memref_slice %arg4[%dma_start3A_185, %mul3A_178] : memref<32x1000000xf32, #tpu.memory_space<hbm>> -> memref<32x256xf32, #tpu.memory_space<hbm>>
    %dma_start3A_187 = tpu.memref_slice %arg18[%dma_start3A_180] : memref<8x!tpu.dma_semaphore, #tpu.memory_space<semaphore_mem>> -> memref<1x!tpu.dma_semaphore, #tpu.memory_space<semaphore_mem>>
    %dma_start3A_188 = tpu.memref_squeeze %dma_start3A_187 : memref<1x!tpu.dma_semaphore, #tpu.memory_space<semaphore_mem>> -> memref<!tpu.dma_semaphore, #tpu.memory_space<semaphore_mem>>
    %dma_start3A_189 = arith.constant 0 : i32
    %dma_start3A_190 = arith.constant 0 : i32
    %dma_start3A_191 = tpu.memref_slice %arg14[%dma_start3A_179, %dma_start3A_189, %dma_start3A_190] : memref<8x32x256xf32, #tpu.memory_space<vmem>> -> memref<1x32x256xf32, #tpu.memory_space<vmem>>
    %dma_start3A_192 = tpu.memref_squeeze %dma_start3A_191 : memref<1x32x256xf32, #tpu.memory_space<vmem>> -> memref<32x256xf32, #tpu.memory_space<vmem>>
    %dma_start3A_193 = arith.constant 0 : i32
    %dma_start3A_194 = tpu.memref_slice %arg4[%dma_start3A_193, %mul3A_178] : memref<32x1000000xf32, #tpu.memory_space<hbm>> -> memref<32x256xf32, #tpu.memory_space<hbm>>
    tpu.enqueue_dma source(%dma_start3A_194 : memref<32x256xf32, #tpu.memory_space<hbm>>) target(%dma_start3A_192 : memref<32x256xf32, #tpu.memory_space<vmem>>) target_semaphore(%dma_start3A_188 : memref<!tpu.dma_semaphore, #tpu.memory_space<semaphore_mem>>)
    %add3A_195 = arith.constant 6 : i32
    %add3A_196 = arith.addi %mul3A_2, %add3A_195 : i32
    %mul3A_197 = arith.constant 128 : i32
    %mul3A_198 = arith.muli %add3A_196, %mul3A_197 : i32
    %dma_start3A_199 = arith.constant 3 : i32
    %dma_start3A_200 = arith.constant 3 : i32
    %dma_start3A_201 = arith.constant 0 : i32
    %dma_start3A_202 = arith.constant 0 : i32
    %dma_start3A_203 = tpu.memref_slice %arg14[%dma_start3A_199, %dma_start3A_201, %dma_start3A_202] : memref<8x32x256xf32, #tpu.memory_space<vmem>> -> memref<1x32x256xf32, #tpu.memory_space<vmem>>
    %dma_start3A_204 = tpu.memref_squeeze %dma_start3A_203 : memref<1x32x256xf32, #tpu.memory_space<vmem>> -> memref<32x256xf32, #tpu.memory_space<vmem>>
    %dma_start3A_205 = arith.constant 0 : i32
    %dma_start3A_206 = tpu.memref_slice %arg4[%dma_start3A_205, %mul3A_198] : memref<32x1000000xf32, #tpu.memory_space<hbm>> -> memref<32x256xf32, #tpu.memory_space<hbm>>
    %dma_start3A_207 = tpu.memref_slice %arg18[%dma_start3A_200] : memref<8x!tpu.dma_semaphore, #tpu.memory_space<semaphore_mem>> -> memref<1x!tpu.dma_semaphore, #tpu.memory_space<semaphore_mem>>
    %dma_start3A_208 = tpu.memref_squeeze %dma_start3A_207 : memref<1x!tpu.dma_semaphore, #tpu.memory_space<semaphore_mem>> -> memref<!tpu.dma_semaphore, #tpu.memory_space<semaphore_mem>>
    %dma_start3A_209 = arith.constant 0 : i32
    %dma_start3A_210 = arith.constant 0 : i32
    %dma_start3A_211 = tpu.memref_slice %arg14[%dma_start3A_199, %dma_start3A_209, %dma_start3A_210] : memref<8x32x256xf32, #tpu.memory_space<vmem>> -> memref<1x32x256xf32, #tpu.memory_space<vmem>>
    %dma_start3A_212 = tpu.memref_squeeze %dma_start3A_211 : memref<1x32x256xf32, #tpu.memory_space<vmem>> -> memref<32x256xf32, #tpu.memory_space<vmem>>
    %dma_start3A_213 = arith.constant 0 : i32
    %dma_start3A_214 = tpu.memref_slice %arg4[%dma_start3A_213, %mul3A_198] : memref<32x1000000xf32, #tpu.memory_space<hbm>> -> memref<32x256xf32, #tpu.memory_space<hbm>>
    tpu.enqueue_dma source(%dma_start3A_214 : memref<32x256xf32, #tpu.memory_space<hbm>>) target(%dma_start3A_212 : memref<32x256xf32, #tpu.memory_space<vmem>>) target_semaphore(%dma_start3A_208 : memref<!tpu.dma_semaphore, #tpu.memory_space<semaphore_mem>>)
    %add3A_215 = arith.constant 8 : i32
    %add3A_216 = arith.addi %mul3A_2, %add3A_215 : i32
    %mul3A_217 = arith.constant 128 : i32
    %mul3A_218 = arith.muli %add3A_216, %mul3A_217 : i32
    %dma_start3A_219 = arith.constant 4 : i32
    %dma_start3A_220 = arith.constant 4 : i32
    %dma_start3A_221 = arith.constant 0 : i32
    %dma_start3A_222 = arith.constant 0 : i32
    %dma_start3A_223 = tpu.memref_slice %arg14[%dma_start3A_219, %dma_start3A_221, %dma_start3A_222] : memref<8x32x256xf32, #tpu.memory_space<vmem>> -> memref<1x32x256xf32, #tpu.memory_space<vmem>>
    %dma_start3A_224 = tpu.memref_squeeze %dma_start3A_223 : memref<1x32x256xf32, #tpu.memory_space<vmem>> -> memref<32x256xf32, #tpu.memory_space<vmem>>
    %dma_start3A_225 = arith.constant 0 : i32
    %dma_start3A_226 = tpu.memref_slice %arg4[%dma_start3A_225, %mul3A_218] : memref<32x1000000xf32, #tpu.memory_space<hbm>> -> memref<32x256xf32, #tpu.memory_space<hbm>>
    %dma_start3A_227 = tpu.memref_slice %arg18[%dma_start3A_220] : memref<8x!tpu.dma_semaphore, #tpu.memory_space<semaphore_mem>> -> memref<1x!tpu.dma_semaphore, #tpu.memory_space<semaphore_mem>>
    %dma_start3A_228 = tpu.memref_squeeze %dma_start3A_227 : memref<1x!tpu.dma_semaphore, #tpu.memory_space<semaphore_mem>> -> memref<!tpu.dma_semaphore, #tpu.memory_space<semaphore_mem>>
    %dma_start3A_229 = arith.constant 0 : i32
    %dma_start3A_230 = arith.constant 0 : i32
    %dma_start3A_231 = tpu.memref_slice %arg14[%dma_start3A_219, %dma_start3A_229, %dma_start3A_230] : memref<8x32x256xf32, #tpu.memory_space<vmem>> -> memref<1x32x256xf32, #tpu.memory_space<vmem>>
    %dma_start3A_232 = tpu.memref_squeeze %dma_start3A_231 : memref<1x32x256xf32, #tpu.memory_space<vmem>> -> memref<32x256xf32, #tpu.memory_space<vmem>>
    %dma_start3A_233 = arith.constant 0 : i32
    %dma_start3A_234 = tpu.memref_slice %arg4[%dma_start3A_233, %mul3A_218] : memref<32x1000000xf32, #tpu.memory_space<hbm>> -> memref<32x256xf32, #tpu.memory_space<hbm>>
    tpu.enqueue_dma source(%dma_start3A_234 : memref<32x256xf32, #tpu.memory_space<hbm>>) target(%dma_start3A_232 : memref<32x256xf32, #tpu.memory_space<vmem>>) target_semaphore(%dma_start3A_228 : memref<!tpu.dma_semaphore, #tpu.memory_space<semaphore_mem>>)
    %add3A_235 = arith.constant 10 : i32
    %add3A_236 = arith.addi %mul3A_2, %add3A_235 : i32
    %mul3A_237 = arith.constant 128 : i32
    %mul3A_238 = arith.muli %add3A_236, %mul3A_237 : i32
    %dma_start3A_239 = arith.constant 5 : i32
    %dma_start3A_240 = arith.constant 5 : i32
    %dma_start3A_241 = arith.constant 0 : i32
    %dma_start3A_242 = arith.constant 0 : i32
    %dma_start3A_243 = tpu.memref_slice %arg14[%dma_start3A_239, %dma_start3A_241, %dma_start3A_242] : memref<8x32x256xf32, #tpu.memory_space<vmem>> -> memref<1x32x256xf32, #tpu.memory_space<vmem>>
    %dma_start3A_244 = tpu.memref_squeeze %dma_start3A_243 : memref<1x32x256xf32, #tpu.memory_space<vmem>> -> memref<32x256xf32, #tpu.memory_space<vmem>>
    %dma_start3A_245 = arith.constant 0 : i32
    %dma_start3A_246 = tpu.memref_slice %arg4[%dma_start3A_245, %mul3A_238] : memref<32x1000000xf32, #tpu.memory_space<hbm>> -> memref<32x256xf32, #tpu.memory_space<hbm>>
    %dma_start3A_247 = tpu.memref_slice %arg18[%dma_start3A_240] : memref<8x!tpu.dma_semaphore, #tpu.memory_space<semaphore_mem>> -> memref<1x!tpu.dma_semaphore, #tpu.memory_space<semaphore_mem>>
    %dma_start3A_248 = tpu.memref_squeeze %dma_start3A_247 : memref<1x!tpu.dma_semaphore, #tpu.memory_space<semaphore_mem>> -> memref<!tpu.dma_semaphore, #tpu.memory_space<semaphore_mem>>
    %dma_start3A_249 = arith.constant 0 : i32
    %dma_start3A_250 = arith.constant 0 : i32
    %dma_start3A_251 = tpu.memref_slice %arg14[%dma_start3A_239, %dma_start3A_249, %dma_start3A_250] : memref<8x32x256xf32, #tpu.memory_space<vmem>> -> memref<1x32x256xf32, #tpu.memory_space<vmem>>
    %dma_start3A_252 = tpu.memref_squeeze %dma_start3A_251 : memref<1x32x256xf32, #tpu.memory_space<vmem>> -> memref<32x256xf32, #tpu.memory_space<vmem>>
    %dma_start3A_253 = arith.constant 0 : i32
    %dma_start3A_254 = tpu.memref_slice %arg4[%dma_start3A_253, %mul3A_238] : memref<32x1000000xf32, #tpu.memory_space<hbm>> -> memref<32x256xf32, #tpu.memory_space<hbm>>
    tpu.enqueue_dma source(%dma_start3A_254 : memref<32x256xf32, #tpu.memory_space<hbm>>) target(%dma_start3A_252 : memref<32x256xf32, #tpu.memory_space<vmem>>) target_semaphore(%dma_start3A_248 : memref<!tpu.dma_semaphore, #tpu.memory_space<semaphore_mem>>)
    %add3A_255 = arith.constant 12 : i32
    %add3A_256 = arith.addi %mul3A_2, %add3A_255 : i32
    %mul3A_257 = arith.constant 128 : i32
    %mul3A_258 = arith.muli %add3A_256, %mul3A_257 : i32
    %dma_start3A_259 = arith.constant 6 : i32
    %dma_start3A_260 = arith.constant 6 : i32
    %dma_start3A_261 = arith.constant 0 : i32
    %dma_start3A_262 = arith.constant 0 : i32
    %dma_start3A_263 = tpu.memref_slice %arg14[%dma_start3A_259, %dma_start3A_261, %dma_start3A_262] : memref<8x32x256xf32, #tpu.memory_space<vmem>> -> memref<1x32x256xf32, #tpu.memory_space<vmem>>
    %dma_start3A_264 = tpu.memref_squeeze %dma_start3A_263 : memref<1x32x256xf32, #tpu.memory_space<vmem>> -> memref<32x256xf32, #tpu.memory_space<vmem>>
    %dma_start3A_265 = arith.constant 0 : i32
    %dma_start3A_266 = tpu.memref_slice %arg4[%dma_start3A_265, %mul3A_258] : memref<32x1000000xf32, #tpu.memory_space<hbm>> -> memref<32x256xf32, #tpu.memory_space<hbm>>
    %dma_start3A_267 = tpu.memref_slice %arg18[%dma_start3A_260] : memref<8x!tpu.dma_semaphore, #tpu.memory_space<semaphore_mem>> -> memref<1x!tpu.dma_semaphore, #tpu.memory_space<semaphore_mem>>
    %dma_start3A_268 = tpu.memref_squeeze %dma_start3A_267 : memref<1x!tpu.dma_semaphore, #tpu.memory_space<semaphore_mem>> -> memref<!tpu.dma_semaphore, #tpu.memory_space<semaphore_mem>>
    %dma_start3A_269 = arith.constant 0 : i32
    %dma_start3A_270 = arith.constant 0 : i32
    %dma_start3A_271 = tpu.memref_slice %arg14[%dma_start3A_259, %dma_start3A_269, %dma_start3A_270] : memref<8x32x256xf32, #tpu.memory_space<vmem>> -> memref<1x32x256xf32, #tpu.memory_space<vmem>>
    %dma_start3A_272 = tpu.memref_squeeze %dma_start3A_271 : memref<1x32x256xf32, #tpu.memory_space<vmem>> -> memref<32x256xf32, #tpu.memory_space<vmem>>
    %dma_start3A_273 = arith.constant 0 : i32
    %dma_start3A_274 = tpu.memref_slice %arg4[%dma_start3A_273, %mul3A_258] : memref<32x1000000xf32, #tpu.memory_space<hbm>> -> memref<32x256xf32, #tpu.memory_space<hbm>>
    tpu.enqueue_dma source(%dma_start3A_274 : memref<32x256xf32, #tpu.memory_space<hbm>>) target(%dma_start3A_272 : memref<32x256xf32, #tpu.memory_space<vmem>>) target_semaphore(%dma_start3A_268 : memref<!tpu.dma_semaphore, #tpu.memory_space<semaphore_mem>>)
    %while3A = arith.constant 0 : i32
    %while3A_275 = arith.constant 0 : i32
    %while3A_276 = arith.subi %select_n3A_135, %while3A : i32
    %while3A_277 = arith.addi %while3A, %while3A_276 : i32
    %while3A_278 = arith.constant 1 : i32
    %while3A_279 = arith.divsi %while3A_276, %while3A_278 : i32
    %while3A_280 = arith.muli %while3A_279, %while3A_278 : i32
    %while3A_281 = arith.addi %while3A, %while3A_280 : i32
    %while3A_282 = arith.constant 1 : i32
    %while3A_283 = scf.for %while3A_635 = %while3A to %while3A_281 step %while3A_282 iter_args(%while3A_636 = %while3A_275) -> (i32)  : i32 {
      %jit3A_637 = arith.constant 8 : i32
      %eq3A_638 = arith.constant 0 : i32
      %eq3A_639 = arith.cmpi eq, %jit3A_637, %eq3A_638 : i32
      %jit3A_640 = arith.constant 1 : i32
      %select_n3A_641 = arith.select %eq3A_639, %jit3A_640, %jit3A_637 : i32
      %rem3A_642 = arith.remsi %while3A_635, %select_n3A_641 : i32
      %ne3A_643 = arith.constant 0 : i32
      %ne3A_644 = arith.cmpi ne, %rem3A_642, %ne3A_643 : i32
      %lt3A = arith.constant 0 : i32
      %lt3A_645 = arith.cmpi slt, %rem3A_642, %lt3A : i32
      %lt3A_646 = arith.constant 0 : i32
      %lt3A_647 = arith.cmpi slt, %select_n3A_641, %lt3A_646 : i32
      %ne3A_648 = arith.xori %lt3A_645, %lt3A_647 : i1
      %and3A_649 = arith.andi %ne3A_648, %ne3A_644 : i1
      %add3A_650 = arith.addi %rem3A_642, %select_n3A_641 : i32
      %select_n3A_651 = arith.select %and3A_649, %add3A_650, %rem3A_642 : i32
      %add3A_652 = arith.constant 8 : i32
      %add3A_653 = arith.addi %while3A_635, %add3A_652 : i32
      %sub3A_654 = arith.constant 1 : i32
      %sub3A_655 = arith.subi %add3A_653, %sub3A_654 : i32
      %jit3A_656 = arith.constant 8 : i32
      %eq3A_657 = arith.constant 0 : i32
      %eq3A_658 = arith.cmpi eq, %jit3A_656, %eq3A_657 : i32
      %jit3A_659 = arith.constant 1 : i32
      %select_n3A_660 = arith.select %eq3A_658, %jit3A_659, %jit3A_656 : i32
      %rem3A_661 = arith.remsi %sub3A_655, %select_n3A_660 : i32
      %ne3A_662 = arith.constant 0 : i32
      %ne3A_663 = arith.cmpi ne, %rem3A_661, %ne3A_662 : i32
      %lt3A_664 = arith.constant 0 : i32
      %lt3A_665 = arith.cmpi slt, %rem3A_661, %lt3A_664 : i32
      %lt3A_666 = arith.constant 0 : i32
      %lt3A_667 = arith.cmpi slt, %select_n3A_660, %lt3A_666 : i32
      %ne3A_668 = arith.xori %lt3A_665, %lt3A_667 : i1
      %and3A_669 = arith.andi %ne3A_668, %ne3A_663 : i1
      %add3A_670 = arith.addi %rem3A_661, %select_n3A_660 : i32
      %select_n3A_671 = arith.select %and3A_669, %add3A_670, %rem3A_661 : i32
      %add3A_672 = arith.constant 8 : i32
      %add3A_673 = arith.addi %while3A_635, %add3A_672 : i32
      %sub3A_674 = arith.constant 1 : i32
      %sub3A_675 = arith.subi %add3A_673, %sub3A_674 : i32
      %lt3A_676 = arith.cmpi slt, %sub3A_675, %select_n3A_135 : i32
      %convert_element_type3A_677 = arith.extui %lt3A_676 : i1 to i32
      %cond3A_678 = arith.constant 0 : i32
      %cond3A_679 = arith.cmpi ne, %convert_element_type3A_677, %cond3A_678 : i32
      scf.if %cond3A_679 {
        %add3A_731 = arith.constant 8 : i32
        %add3A_732 = arith.addi %while3A_635, %add3A_731 : i32
        %sub3A_733 = arith.constant 1 : i32
        %sub3A_734 = arith.subi %add3A_732, %sub3A_733 : i32
        %mul3A_735 = arith.constant 2 : i32
        %mul3A_736 = arith.muli %mul3A_735, %sub3A_734 : i32
        %add3A_737 = arith.addi %mul3A_2, %mul3A_736 : i32
        %mul3A_738 = arith.constant 128 : i32
        %mul3A_739 = arith.muli %add3A_737, %mul3A_738 : i32
        %dma_start3A_740 = arith.constant 0 : i32
        %dma_start3A_741 = arith.constant 0 : i32
        %dma_start3A_742 = tpu.memref_slice %arg14[%select_n3A_671, %dma_start3A_740, %dma_start3A_741] : memref<8x32x256xf32, #tpu.memory_space<vmem>> -> memref<1x32x256xf32, #tpu.memory_space<vmem>>
        %dma_start3A_743 = tpu.memref_squeeze %dma_start3A_742 : memref<1x32x256xf32, #tpu.memory_space<vmem>> -> memref<32x256xf32, #tpu.memory_space<vmem>>
        %dma_start3A_744 = arith.constant 0 : i32
        %dma_start3A_745 = tpu.memref_slice %arg4[%dma_start3A_744, %mul3A_739] : memref<32x1000000xf32, #tpu.memory_space<hbm>> -> memref<32x256xf32, #tpu.memory_space<hbm>>
        %dma_start3A_746 = tpu.memref_slice %arg18[%select_n3A_671] : memref<8x!tpu.dma_semaphore, #tpu.memory_space<semaphore_mem>> -> memref<1x!tpu.dma_semaphore, #tpu.memory_space<semaphore_mem>>
        %dma_start3A_747 = tpu.memref_squeeze %dma_start3A_746 : memref<1x!tpu.dma_semaphore, #tpu.memory_space<semaphore_mem>> -> memref<!tpu.dma_semaphore, #tpu.memory_space<semaphore_mem>>
        %dma_start3A_748 = arith.constant 0 : i32
        %dma_start3A_749 = arith.constant 0 : i32
        %dma_start3A_750 = tpu.memref_slice %arg14[%select_n3A_671, %dma_start3A_748, %dma_start3A_749] : memref<8x32x256xf32, #tpu.memory_space<vmem>> -> memref<1x32x256xf32, #tpu.memory_space<vmem>>
        %dma_start3A_751 = tpu.memref_squeeze %dma_start3A_750 : memref<1x32x256xf32, #tpu.memory_space<vmem>> -> memref<32x256xf32, #tpu.memory_space<vmem>>
        %dma_start3A_752 = arith.constant 0 : i32
        %dma_start3A_753 = tpu.memref_slice %arg4[%dma_start3A_752, %mul3A_739] : memref<32x1000000xf32, #tpu.memory_space<hbm>> -> memref<32x256xf32, #tpu.memory_space<hbm>>
        tpu.enqueue_dma source(%dma_start3A_753 : memref<32x256xf32, #tpu.memory_space<hbm>>) target(%dma_start3A_751 : memref<32x256xf32, #tpu.memory_space<vmem>>) target_semaphore(%dma_start3A_747 : memref<!tpu.dma_semaphore, #tpu.memory_space<semaphore_mem>>)
      } else {
      }
      %dma_wait3A = arith.constant 0 : i32
      %dma_wait3A_680 = arith.constant 0 : i32
      %dma_wait3A_681 = tpu.memref_slice %arg14[%select_n3A_651, %dma_wait3A, %dma_wait3A_680] : memref<8x32x256xf32, #tpu.memory_space<vmem>> -> memref<1x32x256xf32, #tpu.memory_space<vmem>>
      %dma_wait3A_682 = tpu.memref_squeeze %dma_wait3A_681 : memref<1x32x256xf32, #tpu.memory_space<vmem>> -> memref<32x256xf32, #tpu.memory_space<vmem>>
      %dma_wait3A_683 = arith.constant 0 : i32
      %dma_wait3A_684 = arith.constant 0 : i32
      %dma_wait3A_685 = tpu.memref_slice %arg4[%dma_wait3A_683, %dma_wait3A_684] : memref<32x1000000xf32, #tpu.memory_space<hbm>> -> memref<32x256xf32, #tpu.memory_space<hbm>>
      %dma_wait3A_686 = tpu.memref_slice %arg18[%select_n3A_651] : memref<8x!tpu.dma_semaphore, #tpu.memory_space<semaphore_mem>> -> memref<1x!tpu.dma_semaphore, #tpu.memory_space<semaphore_mem>>
      %dma_wait3A_687 = tpu.memref_squeeze %dma_wait3A_686 : memref<1x!tpu.dma_semaphore, #tpu.memory_space<semaphore_mem>> -> memref<!tpu.dma_semaphore, #tpu.memory_space<semaphore_mem>>
      %dma_wait3A_688 = arith.constant 0 : i32
      %dma_wait3A_689 = arith.constant 0 : i32
      %dma_wait3A_690 = tpu.memref_slice %arg14[%select_n3A_651, %dma_wait3A_688, %dma_wait3A_689] : memref<8x32x256xf32, #tpu.memory_space<vmem>> -> memref<1x32x256xf32, #tpu.memory_space<vmem>>
      %dma_wait3A_691 = tpu.memref_squeeze %dma_wait3A_690 : memref<1x32x256xf32, #tpu.memory_space<vmem>> -> memref<32x256xf32, #tpu.memory_space<vmem>>
      %dma_wait3A_692 = arith.constant 0 : i32
      %dma_wait3A_693 = arith.constant 0 : i32
      %dma_wait3A_694 = tpu.memref_slice %arg4[%dma_wait3A_692, %dma_wait3A_693] : memref<32x1000000xf32, #tpu.memory_space<hbm>> -> memref<32x256xf32, #tpu.memory_space<hbm>>
      tpu.wait_dma2 semaphore(%dma_wait3A_687 : memref<!tpu.dma_semaphore, #tpu.memory_space<semaphore_mem>>) src(%dma_wait3A_694 : memref<32x256xf32, #tpu.memory_space<hbm>>) dst(%dma_wait3A_691 : memref<32x256xf32, #tpu.memory_space<vmem>>)
      %mul3A_695 = arith.constant 2 : i32
      %mul3A_696 = arith.muli %mul3A_695, %while3A_635 : i32
      %get3A_697 = arith.index_cast %mul3A_696 : i32 to index
      %get3A_698 = tpu.vector_load %arg13[%get3A_697] {strides = array<i32>} : memref<277xi32, #tpu.memory_space<vmem>>, vector<16xi32>,
      %slice3A_699 = vector.extract_strided_slice %get3A_698 {offsets = [0], sizes = [1], strides = [1]} : vector<16xi32> to vector<1xi32>
      %squeeze3A_700 = vector.extract %slice3A_699[0] : i32 from vector<1xi32>
      %while3A_701 = arith.constant 0 : i32
      %while3A_702 = arith.subi %squeeze3A_700, %while3A_701 : i32
      %while3A_703 = arith.addi %while3A_701, %while3A_702 : i32
      %while3A_704 = arith.constant 1 : i32
      %while3A_705 = arith.divsi %while3A_702, %while3A_704 : i32
      %while3A_706 = arith.muli %while3A_705, %while3A_704 : i32
      %while3A_707 = arith.addi %while3A_701, %while3A_706 : i32
      %while3A_708 = arith.constant 1 : i32
      %while3A_709 = scf.for %while3A_731 = %while3A_701 to %while3A_707 step %while3A_708 iter_args(%while3A_732 = %while3A_636) -> (i32)  : i32 {
        %mul3A_733 = arith.constant 16 : i32
        %mul3A_734 = arith.muli %mul3A_696, %mul3A_733 : i32
        %add3A_735 = arith.addi %mul3A_734, %while3A_731 : i32
        %broadcast_in_dim3A_736 = vector.broadcast %add3A_735 : i32 to vector<16xi32>
        %gather3A = tpu.vector_load_idx %arg11[%broadcast_in_dim3A_736] : memref<3936xi32, #tpu.memory_space<vmem>>[vector<16xi32>], vector<16xi32>,
        %slice3A_737 = vector.extract_strided_slice %gather3A {offsets = [0], sizes = [1], strides = [1]} : vector<16xi32> to vector<1xi32>
        %squeeze3A_738 = vector.extract %slice3A_737[0] : i32 from vector<1xi32>
        %mul3A_739 = arith.constant 16 : i32
        %mul3A_740 = arith.muli %mul3A_696, %mul3A_739 : i32
        %add3A_741 = arith.addi %mul3A_740, %while3A_731 : i32
        %broadcast_in_dim3A_742 = vector.broadcast %add3A_741 : i32 to vector<16xi32>
        %gather3A_743 = tpu.vector_load_idx %arg12[%broadcast_in_dim3A_742] : memref<3936xi32, #tpu.memory_space<vmem>>[vector<16xi32>], vector<16xi32>,
        %slice3A_744 = vector.extract_strided_slice %gather3A_743 {offsets = [0], sizes = [1], strides = [1]} : vector<16xi32> to vector<1xi32>
        %squeeze3A_745 = vector.extract %slice3A_744[0] : i32 from vector<1xi32>
        %and3A_746 = arith.constant 127 : i32
        %and3A_747 = arith.andi %squeeze3A_738, %and3A_746 : i32
        %broadcast_in_dim3A_748 = vector.broadcast %select_n3A_651 : i32 to vector<16xi32>
        %add3A_749 = arith.constant 0 : i32
        %add3A_750 = arith.addi %and3A_747, %add3A_749 : i32
        %broadcast_in_dim3A_751 = vector.broadcast %add3A_750 : i32 to vector<16xi32>
        %gather3A_752 = tpu.vector_load_idx %arg14[%broadcast_in_dim3A_748, %iota3A, %broadcast_in_dim3A_751] : memref<8x32x256xf32, #tpu.memory_space<vmem>>[vector<16xi32>, vector<16xi32>, vector<16xi32>], vector<16xf32>,
        %broadcast_in_dim3A_753 = vector.broadcast %select_n3A_651 : i32 to vector<16xi32>
        %add3A_754 = arith.constant 16 : i32
        %add3A_755 = vector.broadcast %add3A_754 : i32 to vector<16xi32>
        %add3A_756 = arith.addi %iota3A, %add3A_755 : vector<16xi32>
        %add3A_757 = arith.constant 0 : i32
        %add3A_758 = arith.addi %and3A_747, %add3A_757 : i32
        %broadcast_in_dim3A_759 = vector.broadcast %add3A_758 : i32 to vector<16xi32>
        %gather3A_760 = tpu.vector_load_idx %arg14[%broadcast_in_dim3A_753, %add3A_756, %broadcast_in_dim3A_759] : memref<8x32x256xf32, #tpu.memory_space<vmem>>[vector<16xi32>, vector<16xi32>, vector<16xi32>], vector<16xf32>,
        %swap3A_761 = arith.constant 0 : i32
        %swap3A_762 = arith.index_cast %while3A_732 : i32 to index
        %swap3A_763 = arith.index_cast %swap3A_761 : i32 to index
        %swap3A_764 = arith.constant 0 : index
        %swap3A_765 = tpu.vector_load %arg16[%swap3A_762, %swap3A_763, %swap3A_764] {strides = array<i32>} : memref<128x1x128xf32, #tpu.memory_space<vmem>>, vector<16xf32>,
        tpu.vector_store %arg16[%swap3A_762, %swap3A_763, %swap3A_764], %gather3A_752 {strides = array<i32>} : memref<128x1x128xf32, #tpu.memory_space<vmem>>, vector<16xf32>,
        %swap3A_766 = arith.constant 0 : i32
        %swap3A_767 = arith.index_cast %while3A_732 : i32 to index
        %swap3A_768 = arith.index_cast %swap3A_766 : i32 to index
        %swap3A_769 = arith.constant 16 : index
        %swap3A_770 = tpu.vector_load %arg16[%swap3A_767, %swap3A_768, %swap3A_769] {strides = array<i32>} : memref<128x1x128xf32, #tpu.memory_space<vmem>>, vector<16xf32>,
        tpu.vector_store %arg16[%swap3A_767, %swap3A_768, %swap3A_769], %gather3A_760 {strides = array<i32>} : memref<128x1x128xf32, #tpu.memory_space<vmem>>, vector<16xf32>,
        %broadcast_in_dim3A_771 = vector.broadcast %while3A_732 : i32 to vector<16xi32>
        %broadcast_in_dim3A_772 = vector.broadcast %squeeze3A_745 : i32 to vector<16xi32>
        tpu.vector_store_idx %arg17[%broadcast_in_dim3A_771], %broadcast_in_dim3A_772 masked %eq3A_5 : memref<128xi32, #tpu.memory_space<vmem>>[vector<16xi32>], vector<16xi32>, vector<16xi1>
        %add3A_773 = arith.constant 1 : i32
        %add3A_774 = arith.addi %while3A_732, %add3A_773 : i32
        %eq3A_775 = arith.constant 128 : i32
        %eq3A_776 = arith.cmpi eq, %add3A_774, %eq3A_775 : i32
        %convert_element_type3A_777 = arith.extui %eq3A_776 : i1 to i32
        %cond3A_778 = arith.constant 0 : i32
        %cond3A_779 = arith.cmpi ne, %convert_element_type3A_777, %cond3A_778 : i32
        scf.if %cond3A_779 {
          %dma_start3A_784 = arith.constant 0 : i32
          %dma_start3A_785 = arith.constant 0 : i32
          %dma_start3A_786 = arith.constant 0 : i32
          %dma_start3A_787 = tpu.memref_slice %arg8[%dma_start3A_784, %dma_start3A_785, %dma_start3A_786] : memref<16385x1x128xf32, #tpu.memory_space<hbm>> -> memref<16385x1x128xf32, #tpu.memory_space<hbm>>
          tpu.enqueue_indirect_dma source(%arg16 : memref<128x1x128xf32, #tpu.memory_space<vmem>>) target(%dma_start3A_787 : memref<16385x1x128xf32, #tpu.memory_space<hbm>>) offsets(%arg17 : memref<128xi32, #tpu.memory_space<vmem>>) semaphore(%arg19 : memref<!tpu.dma_semaphore, #tpu.memory_space<semaphore_mem>>)
          %dma_wait3A_788 = arith.constant 0 : i32
          %dma_wait3A_789 = arith.constant 0 : i32
          %dma_wait3A_790 = arith.constant 0 : i32
          %dma_wait3A_791 = tpu.memref_slice %arg8[%dma_wait3A_788, %dma_wait3A_789, %dma_wait3A_790] : memref<16385x1x128xf32, #tpu.memory_space<hbm>> -> memref<16385x1x128xf32, #tpu.memory_space<hbm>>
          tpu.wait_indirect_dma semaphore(%arg19 : memref<!tpu.dma_semaphore, #tpu.memory_space<semaphore_mem>>) src(%arg16 : memref<128x1x128xf32, #tpu.memory_space<vmem>>) dst(%dma_wait3A_791 : memref<16385x1x128xf32, #tpu.memory_space<hbm>>)
          %broadcast_in_dim3A_792 = arith.constant 16384 : i32
          %broadcast_in_dim3A_793 = vector.broadcast %broadcast_in_dim3A_792 : i32 to vector<16xi32>
          %swap3A_794 = arith.constant 0 : index
          %swap3A_795 = tpu.vector_load %arg17[%swap3A_794] {strides = array<i32>} : memref<128xi32, #tpu.memory_space<vmem>>, vector<16xi32>,
          tpu.vector_store %arg17[%swap3A_794], %broadcast_in_dim3A_793 {strides = array<i32>} : memref<128xi32, #tpu.memory_space<vmem>>, vector<16xi32>,
          %broadcast_in_dim3A_796 = arith.constant 16384 : i32
          %broadcast_in_dim3A_797 = vector.broadcast %broadcast_in_dim3A_796 : i32 to vector<16xi32>
          %swap3A_798 = arith.constant 16 : index
          %swap3A_799 = tpu.vector_load %arg17[%swap3A_798] {strides = array<i32>} : memref<128xi32, #tpu.memory_space<vmem>>, vector<16xi32>,
          tpu.vector_store %arg17[%swap3A_798], %broadcast_in_dim3A_797 {strides = array<i32>} : memref<128xi32, #tpu.memory_space<vmem>>, vector<16xi32>,
          %broadcast_in_dim3A_800 = arith.constant 16384 : i32
          %broadcast_in_dim3A_801 = vector.broadcast %broadcast_in_dim3A_800 : i32 to vector<16xi32>
          %swap3A_802 = arith.constant 32 : index
          %swap3A_803 = tpu.vector_load %arg17[%swap3A_802] {strides = array<i32>} : memref<128xi32, #tpu.memory_space<vmem>>, vector<16xi32>,
          tpu.vector_store %arg17[%swap3A_802], %broadcast_in_dim3A_801 {strides = array<i32>} : memref<128xi32, #tpu.memory_space<vmem>>, vector<16xi32>,
          %broadcast_in_dim3A_804 = arith.constant 16384 : i32
          %broadcast_in_dim3A_805 = vector.broadcast %broadcast_in_dim3A_804 : i32 to vector<16xi32>
          %swap3A_806 = arith.constant 48 : index
          %swap3A_807 = tpu.vector_load %arg17[%swap3A_806] {strides = array<i32>} : memref<128xi32, #tpu.memory_space<vmem>>, vector<16xi32>,
          tpu.vector_store %arg17[%swap3A_806], %broadcast_in_dim3A_805 {strides = array<i32>} : memref<128xi32, #tpu.memory_space<vmem>>, vector<16xi32>,
          %broadcast_in_dim3A_808 = arith.constant 16384 : i32
          %broadcast_in_dim3A_809 = vector.broadcast %broadcast_in_dim3A_808 : i32 to vector<16xi32>
          %swap3A_810 = arith.constant 64 : index
          %swap3A_811 = tpu.vector_load %arg17[%swap3A_810] {strides = array<i32>} : memref<128xi32, #tpu.memory_space<vmem>>, vector<16xi32>,
          tpu.vector_store %arg17[%swap3A_810], %broadcast_in_dim3A_809 {strides = array<i32>} : memref<128xi32, #tpu.memory_space<vmem>>, vector<16xi32>,
          %broadcast_in_dim3A_812 = arith.constant 16384 : i32
          %broadcast_in_dim3A_813 = vector.broadcast %broadcast_in_dim3A_812 : i32 to vector<16xi32>
          %swap3A_814 = arith.constant 80 : index
          %swap3A_815 = tpu.vector_load %arg17[%swap3A_814] {strides = array<i32>} : memref<128xi32, #tpu.memory_space<vmem>>, vector<16xi32>,
          tpu.vector_store %arg17[%swap3A_814], %broadcast_in_dim3A_813 {strides = array<i32>} : memref<128xi32, #tpu.memory_space<vmem>>, vector<16xi32>,
          %broadcast_in_dim3A_816 = arith.constant 16384 : i32
          %broadcast_in_dim3A_817 = vector.broadcast %broadcast_in_dim3A_816 : i32 to vector<16xi32>
          %swap3A_818 = arith.constant 96 : index
          %swap3A_819 = tpu.vector_load %arg17[%swap3A_818] {strides = array<i32>} : memref<128xi32, #tpu.memory_space<vmem>>, vector<16xi32>,
          tpu.vector_store %arg17[%swap3A_818], %broadcast_in_dim3A_817 {strides = array<i32>} : memref<128xi32, #tpu.memory_space<vmem>>, vector<16xi32>,
          %broadcast_in_dim3A_820 = arith.constant 16384 : i32
          %broadcast_in_dim3A_821 = vector.broadcast %broadcast_in_dim3A_820 : i32 to vector<16xi32>
          %swap3A_822 = arith.constant 112 : index
          %swap3A_823 = tpu.vector_load %arg17[%swap3A_822] {strides = array<i32>} : memref<128xi32, #tpu.memory_space<vmem>>, vector<16xi32>,
          tpu.vector_store %arg17[%swap3A_822], %broadcast_in_dim3A_821 {strides = array<i32>} : memref<128xi32, #tpu.memory_space<vmem>>, vector<16xi32>,
        } else {
        }
        %eq3A_780 = arith.constant 128 : i32
        %eq3A_781 = arith.cmpi eq, %add3A_774, %eq3A_780 : i32
        %jit3A_782 = arith.constant 0 : i32
        %select_n3A_783 = arith.select %eq3A_781, %jit3A_782, %add3A_774 : i32
        scf.yield %select_n3A_783 : i32
      }
      %while3A_710 = arith.constant 1 : i32
      %while3A_711 = scf.for %while3A_731 = %while3A_707 to %while3A_703 step %while3A_710 iter_args(%while3A_732 = %while3A_709) -> (i32)  : i32 {
        %mul3A_733 = arith.constant 16 : i32
        %mul3A_734 = arith.muli %mul3A_696, %mul3A_733 : i32
        %add3A_735 = arith.addi %mul3A_734, %while3A_731 : i32
        %broadcast_in_dim3A_736 = vector.broadcast %add3A_735 : i32 to vector<16xi32>
        %gather3A = tpu.vector_load_idx %arg11[%broadcast_in_dim3A_736] : memref<3936xi32, #tpu.memory_space<vmem>>[vector<16xi32>], vector<16xi32>,
        %slice3A_737 = vector.extract_strided_slice %gather3A {offsets = [0], sizes = [1], strides = [1]} : vector<16xi32> to vector<1xi32>
        %squeeze3A_738 = vector.extract %slice3A_737[0] : i32 from vector<1xi32>
        %mul3A_739 = arith.constant 16 : i32
        %mul3A_740 = arith.muli %mul3A_696, %mul3A_739 : i32
        %add3A_741 = arith.addi %mul3A_740, %while3A_731 : i32
        %broadcast_in_dim3A_742 = vector.broadcast %add3A_741 : i32 to vector<16xi32>
        %gather3A_743 = tpu.vector_load_idx %arg12[%broadcast_in_dim3A_742] : memref<3936xi32, #tpu.memory_space<vmem>>[vector<16xi32>], vector<16xi32>,
        %slice3A_744 = vector.extract_strided_slice %gather3A_743 {offsets = [0], sizes = [1], strides = [1]} : vector<16xi32> to vector<1xi32>
        %squeeze3A_745 = vector.extract %slice3A_744[0] : i32 from vector<1xi32>
        %and3A_746 = arith.constant 127 : i32
        %and3A_747 = arith.andi %squeeze3A_738, %and3A_746 : i32
        %broadcast_in_dim3A_748 = vector.broadcast %select_n3A_651 : i32 to vector<16xi32>
        %add3A_749 = arith.constant 0 : i32
        %add3A_750 = arith.addi %and3A_747, %add3A_749 : i32
        %broadcast_in_dim3A_751 = vector.broadcast %add3A_750 : i32 to vector<16xi32>
        %gather3A_752 = tpu.vector_load_idx %arg14[%broadcast_in_dim3A_748, %iota3A, %broadcast_in_dim3A_751] : memref<8x32x256xf32, #tpu.memory_space<vmem>>[vector<16xi32>, vector<16xi32>, vector<16xi32>], vector<16xf32>,
        %broadcast_in_dim3A_753 = vector.broadcast %select_n3A_651 : i32 to vector<16xi32>
        %add3A_754 = arith.constant 16 : i32
        %add3A_755 = vector.broadcast %add3A_754 : i32 to vector<16xi32>
        %add3A_756 = arith.addi %iota3A, %add3A_755 : vector<16xi32>
        %add3A_757 = arith.constant 0 : i32
        %add3A_758 = arith.addi %and3A_747, %add3A_757 : i32
        %broadcast_in_dim3A_759 = vector.broadcast %add3A_758 : i32 to vector<16xi32>
        %gather3A_760 = tpu.vector_load_idx %arg14[%broadcast_in_dim3A_753, %add3A_756, %broadcast_in_dim3A_759] : memref<8x32x256xf32, #tpu.memory_space<vmem>>[vector<16xi32>, vector<16xi32>, vector<16xi32>], vector<16xf32>,
        %swap3A_761 = arith.constant 0 : i32
        %swap3A_762 = arith.index_cast %while3A_732 : i32 to index
        %swap3A_763 = arith.index_cast %swap3A_761 : i32 to index
        %swap3A_764 = arith.constant 0 : index
        %swap3A_765 = tpu.vector_load %arg16[%swap3A_762, %swap3A_763, %swap3A_764] {strides = array<i32>} : memref<128x1x128xf32, #tpu.memory_space<vmem>>, vector<16xf32>,
        tpu.vector_store %arg16[%swap3A_762, %swap3A_763, %swap3A_764], %gather3A_752 {strides = array<i32>} : memref<128x1x128xf32, #tpu.memory_space<vmem>>, vector<16xf32>,
        %swap3A_766 = arith.constant 0 : i32
        %swap3A_767 = arith.index_cast %while3A_732 : i32 to index
        %swap3A_768 = arith.index_cast %swap3A_766 : i32 to index
        %swap3A_769 = arith.constant 16 : index
        %swap3A_770 = tpu.vector_load %arg16[%swap3A_767, %swap3A_768, %swap3A_769] {strides = array<i32>} : memref<128x1x128xf32, #tpu.memory_space<vmem>>, vector<16xf32>,
        tpu.vector_store %arg16[%swap3A_767, %swap3A_768, %swap3A_769], %gather3A_760 {strides = array<i32>} : memref<128x1x128xf32, #tpu.memory_space<vmem>>, vector<16xf32>,
        %broadcast_in_dim3A_771 = vector.broadcast %while3A_732 : i32 to vector<16xi32>
        %broadcast_in_dim3A_772 = vector.broadcast %squeeze3A_745 : i32 to vector<16xi32>
        tpu.vector_store_idx %arg17[%broadcast_in_dim3A_771], %broadcast_in_dim3A_772 masked %eq3A_5 : memref<128xi32, #tpu.memory_space<vmem>>[vector<16xi32>], vector<16xi32>, vector<16xi1>
        %add3A_773 = arith.constant 1 : i32
        %add3A_774 = arith.addi %while3A_732, %add3A_773 : i32
        %eq3A_775 = arith.constant 128 : i32
        %eq3A_776 = arith.cmpi eq, %add3A_774, %eq3A_775 : i32
        %convert_element_type3A_777 = arith.extui %eq3A_776 : i1 to i32
        %cond3A_778 = arith.constant 0 : i32
        %cond3A_779 = arith.cmpi ne, %convert_element_type3A_777, %cond3A_778 : i32
        scf.if %cond3A_779 {
          %dma_start3A_784 = arith.constant 0 : i32
          %dma_start3A_785 = arith.constant 0 : i32
          %dma_start3A_786 = arith.constant 0 : i32
          %dma_start3A_787 = tpu.memref_slice %arg8[%dma_start3A_784, %dma_start3A_785, %dma_start3A_786] : memref<16385x1x128xf32, #tpu.memory_space<hbm>> -> memref<16385x1x128xf32, #tpu.memory_space<hbm>>
          tpu.enqueue_indirect_dma source(%arg16 : memref<128x1x128xf32, #tpu.memory_space<vmem>>) target(%dma_start3A_787 : memref<16385x1x128xf32, #tpu.memory_space<hbm>>) offsets(%arg17 : memref<128xi32, #tpu.memory_space<vmem>>) semaphore(%arg19 : memref<!tpu.dma_semaphore, #tpu.memory_space<semaphore_mem>>)
          %dma_wait3A_788 = arith.constant 0 : i32
          %dma_wait3A_789 = arith.constant 0 : i32
          %dma_wait3A_790 = arith.constant 0 : i32
          %dma_wait3A_791 = tpu.memref_slice %arg8[%dma_wait3A_788, %dma_wait3A_789, %dma_wait3A_790] : memref<16385x1x128xf32, #tpu.memory_space<hbm>> -> memref<16385x1x128xf32, #tpu.memory_space<hbm>>
          tpu.wait_indirect_dma semaphore(%arg19 : memref<!tpu.dma_semaphore, #tpu.memory_space<semaphore_mem>>) src(%arg16 : memref<128x1x128xf32, #tpu.memory_space<vmem>>) dst(%dma_wait3A_791 : memref<16385x1x128xf32, #tpu.memory_space<hbm>>)
          %broadcast_in_dim3A_792 = arith.constant 16384 : i32
          %broadcast_in_dim3A_793 = vector.broadcast %broadcast_in_dim3A_792 : i32 to vector<16xi32>
          %swap3A_794 = arith.constant 0 : index
          %swap3A_795 = tpu.vector_load %arg17[%swap3A_794] {strides = array<i32>} : memref<128xi32, #tpu.memory_space<vmem>>, vector<16xi32>,
          tpu.vector_store %arg17[%swap3A_794], %broadcast_in_dim3A_793 {strides = array<i32>} : memref<128xi32, #tpu.memory_space<vmem>>, vector<16xi32>,
          %broadcast_in_dim3A_796 = arith.constant 16384 : i32
          %broadcast_in_dim3A_797 = vector.broadcast %broadcast_in_dim3A_796 : i32 to vector<16xi32>
          %swap3A_798 = arith.constant 16 : index
          %swap3A_799 = tpu.vector_load %arg17[%swap3A_798] {strides = array<i32>} : memref<128xi32, #tpu.memory_space<vmem>>, vector<16xi32>,
          tpu.vector_store %arg17[%swap3A_798], %broadcast_in_dim3A_797 {strides = array<i32>} : memref<128xi32, #tpu.memory_space<vmem>>, vector<16xi32>,
          %broadcast_in_dim3A_800 = arith.constant 16384 : i32
          %broadcast_in_dim3A_801 = vector.broadcast %broadcast_in_dim3A_800 : i32 to vector<16xi32>
          %swap3A_802 = arith.constant 32 : index
          %swap3A_803 = tpu.vector_load %arg17[%swap3A_802] {strides = array<i32>} : memref<128xi32, #tpu.memory_space<vmem>>, vector<16xi32>,
          tpu.vector_store %arg17[%swap3A_802], %broadcast_in_dim3A_801 {strides = array<i32>} : memref<128xi32, #tpu.memory_space<vmem>>, vector<16xi32>,
          %broadcast_in_dim3A_804 = arith.constant 16384 : i32
          %broadcast_in_dim3A_805 = vector.broadcast %broadcast_in_dim3A_804 : i32 to vector<16xi32>
          %swap3A_806 = arith.constant 48 : index
          %swap3A_807 = tpu.vector_load %arg17[%swap3A_806] {strides = array<i32>} : memref<128xi32, #tpu.memory_space<vmem>>, vector<16xi32>,
          tpu.vector_store %arg17[%swap3A_806], %broadcast_in_dim3A_805 {strides = array<i32>} : memref<128xi32, #tpu.memory_space<vmem>>, vector<16xi32>,
          %broadcast_in_dim3A_808 = arith.constant 16384 : i32
          %broadcast_in_dim3A_809 = vector.broadcast %broadcast_in_dim3A_808 : i32 to vector<16xi32>
          %swap3A_810 = arith.constant 64 : index
          %swap3A_811 = tpu.vector_load %arg17[%swap3A_810] {strides = array<i32>} : memref<128xi32, #tpu.memory_space<vmem>>, vector<16xi32>,
          tpu.vector_store %arg17[%swap3A_810], %broadcast_in_dim3A_809 {strides = array<i32>} : memref<128xi32, #tpu.memory_space<vmem>>, vector<16xi32>,
          %broadcast_in_dim3A_812 = arith.constant 16384 : i32
          %broadcast_in_dim3A_813 = vector.broadcast %broadcast_in_dim3A_812 : i32 to vector<16xi32>
          %swap3A_814 = arith.constant 80 : index
          %swap3A_815 = tpu.vector_load %arg17[%swap3A_814] {strides = array<i32>} : memref<128xi32, #tpu.memory_space<vmem>>, vector<16xi32>,
          tpu.vector_store %arg17[%swap3A_814], %broadcast_in_dim3A_813 {strides = array<i32>} : memref<128xi32, #tpu.memory_space<vmem>>, vector<16xi32>,
          %broadcast_in_dim3A_816 = arith.constant 16384 : i32
          %broadcast_in_dim3A_817 = vector.broadcast %broadcast_in_dim3A_816 : i32 to vector<16xi32>
          %swap3A_818 = arith.constant 96 : index
          %swap3A_819 = tpu.vector_load %arg17[%swap3A_818] {strides = array<i32>} : memref<128xi32, #tpu.memory_space<vmem>>, vector<16xi32>,
          tpu.vector_store %arg17[%swap3A_818], %broadcast_in_dim3A_817 {strides = array<i32>} : memref<128xi32, #tpu.memory_space<vmem>>, vector<16xi32>,
          %broadcast_in_dim3A_820 = arith.constant 16384 : i32
          %broadcast_in_dim3A_821 = vector.broadcast %broadcast_in_dim3A_820 : i32 to vector<16xi32>
          %swap3A_822 = arith.constant 112 : index
          %swap3A_823 = tpu.vector_load %arg17[%swap3A_822] {strides = array<i32>} : memref<128xi32, #tpu.memory_space<vmem>>, vector<16xi32>,
          tpu.vector_store %arg17[%swap3A_822], %broadcast_in_dim3A_821 {strides = array<i32>} : memref<128xi32, #tpu.memory_space<vmem>>, vector<16xi32>,
        } else {
        }
        %eq3A_780 = arith.constant 128 : i32
        %eq3A_781 = arith.cmpi eq, %add3A_774, %eq3A_780 : i32
        %jit3A_782 = arith.constant 0 : i32
        %select_n3A_783 = arith.select %eq3A_781, %jit3A_782, %add3A_774 : i32
        scf.yield %select_n3A_783 : i32
      }
      %mul3A_712 = arith.constant 2 : i32
      %mul3A_713 = arith.muli %mul3A_712, %while3A_635 : i32
      %add3A_714 = arith.constant 1 : i32
      %add3A_715 = arith.addi %mul3A_713, %add3A_714 : i32
      %get3A_716 = arith.index_cast %add3A_715 : i32 to index
      %get3A_717 = tpu.vector_load %arg13[%get3A_716] {strides = array<i32>} : memref<277xi32, #tpu.memory_space<vmem>>, vector<16xi32>,
      %slice3A_718 = vector.extract_strided_slice %get3A_717 {offsets = [0], sizes = [1], strides = [1]} : vector<16xi32> to vector<1xi32>
      %squeeze3A_719 = vector.extract %slice3A_718[0] : i32 from vector<1xi32>
      %while3A_720 = arith.constant 0 : i32
      %while3A_721 = arith.subi %squeeze3A_719, %while3A_720 : i32
      %while3A_722 = arith.addi %while3A_720, %while3A_721 : i32
      %while3A_723 = arith.constant 1 : i32
      %while3A_724 = arith.divsi %while3A_721, %while3A_723 : i32
      %while3A_725 = arith.muli %while3A_724, %while3A_723 : i32
      %while3A_726 = arith.addi %while3A_720, %while3A_725 : i32
      %while3A_727 = arith.constant 1 : i32
      %while3A_728 = scf.for %while3A_731 = %while3A_720 to %while3A_726 step %while3A_727 iter_args(%while3A_732 = %while3A_711) -> (i32)  : i32 {
        %mul3A_733 = arith.constant 16 : i32
        %mul3A_734 = arith.muli %add3A_715, %mul3A_733 : i32
        %add3A_735 = arith.addi %mul3A_734, %while3A_731 : i32
        %broadcast_in_dim3A_736 = vector.broadcast %add3A_735 : i32 to vector<16xi32>
        %gather3A = tpu.vector_load_idx %arg11[%broadcast_in_dim3A_736] : memref<3936xi32, #tpu.memory_space<vmem>>[vector<16xi32>], vector<16xi32>,
        %slice3A_737 = vector.extract_strided_slice %gather3A {offsets = [0], sizes = [1], strides = [1]} : vector<16xi32> to vector<1xi32>
        %squeeze3A_738 = vector.extract %slice3A_737[0] : i32 from vector<1xi32>
        %mul3A_739 = arith.constant 16 : i32
        %mul3A_740 = arith.muli %add3A_715, %mul3A_739 : i32
        %add3A_741 = arith.addi %mul3A_740, %while3A_731 : i32
        %broadcast_in_dim3A_742 = vector.broadcast %add3A_741 : i32 to vector<16xi32>
        %gather3A_743 = tpu.vector_load_idx %arg12[%broadcast_in_dim3A_742] : memref<3936xi32, #tpu.memory_space<vmem>>[vector<16xi32>], vector<16xi32>,
        %slice3A_744 = vector.extract_strided_slice %gather3A_743 {offsets = [0], sizes = [1], strides = [1]} : vector<16xi32> to vector<1xi32>
        %squeeze3A_745 = vector.extract %slice3A_744[0] : i32 from vector<1xi32>
        %and3A_746 = arith.constant 127 : i32
        %and3A_747 = arith.andi %squeeze3A_738, %and3A_746 : i32
        %broadcast_in_dim3A_748 = vector.broadcast %select_n3A_651 : i32 to vector<16xi32>
        %add3A_749 = arith.constant 128 : i32
        %add3A_750 = arith.addi %and3A_747, %add3A_749 : i32
        %broadcast_in_dim3A_751 = vector.broadcast %add3A_750 : i32 to vector<16xi32>
        %gather3A_752 = tpu.vector_load_idx %arg14[%broadcast_in_dim3A_748, %iota3A, %broadcast_in_dim3A_751] : memref<8x32x256xf32, #tpu.memory_space<vmem>>[vector<16xi32>, vector<16xi32>, vector<16xi32>], vector<16xf32>,
        %broadcast_in_dim3A_753 = vector.broadcast %select_n3A_651 : i32 to vector<16xi32>
        %add3A_754 = arith.constant 16 : i32
        %add3A_755 = vector.broadcast %add3A_754 : i32 to vector<16xi32>
        %add3A_756 = arith.addi %iota3A, %add3A_755 : vector<16xi32>
        %add3A_757 = arith.constant 128 : i32
        %add3A_758 = arith.addi %and3A_747, %add3A_757 : i32
        %broadcast_in_dim3A_759 = vector.broadcast %add3A_758 : i32 to vector<16xi32>
        %gather3A_760 = tpu.vector_load_idx %arg14[%broadcast_in_dim3A_753, %add3A_756, %broadcast_in_dim3A_759] : memref<8x32x256xf32, #tpu.memory_space<vmem>>[vector<16xi32>, vector<16xi32>, vector<16xi32>], vector<16xf32>,
        %swap3A_761 = arith.constant 0 : i32
        %swap3A_762 = arith.index_cast %while3A_732 : i32 to index
        %swap3A_763 = arith.index_cast %swap3A_761 : i32 to index
        %swap3A_764 = arith.constant 0 : index
        %swap3A_765 = tpu.vector_load %arg16[%swap3A_762, %swap3A_763, %swap3A_764] {strides = array<i32>} : memref<128x1x128xf32, #tpu.memory_space<vmem>>, vector<16xf32>,
        tpu.vector_store %arg16[%swap3A_762, %swap3A_763, %swap3A_764], %gather3A_752 {strides = array<i32>} : memref<128x1x128xf32, #tpu.memory_space<vmem>>, vector<16xf32>,
        %swap3A_766 = arith.constant 0 : i32
        %swap3A_767 = arith.index_cast %while3A_732 : i32 to index
        %swap3A_768 = arith.index_cast %swap3A_766 : i32 to index
        %swap3A_769 = arith.constant 16 : index
        %swap3A_770 = tpu.vector_load %arg16[%swap3A_767, %swap3A_768, %swap3A_769] {strides = array<i32>} : memref<128x1x128xf32, #tpu.memory_space<vmem>>, vector<16xf32>,
        tpu.vector_store %arg16[%swap3A_767, %swap3A_768, %swap3A_769], %gather3A_760 {strides = array<i32>} : memref<128x1x128xf32, #tpu.memory_space<vmem>>, vector<16xf32>,
        %broadcast_in_dim3A_771 = vector.broadcast %while3A_732 : i32 to vector<16xi32>
        %broadcast_in_dim3A_772 = vector.broadcast %squeeze3A_745 : i32 to vector<16xi32>
        tpu.vector_store_idx %arg17[%broadcast_in_dim3A_771], %broadcast_in_dim3A_772 masked %eq3A_5 : memref<128xi32, #tpu.memory_space<vmem>>[vector<16xi32>], vector<16xi32>, vector<16xi1>
        %add3A_773 = arith.constant 1 : i32
        %add3A_774 = arith.addi %while3A_732, %add3A_773 : i32
        %eq3A_775 = arith.constant 128 : i32
        %eq3A_776 = arith.cmpi eq, %add3A_774, %eq3A_775 : i32
        %convert_element_type3A_777 = arith.extui %eq3A_776 : i1 to i32
        %cond3A_778 = arith.constant 0 : i32
        %cond3A_779 = arith.cmpi ne, %convert_element_type3A_777, %cond3A_778 : i32
        scf.if %cond3A_779 {
          %dma_start3A_784 = arith.constant 0 : i32
          %dma_start3A_785 = arith.constant 0 : i32
          %dma_start3A_786 = arith.constant 0 : i32
          %dma_start3A_787 = tpu.memref_slice %arg8[%dma_start3A_784, %dma_start3A_785, %dma_start3A_786] : memref<16385x1x128xf32, #tpu.memory_space<hbm>> -> memref<16385x1x128xf32, #tpu.memory_space<hbm>>
          tpu.enqueue_indirect_dma source(%arg16 : memref<128x1x128xf32, #tpu.memory_space<vmem>>) target(%dma_start3A_787 : memref<16385x1x128xf32, #tpu.memory_space<hbm>>) offsets(%arg17 : memref<128xi32, #tpu.memory_space<vmem>>) semaphore(%arg19 : memref<!tpu.dma_semaphore, #tpu.memory_space<semaphore_mem>>)
          %dma_wait3A_788 = arith.constant 0 : i32
          %dma_wait3A_789 = arith.constant 0 : i32
          %dma_wait3A_790 = arith.constant 0 : i32
          %dma_wait3A_791 = tpu.memref_slice %arg8[%dma_wait3A_788, %dma_wait3A_789, %dma_wait3A_790] : memref<16385x1x128xf32, #tpu.memory_space<hbm>> -> memref<16385x1x128xf32, #tpu.memory_space<hbm>>
          tpu.wait_indirect_dma semaphore(%arg19 : memref<!tpu.dma_semaphore, #tpu.memory_space<semaphore_mem>>) src(%arg16 : memref<128x1x128xf32, #tpu.memory_space<vmem>>) dst(%dma_wait3A_791 : memref<16385x1x128xf32, #tpu.memory_space<hbm>>)
          %broadcast_in_dim3A_792 = arith.constant 16384 : i32
          %broadcast_in_dim3A_793 = vector.broadcast %broadcast_in_dim3A_792 : i32 to vector<16xi32>
          %swap3A_794 = arith.constant 0 : index
          %swap3A_795 = tpu.vector_load %arg17[%swap3A_794] {strides = array<i32>} : memref<128xi32, #tpu.memory_space<vmem>>, vector<16xi32>,
          tpu.vector_store %arg17[%swap3A_794], %broadcast_in_dim3A_793 {strides = array<i32>} : memref<128xi32, #tpu.memory_space<vmem>>, vector<16xi32>,
          %broadcast_in_dim3A_796 = arith.constant 16384 : i32
          %broadcast_in_dim3A_797 = vector.broadcast %broadcast_in_dim3A_796 : i32 to vector<16xi32>
          %swap3A_798 = arith.constant 16 : index
          %swap3A_799 = tpu.vector_load %arg17[%swap3A_798] {strides = array<i32>} : memref<128xi32, #tpu.memory_space<vmem>>, vector<16xi32>,
          tpu.vector_store %arg17[%swap3A_798], %broadcast_in_dim3A_797 {strides = array<i32>} : memref<128xi32, #tpu.memory_space<vmem>>, vector<16xi32>,
          %broadcast_in_dim3A_800 = arith.constant 16384 : i32
          %broadcast_in_dim3A_801 = vector.broadcast %broadcast_in_dim3A_800 : i32 to vector<16xi32>
          %swap3A_802 = arith.constant 32 : index
          %swap3A_803 = tpu.vector_load %arg17[%swap3A_802] {strides = array<i32>} : memref<128xi32, #tpu.memory_space<vmem>>, vector<16xi32>,
          tpu.vector_store %arg17[%swap3A_802], %broadcast_in_dim3A_801 {strides = array<i32>} : memref<128xi32, #tpu.memory_space<vmem>>, vector<16xi32>,
          %broadcast_in_dim3A_804 = arith.constant 16384 : i32
          %broadcast_in_dim3A_805 = vector.broadcast %broadcast_in_dim3A_804 : i32 to vector<16xi32>
          %swap3A_806 = arith.constant 48 : index
          %swap3A_807 = tpu.vector_load %arg17[%swap3A_806] {strides = array<i32>} : memref<128xi32, #tpu.memory_space<vmem>>, vector<16xi32>,
          tpu.vector_store %arg17[%swap3A_806], %broadcast_in_dim3A_805 {strides = array<i32>} : memref<128xi32, #tpu.memory_space<vmem>>, vector<16xi32>,
          %broadcast_in_dim3A_808 = arith.constant 16384 : i32
          %broadcast_in_dim3A_809 = vector.broadcast %broadcast_in_dim3A_808 : i32 to vector<16xi32>
          %swap3A_810 = arith.constant 64 : index
          %swap3A_811 = tpu.vector_load %arg17[%swap3A_810] {strides = array<i32>} : memref<128xi32, #tpu.memory_space<vmem>>, vector<16xi32>,
          tpu.vector_store %arg17[%swap3A_810], %broadcast_in_dim3A_809 {strides = array<i32>} : memref<128xi32, #tpu.memory_space<vmem>>, vector<16xi32>,
          %broadcast_in_dim3A_812 = arith.constant 16384 : i32
          %broadcast_in_dim3A_813 = vector.broadcast %broadcast_in_dim3A_812 : i32 to vector<16xi32>
          %swap3A_814 = arith.constant 80 : index
          %swap3A_815 = tpu.vector_load %arg17[%swap3A_814] {strides = array<i32>} : memref<128xi32, #tpu.memory_space<vmem>>, vector<16xi32>,
          tpu.vector_store %arg17[%swap3A_814], %broadcast_in_dim3A_813 {strides = array<i32>} : memref<128xi32, #tpu.memory_space<vmem>>, vector<16xi32>,
          %broadcast_in_dim3A_816 = arith.constant 16384 : i32
          %broadcast_in_dim3A_817 = vector.broadcast %broadcast_in_dim3A_816 : i32 to vector<16xi32>
          %swap3A_818 = arith.constant 96 : index
          %swap3A_819 = tpu.vector_load %arg17[%swap3A_818] {strides = array<i32>} : memref<128xi32, #tpu.memory_space<vmem>>, vector<16xi32>,
          tpu.vector_store %arg17[%swap3A_818], %broadcast_in_dim3A_817 {strides = array<i32>} : memref<128xi32, #tpu.memory_space<vmem>>, vector<16xi32>,
          %broadcast_in_dim3A_820 = arith.constant 16384 : i32
          %broadcast_in_dim3A_821 = vector.broadcast %broadcast_in_dim3A_820 : i32 to vector<16xi32>
          %swap3A_822 = arith.constant 112 : index
          %swap3A_823 = tpu.vector_load %arg17[%swap3A_822] {strides = array<i32>} : memref<128xi32, #tpu.memory_space<vmem>>, vector<16xi32>,
          tpu.vector_store %arg17[%swap3A_822], %broadcast_in_dim3A_821 {strides = array<i32>} : memref<128xi32, #tpu.memory_space<vmem>>, vector<16xi32>,
        } else {
        }
        %eq3A_780 = arith.constant 128 : i32
        %eq3A_781 = arith.cmpi eq, %add3A_774, %eq3A_780 : i32
        %jit3A_782 = arith.constant 0 : i32
        %select_n3A_783 = arith.select %eq3A_781, %jit3A_782, %add3A_774 : i32
        scf.yield %select_n3A_783 : i32
      }
      %while3A_729 = arith.constant 1 : i32
      %while3A_730 = scf.for %while3A_731 = %while3A_726 to %while3A_722 step %while3A_729 iter_args(%while3A_732 = %while3A_728) -> (i32)  : i32 {
        %mul3A_733 = arith.constant 16 : i32
        %mul3A_734 = arith.muli %add3A_715, %mul3A_733 : i32
        %add3A_735 = arith.addi %mul3A_734, %while3A_731 : i32
        %broadcast_in_dim3A_736 = vector.broadcast %add3A_735 : i32 to vector<16xi32>
        %gather3A = tpu.vector_load_idx %arg11[%broadcast_in_dim3A_736] : memref<3936xi32, #tpu.memory_space<vmem>>[vector<16xi32>], vector<16xi32>,
        %slice3A_737 = vector.extract_strided_slice %gather3A {offsets = [0], sizes = [1], strides = [1]} : vector<16xi32> to vector<1xi32>
        %squeeze3A_738 = vector.extract %slice3A_737[0] : i32 from vector<1xi32>
        %mul3A_739 = arith.constant 16 : i32
        %mul3A_740 = arith.muli %add3A_715, %mul3A_739 : i32
        %add3A_741 = arith.addi %mul3A_740, %while3A_731 : i32
        %broadcast_in_dim3A_742 = vector.broadcast %add3A_741 : i32 to vector<16xi32>
        %gather3A_743 = tpu.vector_load_idx %arg12[%broadcast_in_dim3A_742] : memref<3936xi32, #tpu.memory_space<vmem>>[vector<16xi32>], vector<16xi32>,
        %slice3A_744 = vector.extract_strided_slice %gather3A_743 {offsets = [0], sizes = [1], strides = [1]} : vector<16xi32> to vector<1xi32>
        %squeeze3A_745 = vector.extract %slice3A_744[0] : i32 from vector<1xi32>
        %and3A_746 = arith.constant 127 : i32
        %and3A_747 = arith.andi %squeeze3A_738, %and3A_746 : i32
        %broadcast_in_dim3A_748 = vector.broadcast %select_n3A_651 : i32 to vector<16xi32>
        %add3A_749 = arith.constant 128 : i32
        %add3A_750 = arith.addi %and3A_747, %add3A_749 : i32
        %broadcast_in_dim3A_751 = vector.broadcast %add3A_750 : i32 to vector<16xi32>
        %gather3A_752 = tpu.vector_load_idx %arg14[%broadcast_in_dim3A_748, %iota3A, %broadcast_in_dim3A_751] : memref<8x32x256xf32, #tpu.memory_space<vmem>>[vector<16xi32>, vector<16xi32>, vector<16xi32>], vector<16xf32>,
        %broadcast_in_dim3A_753 = vector.broadcast %select_n3A_651 : i32 to vector<16xi32>
        %add3A_754 = arith.constant 16 : i32
        %add3A_755 = vector.broadcast %add3A_754 : i32 to vector<16xi32>
        %add3A_756 = arith.addi %iota3A, %add3A_755 : vector<16xi32>
        %add3A_757 = arith.constant 128 : i32
        %add3A_758 = arith.addi %and3A_747, %add3A_757 : i32
        %broadcast_in_dim3A_759 = vector.broadcast %add3A_758 : i32 to vector<16xi32>
        %gather3A_760 = tpu.vector_load_idx %arg14[%broadcast_in_dim3A_753, %add3A_756, %broadcast_in_dim3A_759] : memref<8x32x256xf32, #tpu.memory_space<vmem>>[vector<16xi32>, vector<16xi32>, vector<16xi32>], vector<16xf32>,
        %swap3A_761 = arith.constant 0 : i32
        %swap3A_762 = arith.index_cast %while3A_732 : i32 to index
        %swap3A_763 = arith.index_cast %swap3A_761 : i32 to index
        %swap3A_764 = arith.constant 0 : index
        %swap3A_765 = tpu.vector_load %arg16[%swap3A_762, %swap3A_763, %swap3A_764] {strides = array<i32>} : memref<128x1x128xf32, #tpu.memory_space<vmem>>, vector<16xf32>,
        tpu.vector_store %arg16[%swap3A_762, %swap3A_763, %swap3A_764], %gather3A_752 {strides = array<i32>} : memref<128x1x128xf32, #tpu.memory_space<vmem>>, vector<16xf32>,
        %swap3A_766 = arith.constant 0 : i32
        %swap3A_767 = arith.index_cast %while3A_732 : i32 to index
        %swap3A_768 = arith.index_cast %swap3A_766 : i32 to index
        %swap3A_769 = arith.constant 16 : index
        %swap3A_770 = tpu.vector_load %arg16[%swap3A_767, %swap3A_768, %swap3A_769] {strides = array<i32>} : memref<128x1x128xf32, #tpu.memory_space<vmem>>, vector<16xf32>,
        tpu.vector_store %arg16[%swap3A_767, %swap3A_768, %swap3A_769], %gather3A_760 {strides = array<i32>} : memref<128x1x128xf32, #tpu.memory_space<vmem>>, vector<16xf32>,
        %broadcast_in_dim3A_771 = vector.broadcast %while3A_732 : i32 to vector<16xi32>
        %broadcast_in_dim3A_772 = vector.broadcast %squeeze3A_745 : i32 to vector<16xi32>
        tpu.vector_store_idx %arg17[%broadcast_in_dim3A_771], %broadcast_in_dim3A_772 masked %eq3A_5 : memref<128xi32, #tpu.memory_space<vmem>>[vector<16xi32>], vector<16xi32>, vector<16xi1>
        %add3A_773 = arith.constant 1 : i32
        %add3A_774 = arith.addi %while3A_732, %add3A_773 : i32
        %eq3A_775 = arith.constant 128 : i32
        %eq3A_776 = arith.cmpi eq, %add3A_774, %eq3A_775 : i32
        %convert_element_type3A_777 = arith.extui %eq3A_776 : i1 to i32
        %cond3A_778 = arith.constant 0 : i32
        %cond3A_779 = arith.cmpi ne, %convert_element_type3A_777, %cond3A_778 : i32
        scf.if %cond3A_779 {
          %dma_start3A_784 = arith.constant 0 : i32
          %dma_start3A_785 = arith.constant 0 : i32
          %dma_start3A_786 = arith.constant 0 : i32
          %dma_start3A_787 = tpu.memref_slice %arg8[%dma_start3A_784, %dma_start3A_785, %dma_start3A_786] : memref<16385x1x128xf32, #tpu.memory_space<hbm>> -> memref<16385x1x128xf32, #tpu.memory_space<hbm>>
          tpu.enqueue_indirect_dma source(%arg16 : memref<128x1x128xf32, #tpu.memory_space<vmem>>) target(%dma_start3A_787 : memref<16385x1x128xf32, #tpu.memory_space<hbm>>) offsets(%arg17 : memref<128xi32, #tpu.memory_space<vmem>>) semaphore(%arg19 : memref<!tpu.dma_semaphore, #tpu.memory_space<semaphore_mem>>)
          %dma_wait3A_788 = arith.constant 0 : i32
          %dma_wait3A_789 = arith.constant 0 : i32
          %dma_wait3A_790 = arith.constant 0 : i32
          %dma_wait3A_791 = tpu.memref_slice %arg8[%dma_wait3A_788, %dma_wait3A_789, %dma_wait3A_790] : memref<16385x1x128xf32, #tpu.memory_space<hbm>> -> memref<16385x1x128xf32, #tpu.memory_space<hbm>>
          tpu.wait_indirect_dma semaphore(%arg19 : memref<!tpu.dma_semaphore, #tpu.memory_space<semaphore_mem>>) src(%arg16 : memref<128x1x128xf32, #tpu.memory_space<vmem>>) dst(%dma_wait3A_791 : memref<16385x1x128xf32, #tpu.memory_space<hbm>>)
          %broadcast_in_dim3A_792 = arith.constant 16384 : i32
          %broadcast_in_dim3A_793 = vector.broadcast %broadcast_in_dim3A_792 : i32 to vector<16xi32>
          %swap3A_794 = arith.constant 0 : index
          %swap3A_795 = tpu.vector_load %arg17[%swap3A_794] {strides = array<i32>} : memref<128xi32, #tpu.memory_space<vmem>>, vector<16xi32>,
          tpu.vector_store %arg17[%swap3A_794], %broadcast_in_dim3A_793 {strides = array<i32>} : memref<128xi32, #tpu.memory_space<vmem>>, vector<16xi32>,
          %broadcast_in_dim3A_796 = arith.constant 16384 : i32
          %broadcast_in_dim3A_797 = vector.broadcast %broadcast_in_dim3A_796 : i32 to vector<16xi32>
          %swap3A_798 = arith.constant 16 : index
          %swap3A_799 = tpu.vector_load %arg17[%swap3A_798] {strides = array<i32>} : memref<128xi32, #tpu.memory_space<vmem>>, vector<16xi32>,
          tpu.vector_store %arg17[%swap3A_798], %broadcast_in_dim3A_797 {strides = array<i32>} : memref<128xi32, #tpu.memory_space<vmem>>, vector<16xi32>,
          %broadcast_in_dim3A_800 = arith.constant 16384 : i32
          %broadcast_in_dim3A_801 = vector.broadcast %broadcast_in_dim3A_800 : i32 to vector<16xi32>
          %swap3A_802 = arith.constant 32 : index
          %swap3A_803 = tpu.vector_load %arg17[%swap3A_802] {strides = array<i32>} : memref<128xi32, #tpu.memory_space<vmem>>, vector<16xi32>,
          tpu.vector_store %arg17[%swap3A_802], %broadcast_in_dim3A_801 {strides = array<i32>} : memref<128xi32, #tpu.memory_space<vmem>>, vector<16xi32>,
          %broadcast_in_dim3A_804 = arith.constant 16384 : i32
          %broadcast_in_dim3A_805 = vector.broadcast %broadcast_in_dim3A_804 : i32 to vector<16xi32>
          %swap3A_806 = arith.constant 48 : index
          %swap3A_807 = tpu.vector_load %arg17[%swap3A_806] {strides = array<i32>} : memref<128xi32, #tpu.memory_space<vmem>>, vector<16xi32>,
          tpu.vector_store %arg17[%swap3A_806], %broadcast_in_dim3A_805 {strides = array<i32>} : memref<128xi32, #tpu.memory_space<vmem>>, vector<16xi32>,
          %broadcast_in_dim3A_808 = arith.constant 16384 : i32
          %broadcast_in_dim3A_809 = vector.broadcast %broadcast_in_dim3A_808 : i32 to vector<16xi32>
          %swap3A_810 = arith.constant 64 : index
          %swap3A_811 = tpu.vector_load %arg17[%swap3A_810] {strides = array<i32>} : memref<128xi32, #tpu.memory_space<vmem>>, vector<16xi32>,
          tpu.vector_store %arg17[%swap3A_810], %broadcast_in_dim3A_809 {strides = array<i32>} : memref<128xi32, #tpu.memory_space<vmem>>, vector<16xi32>,
          %broadcast_in_dim3A_812 = arith.constant 16384 : i32
          %broadcast_in_dim3A_813 = vector.broadcast %broadcast_in_dim3A_812 : i32 to vector<16xi32>
          %swap3A_814 = arith.constant 80 : index
          %swap3A_815 = tpu.vector_load %arg17[%swap3A_814] {strides = array<i32>} : memref<128xi32, #tpu.memory_space<vmem>>, vector<16xi32>,
          tpu.vector_store %arg17[%swap3A_814], %broadcast_in_dim3A_813 {strides = array<i32>} : memref<128xi32, #tpu.memory_space<vmem>>, vector<16xi32>,
          %broadcast_in_dim3A_816 = arith.constant 16384 : i32
          %broadcast_in_dim3A_817 = vector.broadcast %broadcast_in_dim3A_816 : i32 to vector<16xi32>
          %swap3A_818 = arith.constant 96 : index
          %swap3A_819 = tpu.vector_load %arg17[%swap3A_818] {strides = array<i32>} : memref<128xi32, #tpu.memory_space<vmem>>, vector<16xi32>,
          tpu.vector_store %arg17[%swap3A_818], %broadcast_in_dim3A_817 {strides = array<i32>} : memref<128xi32, #tpu.memory_space<vmem>>, vector<16xi32>,
          %broadcast_in_dim3A_820 = arith.constant 16384 : i32
          %broadcast_in_dim3A_821 = vector.broadcast %broadcast_in_dim3A_820 : i32 to vector<16xi32>
          %swap3A_822 = arith.constant 112 : index
          %swap3A_823 = tpu.vector_load %arg17[%swap3A_822] {strides = array<i32>} : memref<128xi32, #tpu.memory_space<vmem>>, vector<16xi32>,
          tpu.vector_store %arg17[%swap3A_822], %broadcast_in_dim3A_821 {strides = array<i32>} : memref<128xi32, #tpu.memory_space<vmem>>, vector<16xi32>,
        } else {
        }
        %eq3A_780 = arith.constant 128 : i32
        %eq3A_781 = arith.cmpi eq, %add3A_774, %eq3A_780 : i32
        %jit3A_782 = arith.constant 0 : i32
        %select_n3A_783 = arith.select %eq3A_781, %jit3A_782, %add3A_774 : i32
        scf.yield %select_n3A_783 : i32
      }
      scf.yield %while3A_730 : i32
    }
    %while3A_284 = arith.constant 1 : i32
    %while3A_285 = scf.for %while3A_635 = %while3A_281 to %while3A_277 step %while3A_284 iter_args(%while3A_636 = %while3A_283) -> (i32)  : i32 {
      %jit3A_637 = arith.constant 8 : i32
      %eq3A_638 = arith.constant 0 : i32
      %eq3A_639 = arith.cmpi eq, %jit3A_637, %eq3A_638 : i32
      %jit3A_640 = arith.constant 1 : i32
      %select_n3A_641 = arith.select %eq3A_639, %jit3A_640, %jit3A_637 : i32
      %rem3A_642 = arith.remsi %while3A_635, %select_n3A_641 : i32
      %ne3A_643 = arith.constant 0 : i32
      %ne3A_644 = arith.cmpi ne, %rem3A_642, %ne3A_643 : i32
      %lt3A = arith.constant 0 : i32
      %lt3A_645 = arith.cmpi slt, %rem3A_642, %lt3A : i32
      %lt3A_646 = arith.constant 0 : i32
      %lt3A_647 = arith.cmpi slt, %select_n3A_641, %lt3A_646 : i32
      %ne3A_648 = arith.xori %lt3A_645, %lt3A_647 : i1
      %and3A_649 = arith.andi %ne3A_648, %ne3A_644 : i1
      %add3A_650 = arith.addi %rem3A_642, %select_n3A_641 : i32
      %select_n3A_651 = arith.select %and3A_649, %add3A_650, %rem3A_642 : i32
      %add3A_652 = arith.constant 8 : i32
      %add3A_653 = arith.addi %while3A_635, %add3A_652 : i32
      %sub3A_654 = arith.constant 1 : i32
      %sub3A_655 = arith.subi %add3A_653, %sub3A_654 : i32
      %jit3A_656 = arith.constant 8 : i32
      %eq3A_657 = arith.constant 0 : i32
      %eq3A_658 = arith.cmpi eq, %jit3A_656, %eq3A_657 : i32
      %jit3A_659 = arith.constant 1 : i32
      %select_n3A_660 = arith.select %eq3A_658, %jit3A_659, %jit3A_656 : i32
      %rem3A_661 = arith.remsi %sub3A_655, %select_n3A_660 : i32
      %ne3A_662 = arith.constant 0 : i32
      %ne3A_663 = arith.cmpi ne, %rem3A_661, %ne3A_662 : i32
      %lt3A_664 = arith.constant 0 : i32
      %lt3A_665 = arith.cmpi slt, %rem3A_661, %lt3A_664 : i32
      %lt3A_666 = arith.constant 0 : i32
      %lt3A_667 = arith.cmpi slt, %select_n3A_660, %lt3A_666 : i32
      %ne3A_668 = arith.xori %lt3A_665, %lt3A_667 : i1
      %and3A_669 = arith.andi %ne3A_668, %ne3A_663 : i1
      %add3A_670 = arith.addi %rem3A_661, %select_n3A_660 : i32
      %select_n3A_671 = arith.select %and3A_669, %add3A_670, %rem3A_661 : i32
      %add3A_672 = arith.constant 8 : i32
      %add3A_673 = arith.addi %while3A_635, %add3A_672 : i32
      %sub3A_674 = arith.constant 1 : i32
      %sub3A_675 = arith.subi %add3A_673, %sub3A_674 : i32
      %lt3A_676 = arith.cmpi slt, %sub3A_675, %select_n3A_135 : i32
      %convert_element_type3A_677 = arith.extui %lt3A_676 : i1 to i32
      %cond3A_678 = arith.constant 0 : i32
      %cond3A_679 = arith.cmpi ne, %convert_element_type3A_677, %cond3A_678 : i32
      scf.if %cond3A_679 {
        %add3A_731 = arith.constant 8 : i32
        %add3A_732 = arith.addi %while3A_635, %add3A_731 : i32
        %sub3A_733 = arith.constant 1 : i32
        %sub3A_734 = arith.subi %add3A_732, %sub3A_733 : i32
        %mul3A_735 = arith.constant 2 : i32
        %mul3A_736 = arith.muli %mul3A_735, %sub3A_734 : i32
        %add3A_737 = arith.addi %mul3A_2, %mul3A_736 : i32
        %mul3A_738 = arith.constant 128 : i32
        %mul3A_739 = arith.muli %add3A_737, %mul3A_738 : i32
        %dma_start3A_740 = arith.constant 0 : i32
        %dma_start3A_741 = arith.constant 0 : i32
        %dma_start3A_742 = tpu.memref_slice %arg14[%select_n3A_671, %dma_start3A_740, %dma_start3A_741] : memref<8x32x256xf32, #tpu.memory_space<vmem>> -> memref<1x32x256xf32, #tpu.memory_space<vmem>>
        %dma_start3A_743 = tpu.memref_squeeze %dma_start3A_742 : memref<1x32x256xf32, #tpu.memory_space<vmem>> -> memref<32x256xf32, #tpu.memory_space<vmem>>
        %dma_start3A_744 = arith.constant 0 : i32
        %dma_start3A_745 = tpu.memref_slice %arg4[%dma_start3A_744, %mul3A_739] : memref<32x1000000xf32, #tpu.memory_space<hbm>> -> memref<32x256xf32, #tpu.memory_space<hbm>>
        %dma_start3A_746 = tpu.memref_slice %arg18[%select_n3A_671] : memref<8x!tpu.dma_semaphore, #tpu.memory_space<semaphore_mem>> -> memref<1x!tpu.dma_semaphore, #tpu.memory_space<semaphore_mem>>
        %dma_start3A_747 = tpu.memref_squeeze %dma_start3A_746 : memref<1x!tpu.dma_semaphore, #tpu.memory_space<semaphore_mem>> -> memref<!tpu.dma_semaphore, #tpu.memory_space<semaphore_mem>>
        %dma_start3A_748 = arith.constant 0 : i32
        %dma_start3A_749 = arith.constant 0 : i32
        %dma_start3A_750 = tpu.memref_slice %arg14[%select_n3A_671, %dma_start3A_748, %dma_start3A_749] : memref<8x32x256xf32, #tpu.memory_space<vmem>> -> memref<1x32x256xf32, #tpu.memory_space<vmem>>
        %dma_start3A_751 = tpu.memref_squeeze %dma_start3A_750 : memref<1x32x256xf32, #tpu.memory_space<vmem>> -> memref<32x256xf32, #tpu.memory_space<vmem>>
        %dma_start3A_752 = arith.constant 0 : i32
        %dma_start3A_753 = tpu.memref_slice %arg4[%dma_start3A_752, %mul3A_739] : memref<32x1000000xf32, #tpu.memory_space<hbm>> -> memref<32x256xf32, #tpu.memory_space<hbm>>
        tpu.enqueue_dma source(%dma_start3A_753 : memref<32x256xf32, #tpu.memory_space<hbm>>) target(%dma_start3A_751 : memref<32x256xf32, #tpu.memory_space<vmem>>) target_semaphore(%dma_start3A_747 : memref<!tpu.dma_semaphore, #tpu.memory_space<semaphore_mem>>)
      } else {
      }
      %dma_wait3A = arith.constant 0 : i32
      %dma_wait3A_680 = arith.constant 0 : i32
      %dma_wait3A_681 = tpu.memref_slice %arg14[%select_n3A_651, %dma_wait3A, %dma_wait3A_680] : memref<8x32x256xf32, #tpu.memory_space<vmem>> -> memref<1x32x256xf32, #tpu.memory_space<vmem>>
      %dma_wait3A_682 = tpu.memref_squeeze %dma_wait3A_681 : memref<1x32x256xf32, #tpu.memory_space<vmem>> -> memref<32x256xf32, #tpu.memory_space<vmem>>
      %dma_wait3A_683 = arith.constant 0 : i32
      %dma_wait3A_684 = arith.constant 0 : i32
      %dma_wait3A_685 = tpu.memref_slice %arg4[%dma_wait3A_683, %dma_wait3A_684] : memref<32x1000000xf32, #tpu.memory_space<hbm>> -> memref<32x256xf32, #tpu.memory_space<hbm>>
      %dma_wait3A_686 = tpu.memref_slice %arg18[%select_n3A_651] : memref<8x!tpu.dma_semaphore, #tpu.memory_space<semaphore_mem>> -> memref<1x!tpu.dma_semaphore, #tpu.memory_space<semaphore_mem>>
      %dma_wait3A_687 = tpu.memref_squeeze %dma_wait3A_686 : memref<1x!tpu.dma_semaphore, #tpu.memory_space<semaphore_mem>> -> memref<!tpu.dma_semaphore, #tpu.memory_space<semaphore_mem>>
      %dma_wait3A_688 = arith.constant 0 : i32
      %dma_wait3A_689 = arith.constant 0 : i32
      %dma_wait3A_690 = tpu.memref_slice %arg14[%select_n3A_651, %dma_wait3A_688, %dma_wait3A_689] : memref<8x32x256xf32, #tpu.memory_space<vmem>> -> memref<1x32x256xf32, #tpu.memory_space<vmem>>
      %dma_wait3A_691 = tpu.memref_squeeze %dma_wait3A_690 : memref<1x32x256xf32, #tpu.memory_space<vmem>> -> memref<32x256xf32, #tpu.memory_space<vmem>>
      %dma_wait3A_692 = arith.constant 0 : i32
      %dma_wait3A_693 = arith.constant 0 : i32
      %dma_wait3A_694 = tpu.memref_slice %arg4[%dma_wait3A_692, %dma_wait3A_693] : memref<32x1000000xf32, #tpu.memory_space<hbm>> -> memref<32x256xf32, #tpu.memory_space<hbm>>
      tpu.wait_dma2 semaphore(%dma_wait3A_687 : memref<!tpu.dma_semaphore, #tpu.memory_space<semaphore_mem>>) src(%dma_wait3A_694 : memref<32x256xf32, #tpu.memory_space<hbm>>) dst(%dma_wait3A_691 : memref<32x256xf32, #tpu.memory_space<vmem>>)
      %mul3A_695 = arith.constant 2 : i32
      %mul3A_696 = arith.muli %mul3A_695, %while3A_635 : i32
      %get3A_697 = arith.index_cast %mul3A_696 : i32 to index
      %get3A_698 = tpu.vector_load %arg13[%get3A_697] {strides = array<i32>} : memref<277xi32, #tpu.memory_space<vmem>>, vector<16xi32>,
      %slice3A_699 = vector.extract_strided_slice %get3A_698 {offsets = [0], sizes = [1], strides = [1]} : vector<16xi32> to vector<1xi32>
      %squeeze3A_700 = vector.extract %slice3A_699[0] : i32 from vector<1xi32>
      %while3A_701 = arith.constant 0 : i32
      %while3A_702 = arith.subi %squeeze3A_700, %while3A_701 : i32
      %while3A_703 = arith.addi %while3A_701, %while3A_702 : i32
      %while3A_704 = arith.constant 1 : i32
      %while3A_705 = arith.divsi %while3A_702, %while3A_704 : i32
      %while3A_706 = arith.muli %while3A_705, %while3A_704 : i32
      %while3A_707 = arith.addi %while3A_701, %while3A_706 : i32
      %while3A_708 = arith.constant 1 : i32
      %while3A_709 = scf.for %while3A_731 = %while3A_701 to %while3A_707 step %while3A_708 iter_args(%while3A_732 = %while3A_636) -> (i32)  : i32 {
        %mul3A_733 = arith.constant 16 : i32
        %mul3A_734 = arith.muli %mul3A_696, %mul3A_733 : i32
        %add3A_735 = arith.addi %mul3A_734, %while3A_731 : i32
        %broadcast_in_dim3A_736 = vector.broadcast %add3A_735 : i32 to vector<16xi32>
        %gather3A = tpu.vector_load_idx %arg11[%broadcast_in_dim3A_736] : memref<3936xi32, #tpu.memory_space<vmem>>[vector<16xi32>], vector<16xi32>,
        %slice3A_737 = vector.extract_strided_slice %gather3A {offsets = [0], sizes = [1], strides = [1]} : vector<16xi32> to vector<1xi32>
        %squeeze3A_738 = vector.extract %slice3A_737[0] : i32 from vector<1xi32>
        %mul3A_739 = arith.constant 16 : i32
        %mul3A_740 = arith.muli %mul3A_696, %mul3A_739 : i32
        %add3A_741 = arith.addi %mul3A_740, %while3A_731 : i32
        %broadcast_in_dim3A_742 = vector.broadcast %add3A_741 : i32 to vector<16xi32>
        %gather3A_743 = tpu.vector_load_idx %arg12[%broadcast_in_dim3A_742] : memref<3936xi32, #tpu.memory_space<vmem>>[vector<16xi32>], vector<16xi32>,
        %slice3A_744 = vector.extract_strided_slice %gather3A_743 {offsets = [0], sizes = [1], strides = [1]} : vector<16xi32> to vector<1xi32>
        %squeeze3A_745 = vector.extract %slice3A_744[0] : i32 from vector<1xi32>
        %and3A_746 = arith.constant 127 : i32
        %and3A_747 = arith.andi %squeeze3A_738, %and3A_746 : i32
        %broadcast_in_dim3A_748 = vector.broadcast %select_n3A_651 : i32 to vector<16xi32>
        %add3A_749 = arith.constant 0 : i32
        %add3A_750 = arith.addi %and3A_747, %add3A_749 : i32
        %broadcast_in_dim3A_751 = vector.broadcast %add3A_750 : i32 to vector<16xi32>
        %gather3A_752 = tpu.vector_load_idx %arg14[%broadcast_in_dim3A_748, %iota3A, %broadcast_in_dim3A_751] : memref<8x32x256xf32, #tpu.memory_space<vmem>>[vector<16xi32>, vector<16xi32>, vector<16xi32>], vector<16xf32>,
        %broadcast_in_dim3A_753 = vector.broadcast %select_n3A_651 : i32 to vector<16xi32>
        %add3A_754 = arith.constant 16 : i32
        %add3A_755 = vector.broadcast %add3A_754 : i32 to vector<16xi32>
        %add3A_756 = arith.addi %iota3A, %add3A_755 : vector<16xi32>
        %add3A_757 = arith.constant 0 : i32
        %add3A_758 = arith.addi %and3A_747, %add3A_757 : i32
        %broadcast_in_dim3A_759 = vector.broadcast %add3A_758 : i32 to vector<16xi32>
        %gather3A_760 = tpu.vector_load_idx %arg14[%broadcast_in_dim3A_753, %add3A_756, %broadcast_in_dim3A_759] : memref<8x32x256xf32, #tpu.memory_space<vmem>>[vector<16xi32>, vector<16xi32>, vector<16xi32>], vector<16xf32>,
        %swap3A_761 = arith.constant 0 : i32
        %swap3A_762 = arith.index_cast %while3A_732 : i32 to index
        %swap3A_763 = arith.index_cast %swap3A_761 : i32 to index
        %swap3A_764 = arith.constant 0 : index
        %swap3A_765 = tpu.vector_load %arg16[%swap3A_762, %swap3A_763, %swap3A_764] {strides = array<i32>} : memref<128x1x128xf32, #tpu.memory_space<vmem>>, vector<16xf32>,
        tpu.vector_store %arg16[%swap3A_762, %swap3A_763, %swap3A_764], %gather3A_752 {strides = array<i32>} : memref<128x1x128xf32, #tpu.memory_space<vmem>>, vector<16xf32>,
        %swap3A_766 = arith.constant 0 : i32
        %swap3A_767 = arith.index_cast %while3A_732 : i32 to index
        %swap3A_768 = arith.index_cast %swap3A_766 : i32 to index
        %swap3A_769 = arith.constant 16 : index
        %swap3A_770 = tpu.vector_load %arg16[%swap3A_767, %swap3A_768, %swap3A_769] {strides = array<i32>} : memref<128x1x128xf32, #tpu.memory_space<vmem>>, vector<16xf32>,
        tpu.vector_store %arg16[%swap3A_767, %swap3A_768, %swap3A_769], %gather3A_760 {strides = array<i32>} : memref<128x1x128xf32, #tpu.memory_space<vmem>>, vector<16xf32>,
        %broadcast_in_dim3A_771 = vector.broadcast %while3A_732 : i32 to vector<16xi32>
        %broadcast_in_dim3A_772 = vector.broadcast %squeeze3A_745 : i32 to vector<16xi32>
        tpu.vector_store_idx %arg17[%broadcast_in_dim3A_771], %broadcast_in_dim3A_772 masked %eq3A_5 : memref<128xi32, #tpu.memory_space<vmem>>[vector<16xi32>], vector<16xi32>, vector<16xi1>
        %add3A_773 = arith.constant 1 : i32
        %add3A_774 = arith.addi %while3A_732, %add3A_773 : i32
        %eq3A_775 = arith.constant 128 : i32
        %eq3A_776 = arith.cmpi eq, %add3A_774, %eq3A_775 : i32
        %convert_element_type3A_777 = arith.extui %eq3A_776 : i1 to i32
        %cond3A_778 = arith.constant 0 : i32
        %cond3A_779 = arith.cmpi ne, %convert_element_type3A_777, %cond3A_778 : i32
        scf.if %cond3A_779 {
          %dma_start3A_784 = arith.constant 0 : i32
          %dma_start3A_785 = arith.constant 0 : i32
          %dma_start3A_786 = arith.constant 0 : i32
          %dma_start3A_787 = tpu.memref_slice %arg8[%dma_start3A_784, %dma_start3A_785, %dma_start3A_786] : memref<16385x1x128xf32, #tpu.memory_space<hbm>> -> memref<16385x1x128xf32, #tpu.memory_space<hbm>>
          tpu.enqueue_indirect_dma source(%arg16 : memref<128x1x128xf32, #tpu.memory_space<vmem>>) target(%dma_start3A_787 : memref<16385x1x128xf32, #tpu.memory_space<hbm>>) offsets(%arg17 : memref<128xi32, #tpu.memory_space<vmem>>) semaphore(%arg19 : memref<!tpu.dma_semaphore, #tpu.memory_space<semaphore_mem>>)
          %dma_wait3A_788 = arith.constant 0 : i32
          %dma_wait3A_789 = arith.constant 0 : i32
          %dma_wait3A_790 = arith.constant 0 : i32
          %dma_wait3A_791 = tpu.memref_slice %arg8[%dma_wait3A_788, %dma_wait3A_789, %dma_wait3A_790] : memref<16385x1x128xf32, #tpu.memory_space<hbm>> -> memref<16385x1x128xf32, #tpu.memory_space<hbm>>
          tpu.wait_indirect_dma semaphore(%arg19 : memref<!tpu.dma_semaphore, #tpu.memory_space<semaphore_mem>>) src(%arg16 : memref<128x1x128xf32, #tpu.memory_space<vmem>>) dst(%dma_wait3A_791 : memref<16385x1x128xf32, #tpu.memory_space<hbm>>)
          %broadcast_in_dim3A_792 = arith.constant 16384 : i32
          %broadcast_in_dim3A_793 = vector.broadcast %broadcast_in_dim3A_792 : i32 to vector<16xi32>
          %swap3A_794 = arith.constant 0 : index
          %swap3A_795 = tpu.vector_load %arg17[%swap3A_794] {strides = array<i32>} : memref<128xi32, #tpu.memory_space<vmem>>, vector<16xi32>,
          tpu.vector_store %arg17[%swap3A_794], %broadcast_in_dim3A_793 {strides = array<i32>} : memref<128xi32, #tpu.memory_space<vmem>>, vector<16xi32>,
          %broadcast_in_dim3A_796 = arith.constant 16384 : i32
          %broadcast_in_dim3A_797 = vector.broadcast %broadcast_in_dim3A_796 : i32 to vector<16xi32>
          %swap3A_798 = arith.constant 16 : index
          %swap3A_799 = tpu.vector_load %arg17[%swap3A_798] {strides = array<i32>} : memref<128xi32, #tpu.memory_space<vmem>>, vector<16xi32>,
          tpu.vector_store %arg17[%swap3A_798], %broadcast_in_dim3A_797 {strides = array<i32>} : memref<128xi32, #tpu.memory_space<vmem>>, vector<16xi32>,
          %broadcast_in_dim3A_800 = arith.constant 16384 : i32
          %broadcast_in_dim3A_801 = vector.broadcast %broadcast_in_dim3A_800 : i32 to vector<16xi32>
          %swap3A_802 = arith.constant 32 : index
          %swap3A_803 = tpu.vector_load %arg17[%swap3A_802] {strides = array<i32>} : memref<128xi32, #tpu.memory_space<vmem>>, vector<16xi32>,
          tpu.vector_store %arg17[%swap3A_802], %broadcast_in_dim3A_801 {strides = array<i32>} : memref<128xi32, #tpu.memory_space<vmem>>, vector<16xi32>,
          %broadcast_in_dim3A_804 = arith.constant 16384 : i32
          %broadcast_in_dim3A_805 = vector.broadcast %broadcast_in_dim3A_804 : i32 to vector<16xi32>
          %swap3A_806 = arith.constant 48 : index
          %swap3A_807 = tpu.vector_load %arg17[%swap3A_806] {strides = array<i32>} : memref<128xi32, #tpu.memory_space<vmem>>, vector<16xi32>,
          tpu.vector_store %arg17[%swap3A_806], %broadcast_in_dim3A_805 {strides = array<i32>} : memref<128xi32, #tpu.memory_space<vmem>>, vector<16xi32>,
          %broadcast_in_dim3A_808 = arith.constant 16384 : i32
          %broadcast_in_dim3A_809 = vector.broadcast %broadcast_in_dim3A_808 : i32 to vector<16xi32>
          %swap3A_810 = arith.constant 64 : index
          %swap3A_811 = tpu.vector_load %arg17[%swap3A_810] {strides = array<i32>} : memref<128xi32, #tpu.memory_space<vmem>>, vector<16xi32>,
          tpu.vector_store %arg17[%swap3A_810], %broadcast_in_dim3A_809 {strides = array<i32>} : memref<128xi32, #tpu.memory_space<vmem>>, vector<16xi32>,
          %broadcast_in_dim3A_812 = arith.constant 16384 : i32
          %broadcast_in_dim3A_813 = vector.broadcast %broadcast_in_dim3A_812 : i32 to vector<16xi32>
          %swap3A_814 = arith.constant 80 : index
          %swap3A_815 = tpu.vector_load %arg17[%swap3A_814] {strides = array<i32>} : memref<128xi32, #tpu.memory_space<vmem>>, vector<16xi32>,
          tpu.vector_store %arg17[%swap3A_814], %broadcast_in_dim3A_813 {strides = array<i32>} : memref<128xi32, #tpu.memory_space<vmem>>, vector<16xi32>,
          %broadcast_in_dim3A_816 = arith.constant 16384 : i32
          %broadcast_in_dim3A_817 = vector.broadcast %broadcast_in_dim3A_816 : i32 to vector<16xi32>
          %swap3A_818 = arith.constant 96 : index
          %swap3A_819 = tpu.vector_load %arg17[%swap3A_818] {strides = array<i32>} : memref<128xi32, #tpu.memory_space<vmem>>, vector<16xi32>,
          tpu.vector_store %arg17[%swap3A_818], %broadcast_in_dim3A_817 {strides = array<i32>} : memref<128xi32, #tpu.memory_space<vmem>>, vector<16xi32>,
          %broadcast_in_dim3A_820 = arith.constant 16384 : i32
          %broadcast_in_dim3A_821 = vector.broadcast %broadcast_in_dim3A_820 : i32 to vector<16xi32>
          %swap3A_822 = arith.constant 112 : index
          %swap3A_823 = tpu.vector_load %arg17[%swap3A_822] {strides = array<i32>} : memref<128xi32, #tpu.memory_space<vmem>>, vector<16xi32>,
          tpu.vector_store %arg17[%swap3A_822], %broadcast_in_dim3A_821 {strides = array<i32>} : memref<128xi32, #tpu.memory_space<vmem>>, vector<16xi32>,
        } else {
        }
        %eq3A_780 = arith.constant 128 : i32
        %eq3A_781 = arith.cmpi eq, %add3A_774, %eq3A_780 : i32
        %jit3A_782 = arith.constant 0 : i32
        %select_n3A_783 = arith.select %eq3A_781, %jit3A_782, %add3A_774 : i32
        scf.yield %select_n3A_783 : i32
      }
      %while3A_710 = arith.constant 1 : i32
      %while3A_711 = scf.for %while3A_731 = %while3A_707 to %while3A_703 step %while3A_710 iter_args(%while3A_732 = %while3A_709) -> (i32)  : i32 {
        %mul3A_733 = arith.constant 16 : i32
        %mul3A_734 = arith.muli %mul3A_696, %mul3A_733 : i32
        %add3A_735 = arith.addi %mul3A_734, %while3A_731 : i32
        %broadcast_in_dim3A_736 = vector.broadcast %add3A_735 : i32 to vector<16xi32>
        %gather3A = tpu.vector_load_idx %arg11[%broadcast_in_dim3A_736] : memref<3936xi32, #tpu.memory_space<vmem>>[vector<16xi32>], vector<16xi32>,
        %slice3A_737 = vector.extract_strided_slice %gather3A {offsets = [0], sizes = [1], strides = [1]} : vector<16xi32> to vector<1xi32>
        %squeeze3A_738 = vector.extract %slice3A_737[0] : i32 from vector<1xi32>
        %mul3A_739 = arith.constant 16 : i32
        %mul3A_740 = arith.muli %mul3A_696, %mul3A_739 : i32
        %add3A_741 = arith.addi %mul3A_740, %while3A_731 : i32
        %broadcast_in_dim3A_742 = vector.broadcast %add3A_741 : i32 to vector<16xi32>
        %gather3A_743 = tpu.vector_load_idx %arg12[%broadcast_in_dim3A_742] : memref<3936xi32, #tpu.memory_space<vmem>>[vector<16xi32>], vector<16xi32>,
        %slice3A_744 = vector.extract_strided_slice %gather3A_743 {offsets = [0], sizes = [1], strides = [1]} : vector<16xi32> to vector<1xi32>
        %squeeze3A_745 = vector.extract %slice3A_744[0] : i32 from vector<1xi32>
        %and3A_746 = arith.constant 127 : i32
        %and3A_747 = arith.andi %squeeze3A_738, %and3A_746 : i32
        %broadcast_in_dim3A_748 = vector.broadcast %select_n3A_651 : i32 to vector<16xi32>
        %add3A_749 = arith.constant 0 : i32
        %add3A_750 = arith.addi %and3A_747, %add3A_749 : i32
        %broadcast_in_dim3A_751 = vector.broadcast %add3A_750 : i32 to vector<16xi32>
        %gather3A_752 = tpu.vector_load_idx %arg14[%broadcast_in_dim3A_748, %iota3A, %broadcast_in_dim3A_751] : memref<8x32x256xf32, #tpu.memory_space<vmem>>[vector<16xi32>, vector<16xi32>, vector<16xi32>], vector<16xf32>,
        %broadcast_in_dim3A_753 = vector.broadcast %select_n3A_651 : i32 to vector<16xi32>
        %add3A_754 = arith.constant 16 : i32
        %add3A_755 = vector.broadcast %add3A_754 : i32 to vector<16xi32>
        %add3A_756 = arith.addi %iota3A, %add3A_755 : vector<16xi32>
        %add3A_757 = arith.constant 0 : i32
        %add3A_758 = arith.addi %and3A_747, %add3A_757 : i32
        %broadcast_in_dim3A_759 = vector.broadcast %add3A_758 : i32 to vector<16xi32>
        %gather3A_760 = tpu.vector_load_idx %arg14[%broadcast_in_dim3A_753, %add3A_756, %broadcast_in_dim3A_759] : memref<8x32x256xf32, #tpu.memory_space<vmem>>[vector<16xi32>, vector<16xi32>, vector<16xi32>], vector<16xf32>,
        %swap3A_761 = arith.constant 0 : i32
        %swap3A_762 = arith.index_cast %while3A_732 : i32 to index
        %swap3A_763 = arith.index_cast %swap3A_761 : i32 to index
        %swap3A_764 = arith.constant 0 : index
        %swap3A_765 = tpu.vector_load %arg16[%swap3A_762, %swap3A_763, %swap3A_764] {strides = array<i32>} : memref<128x1x128xf32, #tpu.memory_space<vmem>>, vector<16xf32>,
        tpu.vector_store %arg16[%swap3A_762, %swap3A_763, %swap3A_764], %gather3A_752 {strides = array<i32>} : memref<128x1x128xf32, #tpu.memory_space<vmem>>, vector<16xf32>,
        %swap3A_766 = arith.constant 0 : i32
        %swap3A_767 = arith.index_cast %while3A_732 : i32 to index
        %swap3A_768 = arith.index_cast %swap3A_766 : i32 to index
        %swap3A_769 = arith.constant 16 : index
        %swap3A_770 = tpu.vector_load %arg16[%swap3A_767, %swap3A_768, %swap3A_769] {strides = array<i32>} : memref<128x1x128xf32, #tpu.memory_space<vmem>>, vector<16xf32>,
        tpu.vector_store %arg16[%swap3A_767, %swap3A_768, %swap3A_769], %gather3A_760 {strides = array<i32>} : memref<128x1x128xf32, #tpu.memory_space<vmem>>, vector<16xf32>,
        %broadcast_in_dim3A_771 = vector.broadcast %while3A_732 : i32 to vector<16xi32>
        %broadcast_in_dim3A_772 = vector.broadcast %squeeze3A_745 : i32 to vector<16xi32>
        tpu.vector_store_idx %arg17[%broadcast_in_dim3A_771], %broadcast_in_dim3A_772 masked %eq3A_5 : memref<128xi32, #tpu.memory_space<vmem>>[vector<16xi32>], vector<16xi32>, vector<16xi1>
        %add3A_773 = arith.constant 1 : i32
        %add3A_774 = arith.addi %while3A_732, %add3A_773 : i32
        %eq3A_775 = arith.constant 128 : i32
        %eq3A_776 = arith.cmpi eq, %add3A_774, %eq3A_775 : i32
        %convert_element_type3A_777 = arith.extui %eq3A_776 : i1 to i32
        %cond3A_778 = arith.constant 0 : i32
        %cond3A_779 = arith.cmpi ne, %convert_element_type3A_777, %cond3A_778 : i32
        scf.if %cond3A_779 {
          %dma_start3A_784 = arith.constant 0 : i32
          %dma_start3A_785 = arith.constant 0 : i32
          %dma_start3A_786 = arith.constant 0 : i32
          %dma_start3A_787 = tpu.memref_slice %arg8[%dma_start3A_784, %dma_start3A_785, %dma_start3A_786] : memref<16385x1x128xf32, #tpu.memory_space<hbm>> -> memref<16385x1x128xf32, #tpu.memory_space<hbm>>
          tpu.enqueue_indirect_dma source(%arg16 : memref<128x1x128xf32, #tpu.memory_space<vmem>>) target(%dma_start3A_787 : memref<16385x1x128xf32, #tpu.memory_space<hbm>>) offsets(%arg17 : memref<128xi32, #tpu.memory_space<vmem>>) semaphore(%arg19 : memref<!tpu.dma_semaphore, #tpu.memory_space<semaphore_mem>>)
          %dma_wait3A_788 = arith.constant 0 : i32
          %dma_wait3A_789 = arith.constant 0 : i32
          %dma_wait3A_790 = arith.constant 0 : i32
          %dma_wait3A_791 = tpu.memref_slice %arg8[%dma_wait3A_788, %dma_wait3A_789, %dma_wait3A_790] : memref<16385x1x128xf32, #tpu.memory_space<hbm>> -> memref<16385x1x128xf32, #tpu.memory_space<hbm>>
          tpu.wait_indirect_dma semaphore(%arg19 : memref<!tpu.dma_semaphore, #tpu.memory_space<semaphore_mem>>) src(%arg16 : memref<128x1x128xf32, #tpu.memory_space<vmem>>) dst(%dma_wait3A_791 : memref<16385x1x128xf32, #tpu.memory_space<hbm>>)
          %broadcast_in_dim3A_792 = arith.constant 16384 : i32
          %broadcast_in_dim3A_793 = vector.broadcast %broadcast_in_dim3A_792 : i32 to vector<16xi32>
          %swap3A_794 = arith.constant 0 : index
          %swap3A_795 = tpu.vector_load %arg17[%swap3A_794] {strides = array<i32>} : memref<128xi32, #tpu.memory_space<vmem>>, vector<16xi32>,
          tpu.vector_store %arg17[%swap3A_794], %broadcast_in_dim3A_793 {strides = array<i32>} : memref<128xi32, #tpu.memory_space<vmem>>, vector<16xi32>,
          %broadcast_in_dim3A_796 = arith.constant 16384 : i32
          %broadcast_in_dim3A_797 = vector.broadcast %broadcast_in_dim3A_796 : i32 to vector<16xi32>
          %swap3A_798 = arith.constant 16 : index
          %swap3A_799 = tpu.vector_load %arg17[%swap3A_798] {strides = array<i32>} : memref<128xi32, #tpu.memory_space<vmem>>, vector<16xi32>,
          tpu.vector_store %arg17[%swap3A_798], %broadcast_in_dim3A_797 {strides = array<i32>} : memref<128xi32, #tpu.memory_space<vmem>>, vector<16xi32>,
          %broadcast_in_dim3A_800 = arith.constant 16384 : i32
          %broadcast_in_dim3A_801 = vector.broadcast %broadcast_in_dim3A_800 : i32 to vector<16xi32>
          %swap3A_802 = arith.constant 32 : index
          %swap3A_803 = tpu.vector_load %arg17[%swap3A_802] {strides = array<i32>} : memref<128xi32, #tpu.memory_space<vmem>>, vector<16xi32>,
          tpu.vector_store %arg17[%swap3A_802], %broadcast_in_dim3A_801 {strides = array<i32>} : memref<128xi32, #tpu.memory_space<vmem>>, vector<16xi32>,
          %broadcast_in_dim3A_804 = arith.constant 16384 : i32
          %broadcast_in_dim3A_805 = vector.broadcast %broadcast_in_dim3A_804 : i32 to vector<16xi32>
          %swap3A_806 = arith.constant 48 : index
          %swap3A_807 = tpu.vector_load %arg17[%swap3A_806] {strides = array<i32>} : memref<128xi32, #tpu.memory_space<vmem>>, vector<16xi32>,
          tpu.vector_store %arg17[%swap3A_806], %broadcast_in_dim3A_805 {strides = array<i32>} : memref<128xi32, #tpu.memory_space<vmem>>, vector<16xi32>,
          %broadcast_in_dim3A_808 = arith.constant 16384 : i32
          %broadcast_in_dim3A_809 = vector.broadcast %broadcast_in_dim3A_808 : i32 to vector<16xi32>
          %swap3A_810 = arith.constant 64 : index
          %swap3A_811 = tpu.vector_load %arg17[%swap3A_810] {strides = array<i32>} : memref<128xi32, #tpu.memory_space<vmem>>, vector<16xi32>,
          tpu.vector_store %arg17[%swap3A_810], %broadcast_in_dim3A_809 {strides = array<i32>} : memref<128xi32, #tpu.memory_space<vmem>>, vector<16xi32>,
          %broadcast_in_dim3A_812 = arith.constant 16384 : i32
          %broadcast_in_dim3A_813 = vector.broadcast %broadcast_in_dim3A_812 : i32 to vector<16xi32>
          %swap3A_814 = arith.constant 80 : index
          %swap3A_815 = tpu.vector_load %arg17[%swap3A_814] {strides = array<i32>} : memref<128xi32, #tpu.memory_space<vmem>>, vector<16xi32>,
          tpu.vector_store %arg17[%swap3A_814], %broadcast_in_dim3A_813 {strides = array<i32>} : memref<128xi32, #tpu.memory_space<vmem>>, vector<16xi32>,
          %broadcast_in_dim3A_816 = arith.constant 16384 : i32
          %broadcast_in_dim3A_817 = vector.broadcast %broadcast_in_dim3A_816 : i32 to vector<16xi32>
          %swap3A_818 = arith.constant 96 : index
          %swap3A_819 = tpu.vector_load %arg17[%swap3A_818] {strides = array<i32>} : memref<128xi32, #tpu.memory_space<vmem>>, vector<16xi32>,
          tpu.vector_store %arg17[%swap3A_818], %broadcast_in_dim3A_817 {strides = array<i32>} : memref<128xi32, #tpu.memory_space<vmem>>, vector<16xi32>,
          %broadcast_in_dim3A_820 = arith.constant 16384 : i32
          %broadcast_in_dim3A_821 = vector.broadcast %broadcast_in_dim3A_820 : i32 to vector<16xi32>
          %swap3A_822 = arith.constant 112 : index
          %swap3A_823 = tpu.vector_load %arg17[%swap3A_822] {strides = array<i32>} : memref<128xi32, #tpu.memory_space<vmem>>, vector<16xi32>,
          tpu.vector_store %arg17[%swap3A_822], %broadcast_in_dim3A_821 {strides = array<i32>} : memref<128xi32, #tpu.memory_space<vmem>>, vector<16xi32>,
        } else {
        }
        %eq3A_780 = arith.constant 128 : i32
        %eq3A_781 = arith.cmpi eq, %add3A_774, %eq3A_780 : i32
        %jit3A_782 = arith.constant 0 : i32
        %select_n3A_783 = arith.select %eq3A_781, %jit3A_782, %add3A_774 : i32
        scf.yield %select_n3A_783 : i32
      }
      %mul3A_712 = arith.constant 2 : i32
      %mul3A_713 = arith.muli %mul3A_712, %while3A_635 : i32
      %add3A_714 = arith.constant 1 : i32
      %add3A_715 = arith.addi %mul3A_713, %add3A_714 : i32
      %get3A_716 = arith.index_cast %add3A_715 : i32 to index
      %get3A_717 = tpu.vector_load %arg13[%get3A_716] {strides = array<i32>} : memref<277xi32, #tpu.memory_space<vmem>>, vector<16xi32>,
      %slice3A_718 = vector.extract_strided_slice %get3A_717 {offsets = [0], sizes = [1], strides = [1]} : vector<16xi32> to vector<1xi32>
      %squeeze3A_719 = vector.extract %slice3A_718[0] : i32 from vector<1xi32>
      %while3A_720 = arith.constant 0 : i32
      %while3A_721 = arith.subi %squeeze3A_719, %while3A_720 : i32
      %while3A_722 = arith.addi %while3A_720, %while3A_721 : i32
      %while3A_723 = arith.constant 1 : i32
      %while3A_724 = arith.divsi %while3A_721, %while3A_723 : i32
      %while3A_725 = arith.muli %while3A_724, %while3A_723 : i32
      %while3A_726 = arith.addi %while3A_720, %while3A_725 : i32
      %while3A_727 = arith.constant 1 : i32
      %while3A_728 = scf.for %while3A_731 = %while3A_720 to %while3A_726 step %while3A_727 iter_args(%while3A_732 = %while3A_711) -> (i32)  : i32 {
        %mul3A_733 = arith.constant 16 : i32
        %mul3A_734 = arith.muli %add3A_715, %mul3A_733 : i32
        %add3A_735 = arith.addi %mul3A_734, %while3A_731 : i32
        %broadcast_in_dim3A_736 = vector.broadcast %add3A_735 : i32 to vector<16xi32>
        %gather3A = tpu.vector_load_idx %arg11[%broadcast_in_dim3A_736] : memref<3936xi32, #tpu.memory_space<vmem>>[vector<16xi32>], vector<16xi32>,
        %slice3A_737 = vector.extract_strided_slice %gather3A {offsets = [0], sizes = [1], strides = [1]} : vector<16xi32> to vector<1xi32>
        %squeeze3A_738 = vector.extract %slice3A_737[0] : i32 from vector<1xi32>
        %mul3A_739 = arith.constant 16 : i32
        %mul3A_740 = arith.muli %add3A_715, %mul3A_739 : i32
        %add3A_741 = arith.addi %mul3A_740, %while3A_731 : i32
        %broadcast_in_dim3A_742 = vector.broadcast %add3A_741 : i32 to vector<16xi32>
        %gather3A_743 = tpu.vector_load_idx %arg12[%broadcast_in_dim3A_742] : memref<3936xi32, #tpu.memory_space<vmem>>[vector<16xi32>], vector<16xi32>,
        %slice3A_744 = vector.extract_strided_slice %gather3A_743 {offsets = [0], sizes = [1], strides = [1]} : vector<16xi32> to vector<1xi32>
        %squeeze3A_745 = vector.extract %slice3A_744[0] : i32 from vector<1xi32>
        %and3A_746 = arith.constant 127 : i32
        %and3A_747 = arith.andi %squeeze3A_738, %and3A_746 : i32
        %broadcast_in_dim3A_748 = vector.broadcast %select_n3A_651 : i32 to vector<16xi32>
        %add3A_749 = arith.constant 128 : i32
        %add3A_750 = arith.addi %and3A_747, %add3A_749 : i32
        %broadcast_in_dim3A_751 = vector.broadcast %add3A_750 : i32 to vector<16xi32>
        %gather3A_752 = tpu.vector_load_idx %arg14[%broadcast_in_dim3A_748, %iota3A, %broadcast_in_dim3A_751] : memref<8x32x256xf32, #tpu.memory_space<vmem>>[vector<16xi32>, vector<16xi32>, vector<16xi32>], vector<16xf32>,
        %broadcast_in_dim3A_753 = vector.broadcast %select_n3A_651 : i32 to vector<16xi32>
        %add3A_754 = arith.constant 16 : i32
        %add3A_755 = vector.broadcast %add3A_754 : i32 to vector<16xi32>
        %add3A_756 = arith.addi %iota3A, %add3A_755 : vector<16xi32>
        %add3A_757 = arith.constant 128 : i32
        %add3A_758 = arith.addi %and3A_747, %add3A_757 : i32
        %broadcast_in_dim3A_759 = vector.broadcast %add3A_758 : i32 to vector<16xi32>
        %gather3A_760 = tpu.vector_load_idx %arg14[%broadcast_in_dim3A_753, %add3A_756, %broadcast_in_dim3A_759] : memref<8x32x256xf32, #tpu.memory_space<vmem>>[vector<16xi32>, vector<16xi32>, vector<16xi32>], vector<16xf32>,
        %swap3A_761 = arith.constant 0 : i32
        %swap3A_762 = arith.index_cast %while3A_732 : i32 to index
        %swap3A_763 = arith.index_cast %swap3A_761 : i32 to index
        %swap3A_764 = arith.constant 0 : index
        %swap3A_765 = tpu.vector_load %arg16[%swap3A_762, %swap3A_763, %swap3A_764] {strides = array<i32>} : memref<128x1x128xf32, #tpu.memory_space<vmem>>, vector<16xf32>,
        tpu.vector_store %arg16[%swap3A_762, %swap3A_763, %swap3A_764], %gather3A_752 {strides = array<i32>} : memref<128x1x128xf32, #tpu.memory_space<vmem>>, vector<16xf32>,
        %swap3A_766 = arith.constant 0 : i32
        %swap3A_767 = arith.index_cast %while3A_732 : i32 to index
        %swap3A_768 = arith.index_cast %swap3A_766 : i32 to index
        %swap3A_769 = arith.constant 16 : index
        %swap3A_770 = tpu.vector_load %arg16[%swap3A_767, %swap3A_768, %swap3A_769] {strides = array<i32>} : memref<128x1x128xf32, #tpu.memory_space<vmem>>, vector<16xf32>,
        tpu.vector_store %arg16[%swap3A_767, %swap3A_768, %swap3A_769], %gather3A_760 {strides = array<i32>} : memref<128x1x128xf32, #tpu.memory_space<vmem>>, vector<16xf32>,
        %broadcast_in_dim3A_771 = vector.broadcast %while3A_732 : i32 to vector<16xi32>
        %broadcast_in_dim3A_772 = vector.broadcast %squeeze3A_745 : i32 to vector<16xi32>
        tpu.vector_store_idx %arg17[%broadcast_in_dim3A_771], %broadcast_in_dim3A_772 masked %eq3A_5 : memref<128xi32, #tpu.memory_space<vmem>>[vector<16xi32>], vector<16xi32>, vector<16xi1>
        %add3A_773 = arith.constant 1 : i32
        %add3A_774 = arith.addi %while3A_732, %add3A_773 : i32
        %eq3A_775 = arith.constant 128 : i32
        %eq3A_776 = arith.cmpi eq, %add3A_774, %eq3A_775 : i32
        %convert_element_type3A_777 = arith.extui %eq3A_776 : i1 to i32
        %cond3A_778 = arith.constant 0 : i32
        %cond3A_779 = arith.cmpi ne, %convert_element_type3A_777, %cond3A_778 : i32
        scf.if %cond3A_779 {
          %dma_start3A_784 = arith.constant 0 : i32
          %dma_start3A_785 = arith.constant 0 : i32
          %dma_start3A_786 = arith.constant 0 : i32
          %dma_start3A_787 = tpu.memref_slice %arg8[%dma_start3A_784, %dma_start3A_785, %dma_start3A_786] : memref<16385x1x128xf32, #tpu.memory_space<hbm>> -> memref<16385x1x128xf32, #tpu.memory_space<hbm>>
          tpu.enqueue_indirect_dma source(%arg16 : memref<128x1x128xf32, #tpu.memory_space<vmem>>) target(%dma_start3A_787 : memref<16385x1x128xf32, #tpu.memory_space<hbm>>) offsets(%arg17 : memref<128xi32, #tpu.memory_space<vmem>>) semaphore(%arg19 : memref<!tpu.dma_semaphore, #tpu.memory_space<semaphore_mem>>)
          %dma_wait3A_788 = arith.constant 0 : i32
          %dma_wait3A_789 = arith.constant 0 : i32
          %dma_wait3A_790 = arith.constant 0 : i32
          %dma_wait3A_791 = tpu.memref_slice %arg8[%dma_wait3A_788, %dma_wait3A_789, %dma_wait3A_790] : memref<16385x1x128xf32, #tpu.memory_space<hbm>> -> memref<16385x1x128xf32, #tpu.memory_space<hbm>>
          tpu.wait_indirect_dma semaphore(%arg19 : memref<!tpu.dma_semaphore, #tpu.memory_space<semaphore_mem>>) src(%arg16 : memref<128x1x128xf32, #tpu.memory_space<vmem>>) dst(%dma_wait3A_791 : memref<16385x1x128xf32, #tpu.memory_space<hbm>>)
          %broadcast_in_dim3A_792 = arith.constant 16384 : i32
          %broadcast_in_dim3A_793 = vector.broadcast %broadcast_in_dim3A_792 : i32 to vector<16xi32>
          %swap3A_794 = arith.constant 0 : index
          %swap3A_795 = tpu.vector_load %arg17[%swap3A_794] {strides = array<i32>} : memref<128xi32, #tpu.memory_space<vmem>>, vector<16xi32>,
          tpu.vector_store %arg17[%swap3A_794], %broadcast_in_dim3A_793 {strides = array<i32>} : memref<128xi32, #tpu.memory_space<vmem>>, vector<16xi32>,
          %broadcast_in_dim3A_796 = arith.constant 16384 : i32
          %broadcast_in_dim3A_797 = vector.broadcast %broadcast_in_dim3A_796 : i32 to vector<16xi32>
          %swap3A_798 = arith.constant 16 : index
          %swap3A_799 = tpu.vector_load %arg17[%swap3A_798] {strides = array<i32>} : memref<128xi32, #tpu.memory_space<vmem>>, vector<16xi32>,
          tpu.vector_store %arg17[%swap3A_798], %broadcast_in_dim3A_797 {strides = array<i32>} : memref<128xi32, #tpu.memory_space<vmem>>, vector<16xi32>,
          %broadcast_in_dim3A_800 = arith.constant 16384 : i32
          %broadcast_in_dim3A_801 = vector.broadcast %broadcast_in_dim3A_800 : i32 to vector<16xi32>
          %swap3A_802 = arith.constant 32 : index
          %swap3A_803 = tpu.vector_load %arg17[%swap3A_802] {strides = array<i32>} : memref<128xi32, #tpu.memory_space<vmem>>, vector<16xi32>,
          tpu.vector_store %arg17[%swap3A_802], %broadcast_in_dim3A_801 {strides = array<i32>} : memref<128xi32, #tpu.memory_space<vmem>>, vector<16xi32>,
          %broadcast_in_dim3A_804 = arith.constant 16384 : i32
          %broadcast_in_dim3A_805 = vector.broadcast %broadcast_in_dim3A_804 : i32 to vector<16xi32>
          %swap3A_806 = arith.constant 48 : index
          %swap3A_807 = tpu.vector_load %arg17[%swap3A_806] {strides = array<i32>} : memref<128xi32, #tpu.memory_space<vmem>>, vector<16xi32>,
          tpu.vector_store %arg17[%swap3A_806], %broadcast_in_dim3A_805 {strides = array<i32>} : memref<128xi32, #tpu.memory_space<vmem>>, vector<16xi32>,
          %broadcast_in_dim3A_808 = arith.constant 16384 : i32
          %broadcast_in_dim3A_809 = vector.broadcast %broadcast_in_dim3A_808 : i32 to vector<16xi32>
          %swap3A_810 = arith.constant 64 : index
          %swap3A_811 = tpu.vector_load %arg17[%swap3A_810] {strides = array<i32>} : memref<128xi32, #tpu.memory_space<vmem>>, vector<16xi32>,
          tpu.vector_store %arg17[%swap3A_810], %broadcast_in_dim3A_809 {strides = array<i32>} : memref<128xi32, #tpu.memory_space<vmem>>, vector<16xi32>,
          %broadcast_in_dim3A_812 = arith.constant 16384 : i32
          %broadcast_in_dim3A_813 = vector.broadcast %broadcast_in_dim3A_812 : i32 to vector<16xi32>
          %swap3A_814 = arith.constant 80 : index
          %swap3A_815 = tpu.vector_load %arg17[%swap3A_814] {strides = array<i32>} : memref<128xi32, #tpu.memory_space<vmem>>, vector<16xi32>,
          tpu.vector_store %arg17[%swap3A_814], %broadcast_in_dim3A_813 {strides = array<i32>} : memref<128xi32, #tpu.memory_space<vmem>>, vector<16xi32>,
          %broadcast_in_dim3A_816 = arith.constant 16384 : i32
          %broadcast_in_dim3A_817 = vector.broadcast %broadcast_in_dim3A_816 : i32 to vector<16xi32>
          %swap3A_818 = arith.constant 96 : index
          %swap3A_819 = tpu.vector_load %arg17[%swap3A_818] {strides = array<i32>} : memref<128xi32, #tpu.memory_space<vmem>>, vector<16xi32>,
          tpu.vector_store %arg17[%swap3A_818], %broadcast_in_dim3A_817 {strides = array<i32>} : memref<128xi32, #tpu.memory_space<vmem>>, vector<16xi32>,
          %broadcast_in_dim3A_820 = arith.constant 16384 : i32
          %broadcast_in_dim3A_821 = vector.broadcast %broadcast_in_dim3A_820 : i32 to vector<16xi32>
          %swap3A_822 = arith.constant 112 : index
          %swap3A_823 = tpu.vector_load %arg17[%swap3A_822] {strides = array<i32>} : memref<128xi32, #tpu.memory_space<vmem>>, vector<16xi32>,
          tpu.vector_store %arg17[%swap3A_822], %broadcast_in_dim3A_821 {strides = array<i32>} : memref<128xi32, #tpu.memory_space<vmem>>, vector<16xi32>,
        } else {
        }
        %eq3A_780 = arith.constant 128 : i32
        %eq3A_781 = arith.cmpi eq, %add3A_774, %eq3A_780 : i32
        %jit3A_782 = arith.constant 0 : i32
        %select_n3A_783 = arith.select %eq3A_781, %jit3A_782, %add3A_774 : i32
        scf.yield %select_n3A_783 : i32
      }
      %while3A_729 = arith.constant 1 : i32
      %while3A_730 = scf.for %while3A_731 = %while3A_726 to %while3A_722 step %while3A_729 iter_args(%while3A_732 = %while3A_728) -> (i32)  : i32 {
        %mul3A_733 = arith.constant 16 : i32
        %mul3A_734 = arith.muli %add3A_715, %mul3A_733 : i32
        %add3A_735 = arith.addi %mul3A_734, %while3A_731 : i32
        %broadcast_in_dim3A_736 = vector.broadcast %add3A_735 : i32 to vector<16xi32>
        %gather3A = tpu.vector_load_idx %arg11[%broadcast_in_dim3A_736] : memref<3936xi32, #tpu.memory_space<vmem>>[vector<16xi32>], vector<16xi32>,
        %slice3A_737 = vector.extract_strided_slice %gather3A {offsets = [0], sizes = [1], strides = [1]} : vector<16xi32> to vector<1xi32>
        %squeeze3A_738 = vector.extract %slice3A_737[0] : i32 from vector<1xi32>
        %mul3A_739 = arith.constant 16 : i32
        %mul3A_740 = arith.muli %add3A_715, %mul3A_739 : i32
        %add3A_741 = arith.addi %mul3A_740, %while3A_731 : i32
        %broadcast_in_dim3A_742 = vector.broadcast %add3A_741 : i32 to vector<16xi32>
        %gather3A_743 = tpu.vector_load_idx %arg12[%broadcast_in_dim3A_742] : memref<3936xi32, #tpu.memory_space<vmem>>[vector<16xi32>], vector<16xi32>,
        %slice3A_744 = vector.extract_strided_slice %gather3A_743 {offsets = [0], sizes = [1], strides = [1]} : vector<16xi32> to vector<1xi32>
        %squeeze3A_745 = vector.extract %slice3A_744[0] : i32 from vector<1xi32>
        %and3A_746 = arith.constant 127 : i32
        %and3A_747 = arith.andi %squeeze3A_738, %and3A_746 : i32
        %broadcast_in_dim3A_748 = vector.broadcast %select_n3A_651 : i32 to vector<16xi32>
        %add3A_749 = arith.constant 128 : i32
        %add3A_750 = arith.addi %and3A_747, %add3A_749 : i32
        %broadcast_in_dim3A_751 = vector.broadcast %add3A_750 : i32 to vector<16xi32>
        %gather3A_752 = tpu.vector_load_idx %arg14[%broadcast_in_dim3A_748, %iota3A, %broadcast_in_dim3A_751] : memref<8x32x256xf32, #tpu.memory_space<vmem>>[vector<16xi32>, vector<16xi32>, vector<16xi32>], vector<16xf32>,
        %broadcast_in_dim3A_753 = vector.broadcast %select_n3A_651 : i32 to vector<16xi32>
        %add3A_754 = arith.constant 16 : i32
        %add3A_755 = vector.broadcast %add3A_754 : i32 to vector<16xi32>
        %add3A_756 = arith.addi %iota3A, %add3A_755 : vector<16xi32>
        %add3A_757 = arith.constant 128 : i32
        %add3A_758 = arith.addi %and3A_747, %add3A_757 : i32
        %broadcast_in_dim3A_759 = vector.broadcast %add3A_758 : i32 to vector<16xi32>
        %gather3A_760 = tpu.vector_load_idx %arg14[%broadcast_in_dim3A_753, %add3A_756, %broadcast_in_dim3A_759] : memref<8x32x256xf32, #tpu.memory_space<vmem>>[vector<16xi32>, vector<16xi32>, vector<16xi32>], vector<16xf32>,
        %swap3A_761 = arith.constant 0 : i32
        %swap3A_762 = arith.index_cast %while3A_732 : i32 to index
        %swap3A_763 = arith.index_cast %swap3A_761 : i32 to index
        %swap3A_764 = arith.constant 0 : index
        %swap3A_765 = tpu.vector_load %arg16[%swap3A_762, %swap3A_763, %swap3A_764] {strides = array<i32>} : memref<128x1x128xf32, #tpu.memory_space<vmem>>, vector<16xf32>,
        tpu.vector_store %arg16[%swap3A_762, %swap3A_763, %swap3A_764], %gather3A_752 {strides = array<i32>} : memref<128x1x128xf32, #tpu.memory_space<vmem>>, vector<16xf32>,
        %swap3A_766 = arith.constant 0 : i32
        %swap3A_767 = arith.index_cast %while3A_732 : i32 to index
        %swap3A_768 = arith.index_cast %swap3A_766 : i32 to index
        %swap3A_769 = arith.constant 16 : index
        %swap3A_770 = tpu.vector_load %arg16[%swap3A_767, %swap3A_768, %swap3A_769] {strides = array<i32>} : memref<128x1x128xf32, #tpu.memory_space<vmem>>, vector<16xf32>,
        tpu.vector_store %arg16[%swap3A_767, %swap3A_768, %swap3A_769], %gather3A_760 {strides = array<i32>} : memref<128x1x128xf32, #tpu.memory_space<vmem>>, vector<16xf32>,
        %broadcast_in_dim3A_771 = vector.broadcast %while3A_732 : i32 to vector<16xi32>
        %broadcast_in_dim3A_772 = vector.broadcast %squeeze3A_745 : i32 to vector<16xi32>
        tpu.vector_store_idx %arg17[%broadcast_in_dim3A_771], %broadcast_in_dim3A_772 masked %eq3A_5 : memref<128xi32, #tpu.memory_space<vmem>>[vector<16xi32>], vector<16xi32>, vector<16xi1>
        %add3A_773 = arith.constant 1 : i32
        %add3A_774 = arith.addi %while3A_732, %add3A_773 : i32
        %eq3A_775 = arith.constant 128 : i32
        %eq3A_776 = arith.cmpi eq, %add3A_774, %eq3A_775 : i32
        %convert_element_type3A_777 = arith.extui %eq3A_776 : i1 to i32
        %cond3A_778 = arith.constant 0 : i32
        %cond3A_779 = arith.cmpi ne, %convert_element_type3A_777, %cond3A_778 : i32
        scf.if %cond3A_779 {
          %dma_start3A_784 = arith.constant 0 : i32
          %dma_start3A_785 = arith.constant 0 : i32
          %dma_start3A_786 = arith.constant 0 : i32
          %dma_start3A_787 = tpu.memref_slice %arg8[%dma_start3A_784, %dma_start3A_785, %dma_start3A_786] : memref<16385x1x128xf32, #tpu.memory_space<hbm>> -> memref<16385x1x128xf32, #tpu.memory_space<hbm>>
          tpu.enqueue_indirect_dma source(%arg16 : memref<128x1x128xf32, #tpu.memory_space<vmem>>) target(%dma_start3A_787 : memref<16385x1x128xf32, #tpu.memory_space<hbm>>) offsets(%arg17 : memref<128xi32, #tpu.memory_space<vmem>>) semaphore(%arg19 : memref<!tpu.dma_semaphore, #tpu.memory_space<semaphore_mem>>)
          %dma_wait3A_788 = arith.constant 0 : i32
          %dma_wait3A_789 = arith.constant 0 : i32
          %dma_wait3A_790 = arith.constant 0 : i32
          %dma_wait3A_791 = tpu.memref_slice %arg8[%dma_wait3A_788, %dma_wait3A_789, %dma_wait3A_790] : memref<16385x1x128xf32, #tpu.memory_space<hbm>> -> memref<16385x1x128xf32, #tpu.memory_space<hbm>>
          tpu.wait_indirect_dma semaphore(%arg19 : memref<!tpu.dma_semaphore, #tpu.memory_space<semaphore_mem>>) src(%arg16 : memref<128x1x128xf32, #tpu.memory_space<vmem>>) dst(%dma_wait3A_791 : memref<16385x1x128xf32, #tpu.memory_space<hbm>>)
          %broadcast_in_dim3A_792 = arith.constant 16384 : i32
          %broadcast_in_dim3A_793 = vector.broadcast %broadcast_in_dim3A_792 : i32 to vector<16xi32>
          %swap3A_794 = arith.constant 0 : index
          %swap3A_795 = tpu.vector_load %arg17[%swap3A_794] {strides = array<i32>} : memref<128xi32, #tpu.memory_space<vmem>>, vector<16xi32>,
          tpu.vector_store %arg17[%swap3A_794], %broadcast_in_dim3A_793 {strides = array<i32>} : memref<128xi32, #tpu.memory_space<vmem>>, vector<16xi32>,
          %broadcast_in_dim3A_796 = arith.constant 16384 : i32
          %broadcast_in_dim3A_797 = vector.broadcast %broadcast_in_dim3A_796 : i32 to vector<16xi32>
          %swap3A_798 = arith.constant 16 : index
          %swap3A_799 = tpu.vector_load %arg17[%swap3A_798] {strides = array<i32>} : memref<128xi32, #tpu.memory_space<vmem>>, vector<16xi32>,
          tpu.vector_store %arg17[%swap3A_798], %broadcast_in_dim3A_797 {strides = array<i32>} : memref<128xi32, #tpu.memory_space<vmem>>, vector<16xi32>,
          %broadcast_in_dim3A_800 = arith.constant 16384 : i32
          %broadcast_in_dim3A_801 = vector.broadcast %broadcast_in_dim3A_800 : i32 to vector<16xi32>
          %swap3A_802 = arith.constant 32 : index
          %swap3A_803 = tpu.vector_load %arg17[%swap3A_802] {strides = array<i32>} : memref<128xi32, #tpu.memory_space<vmem>>, vector<16xi32>,
          tpu.vector_store %arg17[%swap3A_802], %broadcast_in_dim3A_801 {strides = array<i32>} : memref<128xi32, #tpu.memory_space<vmem>>, vector<16xi32>,
          %broadcast_in_dim3A_804 = arith.constant 16384 : i32
          %broadcast_in_dim3A_805 = vector.broadcast %broadcast_in_dim3A_804 : i32 to vector<16xi32>
          %swap3A_806 = arith.constant 48 : index
          %swap3A_807 = tpu.vector_load %arg17[%swap3A_806] {strides = array<i32>} : memref<128xi32, #tpu.memory_space<vmem>>, vector<16xi32>,
          tpu.vector_store %arg17[%swap3A_806], %broadcast_in_dim3A_805 {strides = array<i32>} : memref<128xi32, #tpu.memory_space<vmem>>, vector<16xi32>,
          %broadcast_in_dim3A_808 = arith.constant 16384 : i32
          %broadcast_in_dim3A_809 = vector.broadcast %broadcast_in_dim3A_808 : i32 to vector<16xi32>
          %swap3A_810 = arith.constant 64 : index
          %swap3A_811 = tpu.vector_load %arg17[%swap3A_810] {strides = array<i32>} : memref<128xi32, #tpu.memory_space<vmem>>, vector<16xi32>,
          tpu.vector_store %arg17[%swap3A_810], %broadcast_in_dim3A_809 {strides = array<i32>} : memref<128xi32, #tpu.memory_space<vmem>>, vector<16xi32>,
          %broadcast_in_dim3A_812 = arith.constant 16384 : i32
          %broadcast_in_dim3A_813 = vector.broadcast %broadcast_in_dim3A_812 : i32 to vector<16xi32>
          %swap3A_814 = arith.constant 80 : index
          %swap3A_815 = tpu.vector_load %arg17[%swap3A_814] {strides = array<i32>} : memref<128xi32, #tpu.memory_space<vmem>>, vector<16xi32>,
          tpu.vector_store %arg17[%swap3A_814], %broadcast_in_dim3A_813 {strides = array<i32>} : memref<128xi32, #tpu.memory_space<vmem>>, vector<16xi32>,
          %broadcast_in_dim3A_816 = arith.constant 16384 : i32
          %broadcast_in_dim3A_817 = vector.broadcast %broadcast_in_dim3A_816 : i32 to vector<16xi32>
          %swap3A_818 = arith.constant 96 : index
          %swap3A_819 = tpu.vector_load %arg17[%swap3A_818] {strides = array<i32>} : memref<128xi32, #tpu.memory_space<vmem>>, vector<16xi32>,
          tpu.vector_store %arg17[%swap3A_818], %broadcast_in_dim3A_817 {strides = array<i32>} : memref<128xi32, #tpu.memory_space<vmem>>, vector<16xi32>,
          %broadcast_in_dim3A_820 = arith.constant 16384 : i32
          %broadcast_in_dim3A_821 = vector.broadcast %broadcast_in_dim3A_820 : i32 to vector<16xi32>
          %swap3A_822 = arith.constant 112 : index
          %swap3A_823 = tpu.vector_load %arg17[%swap3A_822] {strides = array<i32>} : memref<128xi32, #tpu.memory_space<vmem>>, vector<16xi32>,
          tpu.vector_store %arg17[%swap3A_822], %broadcast_in_dim3A_821 {strides = array<i32>} : memref<128xi32, #tpu.memory_space<vmem>>, vector<16xi32>,
        } else {
        }
        %eq3A_780 = arith.constant 128 : i32
        %eq3A_781 = arith.cmpi eq, %add3A_774, %eq3A_780 : i32
        %jit3A_782 = arith.constant 0 : i32
        %select_n3A_783 = arith.select %eq3A_781, %jit3A_782, %add3A_774 : i32
        scf.yield %select_n3A_783 : i32
      }
      scf.yield %while3A_730 : i32
    }
    %sub3A_286 = arith.constant 1 : i32
    %sub3A_287 = arith.subi %select_n3A_13, %sub3A_286 : i32
    %add3A_288 = arith.addi %mul3A_2, %sub3A_287 : i32
    %mul3A_289 = arith.constant 128 : i32
    %mul3A_290 = arith.muli %add3A_288, %mul3A_289 : i32
    %run_scoped3A = arith.constant 0 : i32
    "tpu.region"() ({
      %run_scoped3A_635 = tpu.sem_alloc : memref<!tpu.dma_semaphore, #tpu.memory_space<semaphore_mem>>
      %dma_start3A_636 = arith.constant 0 : i32
      %dma_start3A_637 = arith.constant 0 : i32
      %dma_start3A_638 = tpu.memref_slice %arg14[%run_scoped3A, %dma_start3A_636, %dma_start3A_637] : memref<8x32x256xf32, #tpu.memory_space<vmem>> -> memref<1x32x128xf32, #tpu.memory_space<vmem>>
      %dma_start3A_639 = tpu.memref_squeeze %dma_start3A_638 : memref<1x32x128xf32, #tpu.memory_space<vmem>> -> memref<32x128xf32, #tpu.memory_space<vmem>>
      %dma_start3A_640 = arith.constant 0 : i32
      %dma_start3A_641 = tpu.memref_slice %arg4[%dma_start3A_640, %mul3A_290] : memref<32x1000000xf32, #tpu.memory_space<hbm>> -> memref<32x128xf32, #tpu.memory_space<hbm>>
      %dma_start3A_642 = arith.constant 0 : i32
      %dma_start3A_643 = arith.constant 0 : i32
      %dma_start3A_644 = tpu.memref_slice %arg14[%run_scoped3A, %dma_start3A_642, %dma_start3A_643] : memref<8x32x256xf32, #tpu.memory_space<vmem>> -> memref<1x32x128xf32, #tpu.memory_space<vmem>>
      %dma_start3A_645 = tpu.memref_squeeze %dma_start3A_644 : memref<1x32x128xf32, #tpu.memory_space<vmem>> -> memref<32x128xf32, #tpu.memory_space<vmem>>
      %dma_start3A_646 = arith.constant 0 : i32
      %dma_start3A_647 = tpu.memref_slice %arg4[%dma_start3A_646, %mul3A_290] : memref<32x1000000xf32, #tpu.memory_space<hbm>> -> memref<32x128xf32, #tpu.memory_space<hbm>>
      tpu.enqueue_dma source(%dma_start3A_647 : memref<32x128xf32, #tpu.memory_space<hbm>>) target(%dma_start3A_645 : memref<32x128xf32, #tpu.memory_space<vmem>>) target_semaphore(%run_scoped3A_635 : memref<!tpu.dma_semaphore, #tpu.memory_space<semaphore_mem>>)
      %dma_wait3A = arith.constant 0 : i32
      %dma_wait3A_648 = arith.constant 0 : i32
      %dma_wait3A_649 = tpu.memref_slice %arg14[%run_scoped3A, %dma_wait3A, %dma_wait3A_648] : memref<8x32x256xf32, #tpu.memory_space<vmem>> -> memref<1x32x128xf32, #tpu.memory_space<vmem>>
      %dma_wait3A_650 = tpu.memref_squeeze %dma_wait3A_649 : memref<1x32x128xf32, #tpu.memory_space<vmem>> -> memref<32x128xf32, #tpu.memory_space<vmem>>
      %dma_wait3A_651 = arith.constant 0 : i32
      %dma_wait3A_652 = tpu.memref_slice %arg4[%dma_wait3A_651, %mul3A_290] : memref<32x1000000xf32, #tpu.memory_space<hbm>> -> memref<32x128xf32, #tpu.memory_space<hbm>>
      %dma_wait3A_653 = arith.constant 0 : i32
      %dma_wait3A_654 = arith.constant 0 : i32
      %dma_wait3A_655 = tpu.memref_slice %arg14[%run_scoped3A, %dma_wait3A_653, %dma_wait3A_654] : memref<8x32x256xf32, #tpu.memory_space<vmem>> -> memref<1x32x128xf32, #tpu.memory_space<vmem>>
      %dma_wait3A_656 = tpu.memref_squeeze %dma_wait3A_655 : memref<1x32x128xf32, #tpu.memory_space<vmem>> -> memref<32x128xf32, #tpu.memory_space<vmem>>
      %dma_wait3A_657 = arith.constant 0 : i32
      %dma_wait3A_658 = tpu.memref_slice %arg4[%dma_wait3A_657, %mul3A_290] : memref<32x1000000xf32, #tpu.memory_space<hbm>> -> memref<32x128xf32, #tpu.memory_space<hbm>>
      tpu.wait_dma2 semaphore(%run_scoped3A_635 : memref<!tpu.dma_semaphore, #tpu.memory_space<semaphore_mem>>) src(%dma_wait3A_658 : memref<32x128xf32, #tpu.memory_space<hbm>>) dst(%dma_wait3A_656 : memref<32x128xf32, #tpu.memory_space<vmem>>)
      tpu.yield
    }) : () -> ()
    %get3A = arith.index_cast %sub3A_287 : i32 to index
    %get3A_291 = tpu.vector_load %arg13[%get3A] {strides = array<i32>} : memref<277xi32, #tpu.memory_space<vmem>>, vector<16xi32>,
    %slice3A = vector.extract_strided_slice %get3A_291 {offsets = [0], sizes = [1], strides = [1]} : vector<16xi32> to vector<1xi32>
    %squeeze3A = vector.extract %slice3A[0] : i32 from vector<1xi32>
    %while3A_292 = arith.constant 0 : i32
    %while3A_293 = arith.subi %squeeze3A, %while3A_292 : i32
    %while3A_294 = arith.addi %while3A_292, %while3A_293 : i32
    %while3A_295 = arith.constant 1 : i32
    %while3A_296 = arith.divsi %while3A_293, %while3A_295 : i32
    %while3A_297 = arith.muli %while3A_296, %while3A_295 : i32
    %while3A_298 = arith.addi %while3A_292, %while3A_297 : i32
    %while3A_299 = arith.constant 1 : i32
    %while3A_300 = scf.for %while3A_635 = %while3A_292 to %while3A_298 step %while3A_299 iter_args(%while3A_636 = %while3A_285) -> (i32)  : i32 {
      %mul3A_637 = arith.constant 16 : i32
      %mul3A_638 = arith.muli %sub3A_287, %mul3A_637 : i32
      %add3A_639 = arith.addi %mul3A_638, %while3A_635 : i32
      %broadcast_in_dim3A_640 = vector.broadcast %add3A_639 : i32 to vector<16xi32>
      %gather3A = tpu.vector_load_idx %arg11[%broadcast_in_dim3A_640] : memref<3936xi32, #tpu.memory_space<vmem>>[vector<16xi32>], vector<16xi32>,
      %slice3A_641 = vector.extract_strided_slice %gather3A {offsets = [0], sizes = [1], strides = [1]} : vector<16xi32> to vector<1xi32>
      %squeeze3A_642 = vector.extract %slice3A_641[0] : i32 from vector<1xi32>
      %mul3A_643 = arith.constant 16 : i32
      %mul3A_644 = arith.muli %sub3A_287, %mul3A_643 : i32
      %add3A_645 = arith.addi %mul3A_644, %while3A_635 : i32
      %broadcast_in_dim3A_646 = vector.broadcast %add3A_645 : i32 to vector<16xi32>
      %gather3A_647 = tpu.vector_load_idx %arg12[%broadcast_in_dim3A_646] : memref<3936xi32, #tpu.memory_space<vmem>>[vector<16xi32>], vector<16xi32>,
      %slice3A_648 = vector.extract_strided_slice %gather3A_647 {offsets = [0], sizes = [1], strides = [1]} : vector<16xi32> to vector<1xi32>
      %squeeze3A_649 = vector.extract %slice3A_648[0] : i32 from vector<1xi32>
      %and3A_650 = arith.constant 127 : i32
      %and3A_651 = arith.andi %squeeze3A_642, %and3A_650 : i32
      %broadcast_in_dim3A_652 = arith.constant 0 : i32
      %broadcast_in_dim3A_653 = vector.broadcast %broadcast_in_dim3A_652 : i32 to vector<16xi32>
      %add3A_654 = arith.constant 0 : i32
      %add3A_655 = arith.addi %and3A_651, %add3A_654 : i32
      %broadcast_in_dim3A_656 = vector.broadcast %add3A_655 : i32 to vector<16xi32>
      %gather3A_657 = tpu.vector_load_idx %arg14[%broadcast_in_dim3A_653, %iota3A, %broadcast_in_dim3A_656] : memref<8x32x256xf32, #tpu.memory_space<vmem>>[vector<16xi32>, vector<16xi32>, vector<16xi32>], vector<16xf32>,
      %broadcast_in_dim3A_658 = arith.constant 0 : i32
      %broadcast_in_dim3A_659 = vector.broadcast %broadcast_in_dim3A_658 : i32 to vector<16xi32>
      %add3A_660 = arith.constant 16 : i32
      %add3A_661 = vector.broadcast %add3A_660 : i32 to vector<16xi32>
      %add3A_662 = arith.addi %iota3A, %add3A_661 : vector<16xi32>
      %add3A_663 = arith.constant 0 : i32
      %add3A_664 = arith.addi %and3A_651, %add3A_663 : i32
      %broadcast_in_dim3A_665 = vector.broadcast %add3A_664 : i32 to vector<16xi32>
      %gather3A_666 = tpu.vector_load_idx %arg14[%broadcast_in_dim3A_659, %add3A_662, %broadcast_in_dim3A_665] : memref<8x32x256xf32, #tpu.memory_space<vmem>>[vector<16xi32>, vector<16xi32>, vector<16xi32>], vector<16xf32>,
      %swap3A_667 = arith.constant 0 : i32
      %swap3A_668 = arith.index_cast %while3A_636 : i32 to index
      %swap3A_669 = arith.index_cast %swap3A_667 : i32 to index
      %swap3A_670 = arith.constant 0 : index
      %swap3A_671 = tpu.vector_load %arg16[%swap3A_668, %swap3A_669, %swap3A_670] {strides = array<i32>} : memref<128x1x128xf32, #tpu.memory_space<vmem>>, vector<16xf32>,
      tpu.vector_store %arg16[%swap3A_668, %swap3A_669, %swap3A_670], %gather3A_657 {strides = array<i32>} : memref<128x1x128xf32, #tpu.memory_space<vmem>>, vector<16xf32>,
      %swap3A_672 = arith.constant 0 : i32
      %swap3A_673 = arith.index_cast %while3A_636 : i32 to index
      %swap3A_674 = arith.index_cast %swap3A_672 : i32 to index
      %swap3A_675 = arith.constant 16 : index
      %swap3A_676 = tpu.vector_load %arg16[%swap3A_673, %swap3A_674, %swap3A_675] {strides = array<i32>} : memref<128x1x128xf32, #tpu.memory_space<vmem>>, vector<16xf32>,
      tpu.vector_store %arg16[%swap3A_673, %swap3A_674, %swap3A_675], %gather3A_666 {strides = array<i32>} : memref<128x1x128xf32, #tpu.memory_space<vmem>>, vector<16xf32>,
      %broadcast_in_dim3A_677 = vector.broadcast %while3A_636 : i32 to vector<16xi32>
      %broadcast_in_dim3A_678 = vector.broadcast %squeeze3A_649 : i32 to vector<16xi32>
      tpu.vector_store_idx %arg17[%broadcast_in_dim3A_677], %broadcast_in_dim3A_678 masked %eq3A_5 : memref<128xi32, #tpu.memory_space<vmem>>[vector<16xi32>], vector<16xi32>, vector<16xi1>
      %add3A_679 = arith.constant 1 : i32
      %add3A_680 = arith.addi %while3A_636, %add3A_679 : i32
      %eq3A_681 = arith.constant 128 : i32
      %eq3A_682 = arith.cmpi eq, %add3A_680, %eq3A_681 : i32
      %convert_element_type3A_683 = arith.extui %eq3A_682 : i1 to i32
      %cond3A_684 = arith.constant 0 : i32
      %cond3A_685 = arith.cmpi ne, %convert_element_type3A_683, %cond3A_684 : i32
      scf.if %cond3A_685 {
        %dma_start3A_690 = arith.constant 0 : i32
        %dma_start3A_691 = arith.constant 0 : i32
        %dma_start3A_692 = arith.constant 0 : i32
        %dma_start3A_693 = tpu.memref_slice %arg8[%dma_start3A_690, %dma_start3A_691, %dma_start3A_692] : memref<16385x1x128xf32, #tpu.memory_space<hbm>> -> memref<16385x1x128xf32, #tpu.memory_space<hbm>>
        tpu.enqueue_indirect_dma source(%arg16 : memref<128x1x128xf32, #tpu.memory_space<vmem>>) target(%dma_start3A_693 : memref<16385x1x128xf32, #tpu.memory_space<hbm>>) offsets(%arg17 : memref<128xi32, #tpu.memory_space<vmem>>) semaphore(%arg19 : memref<!tpu.dma_semaphore, #tpu.memory_space<semaphore_mem>>)
        %dma_wait3A = arith.constant 0 : i32
        %dma_wait3A_694 = arith.constant 0 : i32
        %dma_wait3A_695 = arith.constant 0 : i32
        %dma_wait3A_696 = tpu.memref_slice %arg8[%dma_wait3A, %dma_wait3A_694, %dma_wait3A_695] : memref<16385x1x128xf32, #tpu.memory_space<hbm>> -> memref<16385x1x128xf32, #tpu.memory_space<hbm>>
        tpu.wait_indirect_dma semaphore(%arg19 : memref<!tpu.dma_semaphore, #tpu.memory_space<semaphore_mem>>) src(%arg16 : memref<128x1x128xf32, #tpu.memory_space<vmem>>) dst(%dma_wait3A_696 : memref<16385x1x128xf32, #tpu.memory_space<hbm>>)
        %broadcast_in_dim3A_697 = arith.constant 16384 : i32
        %broadcast_in_dim3A_698 = vector.broadcast %broadcast_in_dim3A_697 : i32 to vector<16xi32>
        %swap3A_699 = arith.constant 0 : index
        %swap3A_700 = tpu.vector_load %arg17[%swap3A_699] {strides = array<i32>} : memref<128xi32, #tpu.memory_space<vmem>>, vector<16xi32>,
        tpu.vector_store %arg17[%swap3A_699], %broadcast_in_dim3A_698 {strides = array<i32>} : memref<128xi32, #tpu.memory_space<vmem>>, vector<16xi32>,
        %broadcast_in_dim3A_701 = arith.constant 16384 : i32
        %broadcast_in_dim3A_702 = vector.broadcast %broadcast_in_dim3A_701 : i32 to vector<16xi32>
        %swap3A_703 = arith.constant 16 : index
        %swap3A_704 = tpu.vector_load %arg17[%swap3A_703] {strides = array<i32>} : memref<128xi32, #tpu.memory_space<vmem>>, vector<16xi32>,
        tpu.vector_store %arg17[%swap3A_703], %broadcast_in_dim3A_702 {strides = array<i32>} : memref<128xi32, #tpu.memory_space<vmem>>, vector<16xi32>,
        %broadcast_in_dim3A_705 = arith.constant 16384 : i32
        %broadcast_in_dim3A_706 = vector.broadcast %broadcast_in_dim3A_705 : i32 to vector<16xi32>
        %swap3A_707 = arith.constant 32 : index
        %swap3A_708 = tpu.vector_load %arg17[%swap3A_707] {strides = array<i32>} : memref<128xi32, #tpu.memory_space<vmem>>, vector<16xi32>,
        tpu.vector_store %arg17[%swap3A_707], %broadcast_in_dim3A_706 {strides = array<i32>} : memref<128xi32, #tpu.memory_space<vmem>>, vector<16xi32>,
        %broadcast_in_dim3A_709 = arith.constant 16384 : i32
        %broadcast_in_dim3A_710 = vector.broadcast %broadcast_in_dim3A_709 : i32 to vector<16xi32>
        %swap3A_711 = arith.constant 48 : index
        %swap3A_712 = tpu.vector_load %arg17[%swap3A_711] {strides = array<i32>} : memref<128xi32, #tpu.memory_space<vmem>>, vector<16xi32>,
        tpu.vector_store %arg17[%swap3A_711], %broadcast_in_dim3A_710 {strides = array<i32>} : memref<128xi32, #tpu.memory_space<vmem>>, vector<16xi32>,
        %broadcast_in_dim3A_713 = arith.constant 16384 : i32
        %broadcast_in_dim3A_714 = vector.broadcast %broadcast_in_dim3A_713 : i32 to vector<16xi32>
        %swap3A_715 = arith.constant 64 : index
        %swap3A_716 = tpu.vector_load %arg17[%swap3A_715] {strides = array<i32>} : memref<128xi32, #tpu.memory_space<vmem>>, vector<16xi32>,
        tpu.vector_store %arg17[%swap3A_715], %broadcast_in_dim3A_714 {strides = array<i32>} : memref<128xi32, #tpu.memory_space<vmem>>, vector<16xi32>,
        %broadcast_in_dim3A_717 = arith.constant 16384 : i32
        %broadcast_in_dim3A_718 = vector.broadcast %broadcast_in_dim3A_717 : i32 to vector<16xi32>
        %swap3A_719 = arith.constant 80 : index
        %swap3A_720 = tpu.vector_load %arg17[%swap3A_719] {strides = array<i32>} : memref<128xi32, #tpu.memory_space<vmem>>, vector<16xi32>,
        tpu.vector_store %arg17[%swap3A_719], %broadcast_in_dim3A_718 {strides = array<i32>} : memref<128xi32, #tpu.memory_space<vmem>>, vector<16xi32>,
        %broadcast_in_dim3A_721 = arith.constant 16384 : i32
        %broadcast_in_dim3A_722 = vector.broadcast %broadcast_in_dim3A_721 : i32 to vector<16xi32>
        %swap3A_723 = arith.constant 96 : index
        %swap3A_724 = tpu.vector_load %arg17[%swap3A_723] {strides = array<i32>} : memref<128xi32, #tpu.memory_space<vmem>>, vector<16xi32>,
        tpu.vector_store %arg17[%swap3A_723], %broadcast_in_dim3A_722 {strides = array<i32>} : memref<128xi32, #tpu.memory_space<vmem>>, vector<16xi32>,
        %broadcast_in_dim3A_725 = arith.constant 16384 : i32
        %broadcast_in_dim3A_726 = vector.broadcast %broadcast_in_dim3A_725 : i32 to vector<16xi32>
        %swap3A_727 = arith.constant 112 : index
        %swap3A_728 = tpu.vector_load %arg17[%swap3A_727] {strides = array<i32>} : memref<128xi32, #tpu.memory_space<vmem>>, vector<16xi32>,
        tpu.vector_store %arg17[%swap3A_727], %broadcast_in_dim3A_726 {strides = array<i32>} : memref<128xi32, #tpu.memory_space<vmem>>, vector<16xi32>,
      } else {
      }
      %eq3A_686 = arith.constant 128 : i32
      %eq3A_687 = arith.cmpi eq, %add3A_680, %eq3A_686 : i32
      %jit3A_688 = arith.constant 0 : i32
      %select_n3A_689 = arith.select %eq3A_687, %jit3A_688, %add3A_680 : i32
      scf.yield %select_n3A_689 : i32
    }
    %while3A_301 = arith.constant 1 : i32
    %while3A_302 = scf.for %while3A_635 = %while3A_298 to %while3A_294 step %while3A_301 iter_args(%while3A_636 = %while3A_300) -> (i32)  : i32 {
      %mul3A_637 = arith.constant 16 : i32
      %mul3A_638 = arith.muli %sub3A_287, %mul3A_637 : i32
      %add3A_639 = arith.addi %mul3A_638, %while3A_635 : i32
      %broadcast_in_dim3A_640 = vector.broadcast %add3A_639 : i32 to vector<16xi32>
      %gather3A = tpu.vector_load_idx %arg11[%broadcast_in_dim3A_640] : memref<3936xi32, #tpu.memory_space<vmem>>[vector<16xi32>], vector<16xi32>,
      %slice3A_641 = vector.extract_strided_slice %gather3A {offsets = [0], sizes = [1], strides = [1]} : vector<16xi32> to vector<1xi32>
      %squeeze3A_642 = vector.extract %slice3A_641[0] : i32 from vector<1xi32>
      %mul3A_643 = arith.constant 16 : i32
      %mul3A_644 = arith.muli %sub3A_287, %mul3A_643 : i32
      %add3A_645 = arith.addi %mul3A_644, %while3A_635 : i32
      %broadcast_in_dim3A_646 = vector.broadcast %add3A_645 : i32 to vector<16xi32>
      %gather3A_647 = tpu.vector_load_idx %arg12[%broadcast_in_dim3A_646] : memref<3936xi32, #tpu.memory_space<vmem>>[vector<16xi32>], vector<16xi32>,
      %slice3A_648 = vector.extract_strided_slice %gather3A_647 {offsets = [0], sizes = [1], strides = [1]} : vector<16xi32> to vector<1xi32>
      %squeeze3A_649 = vector.extract %slice3A_648[0] : i32 from vector<1xi32>
      %and3A_650 = arith.constant 127 : i32
      %and3A_651 = arith.andi %squeeze3A_642, %and3A_650 : i32
      %broadcast_in_dim3A_652 = arith.constant 0 : i32
      %broadcast_in_dim3A_653 = vector.broadcast %broadcast_in_dim3A_652 : i32 to vector<16xi32>
      %add3A_654 = arith.constant 0 : i32
      %add3A_655 = arith.addi %and3A_651, %add3A_654 : i32
      %broadcast_in_dim3A_656 = vector.broadcast %add3A_655 : i32 to vector<16xi32>
      %gather3A_657 = tpu.vector_load_idx %arg14[%broadcast_in_dim3A_653, %iota3A, %broadcast_in_dim3A_656] : memref<8x32x256xf32, #tpu.memory_space<vmem>>[vector<16xi32>, vector<16xi32>, vector<16xi32>], vector<16xf32>,
      %broadcast_in_dim3A_658 = arith.constant 0 : i32
      %broadcast_in_dim3A_659 = vector.broadcast %broadcast_in_dim3A_658 : i32 to vector<16xi32>
      %add3A_660 = arith.constant 16 : i32
      %add3A_661 = vector.broadcast %add3A_660 : i32 to vector<16xi32>
      %add3A_662 = arith.addi %iota3A, %add3A_661 : vector<16xi32>
      %add3A_663 = arith.constant 0 : i32
      %add3A_664 = arith.addi %and3A_651, %add3A_663 : i32
      %broadcast_in_dim3A_665 = vector.broadcast %add3A_664 : i32 to vector<16xi32>
      %gather3A_666 = tpu.vector_load_idx %arg14[%broadcast_in_dim3A_659, %add3A_662, %broadcast_in_dim3A_665] : memref<8x32x256xf32, #tpu.memory_space<vmem>>[vector<16xi32>, vector<16xi32>, vector<16xi32>], vector<16xf32>,
      %swap3A_667 = arith.constant 0 : i32
      %swap3A_668 = arith.index_cast %while3A_636 : i32 to index
      %swap3A_669 = arith.index_cast %swap3A_667 : i32 to index
      %swap3A_670 = arith.constant 0 : index
      %swap3A_671 = tpu.vector_load %arg16[%swap3A_668, %swap3A_669, %swap3A_670] {strides = array<i32>} : memref<128x1x128xf32, #tpu.memory_space<vmem>>, vector<16xf32>,
      tpu.vector_store %arg16[%swap3A_668, %swap3A_669, %swap3A_670], %gather3A_657 {strides = array<i32>} : memref<128x1x128xf32, #tpu.memory_space<vmem>>, vector<16xf32>,
      %swap3A_672 = arith.constant 0 : i32
      %swap3A_673 = arith.index_cast %while3A_636 : i32 to index
      %swap3A_674 = arith.index_cast %swap3A_672 : i32 to index
      %swap3A_675 = arith.constant 16 : index
      %swap3A_676 = tpu.vector_load %arg16[%swap3A_673, %swap3A_674, %swap3A_675] {strides = array<i32>} : memref<128x1x128xf32, #tpu.memory_space<vmem>>, vector<16xf32>,
      tpu.vector_store %arg16[%swap3A_673, %swap3A_674, %swap3A_675], %gather3A_666 {strides = array<i32>} : memref<128x1x128xf32, #tpu.memory_space<vmem>>, vector<16xf32>,
      %broadcast_in_dim3A_677 = vector.broadcast %while3A_636 : i32 to vector<16xi32>
      %broadcast_in_dim3A_678 = vector.broadcast %squeeze3A_649 : i32 to vector<16xi32>
      tpu.vector_store_idx %arg17[%broadcast_in_dim3A_677], %broadcast_in_dim3A_678 masked %eq3A_5 : memref<128xi32, #tpu.memory_space<vmem>>[vector<16xi32>], vector<16xi32>, vector<16xi1>
      %add3A_679 = arith.constant 1 : i32
      %add3A_680 = arith.addi %while3A_636, %add3A_679 : i32
      %eq3A_681 = arith.constant 128 : i32
      %eq3A_682 = arith.cmpi eq, %add3A_680, %eq3A_681 : i32
      %convert_element_type3A_683 = arith.extui %eq3A_682 : i1 to i32
      %cond3A_684 = arith.constant 0 : i32
      %cond3A_685 = arith.cmpi ne, %convert_element_type3A_683, %cond3A_684 : i32
      scf.if %cond3A_685 {
        %dma_start3A_690 = arith.constant 0 : i32
        %dma_start3A_691 = arith.constant 0 : i32
        %dma_start3A_692 = arith.constant 0 : i32
        %dma_start3A_693 = tpu.memref_slice %arg8[%dma_start3A_690, %dma_start3A_691, %dma_start3A_692] : memref<16385x1x128xf32, #tpu.memory_space<hbm>> -> memref<16385x1x128xf32, #tpu.memory_space<hbm>>
        tpu.enqueue_indirect_dma source(%arg16 : memref<128x1x128xf32, #tpu.memory_space<vmem>>) target(%dma_start3A_693 : memref<16385x1x128xf32, #tpu.memory_space<hbm>>) offsets(%arg17 : memref<128xi32, #tpu.memory_space<vmem>>) semaphore(%arg19 : memref<!tpu.dma_semaphore, #tpu.memory_space<semaphore_mem>>)
        %dma_wait3A = arith.constant 0 : i32
        %dma_wait3A_694 = arith.constant 0 : i32
        %dma_wait3A_695 = arith.constant 0 : i32
        %dma_wait3A_696 = tpu.memref_slice %arg8[%dma_wait3A, %dma_wait3A_694, %dma_wait3A_695] : memref<16385x1x128xf32, #tpu.memory_space<hbm>> -> memref<16385x1x128xf32, #tpu.memory_space<hbm>>
        tpu.wait_indirect_dma semaphore(%arg19 : memref<!tpu.dma_semaphore, #tpu.memory_space<semaphore_mem>>) src(%arg16 : memref<128x1x128xf32, #tpu.memory_space<vmem>>) dst(%dma_wait3A_696 : memref<16385x1x128xf32, #tpu.memory_space<hbm>>)
        %broadcast_in_dim3A_697 = arith.constant 16384 : i32
        %broadcast_in_dim3A_698 = vector.broadcast %broadcast_in_dim3A_697 : i32 to vector<16xi32>
        %swap3A_699 = arith.constant 0 : index
        %swap3A_700 = tpu.vector_load %arg17[%swap3A_699] {strides = array<i32>} : memref<128xi32, #tpu.memory_space<vmem>>, vector<16xi32>,
        tpu.vector_store %arg17[%swap3A_699], %broadcast_in_dim3A_698 {strides = array<i32>} : memref<128xi32, #tpu.memory_space<vmem>>, vector<16xi32>,
        %broadcast_in_dim3A_701 = arith.constant 16384 : i32
        %broadcast_in_dim3A_702 = vector.broadcast %broadcast_in_dim3A_701 : i32 to vector<16xi32>
        %swap3A_703 = arith.constant 16 : index
        %swap3A_704 = tpu.vector_load %arg17[%swap3A_703] {strides = array<i32>} : memref<128xi32, #tpu.memory_space<vmem>>, vector<16xi32>,
        tpu.vector_store %arg17[%swap3A_703], %broadcast_in_dim3A_702 {strides = array<i32>} : memref<128xi32, #tpu.memory_space<vmem>>, vector<16xi32>,
        %broadcast_in_dim3A_705 = arith.constant 16384 : i32
        %broadcast_in_dim3A_706 = vector.broadcast %broadcast_in_dim3A_705 : i32 to vector<16xi32>
        %swap3A_707 = arith.constant 32 : index
        %swap3A_708 = tpu.vector_load %arg17[%swap3A_707] {strides = array<i32>} : memref<128xi32, #tpu.memory_space<vmem>>, vector<16xi32>,
        tpu.vector_store %arg17[%swap3A_707], %broadcast_in_dim3A_706 {strides = array<i32>} : memref<128xi32, #tpu.memory_space<vmem>>, vector<16xi32>,
        %broadcast_in_dim3A_709 = arith.constant 16384 : i32
        %broadcast_in_dim3A_710 = vector.broadcast %broadcast_in_dim3A_709 : i32 to vector<16xi32>
        %swap3A_711 = arith.constant 48 : index
        %swap3A_712 = tpu.vector_load %arg17[%swap3A_711] {strides = array<i32>} : memref<128xi32, #tpu.memory_space<vmem>>, vector<16xi32>,
        tpu.vector_store %arg17[%swap3A_711], %broadcast_in_dim3A_710 {strides = array<i32>} : memref<128xi32, #tpu.memory_space<vmem>>, vector<16xi32>,
        %broadcast_in_dim3A_713 = arith.constant 16384 : i32
        %broadcast_in_dim3A_714 = vector.broadcast %broadcast_in_dim3A_713 : i32 to vector<16xi32>
        %swap3A_715 = arith.constant 64 : index
        %swap3A_716 = tpu.vector_load %arg17[%swap3A_715] {strides = array<i32>} : memref<128xi32, #tpu.memory_space<vmem>>, vector<16xi32>,
        tpu.vector_store %arg17[%swap3A_715], %broadcast_in_dim3A_714 {strides = array<i32>} : memref<128xi32, #tpu.memory_space<vmem>>, vector<16xi32>,
        %broadcast_in_dim3A_717 = arith.constant 16384 : i32
        %broadcast_in_dim3A_718 = vector.broadcast %broadcast_in_dim3A_717 : i32 to vector<16xi32>
        %swap3A_719 = arith.constant 80 : index
        %swap3A_720 = tpu.vector_load %arg17[%swap3A_719] {strides = array<i32>} : memref<128xi32, #tpu.memory_space<vmem>>, vector<16xi32>,
        tpu.vector_store %arg17[%swap3A_719], %broadcast_in_dim3A_718 {strides = array<i32>} : memref<128xi32, #tpu.memory_space<vmem>>, vector<16xi32>,
        %broadcast_in_dim3A_721 = arith.constant 16384 : i32
        %broadcast_in_dim3A_722 = vector.broadcast %broadcast_in_dim3A_721 : i32 to vector<16xi32>
        %swap3A_723 = arith.constant 96 : index
        %swap3A_724 = tpu.vector_load %arg17[%swap3A_723] {strides = array<i32>} : memref<128xi32, #tpu.memory_space<vmem>>, vector<16xi32>,
        tpu.vector_store %arg17[%swap3A_723], %broadcast_in_dim3A_722 {strides = array<i32>} : memref<128xi32, #tpu.memory_space<vmem>>, vector<16xi32>,
        %broadcast_in_dim3A_725 = arith.constant 16384 : i32
        %broadcast_in_dim3A_726 = vector.broadcast %broadcast_in_dim3A_725 : i32 to vector<16xi32>
        %swap3A_727 = arith.constant 112 : index
        %swap3A_728 = tpu.vector_load %arg17[%swap3A_727] {strides = array<i32>} : memref<128xi32, #tpu.memory_space<vmem>>, vector<16xi32>,
        tpu.vector_store %arg17[%swap3A_727], %broadcast_in_dim3A_726 {strides = array<i32>} : memref<128xi32, #tpu.memory_space<vmem>>, vector<16xi32>,
      } else {
      }
      %eq3A_686 = arith.constant 128 : i32
      %eq3A_687 = arith.cmpi eq, %add3A_680, %eq3A_686 : i32
      %jit3A_688 = arith.constant 0 : i32
      %select_n3A_689 = arith.select %eq3A_687, %jit3A_688, %add3A_680 : i32
      scf.yield %select_n3A_689 : i32
    }
    %eq3A_303 = arith.constant 31 : i32
    %eq3A_304 = arith.cmpi eq, %add3A, %eq3A_303 : i32
    %convert_element_type3A = arith.extui %eq3A_304 : i1 to i32
    %cond3A = arith.constant 0 : i32
    %cond3A_305 = arith.cmpi ne, %convert_element_type3A, %cond3A : i32
    scf.if %cond3A_305 {
      "tpu.region"() ({
        %run_scoped3A_635 = tpu.sem_alloc : memref<!tpu.dma_semaphore, #tpu.memory_space<semaphore_mem>>
        tpu.enqueue_dma source(%arg6 : memref<64x32xf32, #tpu.memory_space<hbm>>) target(%arg15 : memref<64x32xf32, #tpu.memory_space<vmem>>) target_semaphore(%run_scoped3A_635 : memref<!tpu.dma_semaphore, #tpu.memory_space<semaphore_mem>>)
        tpu.wait_dma2 semaphore(%run_scoped3A_635 : memref<!tpu.dma_semaphore, #tpu.memory_space<semaphore_mem>>) src(%arg6 : memref<64x32xf32, #tpu.memory_space<hbm>>) dst(%arg15 : memref<64x32xf32, #tpu.memory_space<vmem>>)
        tpu.yield
      }) : () -> ()
    } else {
    }
    %eq3A_306 = arith.constant 31 : i32
    %eq3A_307 = arith.cmpi eq, %add3A, %eq3A_306 : i32
    %convert_element_type3A_308 = arith.extui %eq3A_307 : i1 to i32
    %cond3A_309 = arith.constant 0 : i32
    %cond3A_310 = arith.cmpi ne, %convert_element_type3A_308, %cond3A_309 : i32
    %cond3A_311 = scf.if %cond3A_310 -> (i32) {
      %get3A_635 = arith.index_cast %select_n3A_13 : i32 to index
      %get3A_636 = tpu.vector_load %arg13[%get3A_635] {strides = array<i32>} : memref<277xi32, #tpu.memory_space<vmem>>, vector<16xi32>,
      %slice3A_637 = vector.extract_strided_slice %get3A_636 {offsets = [0], sizes = [1], strides = [1]} : vector<16xi32> to vector<1xi32>
      %squeeze3A_638 = vector.extract %slice3A_637[0] : i32 from vector<1xi32>
      %while3A_639 = arith.constant 0 : i32
      %while3A_640 = arith.subi %squeeze3A_638, %while3A_639 : i32
      %while3A_641 = arith.addi %while3A_639, %while3A_640 : i32
      %while3A_642 = arith.constant 1 : i32
      %while3A_643 = arith.divsi %while3A_640, %while3A_642 : i32
      %while3A_644 = arith.muli %while3A_643, %while3A_642 : i32
      %while3A_645 = arith.addi %while3A_639, %while3A_644 : i32
      %while3A_646 = arith.constant 1 : i32
      %while3A_647 = scf.for %while3A_650 = %while3A_639 to %while3A_645 step %while3A_646 iter_args(%while3A_651 = %while3A_302) -> (i32)  : i32 {
        %mul3A_652 = arith.constant 16 : i32
        %mul3A_653 = arith.muli %select_n3A_13, %mul3A_652 : i32
        %add3A_654 = arith.addi %mul3A_653, %while3A_650 : i32
        %broadcast_in_dim3A_655 = vector.broadcast %add3A_654 : i32 to vector<16xi32>
        %gather3A = tpu.vector_load_idx %arg11[%broadcast_in_dim3A_655] : memref<3936xi32, #tpu.memory_space<vmem>>[vector<16xi32>], vector<16xi32>,
        %slice3A_656 = vector.extract_strided_slice %gather3A {offsets = [0], sizes = [1], strides = [1]} : vector<16xi32> to vector<1xi32>
        %squeeze3A_657 = vector.extract %slice3A_656[0] : i32 from vector<1xi32>
        %mul3A_658 = arith.constant 16 : i32
        %mul3A_659 = arith.muli %select_n3A_13, %mul3A_658 : i32
        %add3A_660 = arith.addi %mul3A_659, %while3A_650 : i32
        %broadcast_in_dim3A_661 = vector.broadcast %add3A_660 : i32 to vector<16xi32>
        %gather3A_662 = tpu.vector_load_idx %arg12[%broadcast_in_dim3A_661] : memref<3936xi32, #tpu.memory_space<vmem>>[vector<16xi32>], vector<16xi32>,
        %slice3A_663 = vector.extract_strided_slice %gather3A_662 {offsets = [0], sizes = [1], strides = [1]} : vector<16xi32> to vector<1xi32>
        %squeeze3A_664 = vector.extract %slice3A_663[0] : i32 from vector<1xi32>
        %and3A_665 = arith.constant 127 : i32
        %and3A_666 = arith.andi %squeeze3A_657, %and3A_665 : i32
        %sub3A_667 = arith.constant 999936 : i32
        %sub3A_668 = arith.subi %squeeze3A_657, %sub3A_667 : i32
        %broadcast_in_dim3A_669 = vector.broadcast %sub3A_668 : i32 to vector<16xi32>
        %gather3A_670 = tpu.vector_load_idx %arg15[%broadcast_in_dim3A_669, %iota3A] : memref<64x32xf32, #tpu.memory_space<vmem>>[vector<16xi32>, vector<16xi32>], vector<16xf32>,
        %sub3A_671 = arith.constant 999936 : i32
        %sub3A_672 = arith.subi %squeeze3A_657, %sub3A_671 : i32
        %broadcast_in_dim3A_673 = vector.broadcast %sub3A_672 : i32 to vector<16xi32>
        %add3A_674 = arith.constant 16 : i32
        %add3A_675 = vector.broadcast %add3A_674 : i32 to vector<16xi32>
        %add3A_676 = arith.addi %iota3A, %add3A_675 : vector<16xi32>
        %gather3A_677 = tpu.vector_load_idx %arg15[%broadcast_in_dim3A_673, %add3A_676] : memref<64x32xf32, #tpu.memory_space<vmem>>[vector<16xi32>, vector<16xi32>], vector<16xf32>,
        %swap3A_678 = arith.constant 0 : i32
        %swap3A_679 = arith.index_cast %while3A_651 : i32 to index
        %swap3A_680 = arith.index_cast %swap3A_678 : i32 to index
        %swap3A_681 = arith.constant 0 : index
        %swap3A_682 = tpu.vector_load %arg16[%swap3A_679, %swap3A_680, %swap3A_681] {strides = array<i32>} : memref<128x1x128xf32, #tpu.memory_space<vmem>>, vector<16xf32>,
        tpu.vector_store %arg16[%swap3A_679, %swap3A_680, %swap3A_681], %gather3A_670 {strides = array<i32>} : memref<128x1x128xf32, #tpu.memory_space<vmem>>, vector<16xf32>,
        %swap3A_683 = arith.constant 0 : i32
        %swap3A_684 = arith.index_cast %while3A_651 : i32 to index
        %swap3A_685 = arith.index_cast %swap3A_683 : i32 to index
        %swap3A_686 = arith.constant 16 : index
        %swap3A_687 = tpu.vector_load %arg16[%swap3A_684, %swap3A_685, %swap3A_686] {strides = array<i32>} : memref<128x1x128xf32, #tpu.memory_space<vmem>>, vector<16xf32>,
        tpu.vector_store %arg16[%swap3A_684, %swap3A_685, %swap3A_686], %gather3A_677 {strides = array<i32>} : memref<128x1x128xf32, #tpu.memory_space<vmem>>, vector<16xf32>,
        %broadcast_in_dim3A_688 = vector.broadcast %while3A_651 : i32 to vector<16xi32>
        %broadcast_in_dim3A_689 = vector.broadcast %squeeze3A_664 : i32 to vector<16xi32>
        tpu.vector_store_idx %arg17[%broadcast_in_dim3A_688], %broadcast_in_dim3A_689 masked %eq3A_5 : memref<128xi32, #tpu.memory_space<vmem>>[vector<16xi32>], vector<16xi32>, vector<16xi1>
        %add3A_690 = arith.constant 1 : i32
        %add3A_691 = arith.addi %while3A_651, %add3A_690 : i32
        %eq3A_692 = arith.constant 128 : i32
        %eq3A_693 = arith.cmpi eq, %add3A_691, %eq3A_692 : i32
        %convert_element_type3A_694 = arith.extui %eq3A_693 : i1 to i32
        %cond3A_695 = arith.constant 0 : i32
        %cond3A_696 = arith.cmpi ne, %convert_element_type3A_694, %cond3A_695 : i32
        scf.if %cond3A_696 {
          %dma_start3A_701 = arith.constant 0 : i32
          %dma_start3A_702 = arith.constant 0 : i32
          %dma_start3A_703 = arith.constant 0 : i32
          %dma_start3A_704 = tpu.memref_slice %arg8[%dma_start3A_701, %dma_start3A_702, %dma_start3A_703] : memref<16385x1x128xf32, #tpu.memory_space<hbm>> -> memref<16385x1x128xf32, #tpu.memory_space<hbm>>
          tpu.enqueue_indirect_dma source(%arg16 : memref<128x1x128xf32, #tpu.memory_space<vmem>>) target(%dma_start3A_704 : memref<16385x1x128xf32, #tpu.memory_space<hbm>>) offsets(%arg17 : memref<128xi32, #tpu.memory_space<vmem>>) semaphore(%arg19 : memref<!tpu.dma_semaphore, #tpu.memory_space<semaphore_mem>>)
          %dma_wait3A = arith.constant 0 : i32
          %dma_wait3A_705 = arith.constant 0 : i32
          %dma_wait3A_706 = arith.constant 0 : i32
          %dma_wait3A_707 = tpu.memref_slice %arg8[%dma_wait3A, %dma_wait3A_705, %dma_wait3A_706] : memref<16385x1x128xf32, #tpu.memory_space<hbm>> -> memref<16385x1x128xf32, #tpu.memory_space<hbm>>
          tpu.wait_indirect_dma semaphore(%arg19 : memref<!tpu.dma_semaphore, #tpu.memory_space<semaphore_mem>>) src(%arg16 : memref<128x1x128xf32, #tpu.memory_space<vmem>>) dst(%dma_wait3A_707 : memref<16385x1x128xf32, #tpu.memory_space<hbm>>)
          %broadcast_in_dim3A_708 = arith.constant 16384 : i32
          %broadcast_in_dim3A_709 = vector.broadcast %broadcast_in_dim3A_708 : i32 to vector<16xi32>
          %swap3A_710 = arith.constant 0 : index
          %swap3A_711 = tpu.vector_load %arg17[%swap3A_710] {strides = array<i32>} : memref<128xi32, #tpu.memory_space<vmem>>, vector<16xi32>,
          tpu.vector_store %arg17[%swap3A_710], %broadcast_in_dim3A_709 {strides = array<i32>} : memref<128xi32, #tpu.memory_space<vmem>>, vector<16xi32>,
          %broadcast_in_dim3A_712 = arith.constant 16384 : i32
          %broadcast_in_dim3A_713 = vector.broadcast %broadcast_in_dim3A_712 : i32 to vector<16xi32>
          %swap3A_714 = arith.constant 16 : index
          %swap3A_715 = tpu.vector_load %arg17[%swap3A_714] {strides = array<i32>} : memref<128xi32, #tpu.memory_space<vmem>>, vector<16xi32>,
          tpu.vector_store %arg17[%swap3A_714], %broadcast_in_dim3A_713 {strides = array<i32>} : memref<128xi32, #tpu.memory_space<vmem>>, vector<16xi32>,
          %broadcast_in_dim3A_716 = arith.constant 16384 : i32
          %broadcast_in_dim3A_717 = vector.broadcast %broadcast_in_dim3A_716 : i32 to vector<16xi32>
          %swap3A_718 = arith.constant 32 : index
          %swap3A_719 = tpu.vector_load %arg17[%swap3A_718] {strides = array<i32>} : memref<128xi32, #tpu.memory_space<vmem>>, vector<16xi32>,
          tpu.vector_store %arg17[%swap3A_718], %broadcast_in_dim3A_717 {strides = array<i32>} : memref<128xi32, #tpu.memory_space<vmem>>, vector<16xi32>,
          %broadcast_in_dim3A_720 = arith.constant 16384 : i32
          %broadcast_in_dim3A_721 = vector.broadcast %broadcast_in_dim3A_720 : i32 to vector<16xi32>
          %swap3A_722 = arith.constant 48 : index
          %swap3A_723 = tpu.vector_load %arg17[%swap3A_722] {strides = array<i32>} : memref<128xi32, #tpu.memory_space<vmem>>, vector<16xi32>,
          tpu.vector_store %arg17[%swap3A_722], %broadcast_in_dim3A_721 {strides = array<i32>} : memref<128xi32, #tpu.memory_space<vmem>>, vector<16xi32>,
          %broadcast_in_dim3A_724 = arith.constant 16384 : i32
          %broadcast_in_dim3A_725 = vector.broadcast %broadcast_in_dim3A_724 : i32 to vector<16xi32>
          %swap3A_726 = arith.constant 64 : index
          %swap3A_727 = tpu.vector_load %arg17[%swap3A_726] {strides = array<i32>} : memref<128xi32, #tpu.memory_space<vmem>>, vector<16xi32>,
          tpu.vector_store %arg17[%swap3A_726], %broadcast_in_dim3A_725 {strides = array<i32>} : memref<128xi32, #tpu.memory_space<vmem>>, vector<16xi32>,
          %broadcast_in_dim3A_728 = arith.constant 16384 : i32
          %broadcast_in_dim3A_729 = vector.broadcast %broadcast_in_dim3A_728 : i32 to vector<16xi32>
          %swap3A_730 = arith.constant 80 : index
          %swap3A_731 = tpu.vector_load %arg17[%swap3A_730] {strides = array<i32>} : memref<128xi32, #tpu.memory_space<vmem>>, vector<16xi32>,
          tpu.vector_store %arg17[%swap3A_730], %broadcast_in_dim3A_729 {strides = array<i32>} : memref<128xi32, #tpu.memory_space<vmem>>, vector<16xi32>,
          %broadcast_in_dim3A_732 = arith.constant 16384 : i32
          %broadcast_in_dim3A_733 = vector.broadcast %broadcast_in_dim3A_732 : i32 to vector<16xi32>
          %swap3A_734 = arith.constant 96 : index
          %swap3A_735 = tpu.vector_load %arg17[%swap3A_734] {strides = array<i32>} : memref<128xi32, #tpu.memory_space<vmem>>, vector<16xi32>,
          tpu.vector_store %arg17[%swap3A_734], %broadcast_in_dim3A_733 {strides = array<i32>} : memref<128xi32, #tpu.memory_space<vmem>>, vector<16xi32>,
          %broadcast_in_dim3A_736 = arith.constant 16384 : i32
          %broadcast_in_dim3A_737 = vector.broadcast %broadcast_in_dim3A_736 : i32 to vector<16xi32>
          %swap3A_738 = arith.constant 112 : index
          %swap3A_739 = tpu.vector_load %arg17[%swap3A_738] {strides = array<i32>} : memref<128xi32, #tpu.memory_space<vmem>>, vector<16xi32>,
          tpu.vector_store %arg17[%swap3A_738], %broadcast_in_dim3A_737 {strides = array<i32>} : memref<128xi32, #tpu.memory_space<vmem>>, vector<16xi32>,
        } else {
        }
        %eq3A_697 = arith.constant 128 : i32
        %eq3A_698 = arith.cmpi eq, %add3A_691, %eq3A_697 : i32
        %jit3A_699 = arith.constant 0 : i32
        %select_n3A_700 = arith.select %eq3A_698, %jit3A_699, %add3A_691 : i32
        scf.yield %select_n3A_700 : i32
      }
      %while3A_648 = arith.constant 1 : i32
      %while3A_649 = scf.for %while3A_650 = %while3A_645 to %while3A_641 step %while3A_648 iter_args(%while3A_651 = %while3A_647) -> (i32)  : i32 {
        %mul3A_652 = arith.constant 16 : i32
        %mul3A_653 = arith.muli %select_n3A_13, %mul3A_652 : i32
        %add3A_654 = arith.addi %mul3A_653, %while3A_650 : i32
        %broadcast_in_dim3A_655 = vector.broadcast %add3A_654 : i32 to vector<16xi32>
        %gather3A = tpu.vector_load_idx %arg11[%broadcast_in_dim3A_655] : memref<3936xi32, #tpu.memory_space<vmem>>[vector<16xi32>], vector<16xi32>,
        %slice3A_656 = vector.extract_strided_slice %gather3A {offsets = [0], sizes = [1], strides = [1]} : vector<16xi32> to vector<1xi32>
        %squeeze3A_657 = vector.extract %slice3A_656[0] : i32 from vector<1xi32>
        %mul3A_658 = arith.constant 16 : i32
        %mul3A_659 = arith.muli %select_n3A_13, %mul3A_658 : i32
        %add3A_660 = arith.addi %mul3A_659, %while3A_650 : i32
        %broadcast_in_dim3A_661 = vector.broadcast %add3A_660 : i32 to vector<16xi32>
        %gather3A_662 = tpu.vector_load_idx %arg12[%broadcast_in_dim3A_661] : memref<3936xi32, #tpu.memory_space<vmem>>[vector<16xi32>], vector<16xi32>,
        %slice3A_663 = vector.extract_strided_slice %gather3A_662 {offsets = [0], sizes = [1], strides = [1]} : vector<16xi32> to vector<1xi32>
        %squeeze3A_664 = vector.extract %slice3A_663[0] : i32 from vector<1xi32>
        %and3A_665 = arith.constant 127 : i32
        %and3A_666 = arith.andi %squeeze3A_657, %and3A_665 : i32
        %sub3A_667 = arith.constant 999936 : i32
        %sub3A_668 = arith.subi %squeeze3A_657, %sub3A_667 : i32
        %broadcast_in_dim3A_669 = vector.broadcast %sub3A_668 : i32 to vector<16xi32>
        %gather3A_670 = tpu.vector_load_idx %arg15[%broadcast_in_dim3A_669, %iota3A] : memref<64x32xf32, #tpu.memory_space<vmem>>[vector<16xi32>, vector<16xi32>], vector<16xf32>,
        %sub3A_671 = arith.constant 999936 : i32
        %sub3A_672 = arith.subi %squeeze3A_657, %sub3A_671 : i32
        %broadcast_in_dim3A_673 = vector.broadcast %sub3A_672 : i32 to vector<16xi32>
        %add3A_674 = arith.constant 16 : i32
        %add3A_675 = vector.broadcast %add3A_674 : i32 to vector<16xi32>
        %add3A_676 = arith.addi %iota3A, %add3A_675 : vector<16xi32>
        %gather3A_677 = tpu.vector_load_idx %arg15[%broadcast_in_dim3A_673, %add3A_676] : memref<64x32xf32, #tpu.memory_space<vmem>>[vector<16xi32>, vector<16xi32>], vector<16xf32>,
        %swap3A_678 = arith.constant 0 : i32
        %swap3A_679 = arith.index_cast %while3A_651 : i32 to index
        %swap3A_680 = arith.index_cast %swap3A_678 : i32 to index
        %swap3A_681 = arith.constant 0 : index
        %swap3A_682 = tpu.vector_load %arg16[%swap3A_679, %swap3A_680, %swap3A_681] {strides = array<i32>} : memref<128x1x128xf32, #tpu.memory_space<vmem>>, vector<16xf32>,
        tpu.vector_store %arg16[%swap3A_679, %swap3A_680, %swap3A_681], %gather3A_670 {strides = array<i32>} : memref<128x1x128xf32, #tpu.memory_space<vmem>>, vector<16xf32>,
        %swap3A_683 = arith.constant 0 : i32
        %swap3A_684 = arith.index_cast %while3A_651 : i32 to index
        %swap3A_685 = arith.index_cast %swap3A_683 : i32 to index
        %swap3A_686 = arith.constant 16 : index
        %swap3A_687 = tpu.vector_load %arg16[%swap3A_684, %swap3A_685, %swap3A_686] {strides = array<i32>} : memref<128x1x128xf32, #tpu.memory_space<vmem>>, vector<16xf32>,
        tpu.vector_store %arg16[%swap3A_684, %swap3A_685, %swap3A_686], %gather3A_677 {strides = array<i32>} : memref<128x1x128xf32, #tpu.memory_space<vmem>>, vector<16xf32>,
        %broadcast_in_dim3A_688 = vector.broadcast %while3A_651 : i32 to vector<16xi32>
        %broadcast_in_dim3A_689 = vector.broadcast %squeeze3A_664 : i32 to vector<16xi32>
        tpu.vector_store_idx %arg17[%broadcast_in_dim3A_688], %broadcast_in_dim3A_689 masked %eq3A_5 : memref<128xi32, #tpu.memory_space<vmem>>[vector<16xi32>], vector<16xi32>, vector<16xi1>
        %add3A_690 = arith.constant 1 : i32
        %add3A_691 = arith.addi %while3A_651, %add3A_690 : i32
        %eq3A_692 = arith.constant 128 : i32
        %eq3A_693 = arith.cmpi eq, %add3A_691, %eq3A_692 : i32
        %convert_element_type3A_694 = arith.extui %eq3A_693 : i1 to i32
        %cond3A_695 = arith.constant 0 : i32
        %cond3A_696 = arith.cmpi ne, %convert_element_type3A_694, %cond3A_695 : i32
        scf.if %cond3A_696 {
          %dma_start3A_701 = arith.constant 0 : i32
          %dma_start3A_702 = arith.constant 0 : i32
          %dma_start3A_703 = arith.constant 0 : i32
          %dma_start3A_704 = tpu.memref_slice %arg8[%dma_start3A_701, %dma_start3A_702, %dma_start3A_703] : memref<16385x1x128xf32, #tpu.memory_space<hbm>> -> memref<16385x1x128xf32, #tpu.memory_space<hbm>>
          tpu.enqueue_indirect_dma source(%arg16 : memref<128x1x128xf32, #tpu.memory_space<vmem>>) target(%dma_start3A_704 : memref<16385x1x128xf32, #tpu.memory_space<hbm>>) offsets(%arg17 : memref<128xi32, #tpu.memory_space<vmem>>) semaphore(%arg19 : memref<!tpu.dma_semaphore, #tpu.memory_space<semaphore_mem>>)
          %dma_wait3A = arith.constant 0 : i32
          %dma_wait3A_705 = arith.constant 0 : i32
          %dma_wait3A_706 = arith.constant 0 : i32
          %dma_wait3A_707 = tpu.memref_slice %arg8[%dma_wait3A, %dma_wait3A_705, %dma_wait3A_706] : memref<16385x1x128xf32, #tpu.memory_space<hbm>> -> memref<16385x1x128xf32, #tpu.memory_space<hbm>>
          tpu.wait_indirect_dma semaphore(%arg19 : memref<!tpu.dma_semaphore, #tpu.memory_space<semaphore_mem>>) src(%arg16 : memref<128x1x128xf32, #tpu.memory_space<vmem>>) dst(%dma_wait3A_707 : memref<16385x1x128xf32, #tpu.memory_space<hbm>>)
          %broadcast_in_dim3A_708 = arith.constant 16384 : i32
          %broadcast_in_dim3A_709 = vector.broadcast %broadcast_in_dim3A_708 : i32 to vector<16xi32>
          %swap3A_710 = arith.constant 0 : index
          %swap3A_711 = tpu.vector_load %arg17[%swap3A_710] {strides = array<i32>} : memref<128xi32, #tpu.memory_space<vmem>>, vector<16xi32>,
          tpu.vector_store %arg17[%swap3A_710], %broadcast_in_dim3A_709 {strides = array<i32>} : memref<128xi32, #tpu.memory_space<vmem>>, vector<16xi32>,
          %broadcast_in_dim3A_712 = arith.constant 16384 : i32
          %broadcast_in_dim3A_713 = vector.broadcast %broadcast_in_dim3A_712 : i32 to vector<16xi32>
          %swap3A_714 = arith.constant 16 : index
          %swap3A_715 = tpu.vector_load %arg17[%swap3A_714] {strides = array<i32>} : memref<128xi32, #tpu.memory_space<vmem>>, vector<16xi32>,
          tpu.vector_store %arg17[%swap3A_714], %broadcast_in_dim3A_713 {strides = array<i32>} : memref<128xi32, #tpu.memory_space<vmem>>, vector<16xi32>,
          %broadcast_in_dim3A_716 = arith.constant 16384 : i32
          %broadcast_in_dim3A_717 = vector.broadcast %broadcast_in_dim3A_716 : i32 to vector<16xi32>
          %swap3A_718 = arith.constant 32 : index
          %swap3A_719 = tpu.vector_load %arg17[%swap3A_718] {strides = array<i32>} : memref<128xi32, #tpu.memory_space<vmem>>, vector<16xi32>,
          tpu.vector_store %arg17[%swap3A_718], %broadcast_in_dim3A_717 {strides = array<i32>} : memref<128xi32, #tpu.memory_space<vmem>>, vector<16xi32>,
          %broadcast_in_dim3A_720 = arith.constant 16384 : i32
          %broadcast_in_dim3A_721 = vector.broadcast %broadcast_in_dim3A_720 : i32 to vector<16xi32>
          %swap3A_722 = arith.constant 48 : index
          %swap3A_723 = tpu.vector_load %arg17[%swap3A_722] {strides = array<i32>} : memref<128xi32, #tpu.memory_space<vmem>>, vector<16xi32>,
          tpu.vector_store %arg17[%swap3A_722], %broadcast_in_dim3A_721 {strides = array<i32>} : memref<128xi32, #tpu.memory_space<vmem>>, vector<16xi32>,
          %broadcast_in_dim3A_724 = arith.constant 16384 : i32
          %broadcast_in_dim3A_725 = vector.broadcast %broadcast_in_dim3A_724 : i32 to vector<16xi32>
          %swap3A_726 = arith.constant 64 : index
          %swap3A_727 = tpu.vector_load %arg17[%swap3A_726] {strides = array<i32>} : memref<128xi32, #tpu.memory_space<vmem>>, vector<16xi32>,
          tpu.vector_store %arg17[%swap3A_726], %broadcast_in_dim3A_725 {strides = array<i32>} : memref<128xi32, #tpu.memory_space<vmem>>, vector<16xi32>,
          %broadcast_in_dim3A_728 = arith.constant 16384 : i32
          %broadcast_in_dim3A_729 = vector.broadcast %broadcast_in_dim3A_728 : i32 to vector<16xi32>
          %swap3A_730 = arith.constant 80 : index
          %swap3A_731 = tpu.vector_load %arg17[%swap3A_730] {strides = array<i32>} : memref<128xi32, #tpu.memory_space<vmem>>, vector<16xi32>,
          tpu.vector_store %arg17[%swap3A_730], %broadcast_in_dim3A_729 {strides = array<i32>} : memref<128xi32, #tpu.memory_space<vmem>>, vector<16xi32>,
          %broadcast_in_dim3A_732 = arith.constant 16384 : i32
          %broadcast_in_dim3A_733 = vector.broadcast %broadcast_in_dim3A_732 : i32 to vector<16xi32>
          %swap3A_734 = arith.constant 96 : index
          %swap3A_735 = tpu.vector_load %arg17[%swap3A_734] {strides = array<i32>} : memref<128xi32, #tpu.memory_space<vmem>>, vector<16xi32>,
          tpu.vector_store %arg17[%swap3A_734], %broadcast_in_dim3A_733 {strides = array<i32>} : memref<128xi32, #tpu.memory_space<vmem>>, vector<16xi32>,
          %broadcast_in_dim3A_736 = arith.constant 16384 : i32
          %broadcast_in_dim3A_737 = vector.broadcast %broadcast_in_dim3A_736 : i32 to vector<16xi32>
          %swap3A_738 = arith.constant 112 : index
          %swap3A_739 = tpu.vector_load %arg17[%swap3A_738] {strides = array<i32>} : memref<128xi32, #tpu.memory_space<vmem>>, vector<16xi32>,
          tpu.vector_store %arg17[%swap3A_738], %broadcast_in_dim3A_737 {strides = array<i32>} : memref<128xi32, #tpu.memory_space<vmem>>, vector<16xi32>,
        } else {
        }
        %eq3A_697 = arith.constant 128 : i32
        %eq3A_698 = arith.cmpi eq, %add3A_691, %eq3A_697 : i32
        %jit3A_699 = arith.constant 0 : i32
        %select_n3A_700 = arith.select %eq3A_698, %jit3A_699, %add3A_691 : i32
        scf.yield %select_n3A_700 : i32
      }
      scf.yield %while3A_649 : i32
    } else {
      scf.yield %while3A_302 : i32
    }
    %gt3A = arith.constant 0 : i32
    %gt3A_312 = arith.cmpi sgt, %cond3A_311, %gt3A : i32
    %convert_element_type3A_313 = arith.extui %gt3A_312 : i1 to i32
    %cond3A_314 = arith.constant 0 : i32
    %cond3A_315 = arith.cmpi ne, %convert_element_type3A_313, %cond3A_314 : i32
    scf.if %cond3A_315 {
      %dma_start3A_635 = arith.constant 0 : i32
      %dma_start3A_636 = arith.constant 0 : i32
      %dma_start3A_637 = arith.constant 0 : i32
      %dma_start3A_638 = tpu.memref_slice %arg8[%dma_start3A_635, %dma_start3A_636, %dma_start3A_637] : memref<16385x1x128xf32, #tpu.memory_space<hbm>> -> memref<16385x1x128xf32, #tpu.memory_space<hbm>>
      tpu.enqueue_indirect_dma source(%arg16 : memref<128x1x128xf32, #tpu.memory_space<vmem>>) target(%dma_start3A_638 : memref<16385x1x128xf32, #tpu.memory_space<hbm>>) offsets(%arg17 : memref<128xi32, #tpu.memory_space<vmem>>) semaphore(%arg19 : memref<!tpu.dma_semaphore, #tpu.memory_space<semaphore_mem>>)
      %dma_wait3A = arith.constant 0 : i32
      %dma_wait3A_639 = arith.constant 0 : i32
      %dma_wait3A_640 = arith.constant 0 : i32
      %dma_wait3A_641 = tpu.memref_slice %arg8[%dma_wait3A, %dma_wait3A_639, %dma_wait3A_640] : memref<16385x1x128xf32, #tpu.memory_space<hbm>> -> memref<16385x1x128xf32, #tpu.memory_space<hbm>>
      tpu.wait_indirect_dma semaphore(%arg19 : memref<!tpu.dma_semaphore, #tpu.memory_space<semaphore_mem>>) src(%arg16 : memref<128x1x128xf32, #tpu.memory_space<vmem>>) dst(%dma_wait3A_641 : memref<16385x1x128xf32, #tpu.memory_space<hbm>>)
      %broadcast_in_dim3A_642 = arith.constant 16384 : i32
      %broadcast_in_dim3A_643 = vector.broadcast %broadcast_in_dim3A_642 : i32 to vector<16xi32>
      %swap3A_644 = arith.constant 0 : index
      %swap3A_645 = tpu.vector_load %arg17[%swap3A_644] {strides = array<i32>} : memref<128xi32, #tpu.memory_space<vmem>>, vector<16xi32>,
      tpu.vector_store %arg17[%swap3A_644], %broadcast_in_dim3A_643 {strides = array<i32>} : memref<128xi32, #tpu.memory_space<vmem>>, vector<16xi32>,
      %broadcast_in_dim3A_646 = arith.constant 16384 : i32
      %broadcast_in_dim3A_647 = vector.broadcast %broadcast_in_dim3A_646 : i32 to vector<16xi32>
      %swap3A_648 = arith.constant 16 : index
      %swap3A_649 = tpu.vector_load %arg17[%swap3A_648] {strides = array<i32>} : memref<128xi32, #tpu.memory_space<vmem>>, vector<16xi32>,
      tpu.vector_store %arg17[%swap3A_648], %broadcast_in_dim3A_647 {strides = array<i32>} : memref<128xi32, #tpu.memory_space<vmem>>, vector<16xi32>,
      %broadcast_in_dim3A_650 = arith.constant 16384 : i32
      %broadcast_in_dim3A_651 = vector.broadcast %broadcast_in_dim3A_650 : i32 to vector<16xi32>
      %swap3A_652 = arith.constant 32 : index
      %swap3A_653 = tpu.vector_load %arg17[%swap3A_652] {strides = array<i32>} : memref<128xi32, #tpu.memory_space<vmem>>, vector<16xi32>,
      tpu.vector_store %arg17[%swap3A_652], %broadcast_in_dim3A_651 {strides = array<i32>} : memref<128xi32, #tpu.memory_space<vmem>>, vector<16xi32>,
      %broadcast_in_dim3A_654 = arith.constant 16384 : i32
      %broadcast_in_dim3A_655 = vector.broadcast %broadcast_in_dim3A_654 : i32 to vector<16xi32>
      %swap3A_656 = arith.constant 48 : index
      %swap3A_657 = tpu.vector_load %arg17[%swap3A_656] {strides = array<i32>} : memref<128xi32, #tpu.memory_space<vmem>>, vector<16xi32>,
      tpu.vector_store %arg17[%swap3A_656], %broadcast_in_dim3A_655 {strides = array<i32>} : memref<128xi32, #tpu.memory_space<vmem>>, vector<16xi32>,
      %broadcast_in_dim3A_658 = arith.constant 16384 : i32
      %broadcast_in_dim3A_659 = vector.broadcast %broadcast_in_dim3A_658 : i32 to vector<16xi32>
      %swap3A_660 = arith.constant 64 : index
      %swap3A_661 = tpu.vector_load %arg17[%swap3A_660] {strides = array<i32>} : memref<128xi32, #tpu.memory_space<vmem>>, vector<16xi32>,
      tpu.vector_store %arg17[%swap3A_660], %broadcast_in_dim3A_659 {strides = array<i32>} : memref<128xi32, #tpu.memory_space<vmem>>, vector<16xi32>,
      %broadcast_in_dim3A_662 = arith.constant 16384 : i32
      %broadcast_in_dim3A_663 = vector.broadcast %broadcast_in_dim3A_662 : i32 to vector<16xi32>
      %swap3A_664 = arith.constant 80 : index
      %swap3A_665 = tpu.vector_load %arg17[%swap3A_664] {strides = array<i32>} : memref<128xi32, #tpu.memory_space<vmem>>, vector<16xi32>,
      tpu.vector_store %arg17[%swap3A_664], %broadcast_in_dim3A_663 {strides = array<i32>} : memref<128xi32, #tpu.memory_space<vmem>>, vector<16xi32>,
      %broadcast_in_dim3A_666 = arith.constant 16384 : i32
      %broadcast_in_dim3A_667 = vector.broadcast %broadcast_in_dim3A_666 : i32 to vector<16xi32>
      %swap3A_668 = arith.constant 96 : index
      %swap3A_669 = tpu.vector_load %arg17[%swap3A_668] {strides = array<i32>} : memref<128xi32, #tpu.memory_space<vmem>>, vector<16xi32>,
      tpu.vector_store %arg17[%swap3A_668], %broadcast_in_dim3A_667 {strides = array<i32>} : memref<128xi32, #tpu.memory_space<vmem>>, vector<16xi32>,
      %broadcast_in_dim3A_670 = arith.constant 16384 : i32
      %broadcast_in_dim3A_671 = vector.broadcast %broadcast_in_dim3A_670 : i32 to vector<16xi32>
      %swap3A_672 = arith.constant 112 : index
      %swap3A_673 = tpu.vector_load %arg17[%swap3A_672] {strides = array<i32>} : memref<128xi32, #tpu.memory_space<vmem>>, vector<16xi32>,
      tpu.vector_store %arg17[%swap3A_672], %broadcast_in_dim3A_671 {strides = array<i32>} : memref<128xi32, #tpu.memory_space<vmem>>, vector<16xi32>,
    } else {
    }
    "tpu.region"() ({
      %run_scoped3A_635 = tpu.sem_alloc : memref<!tpu.dma_semaphore, #tpu.memory_space<semaphore_mem>>
      tpu.enqueue_dma source(%arg3 : memref<16384xi32, #tpu.memory_space<hbm>>) target(%arg10 : memref<16384xi32, #tpu.memory_space<vmem>>) target_semaphore(%run_scoped3A_635 : memref<!tpu.dma_semaphore, #tpu.memory_space<semaphore_mem>>)
      tpu.wait_dma2 semaphore(%run_scoped3A_635 : memref<!tpu.dma_semaphore, #tpu.memory_space<semaphore_mem>>) src(%arg3 : memref<16384xi32, #tpu.memory_space<hbm>>) dst(%arg10 : memref<16384xi32, #tpu.memory_space<vmem>>)
      tpu.yield
    }) : () -> ()
    %broadcast_in_dim3A_316 = arith.constant 0 : i32
    %broadcast_in_dim3A_317 = vector.broadcast %broadcast_in_dim3A_316 : i32 to vector<16xi32>
    %swap3A_318 = arith.constant 0 : index
    %swap3A_319 = tpu.vector_load %arg13[%swap3A_318] {strides = array<i32>} : memref<277xi32, #tpu.memory_space<vmem>>, vector<16xi32>,
    tpu.vector_store %arg13[%swap3A_318], %broadcast_in_dim3A_317 {strides = array<i32>} : memref<277xi32, #tpu.memory_space<vmem>>, vector<16xi32>,
    %broadcast_in_dim3A_320 = arith.constant 0 : i32
    %broadcast_in_dim3A_321 = vector.broadcast %broadcast_in_dim3A_320 : i32 to vector<16xi32>
    %swap3A_322 = arith.constant 16 : index
    %swap3A_323 = tpu.vector_load %arg13[%swap3A_322] {strides = array<i32>} : memref<277xi32, #tpu.memory_space<vmem>>, vector<16xi32>,
    tpu.vector_store %arg13[%swap3A_322], %broadcast_in_dim3A_321 {strides = array<i32>} : memref<277xi32, #tpu.memory_space<vmem>>, vector<16xi32>,
    %broadcast_in_dim3A_324 = arith.constant 0 : i32
    %broadcast_in_dim3A_325 = vector.broadcast %broadcast_in_dim3A_324 : i32 to vector<16xi32>
    %swap3A_326 = arith.constant 32 : index
    %swap3A_327 = tpu.vector_load %arg13[%swap3A_326] {strides = array<i32>} : memref<277xi32, #tpu.memory_space<vmem>>, vector<16xi32>,
    tpu.vector_store %arg13[%swap3A_326], %broadcast_in_dim3A_325 {strides = array<i32>} : memref<277xi32, #tpu.memory_space<vmem>>, vector<16xi32>,
    %broadcast_in_dim3A_328 = arith.constant 0 : i32
    %broadcast_in_dim3A_329 = vector.broadcast %broadcast_in_dim3A_328 : i32 to vector<16xi32>
    %swap3A_330 = arith.constant 48 : index
    %swap3A_331 = tpu.vector_load %arg13[%swap3A_330] {strides = array<i32>} : memref<277xi32, #tpu.memory_space<vmem>>, vector<16xi32>,
    tpu.vector_store %arg13[%swap3A_330], %broadcast_in_dim3A_329 {strides = array<i32>} : memref<277xi32, #tpu.memory_space<vmem>>, vector<16xi32>,
    %broadcast_in_dim3A_332 = arith.constant 0 : i32
    %broadcast_in_dim3A_333 = vector.broadcast %broadcast_in_dim3A_332 : i32 to vector<16xi32>
    %swap3A_334 = arith.constant 64 : index
    %swap3A_335 = tpu.vector_load %arg13[%swap3A_334] {strides = array<i32>} : memref<277xi32, #tpu.memory_space<vmem>>, vector<16xi32>,
    tpu.vector_store %arg13[%swap3A_334], %broadcast_in_dim3A_333 {strides = array<i32>} : memref<277xi32, #tpu.memory_space<vmem>>, vector<16xi32>,
    %broadcast_in_dim3A_336 = arith.constant 0 : i32
    %broadcast_in_dim3A_337 = vector.broadcast %broadcast_in_dim3A_336 : i32 to vector<16xi32>
    %swap3A_338 = arith.constant 80 : index
    %swap3A_339 = tpu.vector_load %arg13[%swap3A_338] {strides = array<i32>} : memref<277xi32, #tpu.memory_space<vmem>>, vector<16xi32>,
    tpu.vector_store %arg13[%swap3A_338], %broadcast_in_dim3A_337 {strides = array<i32>} : memref<277xi32, #tpu.memory_space<vmem>>, vector<16xi32>,
    %broadcast_in_dim3A_340 = arith.constant 0 : i32
    %broadcast_in_dim3A_341 = vector.broadcast %broadcast_in_dim3A_340 : i32 to vector<16xi32>
    %swap3A_342 = arith.constant 96 : index
    %swap3A_343 = tpu.vector_load %arg13[%swap3A_342] {strides = array<i32>} : memref<277xi32, #tpu.memory_space<vmem>>, vector<16xi32>,
    tpu.vector_store %arg13[%swap3A_342], %broadcast_in_dim3A_341 {strides = array<i32>} : memref<277xi32, #tpu.memory_space<vmem>>, vector<16xi32>,
    %broadcast_in_dim3A_344 = arith.constant 0 : i32
    %broadcast_in_dim3A_345 = vector.broadcast %broadcast_in_dim3A_344 : i32 to vector<16xi32>
    %swap3A_346 = arith.constant 112 : index
    %swap3A_347 = tpu.vector_load %arg13[%swap3A_346] {strides = array<i32>} : memref<277xi32, #tpu.memory_space<vmem>>, vector<16xi32>,
    tpu.vector_store %arg13[%swap3A_346], %broadcast_in_dim3A_345 {strides = array<i32>} : memref<277xi32, #tpu.memory_space<vmem>>, vector<16xi32>,
    %broadcast_in_dim3A_348 = arith.constant 0 : i32
    %broadcast_in_dim3A_349 = vector.broadcast %broadcast_in_dim3A_348 : i32 to vector<16xi32>
    %swap3A_350 = arith.constant 128 : index
    %swap3A_351 = tpu.vector_load %arg13[%swap3A_350] {strides = array<i32>} : memref<277xi32, #tpu.memory_space<vmem>>, vector<16xi32>,
    tpu.vector_store %arg13[%swap3A_350], %broadcast_in_dim3A_349 {strides = array<i32>} : memref<277xi32, #tpu.memory_space<vmem>>, vector<16xi32>,
    %broadcast_in_dim3A_352 = arith.constant 0 : i32
    %broadcast_in_dim3A_353 = vector.broadcast %broadcast_in_dim3A_352 : i32 to vector<16xi32>
    %swap3A_354 = arith.constant 144 : index
    %swap3A_355 = tpu.vector_load %arg13[%swap3A_354] {strides = array<i32>} : memref<277xi32, #tpu.memory_space<vmem>>, vector<16xi32>,
    tpu.vector_store %arg13[%swap3A_354], %broadcast_in_dim3A_353 {strides = array<i32>} : memref<277xi32, #tpu.memory_space<vmem>>, vector<16xi32>,
    %broadcast_in_dim3A_356 = arith.constant 0 : i32
    %broadcast_in_dim3A_357 = vector.broadcast %broadcast_in_dim3A_356 : i32 to vector<16xi32>
    %swap3A_358 = arith.constant 160 : index
    %swap3A_359 = tpu.vector_load %arg13[%swap3A_358] {strides = array<i32>} : memref<277xi32, #tpu.memory_space<vmem>>, vector<16xi32>,
    tpu.vector_store %arg13[%swap3A_358], %broadcast_in_dim3A_357 {strides = array<i32>} : memref<277xi32, #tpu.memory_space<vmem>>, vector<16xi32>,
    %broadcast_in_dim3A_360 = arith.constant 0 : i32
    %broadcast_in_dim3A_361 = vector.broadcast %broadcast_in_dim3A_360 : i32 to vector<16xi32>
    %swap3A_362 = arith.constant 176 : index
    %swap3A_363 = tpu.vector_load %arg13[%swap3A_362] {strides = array<i32>} : memref<277xi32, #tpu.memory_space<vmem>>, vector<16xi32>,
    tpu.vector_store %arg13[%swap3A_362], %broadcast_in_dim3A_361 {strides = array<i32>} : memref<277xi32, #tpu.memory_space<vmem>>, vector<16xi32>,
    %broadcast_in_dim3A_364 = arith.constant 0 : i32
    %broadcast_in_dim3A_365 = vector.broadcast %broadcast_in_dim3A_364 : i32 to vector<16xi32>
    %swap3A_366 = arith.constant 192 : index
    %swap3A_367 = tpu.vector_load %arg13[%swap3A_366] {strides = array<i32>} : memref<277xi32, #tpu.memory_space<vmem>>, vector<16xi32>,
    tpu.vector_store %arg13[%swap3A_366], %broadcast_in_dim3A_365 {strides = array<i32>} : memref<277xi32, #tpu.memory_space<vmem>>, vector<16xi32>,
    %broadcast_in_dim3A_368 = arith.constant 0 : i32
    %broadcast_in_dim3A_369 = vector.broadcast %broadcast_in_dim3A_368 : i32 to vector<16xi32>
    %swap3A_370 = arith.constant 208 : index
    %swap3A_371 = tpu.vector_load %arg13[%swap3A_370] {strides = array<i32>} : memref<277xi32, #tpu.memory_space<vmem>>, vector<16xi32>,
    tpu.vector_store %arg13[%swap3A_370], %broadcast_in_dim3A_369 {strides = array<i32>} : memref<277xi32, #tpu.memory_space<vmem>>, vector<16xi32>,
    %broadcast_in_dim3A_372 = arith.constant 0 : i32
    %broadcast_in_dim3A_373 = vector.broadcast %broadcast_in_dim3A_372 : i32 to vector<16xi32>
    %swap3A_374 = arith.constant 224 : index
    %swap3A_375 = tpu.vector_load %arg13[%swap3A_374] {strides = array<i32>} : memref<277xi32, #tpu.memory_space<vmem>>, vector<16xi32>,
    tpu.vector_store %arg13[%swap3A_374], %broadcast_in_dim3A_373 {strides = array<i32>} : memref<277xi32, #tpu.memory_space<vmem>>, vector<16xi32>,
    %broadcast_in_dim3A_376 = arith.constant 0 : i32
    %broadcast_in_dim3A_377 = vector.broadcast %broadcast_in_dim3A_376 : i32 to vector<16xi32>
    %swap3A_378 = arith.constant 240 : index
    %swap3A_379 = tpu.vector_load %arg13[%swap3A_378] {strides = array<i32>} : memref<277xi32, #tpu.memory_space<vmem>>, vector<16xi32>,
    tpu.vector_store %arg13[%swap3A_378], %broadcast_in_dim3A_377 {strides = array<i32>} : memref<277xi32, #tpu.memory_space<vmem>>, vector<16xi32>,
    %broadcast_in_dim3A_380 = arith.constant 0 : i32
    %broadcast_in_dim3A_381 = vector.broadcast %broadcast_in_dim3A_380 : i32 to vector<16xi32>
    %swap3A_382 = arith.constant 256 : index
    %swap3A_383 = tpu.vector_load %arg13[%swap3A_382] {strides = array<i32>} : memref<277xi32, #tpu.memory_space<vmem>>, vector<16xi32>,
    tpu.vector_store %arg13[%swap3A_382], %broadcast_in_dim3A_381 {strides = array<i32>} : memref<277xi32, #tpu.memory_space<vmem>>, vector<16xi32>,
    %broadcast_in_dim3A_384 = arith.constant 16384 : i32
    %broadcast_in_dim3A_385 = vector.broadcast %broadcast_in_dim3A_384 : i32 to vector<16xi32>
    %swap3A_386 = arith.constant 0 : index
    %swap3A_387 = tpu.vector_load %arg17[%swap3A_386] {strides = array<i32>} : memref<128xi32, #tpu.memory_space<vmem>>, vector<16xi32>,
    tpu.vector_store %arg17[%swap3A_386], %broadcast_in_dim3A_385 {strides = array<i32>} : memref<128xi32, #tpu.memory_space<vmem>>, vector<16xi32>,
    %broadcast_in_dim3A_388 = arith.constant 16384 : i32
    %broadcast_in_dim3A_389 = vector.broadcast %broadcast_in_dim3A_388 : i32 to vector<16xi32>
    %swap3A_390 = arith.constant 16 : index
    %swap3A_391 = tpu.vector_load %arg17[%swap3A_390] {strides = array<i32>} : memref<128xi32, #tpu.memory_space<vmem>>, vector<16xi32>,
    tpu.vector_store %arg17[%swap3A_390], %broadcast_in_dim3A_389 {strides = array<i32>} : memref<128xi32, #tpu.memory_space<vmem>>, vector<16xi32>,
    %broadcast_in_dim3A_392 = arith.constant 16384 : i32
    %broadcast_in_dim3A_393 = vector.broadcast %broadcast_in_dim3A_392 : i32 to vector<16xi32>
    %swap3A_394 = arith.constant 32 : index
    %swap3A_395 = tpu.vector_load %arg17[%swap3A_394] {strides = array<i32>} : memref<128xi32, #tpu.memory_space<vmem>>, vector<16xi32>,
    tpu.vector_store %arg17[%swap3A_394], %broadcast_in_dim3A_393 {strides = array<i32>} : memref<128xi32, #tpu.memory_space<vmem>>, vector<16xi32>,
    %broadcast_in_dim3A_396 = arith.constant 16384 : i32
    %broadcast_in_dim3A_397 = vector.broadcast %broadcast_in_dim3A_396 : i32 to vector<16xi32>
    %swap3A_398 = arith.constant 48 : index
    %swap3A_399 = tpu.vector_load %arg17[%swap3A_398] {strides = array<i32>} : memref<128xi32, #tpu.memory_space<vmem>>, vector<16xi32>,
    tpu.vector_store %arg17[%swap3A_398], %broadcast_in_dim3A_397 {strides = array<i32>} : memref<128xi32, #tpu.memory_space<vmem>>, vector<16xi32>,
    %broadcast_in_dim3A_400 = arith.constant 16384 : i32
    %broadcast_in_dim3A_401 = vector.broadcast %broadcast_in_dim3A_400 : i32 to vector<16xi32>
    %swap3A_402 = arith.constant 64 : index
    %swap3A_403 = tpu.vector_load %arg17[%swap3A_402] {strides = array<i32>} : memref<128xi32, #tpu.memory_space<vmem>>, vector<16xi32>,
    tpu.vector_store %arg17[%swap3A_402], %broadcast_in_dim3A_401 {strides = array<i32>} : memref<128xi32, #tpu.memory_space<vmem>>, vector<16xi32>,
    %broadcast_in_dim3A_404 = arith.constant 16384 : i32
    %broadcast_in_dim3A_405 = vector.broadcast %broadcast_in_dim3A_404 : i32 to vector<16xi32>
    %swap3A_406 = arith.constant 80 : index
    %swap3A_407 = tpu.vector_load %arg17[%swap3A_406] {strides = array<i32>} : memref<128xi32, #tpu.memory_space<vmem>>, vector<16xi32>,
    tpu.vector_store %arg17[%swap3A_406], %broadcast_in_dim3A_405 {strides = array<i32>} : memref<128xi32, #tpu.memory_space<vmem>>, vector<16xi32>,
    %broadcast_in_dim3A_408 = arith.constant 16384 : i32
    %broadcast_in_dim3A_409 = vector.broadcast %broadcast_in_dim3A_408 : i32 to vector<16xi32>
    %swap3A_410 = arith.constant 96 : index
    %swap3A_411 = tpu.vector_load %arg17[%swap3A_410] {strides = array<i32>} : memref<128xi32, #tpu.memory_space<vmem>>, vector<16xi32>,
    tpu.vector_store %arg17[%swap3A_410], %broadcast_in_dim3A_409 {strides = array<i32>} : memref<128xi32, #tpu.memory_space<vmem>>, vector<16xi32>,
    %broadcast_in_dim3A_412 = arith.constant 16384 : i32
    %broadcast_in_dim3A_413 = vector.broadcast %broadcast_in_dim3A_412 : i32 to vector<16xi32>
    %swap3A_414 = arith.constant 112 : index
    %swap3A_415 = tpu.vector_load %arg17[%swap3A_414] {strides = array<i32>} : memref<128xi32, #tpu.memory_space<vmem>>, vector<16xi32>,
    tpu.vector_store %arg17[%swap3A_414], %broadcast_in_dim3A_413 {strides = array<i32>} : memref<128xi32, #tpu.memory_space<vmem>>, vector<16xi32>,
    %scan3A_416 = arith.constant 0 : i32
    %scan3A_417 = arith.constant 0 : i32
    %scan3A_418 = arith.constant 512 : i32
    %scan3A_419 = arith.addi %scan3A_417, %scan3A_418 : i32
    %scan3A_420 = arith.constant 1 : i32
    scf.for %scan3A_635 = %scan3A_417 to %scan3A_419 step %scan3A_420  : i32 {
      %mul3A_636 = arith.constant 2 : i32
      %mul3A_637 = arith.muli %scan3A_635, %mul3A_636 : i32
      %mul3A_638 = arith.constant 16 : i32
      %mul3A_639 = arith.muli %mul3A_637, %mul3A_638 : i32
      %get3A_640 = arith.index_cast %mul3A_639 : i32 to index
      %get3A_641 = tpu.vector_load %arg10[%get3A_640] {strides = array<i32>} : memref<16384xi32, #tpu.memory_space<vmem>>, vector<16xi32>,
      %shift_right_arithmetic3A = arith.constant 7 : i32
      %shift_right_arithmetic3A_642 = vector.broadcast %shift_right_arithmetic3A : i32 to vector<16xi32>
      %shift_right_arithmetic3A_643 = arith.shrsi %get3A_641, %shift_right_arithmetic3A_642 : vector<16xi32>
      %sub3A_644 = vector.broadcast %mul3A_2 : i32 to vector<16xi32>
      %sub3A_645 = arith.subi %shift_right_arithmetic3A_643, %sub3A_644 : vector<16xi32>
      %ge3A = arith.constant 0 : i32
      %ge3A_646 = vector.broadcast %ge3A : i32 to vector<16xi32>
      %ge3A_647 = arith.cmpi sge, %sub3A_645, %ge3A_646 : vector<16xi32>
      %lt3A = vector.broadcast %select_n3A : i32 to vector<16xi32>
      %lt3A_648 = arith.cmpi slt, %sub3A_645, %lt3A : vector<16xi32>
      %and3A_649 = arith.andi %ge3A_647, %lt3A_648 : vector<16xi1>
      %jit3A_650 = arith.constant 0 : i32
      %jit3A_651 = arith.constant 244 : i32
      %max3A = vector.broadcast %jit3A_650 : i32 to vector<16xi32>
      %max3A_652 = arith.maxsi %max3A, %sub3A_645 : vector<16xi32>
      %min3A = vector.broadcast %jit3A_651 : i32 to vector<16xi32>
      %min3A_653 = arith.minsi %min3A, %max3A_652 : vector<16xi32>
      %unique3A, %unique3A_654 = tpu.scan_count mask(%and3A_649 : vector<16xi1>) value(%min3A_653 : vector<16xi32>) : vector<16xi1>, vector<16xi32>
      %gather3A = tpu.vector_load_idx %arg13[%min3A_653] masked %and3A_649 : memref<277xi32, #tpu.memory_space<vmem>>[vector<16xi32>], vector<16xi32>, vector<16xi1>
      %mul3A_655 = arith.constant 16 : i32
      %mul3A_656 = vector.broadcast %mul3A_655 : i32 to vector<16xi32>
      %mul3A_657 = arith.muli %min3A_653, %mul3A_656 : vector<16xi32>
      %add3A_658 = arith.addi %gather3A, %unique3A_654 : vector<16xi32>
      %sub3A_659 = arith.constant 1 : i32
      %sub3A_660 = vector.broadcast %sub3A_659 : i32 to vector<16xi32>
      %sub3A_661 = arith.subi %add3A_658, %sub3A_660 : vector<16xi32>
      %min3A_662 = arith.constant 15 : i32
      %min3A_663 = vector.broadcast %min3A_662 : i32 to vector<16xi32>
      %min3A_664 = arith.minsi %sub3A_661, %min3A_663 : vector<16xi32>
      %add3A_665 = arith.addi %mul3A_657, %min3A_664 : vector<16xi32>
      tpu.vector_store_idx %arg11[%add3A_665], %get3A_641 masked %and3A_649 : memref<3936xi32, #tpu.memory_space<vmem>>[vector<16xi32>], vector<16xi32>, vector<16xi1>
      %mul3A_666 = arith.constant 16 : i32
      %mul3A_667 = arith.muli %mul3A_637, %mul3A_666 : i32
      %add3A_668 = vector.broadcast %mul3A_667 : i32 to vector<16xi32>
      %add3A_669 = arith.addi %add3A_668, %iota3A : vector<16xi32>
      tpu.vector_store_idx %arg12[%add3A_665], %add3A_669 masked %and3A_649 : memref<3936xi32, #tpu.memory_space<vmem>>[vector<16xi32>], vector<16xi32>, vector<16xi1>
      tpu.vector_store_idx %arg13[%min3A_653], %broadcast_in_dim3A_3 masked %and3A_649 {add = true} : memref<277xi32, #tpu.memory_space<vmem>>[vector<16xi32>], vector<16xi32>, vector<16xi1>
      %mul3A_670 = arith.constant 2 : i32
      %mul3A_671 = arith.muli %scan3A_635, %mul3A_670 : i32
      %add3A_672 = arith.constant 1 : i32
      %add3A_673 = arith.addi %mul3A_671, %add3A_672 : i32
      %mul3A_674 = arith.constant 16 : i32
      %mul3A_675 = arith.muli %add3A_673, %mul3A_674 : i32
      %get3A_676 = arith.index_cast %mul3A_675 : i32 to index
      %get3A_677 = tpu.vector_load %arg10[%get3A_676] {strides = array<i32>} : memref<16384xi32, #tpu.memory_space<vmem>>, vector<16xi32>,
      %shift_right_arithmetic3A_678 = arith.constant 7 : i32
      %shift_right_arithmetic3A_679 = vector.broadcast %shift_right_arithmetic3A_678 : i32 to vector<16xi32>
      %shift_right_arithmetic3A_680 = arith.shrsi %get3A_677, %shift_right_arithmetic3A_679 : vector<16xi32>
      %sub3A_681 = vector.broadcast %mul3A_2 : i32 to vector<16xi32>
      %sub3A_682 = arith.subi %shift_right_arithmetic3A_680, %sub3A_681 : vector<16xi32>
      %ge3A_683 = arith.constant 0 : i32
      %ge3A_684 = vector.broadcast %ge3A_683 : i32 to vector<16xi32>
      %ge3A_685 = arith.cmpi sge, %sub3A_682, %ge3A_684 : vector<16xi32>
      %lt3A_686 = vector.broadcast %select_n3A : i32 to vector<16xi32>
      %lt3A_687 = arith.cmpi slt, %sub3A_682, %lt3A_686 : vector<16xi32>
      %and3A_688 = arith.andi %ge3A_685, %lt3A_687 : vector<16xi1>
      %jit3A_689 = arith.constant 0 : i32
      %jit3A_690 = arith.constant 244 : i32
      %max3A_691 = vector.broadcast %jit3A_689 : i32 to vector<16xi32>
      %max3A_692 = arith.maxsi %max3A_691, %sub3A_682 : vector<16xi32>
      %min3A_693 = vector.broadcast %jit3A_690 : i32 to vector<16xi32>
      %min3A_694 = arith.minsi %min3A_693, %max3A_692 : vector<16xi32>
      %unique3A_695, %unique3A_696 = tpu.scan_count mask(%and3A_688 : vector<16xi1>) value(%min3A_694 : vector<16xi32>) : vector<16xi1>, vector<16xi32>
      %gather3A_697 = tpu.vector_load_idx %arg13[%min3A_694] masked %and3A_688 : memref<277xi32, #tpu.memory_space<vmem>>[vector<16xi32>], vector<16xi32>, vector<16xi1>
      %mul3A_698 = arith.constant 16 : i32
      %mul3A_699 = vector.broadcast %mul3A_698 : i32 to vector<16xi32>
      %mul3A_700 = arith.muli %min3A_694, %mul3A_699 : vector<16xi32>
      %add3A_701 = arith.addi %gather3A_697, %unique3A_696 : vector<16xi32>
      %sub3A_702 = arith.constant 1 : i32
      %sub3A_703 = vector.broadcast %sub3A_702 : i32 to vector<16xi32>
      %sub3A_704 = arith.subi %add3A_701, %sub3A_703 : vector<16xi32>
      %min3A_705 = arith.constant 15 : i32
      %min3A_706 = vector.broadcast %min3A_705 : i32 to vector<16xi32>
      %min3A_707 = arith.minsi %sub3A_704, %min3A_706 : vector<16xi32>
      %add3A_708 = arith.addi %mul3A_700, %min3A_707 : vector<16xi32>
      tpu.vector_store_idx %arg11[%add3A_708], %get3A_677 masked %and3A_688 : memref<3936xi32, #tpu.memory_space<vmem>>[vector<16xi32>], vector<16xi32>, vector<16xi1>
      %mul3A_709 = arith.constant 16 : i32
      %mul3A_710 = arith.muli %add3A_673, %mul3A_709 : i32
      %add3A_711 = vector.broadcast %mul3A_710 : i32 to vector<16xi32>
      %add3A_712 = arith.addi %add3A_711, %iota3A : vector<16xi32>
      tpu.vector_store_idx %arg12[%add3A_708], %add3A_712 masked %and3A_688 : memref<3936xi32, #tpu.memory_space<vmem>>[vector<16xi32>], vector<16xi32>, vector<16xi1>
      tpu.vector_store_idx %arg13[%min3A_694], %broadcast_in_dim3A_3 masked %and3A_688 {add = true} : memref<277xi32, #tpu.memory_space<vmem>>[vector<16xi32>], vector<16xi32>, vector<16xi1>
    }
    %scan3A_421 = arith.constant 512 : i32
    %jit3A_422 = arith.constant 2 : i32
    %div3A_423 = arith.divsi %select_n3A_13, %jit3A_422 : i32
    %sign3A_424 = arith.constant 0 : i32
    %sign3A_425 = arith.cmpi sgt, %select_n3A_13, %sign3A_424 : i32
    %sign3A_426 = arith.extui %sign3A_425 : i1 to i32
    %sign3A_427 = arith.constant 0 : i32
    %sign3A_428 = arith.cmpi slt, %select_n3A_13, %sign3A_427 : i32
    %sign3A_429 = arith.extui %sign3A_428 : i1 to i32
    %sign3A_430 = arith.subi %sign3A_426, %sign3A_429 : i32
    %sign3A_431 = arith.constant 0 : i32
    %sign3A_432 = arith.cmpi sgt, %jit3A_422, %sign3A_431 : i32
    %sign3A_433 = arith.extui %sign3A_432 : i1 to i32
    %sign3A_434 = arith.constant 0 : i32
    %sign3A_435 = arith.cmpi slt, %jit3A_422, %sign3A_434 : i32
    %sign3A_436 = arith.extui %sign3A_435 : i1 to i32
    %sign3A_437 = arith.subi %sign3A_433, %sign3A_436 : i32
    %ne3A_438 = arith.cmpi ne, %sign3A_430, %sign3A_437 : i32
    %rem3A_439 = arith.remsi %select_n3A_13, %jit3A_422 : i32
    %ne3A_440 = arith.constant 0 : i32
    %ne3A_441 = arith.cmpi ne, %rem3A_439, %ne3A_440 : i32
    %and3A_442 = arith.andi %ne3A_438, %ne3A_441 : i1
    %sub3A_443 = arith.constant 1 : i32
    %sub3A_444 = arith.subi %div3A_423, %sub3A_443 : i32
    %select_n3A_445 = arith.select %and3A_442, %sub3A_444, %div3A_423 : i32
    %add3A_446 = arith.constant 0 : i32
    %add3A_447 = arith.addi %mul3A_2, %add3A_446 : i32
    %mul3A_448 = arith.constant 128 : i32
    %mul3A_449 = arith.muli %add3A_447, %mul3A_448 : i32
    %dma_start3A_450 = arith.constant 0 : i32
    %dma_start3A_451 = arith.constant 0 : i32
    %dma_start3A_452 = arith.constant 0 : i32
    %dma_start3A_453 = arith.constant 0 : i32
    %dma_start3A_454 = tpu.memref_slice %arg14[%dma_start3A_450, %dma_start3A_452, %dma_start3A_453] : memref<8x32x256xf32, #tpu.memory_space<vmem>> -> memref<1x32x256xf32, #tpu.memory_space<vmem>>
    %dma_start3A_455 = tpu.memref_squeeze %dma_start3A_454 : memref<1x32x256xf32, #tpu.memory_space<vmem>> -> memref<32x256xf32, #tpu.memory_space<vmem>>
    %dma_start3A_456 = arith.constant 0 : i32
    %dma_start3A_457 = tpu.memref_slice %arg5[%dma_start3A_456, %mul3A_449] : memref<32x1000000xf32, #tpu.memory_space<hbm>> -> memref<32x256xf32, #tpu.memory_space<hbm>>
    %dma_start3A_458 = tpu.memref_slice %arg18[%dma_start3A_451] : memref<8x!tpu.dma_semaphore, #tpu.memory_space<semaphore_mem>> -> memref<1x!tpu.dma_semaphore, #tpu.memory_space<semaphore_mem>>
    %dma_start3A_459 = tpu.memref_squeeze %dma_start3A_458 : memref<1x!tpu.dma_semaphore, #tpu.memory_space<semaphore_mem>> -> memref<!tpu.dma_semaphore, #tpu.memory_space<semaphore_mem>>
    %dma_start3A_460 = arith.constant 0 : i32
    %dma_start3A_461 = arith.constant 0 : i32
    %dma_start3A_462 = tpu.memref_slice %arg14[%dma_start3A_450, %dma_start3A_460, %dma_start3A_461] : memref<8x32x256xf32, #tpu.memory_space<vmem>> -> memref<1x32x256xf32, #tpu.memory_space<vmem>>
    %dma_start3A_463 = tpu.memref_squeeze %dma_start3A_462 : memref<1x32x256xf32, #tpu.memory_space<vmem>> -> memref<32x256xf32, #tpu.memory_space<vmem>>
    %dma_start3A_464 = arith.constant 0 : i32
    %dma_start3A_465 = tpu.memref_slice %arg5[%dma_start3A_464, %mul3A_449] : memref<32x1000000xf32, #tpu.memory_space<hbm>> -> memref<32x256xf32, #tpu.memory_space<hbm>>
    tpu.enqueue_dma source(%dma_start3A_465 : memref<32x256xf32, #tpu.memory_space<hbm>>) target(%dma_start3A_463 : memref<32x256xf32, #tpu.memory_space<vmem>>) target_semaphore(%dma_start3A_459 : memref<!tpu.dma_semaphore, #tpu.memory_space<semaphore_mem>>)
    %add3A_466 = arith.constant 2 : i32
    %add3A_467 = arith.addi %mul3A_2, %add3A_466 : i32
    %mul3A_468 = arith.constant 128 : i32
    %mul3A_469 = arith.muli %add3A_467, %mul3A_468 : i32
    %dma_start3A_470 = arith.constant 1 : i32
    %dma_start3A_471 = arith.constant 1 : i32
    %dma_start3A_472 = arith.constant 0 : i32
    %dma_start3A_473 = arith.constant 0 : i32
    %dma_start3A_474 = tpu.memref_slice %arg14[%dma_start3A_470, %dma_start3A_472, %dma_start3A_473] : memref<8x32x256xf32, #tpu.memory_space<vmem>> -> memref<1x32x256xf32, #tpu.memory_space<vmem>>
    %dma_start3A_475 = tpu.memref_squeeze %dma_start3A_474 : memref<1x32x256xf32, #tpu.memory_space<vmem>> -> memref<32x256xf32, #tpu.memory_space<vmem>>
    %dma_start3A_476 = arith.constant 0 : i32
    %dma_start3A_477 = tpu.memref_slice %arg5[%dma_start3A_476, %mul3A_469] : memref<32x1000000xf32, #tpu.memory_space<hbm>> -> memref<32x256xf32, #tpu.memory_space<hbm>>
    %dma_start3A_478 = tpu.memref_slice %arg18[%dma_start3A_471] : memref<8x!tpu.dma_semaphore, #tpu.memory_space<semaphore_mem>> -> memref<1x!tpu.dma_semaphore, #tpu.memory_space<semaphore_mem>>
    %dma_start3A_479 = tpu.memref_squeeze %dma_start3A_478 : memref<1x!tpu.dma_semaphore, #tpu.memory_space<semaphore_mem>> -> memref<!tpu.dma_semaphore, #tpu.memory_space<semaphore_mem>>
    %dma_start3A_480 = arith.constant 0 : i32
    %dma_start3A_481 = arith.constant 0 : i32
    %dma_start3A_482 = tpu.memref_slice %arg14[%dma_start3A_470, %dma_start3A_480, %dma_start3A_481] : memref<8x32x256xf32, #tpu.memory_space<vmem>> -> memref<1x32x256xf32, #tpu.memory_space<vmem>>
    %dma_start3A_483 = tpu.memref_squeeze %dma_start3A_482 : memref<1x32x256xf32, #tpu.memory_space<vmem>> -> memref<32x256xf32, #tpu.memory_space<vmem>>
    %dma_start3A_484 = arith.constant 0 : i32
    %dma_start3A_485 = tpu.memref_slice %arg5[%dma_start3A_484, %mul3A_469] : memref<32x1000000xf32, #tpu.memory_space<hbm>> -> memref<32x256xf32, #tpu.memory_space<hbm>>
    tpu.enqueue_dma source(%dma_start3A_485 : memref<32x256xf32, #tpu.memory_space<hbm>>) target(%dma_start3A_483 : memref<32x256xf32, #tpu.memory_space<vmem>>) target_semaphore(%dma_start3A_479 : memref<!tpu.dma_semaphore, #tpu.memory_space<semaphore_mem>>)
    %add3A_486 = arith.constant 4 : i32
    %add3A_487 = arith.addi %mul3A_2, %add3A_486 : i32
    %mul3A_488 = arith.constant 128 : i32
    %mul3A_489 = arith.muli %add3A_487, %mul3A_488 : i32
    %dma_start3A_490 = arith.constant 2 : i32
    %dma_start3A_491 = arith.constant 2 : i32
    %dma_start3A_492 = arith.constant 0 : i32
    %dma_start3A_493 = arith.constant 0 : i32
    %dma_start3A_494 = tpu.memref_slice %arg14[%dma_start3A_490, %dma_start3A_492, %dma_start3A_493] : memref<8x32x256xf32, #tpu.memory_space<vmem>> -> memref<1x32x256xf32, #tpu.memory_space<vmem>>
    %dma_start3A_495 = tpu.memref_squeeze %dma_start3A_494 : memref<1x32x256xf32, #tpu.memory_space<vmem>> -> memref<32x256xf32, #tpu.memory_space<vmem>>
    %dma_start3A_496 = arith.constant 0 : i32
    %dma_start3A_497 = tpu.memref_slice %arg5[%dma_start3A_496, %mul3A_489] : memref<32x1000000xf32, #tpu.memory_space<hbm>> -> memref<32x256xf32, #tpu.memory_space<hbm>>
    %dma_start3A_498 = tpu.memref_slice %arg18[%dma_start3A_491] : memref<8x!tpu.dma_semaphore, #tpu.memory_space<semaphore_mem>> -> memref<1x!tpu.dma_semaphore, #tpu.memory_space<semaphore_mem>>
    %dma_start3A_499 = tpu.memref_squeeze %dma_start3A_498 : memref<1x!tpu.dma_semaphore, #tpu.memory_space<semaphore_mem>> -> memref<!tpu.dma_semaphore, #tpu.memory_space<semaphore_mem>>
    %dma_start3A_500 = arith.constant 0 : i32
    %dma_start3A_501 = arith.constant 0 : i32
    %dma_start3A_502 = tpu.memref_slice %arg14[%dma_start3A_490, %dma_start3A_500, %dma_start3A_501] : memref<8x32x256xf32, #tpu.memory_space<vmem>> -> memref<1x32x256xf32, #tpu.memory_space<vmem>>
    %dma_start3A_503 = tpu.memref_squeeze %dma_start3A_502 : memref<1x32x256xf32, #tpu.memory_space<vmem>> -> memref<32x256xf32, #tpu.memory_space<vmem>>
    %dma_start3A_504 = arith.constant 0 : i32
    %dma_start3A_505 = tpu.memref_slice %arg5[%dma_start3A_504, %mul3A_489] : memref<32x1000000xf32, #tpu.memory_space<hbm>> -> memref<32x256xf32, #tpu.memory_space<hbm>>
    tpu.enqueue_dma source(%dma_start3A_505 : memref<32x256xf32, #tpu.memory_space<hbm>>) target(%dma_start3A_503 : memref<32x256xf32, #tpu.memory_space<vmem>>) target_semaphore(%dma_start3A_499 : memref<!tpu.dma_semaphore, #tpu.memory_space<semaphore_mem>>)
    %add3A_506 = arith.constant 6 : i32
    %add3A_507 = arith.addi %mul3A_2, %add3A_506 : i32
    %mul3A_508 = arith.constant 128 : i32
    %mul3A_509 = arith.muli %add3A_507, %mul3A_508 : i32
    %dma_start3A_510 = arith.constant 3 : i32
    %dma_start3A_511 = arith.constant 3 : i32
    %dma_start3A_512 = arith.constant 0 : i32
    %dma_start3A_513 = arith.constant 0 : i32
    %dma_start3A_514 = tpu.memref_slice %arg14[%dma_start3A_510, %dma_start3A_512, %dma_start3A_513] : memref<8x32x256xf32, #tpu.memory_space<vmem>> -> memref<1x32x256xf32, #tpu.memory_space<vmem>>
    %dma_start3A_515 = tpu.memref_squeeze %dma_start3A_514 : memref<1x32x256xf32, #tpu.memory_space<vmem>> -> memref<32x256xf32, #tpu.memory_space<vmem>>
    %dma_start3A_516 = arith.constant 0 : i32
    %dma_start3A_517 = tpu.memref_slice %arg5[%dma_start3A_516, %mul3A_509] : memref<32x1000000xf32, #tpu.memory_space<hbm>> -> memref<32x256xf32, #tpu.memory_space<hbm>>
    %dma_start3A_518 = tpu.memref_slice %arg18[%dma_start3A_511] : memref<8x!tpu.dma_semaphore, #tpu.memory_space<semaphore_mem>> -> memref<1x!tpu.dma_semaphore, #tpu.memory_space<semaphore_mem>>
    %dma_start3A_519 = tpu.memref_squeeze %dma_start3A_518 : memref<1x!tpu.dma_semaphore, #tpu.memory_space<semaphore_mem>> -> memref<!tpu.dma_semaphore, #tpu.memory_space<semaphore_mem>>
    %dma_start3A_520 = arith.constant 0 : i32
    %dma_start3A_521 = arith.constant 0 : i32
    %dma_start3A_522 = tpu.memref_slice %arg14[%dma_start3A_510, %dma_start3A_520, %dma_start3A_521] : memref<8x32x256xf32, #tpu.memory_space<vmem>> -> memref<1x32x256xf32, #tpu.memory_space<vmem>>
    %dma_start3A_523 = tpu.memref_squeeze %dma_start3A_522 : memref<1x32x256xf32, #tpu.memory_space<vmem>> -> memref<32x256xf32, #tpu.memory_space<vmem>>
    %dma_start3A_524 = arith.constant 0 : i32
    %dma_start3A_525 = tpu.memref_slice %arg5[%dma_start3A_524, %mul3A_509] : memref<32x1000000xf32, #tpu.memory_space<hbm>> -> memref<32x256xf32, #tpu.memory_space<hbm>>
    tpu.enqueue_dma source(%dma_start3A_525 : memref<32x256xf32, #tpu.memory_space<hbm>>) target(%dma_start3A_523 : memref<32x256xf32, #tpu.memory_space<vmem>>) target_semaphore(%dma_start3A_519 : memref<!tpu.dma_semaphore, #tpu.memory_space<semaphore_mem>>)
    %add3A_526 = arith.constant 8 : i32
    %add3A_527 = arith.addi %mul3A_2, %add3A_526 : i32
    %mul3A_528 = arith.constant 128 : i32
    %mul3A_529 = arith.muli %add3A_527, %mul3A_528 : i32
    %dma_start3A_530 = arith.constant 4 : i32
    %dma_start3A_531 = arith.constant 4 : i32
    %dma_start3A_532 = arith.constant 0 : i32
    %dma_start3A_533 = arith.constant 0 : i32
    %dma_start3A_534 = tpu.memref_slice %arg14[%dma_start3A_530, %dma_start3A_532, %dma_start3A_533] : memref<8x32x256xf32, #tpu.memory_space<vmem>> -> memref<1x32x256xf32, #tpu.memory_space<vmem>>
    %dma_start3A_535 = tpu.memref_squeeze %dma_start3A_534 : memref<1x32x256xf32, #tpu.memory_space<vmem>> -> memref<32x256xf32, #tpu.memory_space<vmem>>
    %dma_start3A_536 = arith.constant 0 : i32
    %dma_start3A_537 = tpu.memref_slice %arg5[%dma_start3A_536, %mul3A_529] : memref<32x1000000xf32, #tpu.memory_space<hbm>> -> memref<32x256xf32, #tpu.memory_space<hbm>>
    %dma_start3A_538 = tpu.memref_slice %arg18[%dma_start3A_531] : memref<8x!tpu.dma_semaphore, #tpu.memory_space<semaphore_mem>> -> memref<1x!tpu.dma_semaphore, #tpu.memory_space<semaphore_mem>>
    %dma_start3A_539 = tpu.memref_squeeze %dma_start3A_538 : memref<1x!tpu.dma_semaphore, #tpu.memory_space<semaphore_mem>> -> memref<!tpu.dma_semaphore, #tpu.memory_space<semaphore_mem>>
    %dma_start3A_540 = arith.constant 0 : i32
    %dma_start3A_541 = arith.constant 0 : i32
    %dma_start3A_542 = tpu.memref_slice %arg14[%dma_start3A_530, %dma_start3A_540, %dma_start3A_541] : memref<8x32x256xf32, #tpu.memory_space<vmem>> -> memref<1x32x256xf32, #tpu.memory_space<vmem>>
    %dma_start3A_543 = tpu.memref_squeeze %dma_start3A_542 : memref<1x32x256xf32, #tpu.memory_space<vmem>> -> memref<32x256xf32, #tpu.memory_space<vmem>>
    %dma_start3A_544 = arith.constant 0 : i32
    %dma_start3A_545 = tpu.memref_slice %arg5[%dma_start3A_544, %mul3A_529] : memref<32x1000000xf32, #tpu.memory_space<hbm>> -> memref<32x256xf32, #tpu.memory_space<hbm>>
    tpu.enqueue_dma source(%dma_start3A_545 : memref<32x256xf32, #tpu.memory_space<hbm>>) target(%dma_start3A_543 : memref<32x256xf32, #tpu.memory_space<vmem>>) target_semaphore(%dma_start3A_539 : memref<!tpu.dma_semaphore, #tpu.memory_space<semaphore_mem>>)
    %add3A_546 = arith.constant 10 : i32
    %add3A_547 = arith.addi %mul3A_2, %add3A_546 : i32
    %mul3A_548 = arith.constant 128 : i32
    %mul3A_549 = arith.muli %add3A_547, %mul3A_548 : i32
    %dma_start3A_550 = arith.constant 5 : i32
    %dma_start3A_551 = arith.constant 5 : i32
    %dma_start3A_552 = arith.constant 0 : i32
    %dma_start3A_553 = arith.constant 0 : i32
    %dma_start3A_554 = tpu.memref_slice %arg14[%dma_start3A_550, %dma_start3A_552, %dma_start3A_553] : memref<8x32x256xf32, #tpu.memory_space<vmem>> -> memref<1x32x256xf32, #tpu.memory_space<vmem>>
    %dma_start3A_555 = tpu.memref_squeeze %dma_start3A_554 : memref<1x32x256xf32, #tpu.memory_space<vmem>> -> memref<32x256xf32, #tpu.memory_space<vmem>>
    %dma_start3A_556 = arith.constant 0 : i32
    %dma_start3A_557 = tpu.memref_slice %arg5[%dma_start3A_556, %mul3A_549] : memref<32x1000000xf32, #tpu.memory_space<hbm>> -> memref<32x256xf32, #tpu.memory_space<hbm>>
    %dma_start3A_558 = tpu.memref_slice %arg18[%dma_start3A_551] : memref<8x!tpu.dma_semaphore, #tpu.memory_space<semaphore_mem>> -> memref<1x!tpu.dma_semaphore, #tpu.memory_space<semaphore_mem>>
    %dma_start3A_559 = tpu.memref_squeeze %dma_start3A_558 : memref<1x!tpu.dma_semaphore, #tpu.memory_space<semaphore_mem>> -> memref<!tpu.dma_semaphore, #tpu.memory_space<semaphore_mem>>
    %dma_start3A_560 = arith.constant 0 : i32
    %dma_start3A_561 = arith.constant 0 : i32
    %dma_start3A_562 = tpu.memref_slice %arg14[%dma_start3A_550, %dma_start3A_560, %dma_start3A_561] : memref<8x32x256xf32, #tpu.memory_space<vmem>> -> memref<1x32x256xf32, #tpu.memory_space<vmem>>
    %dma_start3A_563 = tpu.memref_squeeze %dma_start3A_562 : memref<1x32x256xf32, #tpu.memory_space<vmem>> -> memref<32x256xf32, #tpu.memory_space<vmem>>
    %dma_start3A_564 = arith.constant 0 : i32
    %dma_start3A_565 = tpu.memref_slice %arg5[%dma_start3A_564, %mul3A_549] : memref<32x1000000xf32, #tpu.memory_space<hbm>> -> memref<32x256xf32, #tpu.memory_space<hbm>>
    tpu.enqueue_dma source(%dma_start3A_565 : memref<32x256xf32, #tpu.memory_space<hbm>>) target(%dma_start3A_563 : memref<32x256xf32, #tpu.memory_space<vmem>>) target_semaphore(%dma_start3A_559 : memref<!tpu.dma_semaphore, #tpu.memory_space<semaphore_mem>>)
    %add3A_566 = arith.constant 12 : i32
    %add3A_567 = arith.addi %mul3A_2, %add3A_566 : i32
    %mul3A_568 = arith.constant 128 : i32
    %mul3A_569 = arith.muli %add3A_567, %mul3A_568 : i32
    %dma_start3A_570 = arith.constant 6 : i32
    %dma_start3A_571 = arith.constant 6 : i32
    %dma_start3A_572 = arith.constant 0 : i32
    %dma_start3A_573 = arith.constant 0 : i32
    %dma_start3A_574 = tpu.memref_slice %arg14[%dma_start3A_570, %dma_start3A_572, %dma_start3A_573] : memref<8x32x256xf32, #tpu.memory_space<vmem>> -> memref<1x32x256xf32, #tpu.memory_space<vmem>>
    %dma_start3A_575 = tpu.memref_squeeze %dma_start3A_574 : memref<1x32x256xf32, #tpu.memory_space<vmem>> -> memref<32x256xf32, #tpu.memory_space<vmem>>
    %dma_start3A_576 = arith.constant 0 : i32
    %dma_start3A_577 = tpu.memref_slice %arg5[%dma_start3A_576, %mul3A_569] : memref<32x1000000xf32, #tpu.memory_space<hbm>> -> memref<32x256xf32, #tpu.memory_space<hbm>>
    %dma_start3A_578 = tpu.memref_slice %arg18[%dma_start3A_571] : memref<8x!tpu.dma_semaphore, #tpu.memory_space<semaphore_mem>> -> memref<1x!tpu.dma_semaphore, #tpu.memory_space<semaphore_mem>>
    %dma_start3A_579 = tpu.memref_squeeze %dma_start3A_578 : memref<1x!tpu.dma_semaphore, #tpu.memory_space<semaphore_mem>> -> memref<!tpu.dma_semaphore, #tpu.memory_space<semaphore_mem>>
    %dma_start3A_580 = arith.constant 0 : i32
    %dma_start3A_581 = arith.constant 0 : i32
    %dma_start3A_582 = tpu.memref_slice %arg14[%dma_start3A_570, %dma_start3A_580, %dma_start3A_581] : memref<8x32x256xf32, #tpu.memory_space<vmem>> -> memref<1x32x256xf32, #tpu.memory_space<vmem>>
    %dma_start3A_583 = tpu.memref_squeeze %dma_start3A_582 : memref<1x32x256xf32, #tpu.memory_space<vmem>> -> memref<32x256xf32, #tpu.memory_space<vmem>>
    %dma_start3A_584 = arith.constant 0 : i32
    %dma_start3A_585 = tpu.memref_slice %arg5[%dma_start3A_584, %mul3A_569] : memref<32x1000000xf32, #tpu.memory_space<hbm>> -> memref<32x256xf32, #tpu.memory_space<hbm>>
    tpu.enqueue_dma source(%dma_start3A_585 : memref<32x256xf32, #tpu.memory_space<hbm>>) target(%dma_start3A_583 : memref<32x256xf32, #tpu.memory_space<vmem>>) target_semaphore(%dma_start3A_579 : memref<!tpu.dma_semaphore, #tpu.memory_space<semaphore_mem>>)
    %while3A_586 = arith.constant 0 : i32
    %while3A_587 = arith.constant 0 : i32
    %while3A_588 = arith.subi %select_n3A_445, %while3A_586 : i32
    %while3A_589 = arith.addi %while3A_586, %while3A_588 : i32
    %while3A_590 = arith.constant 1 : i32
    %while3A_591 = arith.divsi %while3A_588, %while3A_590 : i32
    %while3A_592 = arith.muli %while3A_591, %while3A_590 : i32
    %while3A_593 = arith.addi %while3A_586, %while3A_592 : i32
    %while3A_594 = arith.constant 1 : i32
    %while3A_595 = scf.for %while3A_635 = %while3A_586 to %while3A_593 step %while3A_594 iter_args(%while3A_636 = %while3A_587) -> (i32)  : i32 {
      %jit3A_637 = arith.constant 8 : i32
      %eq3A_638 = arith.constant 0 : i32
      %eq3A_639 = arith.cmpi eq, %jit3A_637, %eq3A_638 : i32
      %jit3A_640 = arith.constant 1 : i32
      %select_n3A_641 = arith.select %eq3A_639, %jit3A_640, %jit3A_637 : i32
      %rem3A_642 = arith.remsi %while3A_635, %select_n3A_641 : i32
      %ne3A_643 = arith.constant 0 : i32
      %ne3A_644 = arith.cmpi ne, %rem3A_642, %ne3A_643 : i32
      %lt3A = arith.constant 0 : i32
      %lt3A_645 = arith.cmpi slt, %rem3A_642, %lt3A : i32
      %lt3A_646 = arith.constant 0 : i32
      %lt3A_647 = arith.cmpi slt, %select_n3A_641, %lt3A_646 : i32
      %ne3A_648 = arith.xori %lt3A_645, %lt3A_647 : i1
      %and3A_649 = arith.andi %ne3A_648, %ne3A_644 : i1
      %add3A_650 = arith.addi %rem3A_642, %select_n3A_641 : i32
      %select_n3A_651 = arith.select %and3A_649, %add3A_650, %rem3A_642 : i32
      %add3A_652 = arith.constant 8 : i32
      %add3A_653 = arith.addi %while3A_635, %add3A_652 : i32
      %sub3A_654 = arith.constant 1 : i32
      %sub3A_655 = arith.subi %add3A_653, %sub3A_654 : i32
      %jit3A_656 = arith.constant 8 : i32
      %eq3A_657 = arith.constant 0 : i32
      %eq3A_658 = arith.cmpi eq, %jit3A_656, %eq3A_657 : i32
      %jit3A_659 = arith.constant 1 : i32
      %select_n3A_660 = arith.select %eq3A_658, %jit3A_659, %jit3A_656 : i32
      %rem3A_661 = arith.remsi %sub3A_655, %select_n3A_660 : i32
      %ne3A_662 = arith.constant 0 : i32
      %ne3A_663 = arith.cmpi ne, %rem3A_661, %ne3A_662 : i32
      %lt3A_664 = arith.constant 0 : i32
      %lt3A_665 = arith.cmpi slt, %rem3A_661, %lt3A_664 : i32
      %lt3A_666 = arith.constant 0 : i32
      %lt3A_667 = arith.cmpi slt, %select_n3A_660, %lt3A_666 : i32
      %ne3A_668 = arith.xori %lt3A_665, %lt3A_667 : i1
      %and3A_669 = arith.andi %ne3A_668, %ne3A_663 : i1
      %add3A_670 = arith.addi %rem3A_661, %select_n3A_660 : i32
      %select_n3A_671 = arith.select %and3A_669, %add3A_670, %rem3A_661 : i32
      %add3A_672 = arith.constant 8 : i32
      %add3A_673 = arith.addi %while3A_635, %add3A_672 : i32
      %sub3A_674 = arith.constant 1 : i32
      %sub3A_675 = arith.subi %add3A_673, %sub3A_674 : i32
      %lt3A_676 = arith.cmpi slt, %sub3A_675, %select_n3A_445 : i32
      %convert_element_type3A_677 = arith.extui %lt3A_676 : i1 to i32
      %cond3A_678 = arith.constant 0 : i32
      %cond3A_679 = arith.cmpi ne, %convert_element_type3A_677, %cond3A_678 : i32
      scf.if %cond3A_679 {
        %add3A_731 = arith.constant 8 : i32
        %add3A_732 = arith.addi %while3A_635, %add3A_731 : i32
        %sub3A_733 = arith.constant 1 : i32
        %sub3A_734 = arith.subi %add3A_732, %sub3A_733 : i32
        %mul3A_735 = arith.constant 2 : i32
        %mul3A_736 = arith.muli %mul3A_735, %sub3A_734 : i32
        %add3A_737 = arith.addi %mul3A_2, %mul3A_736 : i32
        %mul3A_738 = arith.constant 128 : i32
        %mul3A_739 = arith.muli %add3A_737, %mul3A_738 : i32
        %dma_start3A_740 = arith.constant 0 : i32
        %dma_start3A_741 = arith.constant 0 : i32
        %dma_start3A_742 = tpu.memref_slice %arg14[%select_n3A_671, %dma_start3A_740, %dma_start3A_741] : memref<8x32x256xf32, #tpu.memory_space<vmem>> -> memref<1x32x256xf32, #tpu.memory_space<vmem>>
        %dma_start3A_743 = tpu.memref_squeeze %dma_start3A_742 : memref<1x32x256xf32, #tpu.memory_space<vmem>> -> memref<32x256xf32, #tpu.memory_space<vmem>>
        %dma_start3A_744 = arith.constant 0 : i32
        %dma_start3A_745 = tpu.memref_slice %arg5[%dma_start3A_744, %mul3A_739] : memref<32x1000000xf32, #tpu.memory_space<hbm>> -> memref<32x256xf32, #tpu.memory_space<hbm>>
        %dma_start3A_746 = tpu.memref_slice %arg18[%select_n3A_671] : memref<8x!tpu.dma_semaphore, #tpu.memory_space<semaphore_mem>> -> memref<1x!tpu.dma_semaphore, #tpu.memory_space<semaphore_mem>>
        %dma_start3A_747 = tpu.memref_squeeze %dma_start3A_746 : memref<1x!tpu.dma_semaphore, #tpu.memory_space<semaphore_mem>> -> memref<!tpu.dma_semaphore, #tpu.memory_space<semaphore_mem>>
        %dma_start3A_748 = arith.constant 0 : i32
        %dma_start3A_749 = arith.constant 0 : i32
        %dma_start3A_750 = tpu.memref_slice %arg14[%select_n3A_671, %dma_start3A_748, %dma_start3A_749] : memref<8x32x256xf32, #tpu.memory_space<vmem>> -> memref<1x32x256xf32, #tpu.memory_space<vmem>>
        %dma_start3A_751 = tpu.memref_squeeze %dma_start3A_750 : memref<1x32x256xf32, #tpu.memory_space<vmem>> -> memref<32x256xf32, #tpu.memory_space<vmem>>
        %dma_start3A_752 = arith.constant 0 : i32
        %dma_start3A_753 = tpu.memref_slice %arg5[%dma_start3A_752, %mul3A_739] : memref<32x1000000xf32, #tpu.memory_space<hbm>> -> memref<32x256xf32, #tpu.memory_space<hbm>>
        tpu.enqueue_dma source(%dma_start3A_753 : memref<32x256xf32, #tpu.memory_space<hbm>>) target(%dma_start3A_751 : memref<32x256xf32, #tpu.memory_space<vmem>>) target_semaphore(%dma_start3A_747 : memref<!tpu.dma_semaphore, #tpu.memory_space<semaphore_mem>>)
      } else {
      }
      %dma_wait3A = arith.constant 0 : i32
      %dma_wait3A_680 = arith.constant 0 : i32
      %dma_wait3A_681 = tpu.memref_slice %arg14[%select_n3A_651, %dma_wait3A, %dma_wait3A_680] : memref<8x32x256xf32, #tpu.memory_space<vmem>> -> memref<1x32x256xf32, #tpu.memory_space<vmem>>
      %dma_wait3A_682 = tpu.memref_squeeze %dma_wait3A_681 : memref<1x32x256xf32, #tpu.memory_space<vmem>> -> memref<32x256xf32, #tpu.memory_space<vmem>>
      %dma_wait3A_683 = arith.constant 0 : i32
      %dma_wait3A_684 = arith.constant 0 : i32
      %dma_wait3A_685 = tpu.memref_slice %arg5[%dma_wait3A_683, %dma_wait3A_684] : memref<32x1000000xf32, #tpu.memory_space<hbm>> -> memref<32x256xf32, #tpu.memory_space<hbm>>
      %dma_wait3A_686 = tpu.memref_slice %arg18[%select_n3A_651] : memref<8x!tpu.dma_semaphore, #tpu.memory_space<semaphore_mem>> -> memref<1x!tpu.dma_semaphore, #tpu.memory_space<semaphore_mem>>
      %dma_wait3A_687 = tpu.memref_squeeze %dma_wait3A_686 : memref<1x!tpu.dma_semaphore, #tpu.memory_space<semaphore_mem>> -> memref<!tpu.dma_semaphore, #tpu.memory_space<semaphore_mem>>
      %dma_wait3A_688 = arith.constant 0 : i32
      %dma_wait3A_689 = arith.constant 0 : i32
      %dma_wait3A_690 = tpu.memref_slice %arg14[%select_n3A_651, %dma_wait3A_688, %dma_wait3A_689] : memref<8x32x256xf32, #tpu.memory_space<vmem>> -> memref<1x32x256xf32, #tpu.memory_space<vmem>>
      %dma_wait3A_691 = tpu.memref_squeeze %dma_wait3A_690 : memref<1x32x256xf32, #tpu.memory_space<vmem>> -> memref<32x256xf32, #tpu.memory_space<vmem>>
      %dma_wait3A_692 = arith.constant 0 : i32
      %dma_wait3A_693 = arith.constant 0 : i32
      %dma_wait3A_694 = tpu.memref_slice %arg5[%dma_wait3A_692, %dma_wait3A_693] : memref<32x1000000xf32, #tpu.memory_space<hbm>> -> memref<32x256xf32, #tpu.memory_space<hbm>>
      tpu.wait_dma2 semaphore(%dma_wait3A_687 : memref<!tpu.dma_semaphore, #tpu.memory_space<semaphore_mem>>) src(%dma_wait3A_694 : memref<32x256xf32, #tpu.memory_space<hbm>>) dst(%dma_wait3A_691 : memref<32x256xf32, #tpu.memory_space<vmem>>)
      %mul3A_695 = arith.constant 2 : i32
      %mul3A_696 = arith.muli %mul3A_695, %while3A_635 : i32
      %get3A_697 = arith.index_cast %mul3A_696 : i32 to index
      %get3A_698 = tpu.vector_load %arg13[%get3A_697] {strides = array<i32>} : memref<277xi32, #tpu.memory_space<vmem>>, vector<16xi32>,
      %slice3A_699 = vector.extract_strided_slice %get3A_698 {offsets = [0], sizes = [1], strides = [1]} : vector<16xi32> to vector<1xi32>
      %squeeze3A_700 = vector.extract %slice3A_699[0] : i32 from vector<1xi32>
      %while3A_701 = arith.constant 0 : i32
      %while3A_702 = arith.subi %squeeze3A_700, %while3A_701 : i32
      %while3A_703 = arith.addi %while3A_701, %while3A_702 : i32
      %while3A_704 = arith.constant 1 : i32
      %while3A_705 = arith.divsi %while3A_702, %while3A_704 : i32
      %while3A_706 = arith.muli %while3A_705, %while3A_704 : i32
      %while3A_707 = arith.addi %while3A_701, %while3A_706 : i32
      %while3A_708 = arith.constant 1 : i32
      %while3A_709 = scf.for %while3A_731 = %while3A_701 to %while3A_707 step %while3A_708 iter_args(%while3A_732 = %while3A_636) -> (i32)  : i32 {
        %mul3A_733 = arith.constant 16 : i32
        %mul3A_734 = arith.muli %mul3A_696, %mul3A_733 : i32
        %add3A_735 = arith.addi %mul3A_734, %while3A_731 : i32
        %broadcast_in_dim3A_736 = vector.broadcast %add3A_735 : i32 to vector<16xi32>
        %gather3A = tpu.vector_load_idx %arg11[%broadcast_in_dim3A_736] : memref<3936xi32, #tpu.memory_space<vmem>>[vector<16xi32>], vector<16xi32>,
        %slice3A_737 = vector.extract_strided_slice %gather3A {offsets = [0], sizes = [1], strides = [1]} : vector<16xi32> to vector<1xi32>
        %squeeze3A_738 = vector.extract %slice3A_737[0] : i32 from vector<1xi32>
        %mul3A_739 = arith.constant 16 : i32
        %mul3A_740 = arith.muli %mul3A_696, %mul3A_739 : i32
        %add3A_741 = arith.addi %mul3A_740, %while3A_731 : i32
        %broadcast_in_dim3A_742 = vector.broadcast %add3A_741 : i32 to vector<16xi32>
        %gather3A_743 = tpu.vector_load_idx %arg12[%broadcast_in_dim3A_742] : memref<3936xi32, #tpu.memory_space<vmem>>[vector<16xi32>], vector<16xi32>,
        %slice3A_744 = vector.extract_strided_slice %gather3A_743 {offsets = [0], sizes = [1], strides = [1]} : vector<16xi32> to vector<1xi32>
        %squeeze3A_745 = vector.extract %slice3A_744[0] : i32 from vector<1xi32>
        %and3A_746 = arith.constant 127 : i32
        %and3A_747 = arith.andi %squeeze3A_738, %and3A_746 : i32
        %broadcast_in_dim3A_748 = vector.broadcast %select_n3A_651 : i32 to vector<16xi32>
        %add3A_749 = arith.constant 0 : i32
        %add3A_750 = arith.addi %and3A_747, %add3A_749 : i32
        %broadcast_in_dim3A_751 = vector.broadcast %add3A_750 : i32 to vector<16xi32>
        %gather3A_752 = tpu.vector_load_idx %arg14[%broadcast_in_dim3A_748, %iota3A, %broadcast_in_dim3A_751] : memref<8x32x256xf32, #tpu.memory_space<vmem>>[vector<16xi32>, vector<16xi32>, vector<16xi32>], vector<16xf32>,
        %broadcast_in_dim3A_753 = vector.broadcast %select_n3A_651 : i32 to vector<16xi32>
        %add3A_754 = arith.constant 16 : i32
        %add3A_755 = vector.broadcast %add3A_754 : i32 to vector<16xi32>
        %add3A_756 = arith.addi %iota3A, %add3A_755 : vector<16xi32>
        %add3A_757 = arith.constant 0 : i32
        %add3A_758 = arith.addi %and3A_747, %add3A_757 : i32
        %broadcast_in_dim3A_759 = vector.broadcast %add3A_758 : i32 to vector<16xi32>
        %gather3A_760 = tpu.vector_load_idx %arg14[%broadcast_in_dim3A_753, %add3A_756, %broadcast_in_dim3A_759] : memref<8x32x256xf32, #tpu.memory_space<vmem>>[vector<16xi32>, vector<16xi32>, vector<16xi32>], vector<16xf32>,
        %swap3A_761 = arith.constant 0 : i32
        %swap3A_762 = arith.index_cast %while3A_732 : i32 to index
        %swap3A_763 = arith.index_cast %swap3A_761 : i32 to index
        %swap3A_764 = arith.constant 0 : index
        %swap3A_765 = tpu.vector_load %arg16[%swap3A_762, %swap3A_763, %swap3A_764] {strides = array<i32>} : memref<128x1x128xf32, #tpu.memory_space<vmem>>, vector<16xf32>,
        tpu.vector_store %arg16[%swap3A_762, %swap3A_763, %swap3A_764], %gather3A_752 {strides = array<i32>} : memref<128x1x128xf32, #tpu.memory_space<vmem>>, vector<16xf32>,
        %swap3A_766 = arith.constant 0 : i32
        %swap3A_767 = arith.index_cast %while3A_732 : i32 to index
        %swap3A_768 = arith.index_cast %swap3A_766 : i32 to index
        %swap3A_769 = arith.constant 16 : index
        %swap3A_770 = tpu.vector_load %arg16[%swap3A_767, %swap3A_768, %swap3A_769] {strides = array<i32>} : memref<128x1x128xf32, #tpu.memory_space<vmem>>, vector<16xf32>,
        tpu.vector_store %arg16[%swap3A_767, %swap3A_768, %swap3A_769], %gather3A_760 {strides = array<i32>} : memref<128x1x128xf32, #tpu.memory_space<vmem>>, vector<16xf32>,
        %broadcast_in_dim3A_771 = vector.broadcast %while3A_732 : i32 to vector<16xi32>
        %broadcast_in_dim3A_772 = vector.broadcast %squeeze3A_745 : i32 to vector<16xi32>
        tpu.vector_store_idx %arg17[%broadcast_in_dim3A_771], %broadcast_in_dim3A_772 masked %eq3A_5 : memref<128xi32, #tpu.memory_space<vmem>>[vector<16xi32>], vector<16xi32>, vector<16xi1>
        %add3A_773 = arith.constant 1 : i32
        %add3A_774 = arith.addi %while3A_732, %add3A_773 : i32
        %eq3A_775 = arith.constant 128 : i32
        %eq3A_776 = arith.cmpi eq, %add3A_774, %eq3A_775 : i32
        %convert_element_type3A_777 = arith.extui %eq3A_776 : i1 to i32
        %cond3A_778 = arith.constant 0 : i32
        %cond3A_779 = arith.cmpi ne, %convert_element_type3A_777, %cond3A_778 : i32
        scf.if %cond3A_779 {
          %dma_start3A_784 = arith.constant 0 : i32
          %dma_start3A_785 = arith.constant 0 : i32
          %dma_start3A_786 = arith.constant 0 : i32
          %dma_start3A_787 = tpu.memref_slice %arg9[%dma_start3A_784, %dma_start3A_785, %dma_start3A_786] : memref<16385x1x128xf32, #tpu.memory_space<hbm>> -> memref<16385x1x128xf32, #tpu.memory_space<hbm>>
          tpu.enqueue_indirect_dma source(%arg16 : memref<128x1x128xf32, #tpu.memory_space<vmem>>) target(%dma_start3A_787 : memref<16385x1x128xf32, #tpu.memory_space<hbm>>) offsets(%arg17 : memref<128xi32, #tpu.memory_space<vmem>>) semaphore(%arg19 : memref<!tpu.dma_semaphore, #tpu.memory_space<semaphore_mem>>)
          %dma_wait3A_788 = arith.constant 0 : i32
          %dma_wait3A_789 = arith.constant 0 : i32
          %dma_wait3A_790 = arith.constant 0 : i32
          %dma_wait3A_791 = tpu.memref_slice %arg9[%dma_wait3A_788, %dma_wait3A_789, %dma_wait3A_790] : memref<16385x1x128xf32, #tpu.memory_space<hbm>> -> memref<16385x1x128xf32, #tpu.memory_space<hbm>>
          tpu.wait_indirect_dma semaphore(%arg19 : memref<!tpu.dma_semaphore, #tpu.memory_space<semaphore_mem>>) src(%arg16 : memref<128x1x128xf32, #tpu.memory_space<vmem>>) dst(%dma_wait3A_791 : memref<16385x1x128xf32, #tpu.memory_space<hbm>>)
          %broadcast_in_dim3A_792 = arith.constant 16384 : i32
          %broadcast_in_dim3A_793 = vector.broadcast %broadcast_in_dim3A_792 : i32 to vector<16xi32>
          %swap3A_794 = arith.constant 0 : index
          %swap3A_795 = tpu.vector_load %arg17[%swap3A_794] {strides = array<i32>} : memref<128xi32, #tpu.memory_space<vmem>>, vector<16xi32>,
          tpu.vector_store %arg17[%swap3A_794], %broadcast_in_dim3A_793 {strides = array<i32>} : memref<128xi32, #tpu.memory_space<vmem>>, vector<16xi32>,
          %broadcast_in_dim3A_796 = arith.constant 16384 : i32
          %broadcast_in_dim3A_797 = vector.broadcast %broadcast_in_dim3A_796 : i32 to vector<16xi32>
          %swap3A_798 = arith.constant 16 : index
          %swap3A_799 = tpu.vector_load %arg17[%swap3A_798] {strides = array<i32>} : memref<128xi32, #tpu.memory_space<vmem>>, vector<16xi32>,
          tpu.vector_store %arg17[%swap3A_798], %broadcast_in_dim3A_797 {strides = array<i32>} : memref<128xi32, #tpu.memory_space<vmem>>, vector<16xi32>,
          %broadcast_in_dim3A_800 = arith.constant 16384 : i32
          %broadcast_in_dim3A_801 = vector.broadcast %broadcast_in_dim3A_800 : i32 to vector<16xi32>
          %swap3A_802 = arith.constant 32 : index
          %swap3A_803 = tpu.vector_load %arg17[%swap3A_802] {strides = array<i32>} : memref<128xi32, #tpu.memory_space<vmem>>, vector<16xi32>,
          tpu.vector_store %arg17[%swap3A_802], %broadcast_in_dim3A_801 {strides = array<i32>} : memref<128xi32, #tpu.memory_space<vmem>>, vector<16xi32>,
          %broadcast_in_dim3A_804 = arith.constant 16384 : i32
          %broadcast_in_dim3A_805 = vector.broadcast %broadcast_in_dim3A_804 : i32 to vector<16xi32>
          %swap3A_806 = arith.constant 48 : index
          %swap3A_807 = tpu.vector_load %arg17[%swap3A_806] {strides = array<i32>} : memref<128xi32, #tpu.memory_space<vmem>>, vector<16xi32>,
          tpu.vector_store %arg17[%swap3A_806], %broadcast_in_dim3A_805 {strides = array<i32>} : memref<128xi32, #tpu.memory_space<vmem>>, vector<16xi32>,
          %broadcast_in_dim3A_808 = arith.constant 16384 : i32
          %broadcast_in_dim3A_809 = vector.broadcast %broadcast_in_dim3A_808 : i32 to vector<16xi32>
          %swap3A_810 = arith.constant 64 : index
          %swap3A_811 = tpu.vector_load %arg17[%swap3A_810] {strides = array<i32>} : memref<128xi32, #tpu.memory_space<vmem>>, vector<16xi32>,
          tpu.vector_store %arg17[%swap3A_810], %broadcast_in_dim3A_809 {strides = array<i32>} : memref<128xi32, #tpu.memory_space<vmem>>, vector<16xi32>,
          %broadcast_in_dim3A_812 = arith.constant 16384 : i32
          %broadcast_in_dim3A_813 = vector.broadcast %broadcast_in_dim3A_812 : i32 to vector<16xi32>
          %swap3A_814 = arith.constant 80 : index
          %swap3A_815 = tpu.vector_load %arg17[%swap3A_814] {strides = array<i32>} : memref<128xi32, #tpu.memory_space<vmem>>, vector<16xi32>,
          tpu.vector_store %arg17[%swap3A_814], %broadcast_in_dim3A_813 {strides = array<i32>} : memref<128xi32, #tpu.memory_space<vmem>>, vector<16xi32>,
          %broadcast_in_dim3A_816 = arith.constant 16384 : i32
          %broadcast_in_dim3A_817 = vector.broadcast %broadcast_in_dim3A_816 : i32 to vector<16xi32>
          %swap3A_818 = arith.constant 96 : index
          %swap3A_819 = tpu.vector_load %arg17[%swap3A_818] {strides = array<i32>} : memref<128xi32, #tpu.memory_space<vmem>>, vector<16xi32>,
          tpu.vector_store %arg17[%swap3A_818], %broadcast_in_dim3A_817 {strides = array<i32>} : memref<128xi32, #tpu.memory_space<vmem>>, vector<16xi32>,
          %broadcast_in_dim3A_820 = arith.constant 16384 : i32
          %broadcast_in_dim3A_821 = vector.broadcast %broadcast_in_dim3A_820 : i32 to vector<16xi32>
          %swap3A_822 = arith.constant 112 : index
          %swap3A_823 = tpu.vector_load %arg17[%swap3A_822] {strides = array<i32>} : memref<128xi32, #tpu.memory_space<vmem>>, vector<16xi32>,
          tpu.vector_store %arg17[%swap3A_822], %broadcast_in_dim3A_821 {strides = array<i32>} : memref<128xi32, #tpu.memory_space<vmem>>, vector<16xi32>,
        } else {
        }
        %eq3A_780 = arith.constant 128 : i32
        %eq3A_781 = arith.cmpi eq, %add3A_774, %eq3A_780 : i32
        %jit3A_782 = arith.constant 0 : i32
        %select_n3A_783 = arith.select %eq3A_781, %jit3A_782, %add3A_774 : i32
        scf.yield %select_n3A_783 : i32
      }
      %while3A_710 = arith.constant 1 : i32
      %while3A_711 = scf.for %while3A_731 = %while3A_707 to %while3A_703 step %while3A_710 iter_args(%while3A_732 = %while3A_709) -> (i32)  : i32 {
        %mul3A_733 = arith.constant 16 : i32
        %mul3A_734 = arith.muli %mul3A_696, %mul3A_733 : i32
        %add3A_735 = arith.addi %mul3A_734, %while3A_731 : i32
        %broadcast_in_dim3A_736 = vector.broadcast %add3A_735 : i32 to vector<16xi32>
        %gather3A = tpu.vector_load_idx %arg11[%broadcast_in_dim3A_736] : memref<3936xi32, #tpu.memory_space<vmem>>[vector<16xi32>], vector<16xi32>,
        %slice3A_737 = vector.extract_strided_slice %gather3A {offsets = [0], sizes = [1], strides = [1]} : vector<16xi32> to vector<1xi32>
        %squeeze3A_738 = vector.extract %slice3A_737[0] : i32 from vector<1xi32>
        %mul3A_739 = arith.constant 16 : i32
        %mul3A_740 = arith.muli %mul3A_696, %mul3A_739 : i32
        %add3A_741 = arith.addi %mul3A_740, %while3A_731 : i32
        %broadcast_in_dim3A_742 = vector.broadcast %add3A_741 : i32 to vector<16xi32>
        %gather3A_743 = tpu.vector_load_idx %arg12[%broadcast_in_dim3A_742] : memref<3936xi32, #tpu.memory_space<vmem>>[vector<16xi32>], vector<16xi32>,
        %slice3A_744 = vector.extract_strided_slice %gather3A_743 {offsets = [0], sizes = [1], strides = [1]} : vector<16xi32> to vector<1xi32>
        %squeeze3A_745 = vector.extract %slice3A_744[0] : i32 from vector<1xi32>
        %and3A_746 = arith.constant 127 : i32
        %and3A_747 = arith.andi %squeeze3A_738, %and3A_746 : i32
        %broadcast_in_dim3A_748 = vector.broadcast %select_n3A_651 : i32 to vector<16xi32>
        %add3A_749 = arith.constant 0 : i32
        %add3A_750 = arith.addi %and3A_747, %add3A_749 : i32
        %broadcast_in_dim3A_751 = vector.broadcast %add3A_750 : i32 to vector<16xi32>
        %gather3A_752 = tpu.vector_load_idx %arg14[%broadcast_in_dim3A_748, %iota3A, %broadcast_in_dim3A_751] : memref<8x32x256xf32, #tpu.memory_space<vmem>>[vector<16xi32>, vector<16xi32>, vector<16xi32>], vector<16xf32>,
        %broadcast_in_dim3A_753 = vector.broadcast %select_n3A_651 : i32 to vector<16xi32>
        %add3A_754 = arith.constant 16 : i32
        %add3A_755 = vector.broadcast %add3A_754 : i32 to vector<16xi32>
        %add3A_756 = arith.addi %iota3A, %add3A_755 : vector<16xi32>
        %add3A_757 = arith.constant 0 : i32
        %add3A_758 = arith.addi %and3A_747, %add3A_757 : i32
        %broadcast_in_dim3A_759 = vector.broadcast %add3A_758 : i32 to vector<16xi32>
        %gather3A_760 = tpu.vector_load_idx %arg14[%broadcast_in_dim3A_753, %add3A_756, %broadcast_in_dim3A_759] : memref<8x32x256xf32, #tpu.memory_space<vmem>>[vector<16xi32>, vector<16xi32>, vector<16xi32>], vector<16xf32>,
        %swap3A_761 = arith.constant 0 : i32
        %swap3A_762 = arith.index_cast %while3A_732 : i32 to index
        %swap3A_763 = arith.index_cast %swap3A_761 : i32 to index
        %swap3A_764 = arith.constant 0 : index
        %swap3A_765 = tpu.vector_load %arg16[%swap3A_762, %swap3A_763, %swap3A_764] {strides = array<i32>} : memref<128x1x128xf32, #tpu.memory_space<vmem>>, vector<16xf32>,
        tpu.vector_store %arg16[%swap3A_762, %swap3A_763, %swap3A_764], %gather3A_752 {strides = array<i32>} : memref<128x1x128xf32, #tpu.memory_space<vmem>>, vector<16xf32>,
        %swap3A_766 = arith.constant 0 : i32
        %swap3A_767 = arith.index_cast %while3A_732 : i32 to index
        %swap3A_768 = arith.index_cast %swap3A_766 : i32 to index
        %swap3A_769 = arith.constant 16 : index
        %swap3A_770 = tpu.vector_load %arg16[%swap3A_767, %swap3A_768, %swap3A_769] {strides = array<i32>} : memref<128x1x128xf32, #tpu.memory_space<vmem>>, vector<16xf32>,
        tpu.vector_store %arg16[%swap3A_767, %swap3A_768, %swap3A_769], %gather3A_760 {strides = array<i32>} : memref<128x1x128xf32, #tpu.memory_space<vmem>>, vector<16xf32>,
        %broadcast_in_dim3A_771 = vector.broadcast %while3A_732 : i32 to vector<16xi32>
        %broadcast_in_dim3A_772 = vector.broadcast %squeeze3A_745 : i32 to vector<16xi32>
        tpu.vector_store_idx %arg17[%broadcast_in_dim3A_771], %broadcast_in_dim3A_772 masked %eq3A_5 : memref<128xi32, #tpu.memory_space<vmem>>[vector<16xi32>], vector<16xi32>, vector<16xi1>
        %add3A_773 = arith.constant 1 : i32
        %add3A_774 = arith.addi %while3A_732, %add3A_773 : i32
        %eq3A_775 = arith.constant 128 : i32
        %eq3A_776 = arith.cmpi eq, %add3A_774, %eq3A_775 : i32
        %convert_element_type3A_777 = arith.extui %eq3A_776 : i1 to i32
        %cond3A_778 = arith.constant 0 : i32
        %cond3A_779 = arith.cmpi ne, %convert_element_type3A_777, %cond3A_778 : i32
        scf.if %cond3A_779 {
          %dma_start3A_784 = arith.constant 0 : i32
          %dma_start3A_785 = arith.constant 0 : i32
          %dma_start3A_786 = arith.constant 0 : i32
          %dma_start3A_787 = tpu.memref_slice %arg9[%dma_start3A_784, %dma_start3A_785, %dma_start3A_786] : memref<16385x1x128xf32, #tpu.memory_space<hbm>> -> memref<16385x1x128xf32, #tpu.memory_space<hbm>>
          tpu.enqueue_indirect_dma source(%arg16 : memref<128x1x128xf32, #tpu.memory_space<vmem>>) target(%dma_start3A_787 : memref<16385x1x128xf32, #tpu.memory_space<hbm>>) offsets(%arg17 : memref<128xi32, #tpu.memory_space<vmem>>) semaphore(%arg19 : memref<!tpu.dma_semaphore, #tpu.memory_space<semaphore_mem>>)
          %dma_wait3A_788 = arith.constant 0 : i32
          %dma_wait3A_789 = arith.constant 0 : i32
          %dma_wait3A_790 = arith.constant 0 : i32
          %dma_wait3A_791 = tpu.memref_slice %arg9[%dma_wait3A_788, %dma_wait3A_789, %dma_wait3A_790] : memref<16385x1x128xf32, #tpu.memory_space<hbm>> -> memref<16385x1x128xf32, #tpu.memory_space<hbm>>
          tpu.wait_indirect_dma semaphore(%arg19 : memref<!tpu.dma_semaphore, #tpu.memory_space<semaphore_mem>>) src(%arg16 : memref<128x1x128xf32, #tpu.memory_space<vmem>>) dst(%dma_wait3A_791 : memref<16385x1x128xf32, #tpu.memory_space<hbm>>)
          %broadcast_in_dim3A_792 = arith.constant 16384 : i32
          %broadcast_in_dim3A_793 = vector.broadcast %broadcast_in_dim3A_792 : i32 to vector<16xi32>
          %swap3A_794 = arith.constant 0 : index
          %swap3A_795 = tpu.vector_load %arg17[%swap3A_794] {strides = array<i32>} : memref<128xi32, #tpu.memory_space<vmem>>, vector<16xi32>,
          tpu.vector_store %arg17[%swap3A_794], %broadcast_in_dim3A_793 {strides = array<i32>} : memref<128xi32, #tpu.memory_space<vmem>>, vector<16xi32>,
          %broadcast_in_dim3A_796 = arith.constant 16384 : i32
          %broadcast_in_dim3A_797 = vector.broadcast %broadcast_in_dim3A_796 : i32 to vector<16xi32>
          %swap3A_798 = arith.constant 16 : index
          %swap3A_799 = tpu.vector_load %arg17[%swap3A_798] {strides = array<i32>} : memref<128xi32, #tpu.memory_space<vmem>>, vector<16xi32>,
          tpu.vector_store %arg17[%swap3A_798], %broadcast_in_dim3A_797 {strides = array<i32>} : memref<128xi32, #tpu.memory_space<vmem>>, vector<16xi32>,
          %broadcast_in_dim3A_800 = arith.constant 16384 : i32
          %broadcast_in_dim3A_801 = vector.broadcast %broadcast_in_dim3A_800 : i32 to vector<16xi32>
          %swap3A_802 = arith.constant 32 : index
          %swap3A_803 = tpu.vector_load %arg17[%swap3A_802] {strides = array<i32>} : memref<128xi32, #tpu.memory_space<vmem>>, vector<16xi32>,
          tpu.vector_store %arg17[%swap3A_802], %broadcast_in_dim3A_801 {strides = array<i32>} : memref<128xi32, #tpu.memory_space<vmem>>, vector<16xi32>,
          %broadcast_in_dim3A_804 = arith.constant 16384 : i32
          %broadcast_in_dim3A_805 = vector.broadcast %broadcast_in_dim3A_804 : i32 to vector<16xi32>
          %swap3A_806 = arith.constant 48 : index
          %swap3A_807 = tpu.vector_load %arg17[%swap3A_806] {strides = array<i32>} : memref<128xi32, #tpu.memory_space<vmem>>, vector<16xi32>,
          tpu.vector_store %arg17[%swap3A_806], %broadcast_in_dim3A_805 {strides = array<i32>} : memref<128xi32, #tpu.memory_space<vmem>>, vector<16xi32>,
          %broadcast_in_dim3A_808 = arith.constant 16384 : i32
          %broadcast_in_dim3A_809 = vector.broadcast %broadcast_in_dim3A_808 : i32 to vector<16xi32>
          %swap3A_810 = arith.constant 64 : index
          %swap3A_811 = tpu.vector_load %arg17[%swap3A_810] {strides = array<i32>} : memref<128xi32, #tpu.memory_space<vmem>>, vector<16xi32>,
          tpu.vector_store %arg17[%swap3A_810], %broadcast_in_dim3A_809 {strides = array<i32>} : memref<128xi32, #tpu.memory_space<vmem>>, vector<16xi32>,
          %broadcast_in_dim3A_812 = arith.constant 16384 : i32
          %broadcast_in_dim3A_813 = vector.broadcast %broadcast_in_dim3A_812 : i32 to vector<16xi32>
          %swap3A_814 = arith.constant 80 : index
          %swap3A_815 = tpu.vector_load %arg17[%swap3A_814] {strides = array<i32>} : memref<128xi32, #tpu.memory_space<vmem>>, vector<16xi32>,
          tpu.vector_store %arg17[%swap3A_814], %broadcast_in_dim3A_813 {strides = array<i32>} : memref<128xi32, #tpu.memory_space<vmem>>, vector<16xi32>,
          %broadcast_in_dim3A_816 = arith.constant 16384 : i32
          %broadcast_in_dim3A_817 = vector.broadcast %broadcast_in_dim3A_816 : i32 to vector<16xi32>
          %swap3A_818 = arith.constant 96 : index
          %swap3A_819 = tpu.vector_load %arg17[%swap3A_818] {strides = array<i32>} : memref<128xi32, #tpu.memory_space<vmem>>, vector<16xi32>,
          tpu.vector_store %arg17[%swap3A_818], %broadcast_in_dim3A_817 {strides = array<i32>} : memref<128xi32, #tpu.memory_space<vmem>>, vector<16xi32>,
          %broadcast_in_dim3A_820 = arith.constant 16384 : i32
          %broadcast_in_dim3A_821 = vector.broadcast %broadcast_in_dim3A_820 : i32 to vector<16xi32>
          %swap3A_822 = arith.constant 112 : index
          %swap3A_823 = tpu.vector_load %arg17[%swap3A_822] {strides = array<i32>} : memref<128xi32, #tpu.memory_space<vmem>>, vector<16xi32>,
          tpu.vector_store %arg17[%swap3A_822], %broadcast_in_dim3A_821 {strides = array<i32>} : memref<128xi32, #tpu.memory_space<vmem>>, vector<16xi32>,
        } else {
        }
        %eq3A_780 = arith.constant 128 : i32
        %eq3A_781 = arith.cmpi eq, %add3A_774, %eq3A_780 : i32
        %jit3A_782 = arith.constant 0 : i32
        %select_n3A_783 = arith.select %eq3A_781, %jit3A_782, %add3A_774 : i32
        scf.yield %select_n3A_783 : i32
      }
      %mul3A_712 = arith.constant 2 : i32
      %mul3A_713 = arith.muli %mul3A_712, %while3A_635 : i32
      %add3A_714 = arith.constant 1 : i32
      %add3A_715 = arith.addi %mul3A_713, %add3A_714 : i32
      %get3A_716 = arith.index_cast %add3A_715 : i32 to index
      %get3A_717 = tpu.vector_load %arg13[%get3A_716] {strides = array<i32>} : memref<277xi32, #tpu.memory_space<vmem>>, vector<16xi32>,
      %slice3A_718 = vector.extract_strided_slice %get3A_717 {offsets = [0], sizes = [1], strides = [1]} : vector<16xi32> to vector<1xi32>
      %squeeze3A_719 = vector.extract %slice3A_718[0] : i32 from vector<1xi32>
      %while3A_720 = arith.constant 0 : i32
      %while3A_721 = arith.subi %squeeze3A_719, %while3A_720 : i32
      %while3A_722 = arith.addi %while3A_720, %while3A_721 : i32
      %while3A_723 = arith.constant 1 : i32
      %while3A_724 = arith.divsi %while3A_721, %while3A_723 : i32
      %while3A_725 = arith.muli %while3A_724, %while3A_723 : i32
      %while3A_726 = arith.addi %while3A_720, %while3A_725 : i32
      %while3A_727 = arith.constant 1 : i32
      %while3A_728 = scf.for %while3A_731 = %while3A_720 to %while3A_726 step %while3A_727 iter_args(%while3A_732 = %while3A_711) -> (i32)  : i32 {
        %mul3A_733 = arith.constant 16 : i32
        %mul3A_734 = arith.muli %add3A_715, %mul3A_733 : i32
        %add3A_735 = arith.addi %mul3A_734, %while3A_731 : i32
        %broadcast_in_dim3A_736 = vector.broadcast %add3A_735 : i32 to vector<16xi32>
        %gather3A = tpu.vector_load_idx %arg11[%broadcast_in_dim3A_736] : memref<3936xi32, #tpu.memory_space<vmem>>[vector<16xi32>], vector<16xi32>,
        %slice3A_737 = vector.extract_strided_slice %gather3A {offsets = [0], sizes = [1], strides = [1]} : vector<16xi32> to vector<1xi32>
        %squeeze3A_738 = vector.extract %slice3A_737[0] : i32 from vector<1xi32>
        %mul3A_739 = arith.constant 16 : i32
        %mul3A_740 = arith.muli %add3A_715, %mul3A_739 : i32
        %add3A_741 = arith.addi %mul3A_740, %while3A_731 : i32
        %broadcast_in_dim3A_742 = vector.broadcast %add3A_741 : i32 to vector<16xi32>
        %gather3A_743 = tpu.vector_load_idx %arg12[%broadcast_in_dim3A_742] : memref<3936xi32, #tpu.memory_space<vmem>>[vector<16xi32>], vector<16xi32>,
        %slice3A_744 = vector.extract_strided_slice %gather3A_743 {offsets = [0], sizes = [1], strides = [1]} : vector<16xi32> to vector<1xi32>
        %squeeze3A_745 = vector.extract %slice3A_744[0] : i32 from vector<1xi32>
        %and3A_746 = arith.constant 127 : i32
        %and3A_747 = arith.andi %squeeze3A_738, %and3A_746 : i32
        %broadcast_in_dim3A_748 = vector.broadcast %select_n3A_651 : i32 to vector<16xi32>
        %add3A_749 = arith.constant 128 : i32
        %add3A_750 = arith.addi %and3A_747, %add3A_749 : i32
        %broadcast_in_dim3A_751 = vector.broadcast %add3A_750 : i32 to vector<16xi32>
        %gather3A_752 = tpu.vector_load_idx %arg14[%broadcast_in_dim3A_748, %iota3A, %broadcast_in_dim3A_751] : memref<8x32x256xf32, #tpu.memory_space<vmem>>[vector<16xi32>, vector<16xi32>, vector<16xi32>], vector<16xf32>,
        %broadcast_in_dim3A_753 = vector.broadcast %select_n3A_651 : i32 to vector<16xi32>
        %add3A_754 = arith.constant 16 : i32
        %add3A_755 = vector.broadcast %add3A_754 : i32 to vector<16xi32>
        %add3A_756 = arith.addi %iota3A, %add3A_755 : vector<16xi32>
        %add3A_757 = arith.constant 128 : i32
        %add3A_758 = arith.addi %and3A_747, %add3A_757 : i32
        %broadcast_in_dim3A_759 = vector.broadcast %add3A_758 : i32 to vector<16xi32>
        %gather3A_760 = tpu.vector_load_idx %arg14[%broadcast_in_dim3A_753, %add3A_756, %broadcast_in_dim3A_759] : memref<8x32x256xf32, #tpu.memory_space<vmem>>[vector<16xi32>, vector<16xi32>, vector<16xi32>], vector<16xf32>,
        %swap3A_761 = arith.constant 0 : i32
        %swap3A_762 = arith.index_cast %while3A_732 : i32 to index
        %swap3A_763 = arith.index_cast %swap3A_761 : i32 to index
        %swap3A_764 = arith.constant 0 : index
        %swap3A_765 = tpu.vector_load %arg16[%swap3A_762, %swap3A_763, %swap3A_764] {strides = array<i32>} : memref<128x1x128xf32, #tpu.memory_space<vmem>>, vector<16xf32>,
        tpu.vector_store %arg16[%swap3A_762, %swap3A_763, %swap3A_764], %gather3A_752 {strides = array<i32>} : memref<128x1x128xf32, #tpu.memory_space<vmem>>, vector<16xf32>,
        %swap3A_766 = arith.constant 0 : i32
        %swap3A_767 = arith.index_cast %while3A_732 : i32 to index
        %swap3A_768 = arith.index_cast %swap3A_766 : i32 to index
        %swap3A_769 = arith.constant 16 : index
        %swap3A_770 = tpu.vector_load %arg16[%swap3A_767, %swap3A_768, %swap3A_769] {strides = array<i32>} : memref<128x1x128xf32, #tpu.memory_space<vmem>>, vector<16xf32>,
        tpu.vector_store %arg16[%swap3A_767, %swap3A_768, %swap3A_769], %gather3A_760 {strides = array<i32>} : memref<128x1x128xf32, #tpu.memory_space<vmem>>, vector<16xf32>,
        %broadcast_in_dim3A_771 = vector.broadcast %while3A_732 : i32 to vector<16xi32>
        %broadcast_in_dim3A_772 = vector.broadcast %squeeze3A_745 : i32 to vector<16xi32>
        tpu.vector_store_idx %arg17[%broadcast_in_dim3A_771], %broadcast_in_dim3A_772 masked %eq3A_5 : memref<128xi32, #tpu.memory_space<vmem>>[vector<16xi32>], vector<16xi32>, vector<16xi1>
        %add3A_773 = arith.constant 1 : i32
        %add3A_774 = arith.addi %while3A_732, %add3A_773 : i32
        %eq3A_775 = arith.constant 128 : i32
        %eq3A_776 = arith.cmpi eq, %add3A_774, %eq3A_775 : i32
        %convert_element_type3A_777 = arith.extui %eq3A_776 : i1 to i32
        %cond3A_778 = arith.constant 0 : i32
        %cond3A_779 = arith.cmpi ne, %convert_element_type3A_777, %cond3A_778 : i32
        scf.if %cond3A_779 {
          %dma_start3A_784 = arith.constant 0 : i32
          %dma_start3A_785 = arith.constant 0 : i32
          %dma_start3A_786 = arith.constant 0 : i32
          %dma_start3A_787 = tpu.memref_slice %arg9[%dma_start3A_784, %dma_start3A_785, %dma_start3A_786] : memref<16385x1x128xf32, #tpu.memory_space<hbm>> -> memref<16385x1x128xf32, #tpu.memory_space<hbm>>
          tpu.enqueue_indirect_dma source(%arg16 : memref<128x1x128xf32, #tpu.memory_space<vmem>>) target(%dma_start3A_787 : memref<16385x1x128xf32, #tpu.memory_space<hbm>>) offsets(%arg17 : memref<128xi32, #tpu.memory_space<vmem>>) semaphore(%arg19 : memref<!tpu.dma_semaphore, #tpu.memory_space<semaphore_mem>>)
          %dma_wait3A_788 = arith.constant 0 : i32
          %dma_wait3A_789 = arith.constant 0 : i32
          %dma_wait3A_790 = arith.constant 0 : i32
          %dma_wait3A_791 = tpu.memref_slice %arg9[%dma_wait3A_788, %dma_wait3A_789, %dma_wait3A_790] : memref<16385x1x128xf32, #tpu.memory_space<hbm>> -> memref<16385x1x128xf32, #tpu.memory_space<hbm>>
          tpu.wait_indirect_dma semaphore(%arg19 : memref<!tpu.dma_semaphore, #tpu.memory_space<semaphore_mem>>) src(%arg16 : memref<128x1x128xf32, #tpu.memory_space<vmem>>) dst(%dma_wait3A_791 : memref<16385x1x128xf32, #tpu.memory_space<hbm>>)
          %broadcast_in_dim3A_792 = arith.constant 16384 : i32
          %broadcast_in_dim3A_793 = vector.broadcast %broadcast_in_dim3A_792 : i32 to vector<16xi32>
          %swap3A_794 = arith.constant 0 : index
          %swap3A_795 = tpu.vector_load %arg17[%swap3A_794] {strides = array<i32>} : memref<128xi32, #tpu.memory_space<vmem>>, vector<16xi32>,
          tpu.vector_store %arg17[%swap3A_794], %broadcast_in_dim3A_793 {strides = array<i32>} : memref<128xi32, #tpu.memory_space<vmem>>, vector<16xi32>,
          %broadcast_in_dim3A_796 = arith.constant 16384 : i32
          %broadcast_in_dim3A_797 = vector.broadcast %broadcast_in_dim3A_796 : i32 to vector<16xi32>
          %swap3A_798 = arith.constant 16 : index
          %swap3A_799 = tpu.vector_load %arg17[%swap3A_798] {strides = array<i32>} : memref<128xi32, #tpu.memory_space<vmem>>, vector<16xi32>,
          tpu.vector_store %arg17[%swap3A_798], %broadcast_in_dim3A_797 {strides = array<i32>} : memref<128xi32, #tpu.memory_space<vmem>>, vector<16xi32>,
          %broadcast_in_dim3A_800 = arith.constant 16384 : i32
          %broadcast_in_dim3A_801 = vector.broadcast %broadcast_in_dim3A_800 : i32 to vector<16xi32>
          %swap3A_802 = arith.constant 32 : index
          %swap3A_803 = tpu.vector_load %arg17[%swap3A_802] {strides = array<i32>} : memref<128xi32, #tpu.memory_space<vmem>>, vector<16xi32>,
          tpu.vector_store %arg17[%swap3A_802], %broadcast_in_dim3A_801 {strides = array<i32>} : memref<128xi32, #tpu.memory_space<vmem>>, vector<16xi32>,
          %broadcast_in_dim3A_804 = arith.constant 16384 : i32
          %broadcast_in_dim3A_805 = vector.broadcast %broadcast_in_dim3A_804 : i32 to vector<16xi32>
          %swap3A_806 = arith.constant 48 : index
          %swap3A_807 = tpu.vector_load %arg17[%swap3A_806] {strides = array<i32>} : memref<128xi32, #tpu.memory_space<vmem>>, vector<16xi32>,
          tpu.vector_store %arg17[%swap3A_806], %broadcast_in_dim3A_805 {strides = array<i32>} : memref<128xi32, #tpu.memory_space<vmem>>, vector<16xi32>,
          %broadcast_in_dim3A_808 = arith.constant 16384 : i32
          %broadcast_in_dim3A_809 = vector.broadcast %broadcast_in_dim3A_808 : i32 to vector<16xi32>
          %swap3A_810 = arith.constant 64 : index
          %swap3A_811 = tpu.vector_load %arg17[%swap3A_810] {strides = array<i32>} : memref<128xi32, #tpu.memory_space<vmem>>, vector<16xi32>,
          tpu.vector_store %arg17[%swap3A_810], %broadcast_in_dim3A_809 {strides = array<i32>} : memref<128xi32, #tpu.memory_space<vmem>>, vector<16xi32>,
          %broadcast_in_dim3A_812 = arith.constant 16384 : i32
          %broadcast_in_dim3A_813 = vector.broadcast %broadcast_in_dim3A_812 : i32 to vector<16xi32>
          %swap3A_814 = arith.constant 80 : index
          %swap3A_815 = tpu.vector_load %arg17[%swap3A_814] {strides = array<i32>} : memref<128xi32, #tpu.memory_space<vmem>>, vector<16xi32>,
          tpu.vector_store %arg17[%swap3A_814], %broadcast_in_dim3A_813 {strides = array<i32>} : memref<128xi32, #tpu.memory_space<vmem>>, vector<16xi32>,
          %broadcast_in_dim3A_816 = arith.constant 16384 : i32
          %broadcast_in_dim3A_817 = vector.broadcast %broadcast_in_dim3A_816 : i32 to vector<16xi32>
          %swap3A_818 = arith.constant 96 : index
          %swap3A_819 = tpu.vector_load %arg17[%swap3A_818] {strides = array<i32>} : memref<128xi32, #tpu.memory_space<vmem>>, vector<16xi32>,
          tpu.vector_store %arg17[%swap3A_818], %broadcast_in_dim3A_817 {strides = array<i32>} : memref<128xi32, #tpu.memory_space<vmem>>, vector<16xi32>,
          %broadcast_in_dim3A_820 = arith.constant 16384 : i32
          %broadcast_in_dim3A_821 = vector.broadcast %broadcast_in_dim3A_820 : i32 to vector<16xi32>
          %swap3A_822 = arith.constant 112 : index
          %swap3A_823 = tpu.vector_load %arg17[%swap3A_822] {strides = array<i32>} : memref<128xi32, #tpu.memory_space<vmem>>, vector<16xi32>,
          tpu.vector_store %arg17[%swap3A_822], %broadcast_in_dim3A_821 {strides = array<i32>} : memref<128xi32, #tpu.memory_space<vmem>>, vector<16xi32>,
        } else {
        }
        %eq3A_780 = arith.constant 128 : i32
        %eq3A_781 = arith.cmpi eq, %add3A_774, %eq3A_780 : i32
        %jit3A_782 = arith.constant 0 : i32
        %select_n3A_783 = arith.select %eq3A_781, %jit3A_782, %add3A_774 : i32
        scf.yield %select_n3A_783 : i32
      }
      %while3A_729 = arith.constant 1 : i32
      %while3A_730 = scf.for %while3A_731 = %while3A_726 to %while3A_722 step %while3A_729 iter_args(%while3A_732 = %while3A_728) -> (i32)  : i32 {
        %mul3A_733 = arith.constant 16 : i32
        %mul3A_734 = arith.muli %add3A_715, %mul3A_733 : i32
        %add3A_735 = arith.addi %mul3A_734, %while3A_731 : i32
        %broadcast_in_dim3A_736 = vector.broadcast %add3A_735 : i32 to vector<16xi32>
        %gather3A = tpu.vector_load_idx %arg11[%broadcast_in_dim3A_736] : memref<3936xi32, #tpu.memory_space<vmem>>[vector<16xi32>], vector<16xi32>,
        %slice3A_737 = vector.extract_strided_slice %gather3A {offsets = [0], sizes = [1], strides = [1]} : vector<16xi32> to vector<1xi32>
        %squeeze3A_738 = vector.extract %slice3A_737[0] : i32 from vector<1xi32>
        %mul3A_739 = arith.constant 16 : i32
        %mul3A_740 = arith.muli %add3A_715, %mul3A_739 : i32
        %add3A_741 = arith.addi %mul3A_740, %while3A_731 : i32
        %broadcast_in_dim3A_742 = vector.broadcast %add3A_741 : i32 to vector<16xi32>
        %gather3A_743 = tpu.vector_load_idx %arg12[%broadcast_in_dim3A_742] : memref<3936xi32, #tpu.memory_space<vmem>>[vector<16xi32>], vector<16xi32>,
        %slice3A_744 = vector.extract_strided_slice %gather3A_743 {offsets = [0], sizes = [1], strides = [1]} : vector<16xi32> to vector<1xi32>
        %squeeze3A_745 = vector.extract %slice3A_744[0] : i32 from vector<1xi32>
        %and3A_746 = arith.constant 127 : i32
        %and3A_747 = arith.andi %squeeze3A_738, %and3A_746 : i32
        %broadcast_in_dim3A_748 = vector.broadcast %select_n3A_651 : i32 to vector<16xi32>
        %add3A_749 = arith.constant 128 : i32
        %add3A_750 = arith.addi %and3A_747, %add3A_749 : i32
        %broadcast_in_dim3A_751 = vector.broadcast %add3A_750 : i32 to vector<16xi32>
        %gather3A_752 = tpu.vector_load_idx %arg14[%broadcast_in_dim3A_748, %iota3A, %broadcast_in_dim3A_751] : memref<8x32x256xf32, #tpu.memory_space<vmem>>[vector<16xi32>, vector<16xi32>, vector<16xi32>], vector<16xf32>,
        %broadcast_in_dim3A_753 = vector.broadcast %select_n3A_651 : i32 to vector<16xi32>
        %add3A_754 = arith.constant 16 : i32
        %add3A_755 = vector.broadcast %add3A_754 : i32 to vector<16xi32>
        %add3A_756 = arith.addi %iota3A, %add3A_755 : vector<16xi32>
        %add3A_757 = arith.constant 128 : i32
        %add3A_758 = arith.addi %and3A_747, %add3A_757 : i32
        %broadcast_in_dim3A_759 = vector.broadcast %add3A_758 : i32 to vector<16xi32>
        %gather3A_760 = tpu.vector_load_idx %arg14[%broadcast_in_dim3A_753, %add3A_756, %broadcast_in_dim3A_759] : memref<8x32x256xf32, #tpu.memory_space<vmem>>[vector<16xi32>, vector<16xi32>, vector<16xi32>], vector<16xf32>,
        %swap3A_761 = arith.constant 0 : i32
        %swap3A_762 = arith.index_cast %while3A_732 : i32 to index
        %swap3A_763 = arith.index_cast %swap3A_761 : i32 to index
        %swap3A_764 = arith.constant 0 : index
        %swap3A_765 = tpu.vector_load %arg16[%swap3A_762, %swap3A_763, %swap3A_764] {strides = array<i32>} : memref<128x1x128xf32, #tpu.memory_space<vmem>>, vector<16xf32>,
        tpu.vector_store %arg16[%swap3A_762, %swap3A_763, %swap3A_764], %gather3A_752 {strides = array<i32>} : memref<128x1x128xf32, #tpu.memory_space<vmem>>, vector<16xf32>,
        %swap3A_766 = arith.constant 0 : i32
        %swap3A_767 = arith.index_cast %while3A_732 : i32 to index
        %swap3A_768 = arith.index_cast %swap3A_766 : i32 to index
        %swap3A_769 = arith.constant 16 : index
        %swap3A_770 = tpu.vector_load %arg16[%swap3A_767, %swap3A_768, %swap3A_769] {strides = array<i32>} : memref<128x1x128xf32, #tpu.memory_space<vmem>>, vector<16xf32>,
        tpu.vector_store %arg16[%swap3A_767, %swap3A_768, %swap3A_769], %gather3A_760 {strides = array<i32>} : memref<128x1x128xf32, #tpu.memory_space<vmem>>, vector<16xf32>,
        %broadcast_in_dim3A_771 = vector.broadcast %while3A_732 : i32 to vector<16xi32>
        %broadcast_in_dim3A_772 = vector.broadcast %squeeze3A_745 : i32 to vector<16xi32>
        tpu.vector_store_idx %arg17[%broadcast_in_dim3A_771], %broadcast_in_dim3A_772 masked %eq3A_5 : memref<128xi32, #tpu.memory_space<vmem>>[vector<16xi32>], vector<16xi32>, vector<16xi1>
        %add3A_773 = arith.constant 1 : i32
        %add3A_774 = arith.addi %while3A_732, %add3A_773 : i32
        %eq3A_775 = arith.constant 128 : i32
        %eq3A_776 = arith.cmpi eq, %add3A_774, %eq3A_775 : i32
        %convert_element_type3A_777 = arith.extui %eq3A_776 : i1 to i32
        %cond3A_778 = arith.constant 0 : i32
        %cond3A_779 = arith.cmpi ne, %convert_element_type3A_777, %cond3A_778 : i32
        scf.if %cond3A_779 {
          %dma_start3A_784 = arith.constant 0 : i32
          %dma_start3A_785 = arith.constant 0 : i32
          %dma_start3A_786 = arith.constant 0 : i32
          %dma_start3A_787 = tpu.memref_slice %arg9[%dma_start3A_784, %dma_start3A_785, %dma_start3A_786] : memref<16385x1x128xf32, #tpu.memory_space<hbm>> -> memref<16385x1x128xf32, #tpu.memory_space<hbm>>
          tpu.enqueue_indirect_dma source(%arg16 : memref<128x1x128xf32, #tpu.memory_space<vmem>>) target(%dma_start3A_787 : memref<16385x1x128xf32, #tpu.memory_space<hbm>>) offsets(%arg17 : memref<128xi32, #tpu.memory_space<vmem>>) semaphore(%arg19 : memref<!tpu.dma_semaphore, #tpu.memory_space<semaphore_mem>>)
          %dma_wait3A_788 = arith.constant 0 : i32
          %dma_wait3A_789 = arith.constant 0 : i32
          %dma_wait3A_790 = arith.constant 0 : i32
          %dma_wait3A_791 = tpu.memref_slice %arg9[%dma_wait3A_788, %dma_wait3A_789, %dma_wait3A_790] : memref<16385x1x128xf32, #tpu.memory_space<hbm>> -> memref<16385x1x128xf32, #tpu.memory_space<hbm>>
          tpu.wait_indirect_dma semaphore(%arg19 : memref<!tpu.dma_semaphore, #tpu.memory_space<semaphore_mem>>) src(%arg16 : memref<128x1x128xf32, #tpu.memory_space<vmem>>) dst(%dma_wait3A_791 : memref<16385x1x128xf32, #tpu.memory_space<hbm>>)
          %broadcast_in_dim3A_792 = arith.constant 16384 : i32
          %broadcast_in_dim3A_793 = vector.broadcast %broadcast_in_dim3A_792 : i32 to vector<16xi32>
          %swap3A_794 = arith.constant 0 : index
          %swap3A_795 = tpu.vector_load %arg17[%swap3A_794] {strides = array<i32>} : memref<128xi32, #tpu.memory_space<vmem>>, vector<16xi32>,
          tpu.vector_store %arg17[%swap3A_794], %broadcast_in_dim3A_793 {strides = array<i32>} : memref<128xi32, #tpu.memory_space<vmem>>, vector<16xi32>,
          %broadcast_in_dim3A_796 = arith.constant 16384 : i32
          %broadcast_in_dim3A_797 = vector.broadcast %broadcast_in_dim3A_796 : i32 to vector<16xi32>
          %swap3A_798 = arith.constant 16 : index
          %swap3A_799 = tpu.vector_load %arg17[%swap3A_798] {strides = array<i32>} : memref<128xi32, #tpu.memory_space<vmem>>, vector<16xi32>,
          tpu.vector_store %arg17[%swap3A_798], %broadcast_in_dim3A_797 {strides = array<i32>} : memref<128xi32, #tpu.memory_space<vmem>>, vector<16xi32>,
          %broadcast_in_dim3A_800 = arith.constant 16384 : i32
          %broadcast_in_dim3A_801 = vector.broadcast %broadcast_in_dim3A_800 : i32 to vector<16xi32>
          %swap3A_802 = arith.constant 32 : index
          %swap3A_803 = tpu.vector_load %arg17[%swap3A_802] {strides = array<i32>} : memref<128xi32, #tpu.memory_space<vmem>>, vector<16xi32>,
          tpu.vector_store %arg17[%swap3A_802], %broadcast_in_dim3A_801 {strides = array<i32>} : memref<128xi32, #tpu.memory_space<vmem>>, vector<16xi32>,
          %broadcast_in_dim3A_804 = arith.constant 16384 : i32
          %broadcast_in_dim3A_805 = vector.broadcast %broadcast_in_dim3A_804 : i32 to vector<16xi32>
          %swap3A_806 = arith.constant 48 : index
          %swap3A_807 = tpu.vector_load %arg17[%swap3A_806] {strides = array<i32>} : memref<128xi32, #tpu.memory_space<vmem>>, vector<16xi32>,
          tpu.vector_store %arg17[%swap3A_806], %broadcast_in_dim3A_805 {strides = array<i32>} : memref<128xi32, #tpu.memory_space<vmem>>, vector<16xi32>,
          %broadcast_in_dim3A_808 = arith.constant 16384 : i32
          %broadcast_in_dim3A_809 = vector.broadcast %broadcast_in_dim3A_808 : i32 to vector<16xi32>
          %swap3A_810 = arith.constant 64 : index
          %swap3A_811 = tpu.vector_load %arg17[%swap3A_810] {strides = array<i32>} : memref<128xi32, #tpu.memory_space<vmem>>, vector<16xi32>,
          tpu.vector_store %arg17[%swap3A_810], %broadcast_in_dim3A_809 {strides = array<i32>} : memref<128xi32, #tpu.memory_space<vmem>>, vector<16xi32>,
          %broadcast_in_dim3A_812 = arith.constant 16384 : i32
          %broadcast_in_dim3A_813 = vector.broadcast %broadcast_in_dim3A_812 : i32 to vector<16xi32>
          %swap3A_814 = arith.constant 80 : index
          %swap3A_815 = tpu.vector_load %arg17[%swap3A_814] {strides = array<i32>} : memref<128xi32, #tpu.memory_space<vmem>>, vector<16xi32>,
          tpu.vector_store %arg17[%swap3A_814], %broadcast_in_dim3A_813 {strides = array<i32>} : memref<128xi32, #tpu.memory_space<vmem>>, vector<16xi32>,
          %broadcast_in_dim3A_816 = arith.constant 16384 : i32
          %broadcast_in_dim3A_817 = vector.broadcast %broadcast_in_dim3A_816 : i32 to vector<16xi32>
          %swap3A_818 = arith.constant 96 : index
          %swap3A_819 = tpu.vector_load %arg17[%swap3A_818] {strides = array<i32>} : memref<128xi32, #tpu.memory_space<vmem>>, vector<16xi32>,
          tpu.vector_store %arg17[%swap3A_818], %broadcast_in_dim3A_817 {strides = array<i32>} : memref<128xi32, #tpu.memory_space<vmem>>, vector<16xi32>,
          %broadcast_in_dim3A_820 = arith.constant 16384 : i32
          %broadcast_in_dim3A_821 = vector.broadcast %broadcast_in_dim3A_820 : i32 to vector<16xi32>
          %swap3A_822 = arith.constant 112 : index
          %swap3A_823 = tpu.vector_load %arg17[%swap3A_822] {strides = array<i32>} : memref<128xi32, #tpu.memory_space<vmem>>, vector<16xi32>,
          tpu.vector_store %arg17[%swap3A_822], %broadcast_in_dim3A_821 {strides = array<i32>} : memref<128xi32, #tpu.memory_space<vmem>>, vector<16xi32>,
        } else {
        }
        %eq3A_780 = arith.constant 128 : i32
        %eq3A_781 = arith.cmpi eq, %add3A_774, %eq3A_780 : i32
        %jit3A_782 = arith.constant 0 : i32
        %select_n3A_783 = arith.select %eq3A_781, %jit3A_782, %add3A_774 : i32
        scf.yield %select_n3A_783 : i32
      }
      scf.yield %while3A_730 : i32
    }
    %while3A_596 = arith.constant 1 : i32
    %while3A_597 = scf.for %while3A_635 = %while3A_593 to %while3A_589 step %while3A_596 iter_args(%while3A_636 = %while3A_595) -> (i32)  : i32 {
      %jit3A_637 = arith.constant 8 : i32
      %eq3A_638 = arith.constant 0 : i32
      %eq3A_639 = arith.cmpi eq, %jit3A_637, %eq3A_638 : i32
      %jit3A_640 = arith.constant 1 : i32
      %select_n3A_641 = arith.select %eq3A_639, %jit3A_640, %jit3A_637 : i32
      %rem3A_642 = arith.remsi %while3A_635, %select_n3A_641 : i32
      %ne3A_643 = arith.constant 0 : i32
      %ne3A_644 = arith.cmpi ne, %rem3A_642, %ne3A_643 : i32
      %lt3A = arith.constant 0 : i32
      %lt3A_645 = arith.cmpi slt, %rem3A_642, %lt3A : i32
      %lt3A_646 = arith.constant 0 : i32
      %lt3A_647 = arith.cmpi slt, %select_n3A_641, %lt3A_646 : i32
      %ne3A_648 = arith.xori %lt3A_645, %lt3A_647 : i1
      %and3A_649 = arith.andi %ne3A_648, %ne3A_644 : i1
      %add3A_650 = arith.addi %rem3A_642, %select_n3A_641 : i32
      %select_n3A_651 = arith.select %and3A_649, %add3A_650, %rem3A_642 : i32
      %add3A_652 = arith.constant 8 : i32
      %add3A_653 = arith.addi %while3A_635, %add3A_652 : i32
      %sub3A_654 = arith.constant 1 : i32
      %sub3A_655 = arith.subi %add3A_653, %sub3A_654 : i32
      %jit3A_656 = arith.constant 8 : i32
      %eq3A_657 = arith.constant 0 : i32
      %eq3A_658 = arith.cmpi eq, %jit3A_656, %eq3A_657 : i32
      %jit3A_659 = arith.constant 1 : i32
      %select_n3A_660 = arith.select %eq3A_658, %jit3A_659, %jit3A_656 : i32
      %rem3A_661 = arith.remsi %sub3A_655, %select_n3A_660 : i32
      %ne3A_662 = arith.constant 0 : i32
      %ne3A_663 = arith.cmpi ne, %rem3A_661, %ne3A_662 : i32
      %lt3A_664 = arith.constant 0 : i32
      %lt3A_665 = arith.cmpi slt, %rem3A_661, %lt3A_664 : i32
      %lt3A_666 = arith.constant 0 : i32
      %lt3A_667 = arith.cmpi slt, %select_n3A_660, %lt3A_666 : i32
      %ne3A_668 = arith.xori %lt3A_665, %lt3A_667 : i1
      %and3A_669 = arith.andi %ne3A_668, %ne3A_663 : i1
      %add3A_670 = arith.addi %rem3A_661, %select_n3A_660 : i32
      %select_n3A_671 = arith.select %and3A_669, %add3A_670, %rem3A_661 : i32
      %add3A_672 = arith.constant 8 : i32
      %add3A_673 = arith.addi %while3A_635, %add3A_672 : i32
      %sub3A_674 = arith.constant 1 : i32
      %sub3A_675 = arith.subi %add3A_673, %sub3A_674 : i32
      %lt3A_676 = arith.cmpi slt, %sub3A_675, %select_n3A_445 : i32
      %convert_element_type3A_677 = arith.extui %lt3A_676 : i1 to i32
      %cond3A_678 = arith.constant 0 : i32
      %cond3A_679 = arith.cmpi ne, %convert_element_type3A_677, %cond3A_678 : i32
      scf.if %cond3A_679 {
        %add3A_731 = arith.constant 8 : i32
        %add3A_732 = arith.addi %while3A_635, %add3A_731 : i32
        %sub3A_733 = arith.constant 1 : i32
        %sub3A_734 = arith.subi %add3A_732, %sub3A_733 : i32
        %mul3A_735 = arith.constant 2 : i32
        %mul3A_736 = arith.muli %mul3A_735, %sub3A_734 : i32
        %add3A_737 = arith.addi %mul3A_2, %mul3A_736 : i32
        %mul3A_738 = arith.constant 128 : i32
        %mul3A_739 = arith.muli %add3A_737, %mul3A_738 : i32
        %dma_start3A_740 = arith.constant 0 : i32
        %dma_start3A_741 = arith.constant 0 : i32
        %dma_start3A_742 = tpu.memref_slice %arg14[%select_n3A_671, %dma_start3A_740, %dma_start3A_741] : memref<8x32x256xf32, #tpu.memory_space<vmem>> -> memref<1x32x256xf32, #tpu.memory_space<vmem>>
        %dma_start3A_743 = tpu.memref_squeeze %dma_start3A_742 : memref<1x32x256xf32, #tpu.memory_space<vmem>> -> memref<32x256xf32, #tpu.memory_space<vmem>>
        %dma_start3A_744 = arith.constant 0 : i32
        %dma_start3A_745 = tpu.memref_slice %arg5[%dma_start3A_744, %mul3A_739] : memref<32x1000000xf32, #tpu.memory_space<hbm>> -> memref<32x256xf32, #tpu.memory_space<hbm>>
        %dma_start3A_746 = tpu.memref_slice %arg18[%select_n3A_671] : memref<8x!tpu.dma_semaphore, #tpu.memory_space<semaphore_mem>> -> memref<1x!tpu.dma_semaphore, #tpu.memory_space<semaphore_mem>>
        %dma_start3A_747 = tpu.memref_squeeze %dma_start3A_746 : memref<1x!tpu.dma_semaphore, #tpu.memory_space<semaphore_mem>> -> memref<!tpu.dma_semaphore, #tpu.memory_space<semaphore_mem>>
        %dma_start3A_748 = arith.constant 0 : i32
        %dma_start3A_749 = arith.constant 0 : i32
        %dma_start3A_750 = tpu.memref_slice %arg14[%select_n3A_671, %dma_start3A_748, %dma_start3A_749] : memref<8x32x256xf32, #tpu.memory_space<vmem>> -> memref<1x32x256xf32, #tpu.memory_space<vmem>>
        %dma_start3A_751 = tpu.memref_squeeze %dma_start3A_750 : memref<1x32x256xf32, #tpu.memory_space<vmem>> -> memref<32x256xf32, #tpu.memory_space<vmem>>
        %dma_start3A_752 = arith.constant 0 : i32
        %dma_start3A_753 = tpu.memref_slice %arg5[%dma_start3A_752, %mul3A_739] : memref<32x1000000xf32, #tpu.memory_space<hbm>> -> memref<32x256xf32, #tpu.memory_space<hbm>>
        tpu.enqueue_dma source(%dma_start3A_753 : memref<32x256xf32, #tpu.memory_space<hbm>>) target(%dma_start3A_751 : memref<32x256xf32, #tpu.memory_space<vmem>>) target_semaphore(%dma_start3A_747 : memref<!tpu.dma_semaphore, #tpu.memory_space<semaphore_mem>>)
      } else {
      }
      %dma_wait3A = arith.constant 0 : i32
      %dma_wait3A_680 = arith.constant 0 : i32
      %dma_wait3A_681 = tpu.memref_slice %arg14[%select_n3A_651, %dma_wait3A, %dma_wait3A_680] : memref<8x32x256xf32, #tpu.memory_space<vmem>> -> memref<1x32x256xf32, #tpu.memory_space<vmem>>
      %dma_wait3A_682 = tpu.memref_squeeze %dma_wait3A_681 : memref<1x32x256xf32, #tpu.memory_space<vmem>> -> memref<32x256xf32, #tpu.memory_space<vmem>>
      %dma_wait3A_683 = arith.constant 0 : i32
      %dma_wait3A_684 = arith.constant 0 : i32
      %dma_wait3A_685 = tpu.memref_slice %arg5[%dma_wait3A_683, %dma_wait3A_684] : memref<32x1000000xf32, #tpu.memory_space<hbm>> -> memref<32x256xf32, #tpu.memory_space<hbm>>
      %dma_wait3A_686 = tpu.memref_slice %arg18[%select_n3A_651] : memref<8x!tpu.dma_semaphore, #tpu.memory_space<semaphore_mem>> -> memref<1x!tpu.dma_semaphore, #tpu.memory_space<semaphore_mem>>
      %dma_wait3A_687 = tpu.memref_squeeze %dma_wait3A_686 : memref<1x!tpu.dma_semaphore, #tpu.memory_space<semaphore_mem>> -> memref<!tpu.dma_semaphore, #tpu.memory_space<semaphore_mem>>
      %dma_wait3A_688 = arith.constant 0 : i32
      %dma_wait3A_689 = arith.constant 0 : i32
      %dma_wait3A_690 = tpu.memref_slice %arg14[%select_n3A_651, %dma_wait3A_688, %dma_wait3A_689] : memref<8x32x256xf32, #tpu.memory_space<vmem>> -> memref<1x32x256xf32, #tpu.memory_space<vmem>>
      %dma_wait3A_691 = tpu.memref_squeeze %dma_wait3A_690 : memref<1x32x256xf32, #tpu.memory_space<vmem>> -> memref<32x256xf32, #tpu.memory_space<vmem>>
      %dma_wait3A_692 = arith.constant 0 : i32
      %dma_wait3A_693 = arith.constant 0 : i32
      %dma_wait3A_694 = tpu.memref_slice %arg5[%dma_wait3A_692, %dma_wait3A_693] : memref<32x1000000xf32, #tpu.memory_space<hbm>> -> memref<32x256xf32, #tpu.memory_space<hbm>>
      tpu.wait_dma2 semaphore(%dma_wait3A_687 : memref<!tpu.dma_semaphore, #tpu.memory_space<semaphore_mem>>) src(%dma_wait3A_694 : memref<32x256xf32, #tpu.memory_space<hbm>>) dst(%dma_wait3A_691 : memref<32x256xf32, #tpu.memory_space<vmem>>)
      %mul3A_695 = arith.constant 2 : i32
      %mul3A_696 = arith.muli %mul3A_695, %while3A_635 : i32
      %get3A_697 = arith.index_cast %mul3A_696 : i32 to index
      %get3A_698 = tpu.vector_load %arg13[%get3A_697] {strides = array<i32>} : memref<277xi32, #tpu.memory_space<vmem>>, vector<16xi32>,
      %slice3A_699 = vector.extract_strided_slice %get3A_698 {offsets = [0], sizes = [1], strides = [1]} : vector<16xi32> to vector<1xi32>
      %squeeze3A_700 = vector.extract %slice3A_699[0] : i32 from vector<1xi32>
      %while3A_701 = arith.constant 0 : i32
      %while3A_702 = arith.subi %squeeze3A_700, %while3A_701 : i32
      %while3A_703 = arith.addi %while3A_701, %while3A_702 : i32
      %while3A_704 = arith.constant 1 : i32
      %while3A_705 = arith.divsi %while3A_702, %while3A_704 : i32
      %while3A_706 = arith.muli %while3A_705, %while3A_704 : i32
      %while3A_707 = arith.addi %while3A_701, %while3A_706 : i32
      %while3A_708 = arith.constant 1 : i32
      %while3A_709 = scf.for %while3A_731 = %while3A_701 to %while3A_707 step %while3A_708 iter_args(%while3A_732 = %while3A_636) -> (i32)  : i32 {
        %mul3A_733 = arith.constant 16 : i32
        %mul3A_734 = arith.muli %mul3A_696, %mul3A_733 : i32
        %add3A_735 = arith.addi %mul3A_734, %while3A_731 : i32
        %broadcast_in_dim3A_736 = vector.broadcast %add3A_735 : i32 to vector<16xi32>
        %gather3A = tpu.vector_load_idx %arg11[%broadcast_in_dim3A_736] : memref<3936xi32, #tpu.memory_space<vmem>>[vector<16xi32>], vector<16xi32>,
        %slice3A_737 = vector.extract_strided_slice %gather3A {offsets = [0], sizes = [1], strides = [1]} : vector<16xi32> to vector<1xi32>
        %squeeze3A_738 = vector.extract %slice3A_737[0] : i32 from vector<1xi32>
        %mul3A_739 = arith.constant 16 : i32
        %mul3A_740 = arith.muli %mul3A_696, %mul3A_739 : i32
        %add3A_741 = arith.addi %mul3A_740, %while3A_731 : i32
        %broadcast_in_dim3A_742 = vector.broadcast %add3A_741 : i32 to vector<16xi32>
        %gather3A_743 = tpu.vector_load_idx %arg12[%broadcast_in_dim3A_742] : memref<3936xi32, #tpu.memory_space<vmem>>[vector<16xi32>], vector<16xi32>,
        %slice3A_744 = vector.extract_strided_slice %gather3A_743 {offsets = [0], sizes = [1], strides = [1]} : vector<16xi32> to vector<1xi32>
        %squeeze3A_745 = vector.extract %slice3A_744[0] : i32 from vector<1xi32>
        %and3A_746 = arith.constant 127 : i32
        %and3A_747 = arith.andi %squeeze3A_738, %and3A_746 : i32
        %broadcast_in_dim3A_748 = vector.broadcast %select_n3A_651 : i32 to vector<16xi32>
        %add3A_749 = arith.constant 0 : i32
        %add3A_750 = arith.addi %and3A_747, %add3A_749 : i32
        %broadcast_in_dim3A_751 = vector.broadcast %add3A_750 : i32 to vector<16xi32>
        %gather3A_752 = tpu.vector_load_idx %arg14[%broadcast_in_dim3A_748, %iota3A, %broadcast_in_dim3A_751] : memref<8x32x256xf32, #tpu.memory_space<vmem>>[vector<16xi32>, vector<16xi32>, vector<16xi32>], vector<16xf32>,
        %broadcast_in_dim3A_753 = vector.broadcast %select_n3A_651 : i32 to vector<16xi32>
        %add3A_754 = arith.constant 16 : i32
        %add3A_755 = vector.broadcast %add3A_754 : i32 to vector<16xi32>
        %add3A_756 = arith.addi %iota3A, %add3A_755 : vector<16xi32>
        %add3A_757 = arith.constant 0 : i32
        %add3A_758 = arith.addi %and3A_747, %add3A_757 : i32
        %broadcast_in_dim3A_759 = vector.broadcast %add3A_758 : i32 to vector<16xi32>
        %gather3A_760 = tpu.vector_load_idx %arg14[%broadcast_in_dim3A_753, %add3A_756, %broadcast_in_dim3A_759] : memref<8x32x256xf32, #tpu.memory_space<vmem>>[vector<16xi32>, vector<16xi32>, vector<16xi32>], vector<16xf32>,
        %swap3A_761 = arith.constant 0 : i32
        %swap3A_762 = arith.index_cast %while3A_732 : i32 to index
        %swap3A_763 = arith.index_cast %swap3A_761 : i32 to index
        %swap3A_764 = arith.constant 0 : index
        %swap3A_765 = tpu.vector_load %arg16[%swap3A_762, %swap3A_763, %swap3A_764] {strides = array<i32>} : memref<128x1x128xf32, #tpu.memory_space<vmem>>, vector<16xf32>,
        tpu.vector_store %arg16[%swap3A_762, %swap3A_763, %swap3A_764], %gather3A_752 {strides = array<i32>} : memref<128x1x128xf32, #tpu.memory_space<vmem>>, vector<16xf32>,
        %swap3A_766 = arith.constant 0 : i32
        %swap3A_767 = arith.index_cast %while3A_732 : i32 to index
        %swap3A_768 = arith.index_cast %swap3A_766 : i32 to index
        %swap3A_769 = arith.constant 16 : index
        %swap3A_770 = tpu.vector_load %arg16[%swap3A_767, %swap3A_768, %swap3A_769] {strides = array<i32>} : memref<128x1x128xf32, #tpu.memory_space<vmem>>, vector<16xf32>,
        tpu.vector_store %arg16[%swap3A_767, %swap3A_768, %swap3A_769], %gather3A_760 {strides = array<i32>} : memref<128x1x128xf32, #tpu.memory_space<vmem>>, vector<16xf32>,
        %broadcast_in_dim3A_771 = vector.broadcast %while3A_732 : i32 to vector<16xi32>
        %broadcast_in_dim3A_772 = vector.broadcast %squeeze3A_745 : i32 to vector<16xi32>
        tpu.vector_store_idx %arg17[%broadcast_in_dim3A_771], %broadcast_in_dim3A_772 masked %eq3A_5 : memref<128xi32, #tpu.memory_space<vmem>>[vector<16xi32>], vector<16xi32>, vector<16xi1>
        %add3A_773 = arith.constant 1 : i32
        %add3A_774 = arith.addi %while3A_732, %add3A_773 : i32
        %eq3A_775 = arith.constant 128 : i32
        %eq3A_776 = arith.cmpi eq, %add3A_774, %eq3A_775 : i32
        %convert_element_type3A_777 = arith.extui %eq3A_776 : i1 to i32
        %cond3A_778 = arith.constant 0 : i32
        %cond3A_779 = arith.cmpi ne, %convert_element_type3A_777, %cond3A_778 : i32
        scf.if %cond3A_779 {
          %dma_start3A_784 = arith.constant 0 : i32
          %dma_start3A_785 = arith.constant 0 : i32
          %dma_start3A_786 = arith.constant 0 : i32
          %dma_start3A_787 = tpu.memref_slice %arg9[%dma_start3A_784, %dma_start3A_785, %dma_start3A_786] : memref<16385x1x128xf32, #tpu.memory_space<hbm>> -> memref<16385x1x128xf32, #tpu.memory_space<hbm>>
          tpu.enqueue_indirect_dma source(%arg16 : memref<128x1x128xf32, #tpu.memory_space<vmem>>) target(%dma_start3A_787 : memref<16385x1x128xf32, #tpu.memory_space<hbm>>) offsets(%arg17 : memref<128xi32, #tpu.memory_space<vmem>>) semaphore(%arg19 : memref<!tpu.dma_semaphore, #tpu.memory_space<semaphore_mem>>)
          %dma_wait3A_788 = arith.constant 0 : i32
          %dma_wait3A_789 = arith.constant 0 : i32
          %dma_wait3A_790 = arith.constant 0 : i32
          %dma_wait3A_791 = tpu.memref_slice %arg9[%dma_wait3A_788, %dma_wait3A_789, %dma_wait3A_790] : memref<16385x1x128xf32, #tpu.memory_space<hbm>> -> memref<16385x1x128xf32, #tpu.memory_space<hbm>>
          tpu.wait_indirect_dma semaphore(%arg19 : memref<!tpu.dma_semaphore, #tpu.memory_space<semaphore_mem>>) src(%arg16 : memref<128x1x128xf32, #tpu.memory_space<vmem>>) dst(%dma_wait3A_791 : memref<16385x1x128xf32, #tpu.memory_space<hbm>>)
          %broadcast_in_dim3A_792 = arith.constant 16384 : i32
          %broadcast_in_dim3A_793 = vector.broadcast %broadcast_in_dim3A_792 : i32 to vector<16xi32>
          %swap3A_794 = arith.constant 0 : index
          %swap3A_795 = tpu.vector_load %arg17[%swap3A_794] {strides = array<i32>} : memref<128xi32, #tpu.memory_space<vmem>>, vector<16xi32>,
          tpu.vector_store %arg17[%swap3A_794], %broadcast_in_dim3A_793 {strides = array<i32>} : memref<128xi32, #tpu.memory_space<vmem>>, vector<16xi32>,
          %broadcast_in_dim3A_796 = arith.constant 16384 : i32
          %broadcast_in_dim3A_797 = vector.broadcast %broadcast_in_dim3A_796 : i32 to vector<16xi32>
          %swap3A_798 = arith.constant 16 : index
          %swap3A_799 = tpu.vector_load %arg17[%swap3A_798] {strides = array<i32>} : memref<128xi32, #tpu.memory_space<vmem>>, vector<16xi32>,
          tpu.vector_store %arg17[%swap3A_798], %broadcast_in_dim3A_797 {strides = array<i32>} : memref<128xi32, #tpu.memory_space<vmem>>, vector<16xi32>,
          %broadcast_in_dim3A_800 = arith.constant 16384 : i32
          %broadcast_in_dim3A_801 = vector.broadcast %broadcast_in_dim3A_800 : i32 to vector<16xi32>
          %swap3A_802 = arith.constant 32 : index
          %swap3A_803 = tpu.vector_load %arg17[%swap3A_802] {strides = array<i32>} : memref<128xi32, #tpu.memory_space<vmem>>, vector<16xi32>,
          tpu.vector_store %arg17[%swap3A_802], %broadcast_in_dim3A_801 {strides = array<i32>} : memref<128xi32, #tpu.memory_space<vmem>>, vector<16xi32>,
          %broadcast_in_dim3A_804 = arith.constant 16384 : i32
          %broadcast_in_dim3A_805 = vector.broadcast %broadcast_in_dim3A_804 : i32 to vector<16xi32>
          %swap3A_806 = arith.constant 48 : index
          %swap3A_807 = tpu.vector_load %arg17[%swap3A_806] {strides = array<i32>} : memref<128xi32, #tpu.memory_space<vmem>>, vector<16xi32>,
          tpu.vector_store %arg17[%swap3A_806], %broadcast_in_dim3A_805 {strides = array<i32>} : memref<128xi32, #tpu.memory_space<vmem>>, vector<16xi32>,
          %broadcast_in_dim3A_808 = arith.constant 16384 : i32
          %broadcast_in_dim3A_809 = vector.broadcast %broadcast_in_dim3A_808 : i32 to vector<16xi32>
          %swap3A_810 = arith.constant 64 : index
          %swap3A_811 = tpu.vector_load %arg17[%swap3A_810] {strides = array<i32>} : memref<128xi32, #tpu.memory_space<vmem>>, vector<16xi32>,
          tpu.vector_store %arg17[%swap3A_810], %broadcast_in_dim3A_809 {strides = array<i32>} : memref<128xi32, #tpu.memory_space<vmem>>, vector<16xi32>,
          %broadcast_in_dim3A_812 = arith.constant 16384 : i32
          %broadcast_in_dim3A_813 = vector.broadcast %broadcast_in_dim3A_812 : i32 to vector<16xi32>
          %swap3A_814 = arith.constant 80 : index
          %swap3A_815 = tpu.vector_load %arg17[%swap3A_814] {strides = array<i32>} : memref<128xi32, #tpu.memory_space<vmem>>, vector<16xi32>,
          tpu.vector_store %arg17[%swap3A_814], %broadcast_in_dim3A_813 {strides = array<i32>} : memref<128xi32, #tpu.memory_space<vmem>>, vector<16xi32>,
          %broadcast_in_dim3A_816 = arith.constant 16384 : i32
          %broadcast_in_dim3A_817 = vector.broadcast %broadcast_in_dim3A_816 : i32 to vector<16xi32>
          %swap3A_818 = arith.constant 96 : index
          %swap3A_819 = tpu.vector_load %arg17[%swap3A_818] {strides = array<i32>} : memref<128xi32, #tpu.memory_space<vmem>>, vector<16xi32>,
          tpu.vector_store %arg17[%swap3A_818], %broadcast_in_dim3A_817 {strides = array<i32>} : memref<128xi32, #tpu.memory_space<vmem>>, vector<16xi32>,
          %broadcast_in_dim3A_820 = arith.constant 16384 : i32
          %broadcast_in_dim3A_821 = vector.broadcast %broadcast_in_dim3A_820 : i32 to vector<16xi32>
          %swap3A_822 = arith.constant 112 : index
          %swap3A_823 = tpu.vector_load %arg17[%swap3A_822] {strides = array<i32>} : memref<128xi32, #tpu.memory_space<vmem>>, vector<16xi32>,
          tpu.vector_store %arg17[%swap3A_822], %broadcast_in_dim3A_821 {strides = array<i32>} : memref<128xi32, #tpu.memory_space<vmem>>, vector<16xi32>,
        } else {
        }
        %eq3A_780 = arith.constant 128 : i32
        %eq3A_781 = arith.cmpi eq, %add3A_774, %eq3A_780 : i32
        %jit3A_782 = arith.constant 0 : i32
        %select_n3A_783 = arith.select %eq3A_781, %jit3A_782, %add3A_774 : i32
        scf.yield %select_n3A_783 : i32
      }
      %while3A_710 = arith.constant 1 : i32
      %while3A_711 = scf.for %while3A_731 = %while3A_707 to %while3A_703 step %while3A_710 iter_args(%while3A_732 = %while3A_709) -> (i32)  : i32 {
        %mul3A_733 = arith.constant 16 : i32
        %mul3A_734 = arith.muli %mul3A_696, %mul3A_733 : i32
        %add3A_735 = arith.addi %mul3A_734, %while3A_731 : i32
        %broadcast_in_dim3A_736 = vector.broadcast %add3A_735 : i32 to vector<16xi32>
        %gather3A = tpu.vector_load_idx %arg11[%broadcast_in_dim3A_736] : memref<3936xi32, #tpu.memory_space<vmem>>[vector<16xi32>], vector<16xi32>,
        %slice3A_737 = vector.extract_strided_slice %gather3A {offsets = [0], sizes = [1], strides = [1]} : vector<16xi32> to vector<1xi32>
        %squeeze3A_738 = vector.extract %slice3A_737[0] : i32 from vector<1xi32>
        %mul3A_739 = arith.constant 16 : i32
        %mul3A_740 = arith.muli %mul3A_696, %mul3A_739 : i32
        %add3A_741 = arith.addi %mul3A_740, %while3A_731 : i32
        %broadcast_in_dim3A_742 = vector.broadcast %add3A_741 : i32 to vector<16xi32>
        %gather3A_743 = tpu.vector_load_idx %arg12[%broadcast_in_dim3A_742] : memref<3936xi32, #tpu.memory_space<vmem>>[vector<16xi32>], vector<16xi32>,
        %slice3A_744 = vector.extract_strided_slice %gather3A_743 {offsets = [0], sizes = [1], strides = [1]} : vector<16xi32> to vector<1xi32>
        %squeeze3A_745 = vector.extract %slice3A_744[0] : i32 from vector<1xi32>
        %and3A_746 = arith.constant 127 : i32
        %and3A_747 = arith.andi %squeeze3A_738, %and3A_746 : i32
        %broadcast_in_dim3A_748 = vector.broadcast %select_n3A_651 : i32 to vector<16xi32>
        %add3A_749 = arith.constant 0 : i32
        %add3A_750 = arith.addi %and3A_747, %add3A_749 : i32
        %broadcast_in_dim3A_751 = vector.broadcast %add3A_750 : i32 to vector<16xi32>
        %gather3A_752 = tpu.vector_load_idx %arg14[%broadcast_in_dim3A_748, %iota3A, %broadcast_in_dim3A_751] : memref<8x32x256xf32, #tpu.memory_space<vmem>>[vector<16xi32>, vector<16xi32>, vector<16xi32>], vector<16xf32>,
        %broadcast_in_dim3A_753 = vector.broadcast %select_n3A_651 : i32 to vector<16xi32>
        %add3A_754 = arith.constant 16 : i32
        %add3A_755 = vector.broadcast %add3A_754 : i32 to vector<16xi32>
        %add3A_756 = arith.addi %iota3A, %add3A_755 : vector<16xi32>
        %add3A_757 = arith.constant 0 : i32
        %add3A_758 = arith.addi %and3A_747, %add3A_757 : i32
        %broadcast_in_dim3A_759 = vector.broadcast %add3A_758 : i32 to vector<16xi32>
        %gather3A_760 = tpu.vector_load_idx %arg14[%broadcast_in_dim3A_753, %add3A_756, %broadcast_in_dim3A_759] : memref<8x32x256xf32, #tpu.memory_space<vmem>>[vector<16xi32>, vector<16xi32>, vector<16xi32>], vector<16xf32>,
        %swap3A_761 = arith.constant 0 : i32
        %swap3A_762 = arith.index_cast %while3A_732 : i32 to index
        %swap3A_763 = arith.index_cast %swap3A_761 : i32 to index
        %swap3A_764 = arith.constant 0 : index
        %swap3A_765 = tpu.vector_load %arg16[%swap3A_762, %swap3A_763, %swap3A_764] {strides = array<i32>} : memref<128x1x128xf32, #tpu.memory_space<vmem>>, vector<16xf32>,
        tpu.vector_store %arg16[%swap3A_762, %swap3A_763, %swap3A_764], %gather3A_752 {strides = array<i32>} : memref<128x1x128xf32, #tpu.memory_space<vmem>>, vector<16xf32>,
        %swap3A_766 = arith.constant 0 : i32
        %swap3A_767 = arith.index_cast %while3A_732 : i32 to index
        %swap3A_768 = arith.index_cast %swap3A_766 : i32 to index
        %swap3A_769 = arith.constant 16 : index
        %swap3A_770 = tpu.vector_load %arg16[%swap3A_767, %swap3A_768, %swap3A_769] {strides = array<i32>} : memref<128x1x128xf32, #tpu.memory_space<vmem>>, vector<16xf32>,
        tpu.vector_store %arg16[%swap3A_767, %swap3A_768, %swap3A_769], %gather3A_760 {strides = array<i32>} : memref<128x1x128xf32, #tpu.memory_space<vmem>>, vector<16xf32>,
        %broadcast_in_dim3A_771 = vector.broadcast %while3A_732 : i32 to vector<16xi32>
        %broadcast_in_dim3A_772 = vector.broadcast %squeeze3A_745 : i32 to vector<16xi32>
        tpu.vector_store_idx %arg17[%broadcast_in_dim3A_771], %broadcast_in_dim3A_772 masked %eq3A_5 : memref<128xi32, #tpu.memory_space<vmem>>[vector<16xi32>], vector<16xi32>, vector<16xi1>
        %add3A_773 = arith.constant 1 : i32
        %add3A_774 = arith.addi %while3A_732, %add3A_773 : i32
        %eq3A_775 = arith.constant 128 : i32
        %eq3A_776 = arith.cmpi eq, %add3A_774, %eq3A_775 : i32
        %convert_element_type3A_777 = arith.extui %eq3A_776 : i1 to i32
        %cond3A_778 = arith.constant 0 : i32
        %cond3A_779 = arith.cmpi ne, %convert_element_type3A_777, %cond3A_778 : i32
        scf.if %cond3A_779 {
          %dma_start3A_784 = arith.constant 0 : i32
          %dma_start3A_785 = arith.constant 0 : i32
          %dma_start3A_786 = arith.constant 0 : i32
          %dma_start3A_787 = tpu.memref_slice %arg9[%dma_start3A_784, %dma_start3A_785, %dma_start3A_786] : memref<16385x1x128xf32, #tpu.memory_space<hbm>> -> memref<16385x1x128xf32, #tpu.memory_space<hbm>>
          tpu.enqueue_indirect_dma source(%arg16 : memref<128x1x128xf32, #tpu.memory_space<vmem>>) target(%dma_start3A_787 : memref<16385x1x128xf32, #tpu.memory_space<hbm>>) offsets(%arg17 : memref<128xi32, #tpu.memory_space<vmem>>) semaphore(%arg19 : memref<!tpu.dma_semaphore, #tpu.memory_space<semaphore_mem>>)
          %dma_wait3A_788 = arith.constant 0 : i32
          %dma_wait3A_789 = arith.constant 0 : i32
          %dma_wait3A_790 = arith.constant 0 : i32
          %dma_wait3A_791 = tpu.memref_slice %arg9[%dma_wait3A_788, %dma_wait3A_789, %dma_wait3A_790] : memref<16385x1x128xf32, #tpu.memory_space<hbm>> -> memref<16385x1x128xf32, #tpu.memory_space<hbm>>
          tpu.wait_indirect_dma semaphore(%arg19 : memref<!tpu.dma_semaphore, #tpu.memory_space<semaphore_mem>>) src(%arg16 : memref<128x1x128xf32, #tpu.memory_space<vmem>>) dst(%dma_wait3A_791 : memref<16385x1x128xf32, #tpu.memory_space<hbm>>)
          %broadcast_in_dim3A_792 = arith.constant 16384 : i32
          %broadcast_in_dim3A_793 = vector.broadcast %broadcast_in_dim3A_792 : i32 to vector<16xi32>
          %swap3A_794 = arith.constant 0 : index
          %swap3A_795 = tpu.vector_load %arg17[%swap3A_794] {strides = array<i32>} : memref<128xi32, #tpu.memory_space<vmem>>, vector<16xi32>,
          tpu.vector_store %arg17[%swap3A_794], %broadcast_in_dim3A_793 {strides = array<i32>} : memref<128xi32, #tpu.memory_space<vmem>>, vector<16xi32>,
          %broadcast_in_dim3A_796 = arith.constant 16384 : i32
          %broadcast_in_dim3A_797 = vector.broadcast %broadcast_in_dim3A_796 : i32 to vector<16xi32>
          %swap3A_798 = arith.constant 16 : index
          %swap3A_799 = tpu.vector_load %arg17[%swap3A_798] {strides = array<i32>} : memref<128xi32, #tpu.memory_space<vmem>>, vector<16xi32>,
          tpu.vector_store %arg17[%swap3A_798], %broadcast_in_dim3A_797 {strides = array<i32>} : memref<128xi32, #tpu.memory_space<vmem>>, vector<16xi32>,
          %broadcast_in_dim3A_800 = arith.constant 16384 : i32
          %broadcast_in_dim3A_801 = vector.broadcast %broadcast_in_dim3A_800 : i32 to vector<16xi32>
          %swap3A_802 = arith.constant 32 : index
          %swap3A_803 = tpu.vector_load %arg17[%swap3A_802] {strides = array<i32>} : memref<128xi32, #tpu.memory_space<vmem>>, vector<16xi32>,
          tpu.vector_store %arg17[%swap3A_802], %broadcast_in_dim3A_801 {strides = array<i32>} : memref<128xi32, #tpu.memory_space<vmem>>, vector<16xi32>,
          %broadcast_in_dim3A_804 = arith.constant 16384 : i32
          %broadcast_in_dim3A_805 = vector.broadcast %broadcast_in_dim3A_804 : i32 to vector<16xi32>
          %swap3A_806 = arith.constant 48 : index
          %swap3A_807 = tpu.vector_load %arg17[%swap3A_806] {strides = array<i32>} : memref<128xi32, #tpu.memory_space<vmem>>, vector<16xi32>,
          tpu.vector_store %arg17[%swap3A_806], %broadcast_in_dim3A_805 {strides = array<i32>} : memref<128xi32, #tpu.memory_space<vmem>>, vector<16xi32>,
          %broadcast_in_dim3A_808 = arith.constant 16384 : i32
          %broadcast_in_dim3A_809 = vector.broadcast %broadcast_in_dim3A_808 : i32 to vector<16xi32>
          %swap3A_810 = arith.constant 64 : index
          %swap3A_811 = tpu.vector_load %arg17[%swap3A_810] {strides = array<i32>} : memref<128xi32, #tpu.memory_space<vmem>>, vector<16xi32>,
          tpu.vector_store %arg17[%swap3A_810], %broadcast_in_dim3A_809 {strides = array<i32>} : memref<128xi32, #tpu.memory_space<vmem>>, vector<16xi32>,
          %broadcast_in_dim3A_812 = arith.constant 16384 : i32
          %broadcast_in_dim3A_813 = vector.broadcast %broadcast_in_dim3A_812 : i32 to vector<16xi32>
          %swap3A_814 = arith.constant 80 : index
          %swap3A_815 = tpu.vector_load %arg17[%swap3A_814] {strides = array<i32>} : memref<128xi32, #tpu.memory_space<vmem>>, vector<16xi32>,
          tpu.vector_store %arg17[%swap3A_814], %broadcast_in_dim3A_813 {strides = array<i32>} : memref<128xi32, #tpu.memory_space<vmem>>, vector<16xi32>,
          %broadcast_in_dim3A_816 = arith.constant 16384 : i32
          %broadcast_in_dim3A_817 = vector.broadcast %broadcast_in_dim3A_816 : i32 to vector<16xi32>
          %swap3A_818 = arith.constant 96 : index
          %swap3A_819 = tpu.vector_load %arg17[%swap3A_818] {strides = array<i32>} : memref<128xi32, #tpu.memory_space<vmem>>, vector<16xi32>,
          tpu.vector_store %arg17[%swap3A_818], %broadcast_in_dim3A_817 {strides = array<i32>} : memref<128xi32, #tpu.memory_space<vmem>>, vector<16xi32>,
          %broadcast_in_dim3A_820 = arith.constant 16384 : i32
          %broadcast_in_dim3A_821 = vector.broadcast %broadcast_in_dim3A_820 : i32 to vector<16xi32>
          %swap3A_822 = arith.constant 112 : index
          %swap3A_823 = tpu.vector_load %arg17[%swap3A_822] {strides = array<i32>} : memref<128xi32, #tpu.memory_space<vmem>>, vector<16xi32>,
          tpu.vector_store %arg17[%swap3A_822], %broadcast_in_dim3A_821 {strides = array<i32>} : memref<128xi32, #tpu.memory_space<vmem>>, vector<16xi32>,
        } else {
        }
        %eq3A_780 = arith.constant 128 : i32
        %eq3A_781 = arith.cmpi eq, %add3A_774, %eq3A_780 : i32
        %jit3A_782 = arith.constant 0 : i32
        %select_n3A_783 = arith.select %eq3A_781, %jit3A_782, %add3A_774 : i32
        scf.yield %select_n3A_783 : i32
      }
      %mul3A_712 = arith.constant 2 : i32
      %mul3A_713 = arith.muli %mul3A_712, %while3A_635 : i32
      %add3A_714 = arith.constant 1 : i32
      %add3A_715 = arith.addi %mul3A_713, %add3A_714 : i32
      %get3A_716 = arith.index_cast %add3A_715 : i32 to index
      %get3A_717 = tpu.vector_load %arg13[%get3A_716] {strides = array<i32>} : memref<277xi32, #tpu.memory_space<vmem>>, vector<16xi32>,
      %slice3A_718 = vector.extract_strided_slice %get3A_717 {offsets = [0], sizes = [1], strides = [1]} : vector<16xi32> to vector<1xi32>
      %squeeze3A_719 = vector.extract %slice3A_718[0] : i32 from vector<1xi32>
      %while3A_720 = arith.constant 0 : i32
      %while3A_721 = arith.subi %squeeze3A_719, %while3A_720 : i32
      %while3A_722 = arith.addi %while3A_720, %while3A_721 : i32
      %while3A_723 = arith.constant 1 : i32
      %while3A_724 = arith.divsi %while3A_721, %while3A_723 : i32
      %while3A_725 = arith.muli %while3A_724, %while3A_723 : i32
      %while3A_726 = arith.addi %while3A_720, %while3A_725 : i32
      %while3A_727 = arith.constant 1 : i32
      %while3A_728 = scf.for %while3A_731 = %while3A_720 to %while3A_726 step %while3A_727 iter_args(%while3A_732 = %while3A_711) -> (i32)  : i32 {
        %mul3A_733 = arith.constant 16 : i32
        %mul3A_734 = arith.muli %add3A_715, %mul3A_733 : i32
        %add3A_735 = arith.addi %mul3A_734, %while3A_731 : i32
        %broadcast_in_dim3A_736 = vector.broadcast %add3A_735 : i32 to vector<16xi32>
        %gather3A = tpu.vector_load_idx %arg11[%broadcast_in_dim3A_736] : memref<3936xi32, #tpu.memory_space<vmem>>[vector<16xi32>], vector<16xi32>,
        %slice3A_737 = vector.extract_strided_slice %gather3A {offsets = [0], sizes = [1], strides = [1]} : vector<16xi32> to vector<1xi32>
        %squeeze3A_738 = vector.extract %slice3A_737[0] : i32 from vector<1xi32>
        %mul3A_739 = arith.constant 16 : i32
        %mul3A_740 = arith.muli %add3A_715, %mul3A_739 : i32
        %add3A_741 = arith.addi %mul3A_740, %while3A_731 : i32
        %broadcast_in_dim3A_742 = vector.broadcast %add3A_741 : i32 to vector<16xi32>
        %gather3A_743 = tpu.vector_load_idx %arg12[%broadcast_in_dim3A_742] : memref<3936xi32, #tpu.memory_space<vmem>>[vector<16xi32>], vector<16xi32>,
        %slice3A_744 = vector.extract_strided_slice %gather3A_743 {offsets = [0], sizes = [1], strides = [1]} : vector<16xi32> to vector<1xi32>
        %squeeze3A_745 = vector.extract %slice3A_744[0] : i32 from vector<1xi32>
        %and3A_746 = arith.constant 127 : i32
        %and3A_747 = arith.andi %squeeze3A_738, %and3A_746 : i32
        %broadcast_in_dim3A_748 = vector.broadcast %select_n3A_651 : i32 to vector<16xi32>
        %add3A_749 = arith.constant 128 : i32
        %add3A_750 = arith.addi %and3A_747, %add3A_749 : i32
        %broadcast_in_dim3A_751 = vector.broadcast %add3A_750 : i32 to vector<16xi32>
        %gather3A_752 = tpu.vector_load_idx %arg14[%broadcast_in_dim3A_748, %iota3A, %broadcast_in_dim3A_751] : memref<8x32x256xf32, #tpu.memory_space<vmem>>[vector<16xi32>, vector<16xi32>, vector<16xi32>], vector<16xf32>,
        %broadcast_in_dim3A_753 = vector.broadcast %select_n3A_651 : i32 to vector<16xi32>
        %add3A_754 = arith.constant 16 : i32
        %add3A_755 = vector.broadcast %add3A_754 : i32 to vector<16xi32>
        %add3A_756 = arith.addi %iota3A, %add3A_755 : vector<16xi32>
        %add3A_757 = arith.constant 128 : i32
        %add3A_758 = arith.addi %and3A_747, %add3A_757 : i32
        %broadcast_in_dim3A_759 = vector.broadcast %add3A_758 : i32 to vector<16xi32>
        %gather3A_760 = tpu.vector_load_idx %arg14[%broadcast_in_dim3A_753, %add3A_756, %broadcast_in_dim3A_759] : memref<8x32x256xf32, #tpu.memory_space<vmem>>[vector<16xi32>, vector<16xi32>, vector<16xi32>], vector<16xf32>,
        %swap3A_761 = arith.constant 0 : i32
        %swap3A_762 = arith.index_cast %while3A_732 : i32 to index
        %swap3A_763 = arith.index_cast %swap3A_761 : i32 to index
        %swap3A_764 = arith.constant 0 : index
        %swap3A_765 = tpu.vector_load %arg16[%swap3A_762, %swap3A_763, %swap3A_764] {strides = array<i32>} : memref<128x1x128xf32, #tpu.memory_space<vmem>>, vector<16xf32>,
        tpu.vector_store %arg16[%swap3A_762, %swap3A_763, %swap3A_764], %gather3A_752 {strides = array<i32>} : memref<128x1x128xf32, #tpu.memory_space<vmem>>, vector<16xf32>,
        %swap3A_766 = arith.constant 0 : i32
        %swap3A_767 = arith.index_cast %while3A_732 : i32 to index
        %swap3A_768 = arith.index_cast %swap3A_766 : i32 to index
        %swap3A_769 = arith.constant 16 : index
        %swap3A_770 = tpu.vector_load %arg16[%swap3A_767, %swap3A_768, %swap3A_769] {strides = array<i32>} : memref<128x1x128xf32, #tpu.memory_space<vmem>>, vector<16xf32>,
        tpu.vector_store %arg16[%swap3A_767, %swap3A_768, %swap3A_769], %gather3A_760 {strides = array<i32>} : memref<128x1x128xf32, #tpu.memory_space<vmem>>, vector<16xf32>,
        %broadcast_in_dim3A_771 = vector.broadcast %while3A_732 : i32 to vector<16xi32>
        %broadcast_in_dim3A_772 = vector.broadcast %squeeze3A_745 : i32 to vector<16xi32>
        tpu.vector_store_idx %arg17[%broadcast_in_dim3A_771], %broadcast_in_dim3A_772 masked %eq3A_5 : memref<128xi32, #tpu.memory_space<vmem>>[vector<16xi32>], vector<16xi32>, vector<16xi1>
        %add3A_773 = arith.constant 1 : i32
        %add3A_774 = arith.addi %while3A_732, %add3A_773 : i32
        %eq3A_775 = arith.constant 128 : i32
        %eq3A_776 = arith.cmpi eq, %add3A_774, %eq3A_775 : i32
        %convert_element_type3A_777 = arith.extui %eq3A_776 : i1 to i32
        %cond3A_778 = arith.constant 0 : i32
        %cond3A_779 = arith.cmpi ne, %convert_element_type3A_777, %cond3A_778 : i32
        scf.if %cond3A_779 {
          %dma_start3A_784 = arith.constant 0 : i32
          %dma_start3A_785 = arith.constant 0 : i32
          %dma_start3A_786 = arith.constant 0 : i32
          %dma_start3A_787 = tpu.memref_slice %arg9[%dma_start3A_784, %dma_start3A_785, %dma_start3A_786] : memref<16385x1x128xf32, #tpu.memory_space<hbm>> -> memref<16385x1x128xf32, #tpu.memory_space<hbm>>
          tpu.enqueue_indirect_dma source(%arg16 : memref<128x1x128xf32, #tpu.memory_space<vmem>>) target(%dma_start3A_787 : memref<16385x1x128xf32, #tpu.memory_space<hbm>>) offsets(%arg17 : memref<128xi32, #tpu.memory_space<vmem>>) semaphore(%arg19 : memref<!tpu.dma_semaphore, #tpu.memory_space<semaphore_mem>>)
          %dma_wait3A_788 = arith.constant 0 : i32
          %dma_wait3A_789 = arith.constant 0 : i32
          %dma_wait3A_790 = arith.constant 0 : i32
          %dma_wait3A_791 = tpu.memref_slice %arg9[%dma_wait3A_788, %dma_wait3A_789, %dma_wait3A_790] : memref<16385x1x128xf32, #tpu.memory_space<hbm>> -> memref<16385x1x128xf32, #tpu.memory_space<hbm>>
          tpu.wait_indirect_dma semaphore(%arg19 : memref<!tpu.dma_semaphore, #tpu.memory_space<semaphore_mem>>) src(%arg16 : memref<128x1x128xf32, #tpu.memory_space<vmem>>) dst(%dma_wait3A_791 : memref<16385x1x128xf32, #tpu.memory_space<hbm>>)
          %broadcast_in_dim3A_792 = arith.constant 16384 : i32
          %broadcast_in_dim3A_793 = vector.broadcast %broadcast_in_dim3A_792 : i32 to vector<16xi32>
          %swap3A_794 = arith.constant 0 : index
          %swap3A_795 = tpu.vector_load %arg17[%swap3A_794] {strides = array<i32>} : memref<128xi32, #tpu.memory_space<vmem>>, vector<16xi32>,
          tpu.vector_store %arg17[%swap3A_794], %broadcast_in_dim3A_793 {strides = array<i32>} : memref<128xi32, #tpu.memory_space<vmem>>, vector<16xi32>,
          %broadcast_in_dim3A_796 = arith.constant 16384 : i32
          %broadcast_in_dim3A_797 = vector.broadcast %broadcast_in_dim3A_796 : i32 to vector<16xi32>
          %swap3A_798 = arith.constant 16 : index
          %swap3A_799 = tpu.vector_load %arg17[%swap3A_798] {strides = array<i32>} : memref<128xi32, #tpu.memory_space<vmem>>, vector<16xi32>,
          tpu.vector_store %arg17[%swap3A_798], %broadcast_in_dim3A_797 {strides = array<i32>} : memref<128xi32, #tpu.memory_space<vmem>>, vector<16xi32>,
          %broadcast_in_dim3A_800 = arith.constant 16384 : i32
          %broadcast_in_dim3A_801 = vector.broadcast %broadcast_in_dim3A_800 : i32 to vector<16xi32>
          %swap3A_802 = arith.constant 32 : index
          %swap3A_803 = tpu.vector_load %arg17[%swap3A_802] {strides = array<i32>} : memref<128xi32, #tpu.memory_space<vmem>>, vector<16xi32>,
          tpu.vector_store %arg17[%swap3A_802], %broadcast_in_dim3A_801 {strides = array<i32>} : memref<128xi32, #tpu.memory_space<vmem>>, vector<16xi32>,
          %broadcast_in_dim3A_804 = arith.constant 16384 : i32
          %broadcast_in_dim3A_805 = vector.broadcast %broadcast_in_dim3A_804 : i32 to vector<16xi32>
          %swap3A_806 = arith.constant 48 : index
          %swap3A_807 = tpu.vector_load %arg17[%swap3A_806] {strides = array<i32>} : memref<128xi32, #tpu.memory_space<vmem>>, vector<16xi32>,
          tpu.vector_store %arg17[%swap3A_806], %broadcast_in_dim3A_805 {strides = array<i32>} : memref<128xi32, #tpu.memory_space<vmem>>, vector<16xi32>,
          %broadcast_in_dim3A_808 = arith.constant 16384 : i32
          %broadcast_in_dim3A_809 = vector.broadcast %broadcast_in_dim3A_808 : i32 to vector<16xi32>
          %swap3A_810 = arith.constant 64 : index
          %swap3A_811 = tpu.vector_load %arg17[%swap3A_810] {strides = array<i32>} : memref<128xi32, #tpu.memory_space<vmem>>, vector<16xi32>,
          tpu.vector_store %arg17[%swap3A_810], %broadcast_in_dim3A_809 {strides = array<i32>} : memref<128xi32, #tpu.memory_space<vmem>>, vector<16xi32>,
          %broadcast_in_dim3A_812 = arith.constant 16384 : i32
          %broadcast_in_dim3A_813 = vector.broadcast %broadcast_in_dim3A_812 : i32 to vector<16xi32>
          %swap3A_814 = arith.constant 80 : index
          %swap3A_815 = tpu.vector_load %arg17[%swap3A_814] {strides = array<i32>} : memref<128xi32, #tpu.memory_space<vmem>>, vector<16xi32>,
          tpu.vector_store %arg17[%swap3A_814], %broadcast_in_dim3A_813 {strides = array<i32>} : memref<128xi32, #tpu.memory_space<vmem>>, vector<16xi32>,
          %broadcast_in_dim3A_816 = arith.constant 16384 : i32
          %broadcast_in_dim3A_817 = vector.broadcast %broadcast_in_dim3A_816 : i32 to vector<16xi32>
          %swap3A_818 = arith.constant 96 : index
          %swap3A_819 = tpu.vector_load %arg17[%swap3A_818] {strides = array<i32>} : memref<128xi32, #tpu.memory_space<vmem>>, vector<16xi32>,
          tpu.vector_store %arg17[%swap3A_818], %broadcast_in_dim3A_817 {strides = array<i32>} : memref<128xi32, #tpu.memory_space<vmem>>, vector<16xi32>,
          %broadcast_in_dim3A_820 = arith.constant 16384 : i32
          %broadcast_in_dim3A_821 = vector.broadcast %broadcast_in_dim3A_820 : i32 to vector<16xi32>
          %swap3A_822 = arith.constant 112 : index
          %swap3A_823 = tpu.vector_load %arg17[%swap3A_822] {strides = array<i32>} : memref<128xi32, #tpu.memory_space<vmem>>, vector<16xi32>,
          tpu.vector_store %arg17[%swap3A_822], %broadcast_in_dim3A_821 {strides = array<i32>} : memref<128xi32, #tpu.memory_space<vmem>>, vector<16xi32>,
        } else {
        }
        %eq3A_780 = arith.constant 128 : i32
        %eq3A_781 = arith.cmpi eq, %add3A_774, %eq3A_780 : i32
        %jit3A_782 = arith.constant 0 : i32
        %select_n3A_783 = arith.select %eq3A_781, %jit3A_782, %add3A_774 : i32
        scf.yield %select_n3A_783 : i32
      }
      %while3A_729 = arith.constant 1 : i32
      %while3A_730 = scf.for %while3A_731 = %while3A_726 to %while3A_722 step %while3A_729 iter_args(%while3A_732 = %while3A_728) -> (i32)  : i32 {
        %mul3A_733 = arith.constant 16 : i32
        %mul3A_734 = arith.muli %add3A_715, %mul3A_733 : i32
        %add3A_735 = arith.addi %mul3A_734, %while3A_731 : i32
        %broadcast_in_dim3A_736 = vector.broadcast %add3A_735 : i32 to vector<16xi32>
        %gather3A = tpu.vector_load_idx %arg11[%broadcast_in_dim3A_736] : memref<3936xi32, #tpu.memory_space<vmem>>[vector<16xi32>], vector<16xi32>,
        %slice3A_737 = vector.extract_strided_slice %gather3A {offsets = [0], sizes = [1], strides = [1]} : vector<16xi32> to vector<1xi32>
        %squeeze3A_738 = vector.extract %slice3A_737[0] : i32 from vector<1xi32>
        %mul3A_739 = arith.constant 16 : i32
        %mul3A_740 = arith.muli %add3A_715, %mul3A_739 : i32
        %add3A_741 = arith.addi %mul3A_740, %while3A_731 : i32
        %broadcast_in_dim3A_742 = vector.broadcast %add3A_741 : i32 to vector<16xi32>
        %gather3A_743 = tpu.vector_load_idx %arg12[%broadcast_in_dim3A_742] : memref<3936xi32, #tpu.memory_space<vmem>>[vector<16xi32>], vector<16xi32>,
        %slice3A_744 = vector.extract_strided_slice %gather3A_743 {offsets = [0], sizes = [1], strides = [1]} : vector<16xi32> to vector<1xi32>
        %squeeze3A_745 = vector.extract %slice3A_744[0] : i32 from vector<1xi32>
        %and3A_746 = arith.constant 127 : i32
        %and3A_747 = arith.andi %squeeze3A_738, %and3A_746 : i32
        %broadcast_in_dim3A_748 = vector.broadcast %select_n3A_651 : i32 to vector<16xi32>
        %add3A_749 = arith.constant 128 : i32
        %add3A_750 = arith.addi %and3A_747, %add3A_749 : i32
        %broadcast_in_dim3A_751 = vector.broadcast %add3A_750 : i32 to vector<16xi32>
        %gather3A_752 = tpu.vector_load_idx %arg14[%broadcast_in_dim3A_748, %iota3A, %broadcast_in_dim3A_751] : memref<8x32x256xf32, #tpu.memory_space<vmem>>[vector<16xi32>, vector<16xi32>, vector<16xi32>], vector<16xf32>,
        %broadcast_in_dim3A_753 = vector.broadcast %select_n3A_651 : i32 to vector<16xi32>
        %add3A_754 = arith.constant 16 : i32
        %add3A_755 = vector.broadcast %add3A_754 : i32 to vector<16xi32>
        %add3A_756 = arith.addi %iota3A, %add3A_755 : vector<16xi32>
        %add3A_757 = arith.constant 128 : i32
        %add3A_758 = arith.addi %and3A_747, %add3A_757 : i32
        %broadcast_in_dim3A_759 = vector.broadcast %add3A_758 : i32 to vector<16xi32>
        %gather3A_760 = tpu.vector_load_idx %arg14[%broadcast_in_dim3A_753, %add3A_756, %broadcast_in_dim3A_759] : memref<8x32x256xf32, #tpu.memory_space<vmem>>[vector<16xi32>, vector<16xi32>, vector<16xi32>], vector<16xf32>,
        %swap3A_761 = arith.constant 0 : i32
        %swap3A_762 = arith.index_cast %while3A_732 : i32 to index
        %swap3A_763 = arith.index_cast %swap3A_761 : i32 to index
        %swap3A_764 = arith.constant 0 : index
        %swap3A_765 = tpu.vector_load %arg16[%swap3A_762, %swap3A_763, %swap3A_764] {strides = array<i32>} : memref<128x1x128xf32, #tpu.memory_space<vmem>>, vector<16xf32>,
        tpu.vector_store %arg16[%swap3A_762, %swap3A_763, %swap3A_764], %gather3A_752 {strides = array<i32>} : memref<128x1x128xf32, #tpu.memory_space<vmem>>, vector<16xf32>,
        %swap3A_766 = arith.constant 0 : i32
        %swap3A_767 = arith.index_cast %while3A_732 : i32 to index
        %swap3A_768 = arith.index_cast %swap3A_766 : i32 to index
        %swap3A_769 = arith.constant 16 : index
        %swap3A_770 = tpu.vector_load %arg16[%swap3A_767, %swap3A_768, %swap3A_769] {strides = array<i32>} : memref<128x1x128xf32, #tpu.memory_space<vmem>>, vector<16xf32>,
        tpu.vector_store %arg16[%swap3A_767, %swap3A_768, %swap3A_769], %gather3A_760 {strides = array<i32>} : memref<128x1x128xf32, #tpu.memory_space<vmem>>, vector<16xf32>,
        %broadcast_in_dim3A_771 = vector.broadcast %while3A_732 : i32 to vector<16xi32>
        %broadcast_in_dim3A_772 = vector.broadcast %squeeze3A_745 : i32 to vector<16xi32>
        tpu.vector_store_idx %arg17[%broadcast_in_dim3A_771], %broadcast_in_dim3A_772 masked %eq3A_5 : memref<128xi32, #tpu.memory_space<vmem>>[vector<16xi32>], vector<16xi32>, vector<16xi1>
        %add3A_773 = arith.constant 1 : i32
        %add3A_774 = arith.addi %while3A_732, %add3A_773 : i32
        %eq3A_775 = arith.constant 128 : i32
        %eq3A_776 = arith.cmpi eq, %add3A_774, %eq3A_775 : i32
        %convert_element_type3A_777 = arith.extui %eq3A_776 : i1 to i32
        %cond3A_778 = arith.constant 0 : i32
        %cond3A_779 = arith.cmpi ne, %convert_element_type3A_777, %cond3A_778 : i32
        scf.if %cond3A_779 {
          %dma_start3A_784 = arith.constant 0 : i32
          %dma_start3A_785 = arith.constant 0 : i32
          %dma_start3A_786 = arith.constant 0 : i32
          %dma_start3A_787 = tpu.memref_slice %arg9[%dma_start3A_784, %dma_start3A_785, %dma_start3A_786] : memref<16385x1x128xf32, #tpu.memory_space<hbm>> -> memref<16385x1x128xf32, #tpu.memory_space<hbm>>
          tpu.enqueue_indirect_dma source(%arg16 : memref<128x1x128xf32, #tpu.memory_space<vmem>>) target(%dma_start3A_787 : memref<16385x1x128xf32, #tpu.memory_space<hbm>>) offsets(%arg17 : memref<128xi32, #tpu.memory_space<vmem>>) semaphore(%arg19 : memref<!tpu.dma_semaphore, #tpu.memory_space<semaphore_mem>>)
          %dma_wait3A_788 = arith.constant 0 : i32
          %dma_wait3A_789 = arith.constant 0 : i32
          %dma_wait3A_790 = arith.constant 0 : i32
          %dma_wait3A_791 = tpu.memref_slice %arg9[%dma_wait3A_788, %dma_wait3A_789, %dma_wait3A_790] : memref<16385x1x128xf32, #tpu.memory_space<hbm>> -> memref<16385x1x128xf32, #tpu.memory_space<hbm>>
          tpu.wait_indirect_dma semaphore(%arg19 : memref<!tpu.dma_semaphore, #tpu.memory_space<semaphore_mem>>) src(%arg16 : memref<128x1x128xf32, #tpu.memory_space<vmem>>) dst(%dma_wait3A_791 : memref<16385x1x128xf32, #tpu.memory_space<hbm>>)
          %broadcast_in_dim3A_792 = arith.constant 16384 : i32
          %broadcast_in_dim3A_793 = vector.broadcast %broadcast_in_dim3A_792 : i32 to vector<16xi32>
          %swap3A_794 = arith.constant 0 : index
          %swap3A_795 = tpu.vector_load %arg17[%swap3A_794] {strides = array<i32>} : memref<128xi32, #tpu.memory_space<vmem>>, vector<16xi32>,
          tpu.vector_store %arg17[%swap3A_794], %broadcast_in_dim3A_793 {strides = array<i32>} : memref<128xi32, #tpu.memory_space<vmem>>, vector<16xi32>,
          %broadcast_in_dim3A_796 = arith.constant 16384 : i32
          %broadcast_in_dim3A_797 = vector.broadcast %broadcast_in_dim3A_796 : i32 to vector<16xi32>
          %swap3A_798 = arith.constant 16 : index
          %swap3A_799 = tpu.vector_load %arg17[%swap3A_798] {strides = array<i32>} : memref<128xi32, #tpu.memory_space<vmem>>, vector<16xi32>,
          tpu.vector_store %arg17[%swap3A_798], %broadcast_in_dim3A_797 {strides = array<i32>} : memref<128xi32, #tpu.memory_space<vmem>>, vector<16xi32>,
          %broadcast_in_dim3A_800 = arith.constant 16384 : i32
          %broadcast_in_dim3A_801 = vector.broadcast %broadcast_in_dim3A_800 : i32 to vector<16xi32>
          %swap3A_802 = arith.constant 32 : index
          %swap3A_803 = tpu.vector_load %arg17[%swap3A_802] {strides = array<i32>} : memref<128xi32, #tpu.memory_space<vmem>>, vector<16xi32>,
          tpu.vector_store %arg17[%swap3A_802], %broadcast_in_dim3A_801 {strides = array<i32>} : memref<128xi32, #tpu.memory_space<vmem>>, vector<16xi32>,
          %broadcast_in_dim3A_804 = arith.constant 16384 : i32
          %broadcast_in_dim3A_805 = vector.broadcast %broadcast_in_dim3A_804 : i32 to vector<16xi32>
          %swap3A_806 = arith.constant 48 : index
          %swap3A_807 = tpu.vector_load %arg17[%swap3A_806] {strides = array<i32>} : memref<128xi32, #tpu.memory_space<vmem>>, vector<16xi32>,
          tpu.vector_store %arg17[%swap3A_806], %broadcast_in_dim3A_805 {strides = array<i32>} : memref<128xi32, #tpu.memory_space<vmem>>, vector<16xi32>,
          %broadcast_in_dim3A_808 = arith.constant 16384 : i32
          %broadcast_in_dim3A_809 = vector.broadcast %broadcast_in_dim3A_808 : i32 to vector<16xi32>
          %swap3A_810 = arith.constant 64 : index
          %swap3A_811 = tpu.vector_load %arg17[%swap3A_810] {strides = array<i32>} : memref<128xi32, #tpu.memory_space<vmem>>, vector<16xi32>,
          tpu.vector_store %arg17[%swap3A_810], %broadcast_in_dim3A_809 {strides = array<i32>} : memref<128xi32, #tpu.memory_space<vmem>>, vector<16xi32>,
          %broadcast_in_dim3A_812 = arith.constant 16384 : i32
          %broadcast_in_dim3A_813 = vector.broadcast %broadcast_in_dim3A_812 : i32 to vector<16xi32>
          %swap3A_814 = arith.constant 80 : index
          %swap3A_815 = tpu.vector_load %arg17[%swap3A_814] {strides = array<i32>} : memref<128xi32, #tpu.memory_space<vmem>>, vector<16xi32>,
          tpu.vector_store %arg17[%swap3A_814], %broadcast_in_dim3A_813 {strides = array<i32>} : memref<128xi32, #tpu.memory_space<vmem>>, vector<16xi32>,
          %broadcast_in_dim3A_816 = arith.constant 16384 : i32
          %broadcast_in_dim3A_817 = vector.broadcast %broadcast_in_dim3A_816 : i32 to vector<16xi32>
          %swap3A_818 = arith.constant 96 : index
          %swap3A_819 = tpu.vector_load %arg17[%swap3A_818] {strides = array<i32>} : memref<128xi32, #tpu.memory_space<vmem>>, vector<16xi32>,
          tpu.vector_store %arg17[%swap3A_818], %broadcast_in_dim3A_817 {strides = array<i32>} : memref<128xi32, #tpu.memory_space<vmem>>, vector<16xi32>,
          %broadcast_in_dim3A_820 = arith.constant 16384 : i32
          %broadcast_in_dim3A_821 = vector.broadcast %broadcast_in_dim3A_820 : i32 to vector<16xi32>
          %swap3A_822 = arith.constant 112 : index
          %swap3A_823 = tpu.vector_load %arg17[%swap3A_822] {strides = array<i32>} : memref<128xi32, #tpu.memory_space<vmem>>, vector<16xi32>,
          tpu.vector_store %arg17[%swap3A_822], %broadcast_in_dim3A_821 {strides = array<i32>} : memref<128xi32, #tpu.memory_space<vmem>>, vector<16xi32>,
        } else {
        }
        %eq3A_780 = arith.constant 128 : i32
        %eq3A_781 = arith.cmpi eq, %add3A_774, %eq3A_780 : i32
        %jit3A_782 = arith.constant 0 : i32
        %select_n3A_783 = arith.select %eq3A_781, %jit3A_782, %add3A_774 : i32
        scf.yield %select_n3A_783 : i32
      }
      scf.yield %while3A_730 : i32
    }
    %sub3A_598 = arith.constant 1 : i32
    %sub3A_599 = arith.subi %select_n3A_13, %sub3A_598 : i32
    %add3A_600 = arith.addi %mul3A_2, %sub3A_599 : i32
    %mul3A_601 = arith.constant 128 : i32
    %mul3A_602 = arith.muli %add3A_600, %mul3A_601 : i32
    %run_scoped3A_603 = arith.constant 0 : i32
    "tpu.region"() ({
      %run_scoped3A_635 = tpu.sem_alloc : memref<!tpu.dma_semaphore, #tpu.memory_space<semaphore_mem>>
      %dma_start3A_636 = arith.constant 0 : i32
      %dma_start3A_637 = arith.constant 0 : i32
      %dma_start3A_638 = tpu.memref_slice %arg14[%run_scoped3A_603, %dma_start3A_636, %dma_start3A_637] : memref<8x32x256xf32, #tpu.memory_space<vmem>> -> memref<1x32x128xf32, #tpu.memory_space<vmem>>
      %dma_start3A_639 = tpu.memref_squeeze %dma_start3A_638 : memref<1x32x128xf32, #tpu.memory_space<vmem>> -> memref<32x128xf32, #tpu.memory_space<vmem>>
      %dma_start3A_640 = arith.constant 0 : i32
      %dma_start3A_641 = tpu.memref_slice %arg5[%dma_start3A_640, %mul3A_602] : memref<32x1000000xf32, #tpu.memory_space<hbm>> -> memref<32x128xf32, #tpu.memory_space<hbm>>
      %dma_start3A_642 = arith.constant 0 : i32
      %dma_start3A_643 = arith.constant 0 : i32
      %dma_start3A_644 = tpu.memref_slice %arg14[%run_scoped3A_603, %dma_start3A_642, %dma_start3A_643] : memref<8x32x256xf32, #tpu.memory_space<vmem>> -> memref<1x32x128xf32, #tpu.memory_space<vmem>>
      %dma_start3A_645 = tpu.memref_squeeze %dma_start3A_644 : memref<1x32x128xf32, #tpu.memory_space<vmem>> -> memref<32x128xf32, #tpu.memory_space<vmem>>
      %dma_start3A_646 = arith.constant 0 : i32
      %dma_start3A_647 = tpu.memref_slice %arg5[%dma_start3A_646, %mul3A_602] : memref<32x1000000xf32, #tpu.memory_space<hbm>> -> memref<32x128xf32, #tpu.memory_space<hbm>>
      tpu.enqueue_dma source(%dma_start3A_647 : memref<32x128xf32, #tpu.memory_space<hbm>>) target(%dma_start3A_645 : memref<32x128xf32, #tpu.memory_space<vmem>>) target_semaphore(%run_scoped3A_635 : memref<!tpu.dma_semaphore, #tpu.memory_space<semaphore_mem>>)
      %dma_wait3A = arith.constant 0 : i32
      %dma_wait3A_648 = arith.constant 0 : i32
      %dma_wait3A_649 = tpu.memref_slice %arg14[%run_scoped3A_603, %dma_wait3A, %dma_wait3A_648] : memref<8x32x256xf32, #tpu.memory_space<vmem>> -> memref<1x32x128xf32, #tpu.memory_space<vmem>>
      %dma_wait3A_650 = tpu.memref_squeeze %dma_wait3A_649 : memref<1x32x128xf32, #tpu.memory_space<vmem>> -> memref<32x128xf32, #tpu.memory_space<vmem>>
      %dma_wait3A_651 = arith.constant 0 : i32
      %dma_wait3A_652 = tpu.memref_slice %arg5[%dma_wait3A_651, %mul3A_602] : memref<32x1000000xf32, #tpu.memory_space<hbm>> -> memref<32x128xf32, #tpu.memory_space<hbm>>
      %dma_wait3A_653 = arith.constant 0 : i32
      %dma_wait3A_654 = arith.constant 0 : i32
      %dma_wait3A_655 = tpu.memref_slice %arg14[%run_scoped3A_603, %dma_wait3A_653, %dma_wait3A_654] : memref<8x32x256xf32, #tpu.memory_space<vmem>> -> memref<1x32x128xf32, #tpu.memory_space<vmem>>
      %dma_wait3A_656 = tpu.memref_squeeze %dma_wait3A_655 : memref<1x32x128xf32, #tpu.memory_space<vmem>> -> memref<32x128xf32, #tpu.memory_space<vmem>>
      %dma_wait3A_657 = arith.constant 0 : i32
      %dma_wait3A_658 = tpu.memref_slice %arg5[%dma_wait3A_657, %mul3A_602] : memref<32x1000000xf32, #tpu.memory_space<hbm>> -> memref<32x128xf32, #tpu.memory_space<hbm>>
      tpu.wait_dma2 semaphore(%run_scoped3A_635 : memref<!tpu.dma_semaphore, #tpu.memory_space<semaphore_mem>>) src(%dma_wait3A_658 : memref<32x128xf32, #tpu.memory_space<hbm>>) dst(%dma_wait3A_656 : memref<32x128xf32, #tpu.memory_space<vmem>>)
      tpu.yield
    }) : () -> ()
    %get3A_604 = arith.index_cast %sub3A_599 : i32 to index
    %get3A_605 = tpu.vector_load %arg13[%get3A_604] {strides = array<i32>} : memref<277xi32, #tpu.memory_space<vmem>>, vector<16xi32>,
    %slice3A_606 = vector.extract_strided_slice %get3A_605 {offsets = [0], sizes = [1], strides = [1]} : vector<16xi32> to vector<1xi32>
    %squeeze3A_607 = vector.extract %slice3A_606[0] : i32 from vector<1xi32>
    %while3A_608 = arith.constant 0 : i32
    %while3A_609 = arith.subi %squeeze3A_607, %while3A_608 : i32
    %while3A_610 = arith.addi %while3A_608, %while3A_609 : i32
    %while3A_611 = arith.constant 1 : i32
    %while3A_612 = arith.divsi %while3A_609, %while3A_611 : i32
    %while3A_613 = arith.muli %while3A_612, %while3A_611 : i32
    %while3A_614 = arith.addi %while3A_608, %while3A_613 : i32
    %while3A_615 = arith.constant 1 : i32
    %while3A_616 = scf.for %while3A_635 = %while3A_608 to %while3A_614 step %while3A_615 iter_args(%while3A_636 = %while3A_597) -> (i32)  : i32 {
      %mul3A_637 = arith.constant 16 : i32
      %mul3A_638 = arith.muli %sub3A_599, %mul3A_637 : i32
      %add3A_639 = arith.addi %mul3A_638, %while3A_635 : i32
      %broadcast_in_dim3A_640 = vector.broadcast %add3A_639 : i32 to vector<16xi32>
      %gather3A = tpu.vector_load_idx %arg11[%broadcast_in_dim3A_640] : memref<3936xi32, #tpu.memory_space<vmem>>[vector<16xi32>], vector<16xi32>,
      %slice3A_641 = vector.extract_strided_slice %gather3A {offsets = [0], sizes = [1], strides = [1]} : vector<16xi32> to vector<1xi32>
      %squeeze3A_642 = vector.extract %slice3A_641[0] : i32 from vector<1xi32>
      %mul3A_643 = arith.constant 16 : i32
      %mul3A_644 = arith.muli %sub3A_599, %mul3A_643 : i32
      %add3A_645 = arith.addi %mul3A_644, %while3A_635 : i32
      %broadcast_in_dim3A_646 = vector.broadcast %add3A_645 : i32 to vector<16xi32>
      %gather3A_647 = tpu.vector_load_idx %arg12[%broadcast_in_dim3A_646] : memref<3936xi32, #tpu.memory_space<vmem>>[vector<16xi32>], vector<16xi32>,
      %slice3A_648 = vector.extract_strided_slice %gather3A_647 {offsets = [0], sizes = [1], strides = [1]} : vector<16xi32> to vector<1xi32>
      %squeeze3A_649 = vector.extract %slice3A_648[0] : i32 from vector<1xi32>
      %and3A_650 = arith.constant 127 : i32
      %and3A_651 = arith.andi %squeeze3A_642, %and3A_650 : i32
      %broadcast_in_dim3A_652 = arith.constant 0 : i32
      %broadcast_in_dim3A_653 = vector.broadcast %broadcast_in_dim3A_652 : i32 to vector<16xi32>
      %add3A_654 = arith.constant 0 : i32
      %add3A_655 = arith.addi %and3A_651, %add3A_654 : i32
      %broadcast_in_dim3A_656 = vector.broadcast %add3A_655 : i32 to vector<16xi32>
      %gather3A_657 = tpu.vector_load_idx %arg14[%broadcast_in_dim3A_653, %iota3A, %broadcast_in_dim3A_656] : memref<8x32x256xf32, #tpu.memory_space<vmem>>[vector<16xi32>, vector<16xi32>, vector<16xi32>], vector<16xf32>,
      %broadcast_in_dim3A_658 = arith.constant 0 : i32
      %broadcast_in_dim3A_659 = vector.broadcast %broadcast_in_dim3A_658 : i32 to vector<16xi32>
      %add3A_660 = arith.constant 16 : i32
      %add3A_661 = vector.broadcast %add3A_660 : i32 to vector<16xi32>
      %add3A_662 = arith.addi %iota3A, %add3A_661 : vector<16xi32>
      %add3A_663 = arith.constant 0 : i32
      %add3A_664 = arith.addi %and3A_651, %add3A_663 : i32
      %broadcast_in_dim3A_665 = vector.broadcast %add3A_664 : i32 to vector<16xi32>
      %gather3A_666 = tpu.vector_load_idx %arg14[%broadcast_in_dim3A_659, %add3A_662, %broadcast_in_dim3A_665] : memref<8x32x256xf32, #tpu.memory_space<vmem>>[vector<16xi32>, vector<16xi32>, vector<16xi32>], vector<16xf32>,
      %swap3A_667 = arith.constant 0 : i32
      %swap3A_668 = arith.index_cast %while3A_636 : i32 to index
      %swap3A_669 = arith.index_cast %swap3A_667 : i32 to index
      %swap3A_670 = arith.constant 0 : index
      %swap3A_671 = tpu.vector_load %arg16[%swap3A_668, %swap3A_669, %swap3A_670] {strides = array<i32>} : memref<128x1x128xf32, #tpu.memory_space<vmem>>, vector<16xf32>,
      tpu.vector_store %arg16[%swap3A_668, %swap3A_669, %swap3A_670], %gather3A_657 {strides = array<i32>} : memref<128x1x128xf32, #tpu.memory_space<vmem>>, vector<16xf32>,
      %swap3A_672 = arith.constant 0 : i32
      %swap3A_673 = arith.index_cast %while3A_636 : i32 to index
      %swap3A_674 = arith.index_cast %swap3A_672 : i32 to index
      %swap3A_675 = arith.constant 16 : index
      %swap3A_676 = tpu.vector_load %arg16[%swap3A_673, %swap3A_674, %swap3A_675] {strides = array<i32>} : memref<128x1x128xf32, #tpu.memory_space<vmem>>, vector<16xf32>,
      tpu.vector_store %arg16[%swap3A_673, %swap3A_674, %swap3A_675], %gather3A_666 {strides = array<i32>} : memref<128x1x128xf32, #tpu.memory_space<vmem>>, vector<16xf32>,
      %broadcast_in_dim3A_677 = vector.broadcast %while3A_636 : i32 to vector<16xi32>
      %broadcast_in_dim3A_678 = vector.broadcast %squeeze3A_649 : i32 to vector<16xi32>
      tpu.vector_store_idx %arg17[%broadcast_in_dim3A_677], %broadcast_in_dim3A_678 masked %eq3A_5 : memref<128xi32, #tpu.memory_space<vmem>>[vector<16xi32>], vector<16xi32>, vector<16xi1>
      %add3A_679 = arith.constant 1 : i32
      %add3A_680 = arith.addi %while3A_636, %add3A_679 : i32
      %eq3A_681 = arith.constant 128 : i32
      %eq3A_682 = arith.cmpi eq, %add3A_680, %eq3A_681 : i32
      %convert_element_type3A_683 = arith.extui %eq3A_682 : i1 to i32
      %cond3A_684 = arith.constant 0 : i32
      %cond3A_685 = arith.cmpi ne, %convert_element_type3A_683, %cond3A_684 : i32
      scf.if %cond3A_685 {
        %dma_start3A_690 = arith.constant 0 : i32
        %dma_start3A_691 = arith.constant 0 : i32
        %dma_start3A_692 = arith.constant 0 : i32
        %dma_start3A_693 = tpu.memref_slice %arg9[%dma_start3A_690, %dma_start3A_691, %dma_start3A_692] : memref<16385x1x128xf32, #tpu.memory_space<hbm>> -> memref<16385x1x128xf32, #tpu.memory_space<hbm>>
        tpu.enqueue_indirect_dma source(%arg16 : memref<128x1x128xf32, #tpu.memory_space<vmem>>) target(%dma_start3A_693 : memref<16385x1x128xf32, #tpu.memory_space<hbm>>) offsets(%arg17 : memref<128xi32, #tpu.memory_space<vmem>>) semaphore(%arg19 : memref<!tpu.dma_semaphore, #tpu.memory_space<semaphore_mem>>)
        %dma_wait3A = arith.constant 0 : i32
        %dma_wait3A_694 = arith.constant 0 : i32
        %dma_wait3A_695 = arith.constant 0 : i32
        %dma_wait3A_696 = tpu.memref_slice %arg9[%dma_wait3A, %dma_wait3A_694, %dma_wait3A_695] : memref<16385x1x128xf32, #tpu.memory_space<hbm>> -> memref<16385x1x128xf32, #tpu.memory_space<hbm>>
        tpu.wait_indirect_dma semaphore(%arg19 : memref<!tpu.dma_semaphore, #tpu.memory_space<semaphore_mem>>) src(%arg16 : memref<128x1x128xf32, #tpu.memory_space<vmem>>) dst(%dma_wait3A_696 : memref<16385x1x128xf32, #tpu.memory_space<hbm>>)
        %broadcast_in_dim3A_697 = arith.constant 16384 : i32
        %broadcast_in_dim3A_698 = vector.broadcast %broadcast_in_dim3A_697 : i32 to vector<16xi32>
        %swap3A_699 = arith.constant 0 : index
        %swap3A_700 = tpu.vector_load %arg17[%swap3A_699] {strides = array<i32>} : memref<128xi32, #tpu.memory_space<vmem>>, vector<16xi32>,
        tpu.vector_store %arg17[%swap3A_699], %broadcast_in_dim3A_698 {strides = array<i32>} : memref<128xi32, #tpu.memory_space<vmem>>, vector<16xi32>,
        %broadcast_in_dim3A_701 = arith.constant 16384 : i32
        %broadcast_in_dim3A_702 = vector.broadcast %broadcast_in_dim3A_701 : i32 to vector<16xi32>
        %swap3A_703 = arith.constant 16 : index
        %swap3A_704 = tpu.vector_load %arg17[%swap3A_703] {strides = array<i32>} : memref<128xi32, #tpu.memory_space<vmem>>, vector<16xi32>,
        tpu.vector_store %arg17[%swap3A_703], %broadcast_in_dim3A_702 {strides = array<i32>} : memref<128xi32, #tpu.memory_space<vmem>>, vector<16xi32>,
        %broadcast_in_dim3A_705 = arith.constant 16384 : i32
        %broadcast_in_dim3A_706 = vector.broadcast %broadcast_in_dim3A_705 : i32 to vector<16xi32>
        %swap3A_707 = arith.constant 32 : index
        %swap3A_708 = tpu.vector_load %arg17[%swap3A_707] {strides = array<i32>} : memref<128xi32, #tpu.memory_space<vmem>>, vector<16xi32>,
        tpu.vector_store %arg17[%swap3A_707], %broadcast_in_dim3A_706 {strides = array<i32>} : memref<128xi32, #tpu.memory_space<vmem>>, vector<16xi32>,
        %broadcast_in_dim3A_709 = arith.constant 16384 : i32
        %broadcast_in_dim3A_710 = vector.broadcast %broadcast_in_dim3A_709 : i32 to vector<16xi32>
        %swap3A_711 = arith.constant 48 : index
        %swap3A_712 = tpu.vector_load %arg17[%swap3A_711] {strides = array<i32>} : memref<128xi32, #tpu.memory_space<vmem>>, vector<16xi32>,
        tpu.vector_store %arg17[%swap3A_711], %broadcast_in_dim3A_710 {strides = array<i32>} : memref<128xi32, #tpu.memory_space<vmem>>, vector<16xi32>,
        %broadcast_in_dim3A_713 = arith.constant 16384 : i32
        %broadcast_in_dim3A_714 = vector.broadcast %broadcast_in_dim3A_713 : i32 to vector<16xi32>
        %swap3A_715 = arith.constant 64 : index
        %swap3A_716 = tpu.vector_load %arg17[%swap3A_715] {strides = array<i32>} : memref<128xi32, #tpu.memory_space<vmem>>, vector<16xi32>,
        tpu.vector_store %arg17[%swap3A_715], %broadcast_in_dim3A_714 {strides = array<i32>} : memref<128xi32, #tpu.memory_space<vmem>>, vector<16xi32>,
        %broadcast_in_dim3A_717 = arith.constant 16384 : i32
        %broadcast_in_dim3A_718 = vector.broadcast %broadcast_in_dim3A_717 : i32 to vector<16xi32>
        %swap3A_719 = arith.constant 80 : index
        %swap3A_720 = tpu.vector_load %arg17[%swap3A_719] {strides = array<i32>} : memref<128xi32, #tpu.memory_space<vmem>>, vector<16xi32>,
        tpu.vector_store %arg17[%swap3A_719], %broadcast_in_dim3A_718 {strides = array<i32>} : memref<128xi32, #tpu.memory_space<vmem>>, vector<16xi32>,
        %broadcast_in_dim3A_721 = arith.constant 16384 : i32
        %broadcast_in_dim3A_722 = vector.broadcast %broadcast_in_dim3A_721 : i32 to vector<16xi32>
        %swap3A_723 = arith.constant 96 : index
        %swap3A_724 = tpu.vector_load %arg17[%swap3A_723] {strides = array<i32>} : memref<128xi32, #tpu.memory_space<vmem>>, vector<16xi32>,
        tpu.vector_store %arg17[%swap3A_723], %broadcast_in_dim3A_722 {strides = array<i32>} : memref<128xi32, #tpu.memory_space<vmem>>, vector<16xi32>,
        %broadcast_in_dim3A_725 = arith.constant 16384 : i32
        %broadcast_in_dim3A_726 = vector.broadcast %broadcast_in_dim3A_725 : i32 to vector<16xi32>
        %swap3A_727 = arith.constant 112 : index
        %swap3A_728 = tpu.vector_load %arg17[%swap3A_727] {strides = array<i32>} : memref<128xi32, #tpu.memory_space<vmem>>, vector<16xi32>,
        tpu.vector_store %arg17[%swap3A_727], %broadcast_in_dim3A_726 {strides = array<i32>} : memref<128xi32, #tpu.memory_space<vmem>>, vector<16xi32>,
      } else {
      }
      %eq3A_686 = arith.constant 128 : i32
      %eq3A_687 = arith.cmpi eq, %add3A_680, %eq3A_686 : i32
      %jit3A_688 = arith.constant 0 : i32
      %select_n3A_689 = arith.select %eq3A_687, %jit3A_688, %add3A_680 : i32
      scf.yield %select_n3A_689 : i32
    }
    %while3A_617 = arith.constant 1 : i32
    %while3A_618 = scf.for %while3A_635 = %while3A_614 to %while3A_610 step %while3A_617 iter_args(%while3A_636 = %while3A_616) -> (i32)  : i32 {
      %mul3A_637 = arith.constant 16 : i32
      %mul3A_638 = arith.muli %sub3A_599, %mul3A_637 : i32
      %add3A_639 = arith.addi %mul3A_638, %while3A_635 : i32
      %broadcast_in_dim3A_640 = vector.broadcast %add3A_639 : i32 to vector<16xi32>
      %gather3A = tpu.vector_load_idx %arg11[%broadcast_in_dim3A_640] : memref<3936xi32, #tpu.memory_space<vmem>>[vector<16xi32>], vector<16xi32>,
      %slice3A_641 = vector.extract_strided_slice %gather3A {offsets = [0], sizes = [1], strides = [1]} : vector<16xi32> to vector<1xi32>
      %squeeze3A_642 = vector.extract %slice3A_641[0] : i32 from vector<1xi32>
      %mul3A_643 = arith.constant 16 : i32
      %mul3A_644 = arith.muli %sub3A_599, %mul3A_643 : i32
      %add3A_645 = arith.addi %mul3A_644, %while3A_635 : i32
      %broadcast_in_dim3A_646 = vector.broadcast %add3A_645 : i32 to vector<16xi32>
      %gather3A_647 = tpu.vector_load_idx %arg12[%broadcast_in_dim3A_646] : memref<3936xi32, #tpu.memory_space<vmem>>[vector<16xi32>], vector<16xi32>,
      %slice3A_648 = vector.extract_strided_slice %gather3A_647 {offsets = [0], sizes = [1], strides = [1]} : vector<16xi32> to vector<1xi32>
      %squeeze3A_649 = vector.extract %slice3A_648[0] : i32 from vector<1xi32>
      %and3A_650 = arith.constant 127 : i32
      %and3A_651 = arith.andi %squeeze3A_642, %and3A_650 : i32
      %broadcast_in_dim3A_652 = arith.constant 0 : i32
      %broadcast_in_dim3A_653 = vector.broadcast %broadcast_in_dim3A_652 : i32 to vector<16xi32>
      %add3A_654 = arith.constant 0 : i32
      %add3A_655 = arith.addi %and3A_651, %add3A_654 : i32
      %broadcast_in_dim3A_656 = vector.broadcast %add3A_655 : i32 to vector<16xi32>
      %gather3A_657 = tpu.vector_load_idx %arg14[%broadcast_in_dim3A_653, %iota3A, %broadcast_in_dim3A_656] : memref<8x32x256xf32, #tpu.memory_space<vmem>>[vector<16xi32>, vector<16xi32>, vector<16xi32>], vector<16xf32>,
      %broadcast_in_dim3A_658 = arith.constant 0 : i32
      %broadcast_in_dim3A_659 = vector.broadcast %broadcast_in_dim3A_658 : i32 to vector<16xi32>
      %add3A_660 = arith.constant 16 : i32
      %add3A_661 = vector.broadcast %add3A_660 : i32 to vector<16xi32>
      %add3A_662 = arith.addi %iota3A, %add3A_661 : vector<16xi32>
      %add3A_663 = arith.constant 0 : i32
      %add3A_664 = arith.addi %and3A_651, %add3A_663 : i32
      %broadcast_in_dim3A_665 = vector.broadcast %add3A_664 : i32 to vector<16xi32>
      %gather3A_666 = tpu.vector_load_idx %arg14[%broadcast_in_dim3A_659, %add3A_662, %broadcast_in_dim3A_665] : memref<8x32x256xf32, #tpu.memory_space<vmem>>[vector<16xi32>, vector<16xi32>, vector<16xi32>], vector<16xf32>,
      %swap3A_667 = arith.constant 0 : i32
      %swap3A_668 = arith.index_cast %while3A_636 : i32 to index
      %swap3A_669 = arith.index_cast %swap3A_667 : i32 to index
      %swap3A_670 = arith.constant 0 : index
      %swap3A_671 = tpu.vector_load %arg16[%swap3A_668, %swap3A_669, %swap3A_670] {strides = array<i32>} : memref<128x1x128xf32, #tpu.memory_space<vmem>>, vector<16xf32>,
      tpu.vector_store %arg16[%swap3A_668, %swap3A_669, %swap3A_670], %gather3A_657 {strides = array<i32>} : memref<128x1x128xf32, #tpu.memory_space<vmem>>, vector<16xf32>,
      %swap3A_672 = arith.constant 0 : i32
      %swap3A_673 = arith.index_cast %while3A_636 : i32 to index
      %swap3A_674 = arith.index_cast %swap3A_672 : i32 to index
      %swap3A_675 = arith.constant 16 : index
      %swap3A_676 = tpu.vector_load %arg16[%swap3A_673, %swap3A_674, %swap3A_675] {strides = array<i32>} : memref<128x1x128xf32, #tpu.memory_space<vmem>>, vector<16xf32>,
      tpu.vector_store %arg16[%swap3A_673, %swap3A_674, %swap3A_675], %gather3A_666 {strides = array<i32>} : memref<128x1x128xf32, #tpu.memory_space<vmem>>, vector<16xf32>,
      %broadcast_in_dim3A_677 = vector.broadcast %while3A_636 : i32 to vector<16xi32>
      %broadcast_in_dim3A_678 = vector.broadcast %squeeze3A_649 : i32 to vector<16xi32>
      tpu.vector_store_idx %arg17[%broadcast_in_dim3A_677], %broadcast_in_dim3A_678 masked %eq3A_5 : memref<128xi32, #tpu.memory_space<vmem>>[vector<16xi32>], vector<16xi32>, vector<16xi1>
      %add3A_679 = arith.constant 1 : i32
      %add3A_680 = arith.addi %while3A_636, %add3A_679 : i32
      %eq3A_681 = arith.constant 128 : i32
      %eq3A_682 = arith.cmpi eq, %add3A_680, %eq3A_681 : i32
      %convert_element_type3A_683 = arith.extui %eq3A_682 : i1 to i32
      %cond3A_684 = arith.constant 0 : i32
      %cond3A_685 = arith.cmpi ne, %convert_element_type3A_683, %cond3A_684 : i32
      scf.if %cond3A_685 {
        %dma_start3A_690 = arith.constant 0 : i32
        %dma_start3A_691 = arith.constant 0 : i32
        %dma_start3A_692 = arith.constant 0 : i32
        %dma_start3A_693 = tpu.memref_slice %arg9[%dma_start3A_690, %dma_start3A_691, %dma_start3A_692] : memref<16385x1x128xf32, #tpu.memory_space<hbm>> -> memref<16385x1x128xf32, #tpu.memory_space<hbm>>
        tpu.enqueue_indirect_dma source(%arg16 : memref<128x1x128xf32, #tpu.memory_space<vmem>>) target(%dma_start3A_693 : memref<16385x1x128xf32, #tpu.memory_space<hbm>>) offsets(%arg17 : memref<128xi32, #tpu.memory_space<vmem>>) semaphore(%arg19 : memref<!tpu.dma_semaphore, #tpu.memory_space<semaphore_mem>>)
        %dma_wait3A = arith.constant 0 : i32
        %dma_wait3A_694 = arith.constant 0 : i32
        %dma_wait3A_695 = arith.constant 0 : i32
        %dma_wait3A_696 = tpu.memref_slice %arg9[%dma_wait3A, %dma_wait3A_694, %dma_wait3A_695] : memref<16385x1x128xf32, #tpu.memory_space<hbm>> -> memref<16385x1x128xf32, #tpu.memory_space<hbm>>
        tpu.wait_indirect_dma semaphore(%arg19 : memref<!tpu.dma_semaphore, #tpu.memory_space<semaphore_mem>>) src(%arg16 : memref<128x1x128xf32, #tpu.memory_space<vmem>>) dst(%dma_wait3A_696 : memref<16385x1x128xf32, #tpu.memory_space<hbm>>)
        %broadcast_in_dim3A_697 = arith.constant 16384 : i32
        %broadcast_in_dim3A_698 = vector.broadcast %broadcast_in_dim3A_697 : i32 to vector<16xi32>
        %swap3A_699 = arith.constant 0 : index
        %swap3A_700 = tpu.vector_load %arg17[%swap3A_699] {strides = array<i32>} : memref<128xi32, #tpu.memory_space<vmem>>, vector<16xi32>,
        tpu.vector_store %arg17[%swap3A_699], %broadcast_in_dim3A_698 {strides = array<i32>} : memref<128xi32, #tpu.memory_space<vmem>>, vector<16xi32>,
        %broadcast_in_dim3A_701 = arith.constant 16384 : i32
        %broadcast_in_dim3A_702 = vector.broadcast %broadcast_in_dim3A_701 : i32 to vector<16xi32>
        %swap3A_703 = arith.constant 16 : index
        %swap3A_704 = tpu.vector_load %arg17[%swap3A_703] {strides = array<i32>} : memref<128xi32, #tpu.memory_space<vmem>>, vector<16xi32>,
        tpu.vector_store %arg17[%swap3A_703], %broadcast_in_dim3A_702 {strides = array<i32>} : memref<128xi32, #tpu.memory_space<vmem>>, vector<16xi32>,
        %broadcast_in_dim3A_705 = arith.constant 16384 : i32
        %broadcast_in_dim3A_706 = vector.broadcast %broadcast_in_dim3A_705 : i32 to vector<16xi32>
        %swap3A_707 = arith.constant 32 : index
        %swap3A_708 = tpu.vector_load %arg17[%swap3A_707] {strides = array<i32>} : memref<128xi32, #tpu.memory_space<vmem>>, vector<16xi32>,
        tpu.vector_store %arg17[%swap3A_707], %broadcast_in_dim3A_706 {strides = array<i32>} : memref<128xi32, #tpu.memory_space<vmem>>, vector<16xi32>,
        %broadcast_in_dim3A_709 = arith.constant 16384 : i32
        %broadcast_in_dim3A_710 = vector.broadcast %broadcast_in_dim3A_709 : i32 to vector<16xi32>
        %swap3A_711 = arith.constant 48 : index
        %swap3A_712 = tpu.vector_load %arg17[%swap3A_711] {strides = array<i32>} : memref<128xi32, #tpu.memory_space<vmem>>, vector<16xi32>,
        tpu.vector_store %arg17[%swap3A_711], %broadcast_in_dim3A_710 {strides = array<i32>} : memref<128xi32, #tpu.memory_space<vmem>>, vector<16xi32>,
        %broadcast_in_dim3A_713 = arith.constant 16384 : i32
        %broadcast_in_dim3A_714 = vector.broadcast %broadcast_in_dim3A_713 : i32 to vector<16xi32>
        %swap3A_715 = arith.constant 64 : index
        %swap3A_716 = tpu.vector_load %arg17[%swap3A_715] {strides = array<i32>} : memref<128xi32, #tpu.memory_space<vmem>>, vector<16xi32>,
        tpu.vector_store %arg17[%swap3A_715], %broadcast_in_dim3A_714 {strides = array<i32>} : memref<128xi32, #tpu.memory_space<vmem>>, vector<16xi32>,
        %broadcast_in_dim3A_717 = arith.constant 16384 : i32
        %broadcast_in_dim3A_718 = vector.broadcast %broadcast_in_dim3A_717 : i32 to vector<16xi32>
        %swap3A_719 = arith.constant 80 : index
        %swap3A_720 = tpu.vector_load %arg17[%swap3A_719] {strides = array<i32>} : memref<128xi32, #tpu.memory_space<vmem>>, vector<16xi32>,
        tpu.vector_store %arg17[%swap3A_719], %broadcast_in_dim3A_718 {strides = array<i32>} : memref<128xi32, #tpu.memory_space<vmem>>, vector<16xi32>,
        %broadcast_in_dim3A_721 = arith.constant 16384 : i32
        %broadcast_in_dim3A_722 = vector.broadcast %broadcast_in_dim3A_721 : i32 to vector<16xi32>
        %swap3A_723 = arith.constant 96 : index
        %swap3A_724 = tpu.vector_load %arg17[%swap3A_723] {strides = array<i32>} : memref<128xi32, #tpu.memory_space<vmem>>, vector<16xi32>,
        tpu.vector_store %arg17[%swap3A_723], %broadcast_in_dim3A_722 {strides = array<i32>} : memref<128xi32, #tpu.memory_space<vmem>>, vector<16xi32>,
        %broadcast_in_dim3A_725 = arith.constant 16384 : i32
        %broadcast_in_dim3A_726 = vector.broadcast %broadcast_in_dim3A_725 : i32 to vector<16xi32>
        %swap3A_727 = arith.constant 112 : index
        %swap3A_728 = tpu.vector_load %arg17[%swap3A_727] {strides = array<i32>} : memref<128xi32, #tpu.memory_space<vmem>>, vector<16xi32>,
        tpu.vector_store %arg17[%swap3A_727], %broadcast_in_dim3A_726 {strides = array<i32>} : memref<128xi32, #tpu.memory_space<vmem>>, vector<16xi32>,
      } else {
      }
      %eq3A_686 = arith.constant 128 : i32
      %eq3A_687 = arith.cmpi eq, %add3A_680, %eq3A_686 : i32
      %jit3A_688 = arith.constant 0 : i32
      %select_n3A_689 = arith.select %eq3A_687, %jit3A_688, %add3A_680 : i32
      scf.yield %select_n3A_689 : i32
    }
    %eq3A_619 = arith.constant 31 : i32
    %eq3A_620 = arith.cmpi eq, %add3A, %eq3A_619 : i32
    %convert_element_type3A_621 = arith.extui %eq3A_620 : i1 to i32
    %cond3A_622 = arith.constant 0 : i32
    %cond3A_623 = arith.cmpi ne, %convert_element_type3A_621, %cond3A_622 : i32
    scf.if %cond3A_623 {
      "tpu.region"() ({
        %run_scoped3A_635 = tpu.sem_alloc : memref<!tpu.dma_semaphore, #tpu.memory_space<semaphore_mem>>
        tpu.enqueue_dma source(%arg7 : memref<64x32xf32, #tpu.memory_space<hbm>>) target(%arg15 : memref<64x32xf32, #tpu.memory_space<vmem>>) target_semaphore(%run_scoped3A_635 : memref<!tpu.dma_semaphore, #tpu.memory_space<semaphore_mem>>)
        tpu.wait_dma2 semaphore(%run_scoped3A_635 : memref<!tpu.dma_semaphore, #tpu.memory_space<semaphore_mem>>) src(%arg7 : memref<64x32xf32, #tpu.memory_space<hbm>>) dst(%arg15 : memref<64x32xf32, #tpu.memory_space<vmem>>)
        tpu.yield
      }) : () -> ()
    } else {
    }
    %eq3A_624 = arith.constant 31 : i32
    %eq3A_625 = arith.cmpi eq, %add3A, %eq3A_624 : i32
    %convert_element_type3A_626 = arith.extui %eq3A_625 : i1 to i32
    %cond3A_627 = arith.constant 0 : i32
    %cond3A_628 = arith.cmpi ne, %convert_element_type3A_626, %cond3A_627 : i32
    %cond3A_629 = scf.if %cond3A_628 -> (i32) {
      %get3A_635 = arith.index_cast %select_n3A_13 : i32 to index
      %get3A_636 = tpu.vector_load %arg13[%get3A_635] {strides = array<i32>} : memref<277xi32, #tpu.memory_space<vmem>>, vector<16xi32>,
      %slice3A_637 = vector.extract_strided_slice %get3A_636 {offsets = [0], sizes = [1], strides = [1]} : vector<16xi32> to vector<1xi32>
      %squeeze3A_638 = vector.extract %slice3A_637[0] : i32 from vector<1xi32>
      %while3A_639 = arith.constant 0 : i32
      %while3A_640 = arith.subi %squeeze3A_638, %while3A_639 : i32
      %while3A_641 = arith.addi %while3A_639, %while3A_640 : i32
      %while3A_642 = arith.constant 1 : i32
      %while3A_643 = arith.divsi %while3A_640, %while3A_642 : i32
      %while3A_644 = arith.muli %while3A_643, %while3A_642 : i32
      %while3A_645 = arith.addi %while3A_639, %while3A_644 : i32
      %while3A_646 = arith.constant 1 : i32
      %while3A_647 = scf.for %while3A_650 = %while3A_639 to %while3A_645 step %while3A_646 iter_args(%while3A_651 = %while3A_618) -> (i32)  : i32 {
        %mul3A_652 = arith.constant 16 : i32
        %mul3A_653 = arith.muli %select_n3A_13, %mul3A_652 : i32
        %add3A_654 = arith.addi %mul3A_653, %while3A_650 : i32
        %broadcast_in_dim3A_655 = vector.broadcast %add3A_654 : i32 to vector<16xi32>
        %gather3A = tpu.vector_load_idx %arg11[%broadcast_in_dim3A_655] : memref<3936xi32, #tpu.memory_space<vmem>>[vector<16xi32>], vector<16xi32>,
        %slice3A_656 = vector.extract_strided_slice %gather3A {offsets = [0], sizes = [1], strides = [1]} : vector<16xi32> to vector<1xi32>
        %squeeze3A_657 = vector.extract %slice3A_656[0] : i32 from vector<1xi32>
        %mul3A_658 = arith.constant 16 : i32
        %mul3A_659 = arith.muli %select_n3A_13, %mul3A_658 : i32
        %add3A_660 = arith.addi %mul3A_659, %while3A_650 : i32
        %broadcast_in_dim3A_661 = vector.broadcast %add3A_660 : i32 to vector<16xi32>
        %gather3A_662 = tpu.vector_load_idx %arg12[%broadcast_in_dim3A_661] : memref<3936xi32, #tpu.memory_space<vmem>>[vector<16xi32>], vector<16xi32>,
        %slice3A_663 = vector.extract_strided_slice %gather3A_662 {offsets = [0], sizes = [1], strides = [1]} : vector<16xi32> to vector<1xi32>
        %squeeze3A_664 = vector.extract %slice3A_663[0] : i32 from vector<1xi32>
        %and3A_665 = arith.constant 127 : i32
        %and3A_666 = arith.andi %squeeze3A_657, %and3A_665 : i32
        %sub3A_667 = arith.constant 999936 : i32
        %sub3A_668 = arith.subi %squeeze3A_657, %sub3A_667 : i32
        %broadcast_in_dim3A_669 = vector.broadcast %sub3A_668 : i32 to vector<16xi32>
        %gather3A_670 = tpu.vector_load_idx %arg15[%broadcast_in_dim3A_669, %iota3A] : memref<64x32xf32, #tpu.memory_space<vmem>>[vector<16xi32>, vector<16xi32>], vector<16xf32>,
        %sub3A_671 = arith.constant 999936 : i32
        %sub3A_672 = arith.subi %squeeze3A_657, %sub3A_671 : i32
        %broadcast_in_dim3A_673 = vector.broadcast %sub3A_672 : i32 to vector<16xi32>
        %add3A_674 = arith.constant 16 : i32
        %add3A_675 = vector.broadcast %add3A_674 : i32 to vector<16xi32>
        %add3A_676 = arith.addi %iota3A, %add3A_675 : vector<16xi32>
        %gather3A_677 = tpu.vector_load_idx %arg15[%broadcast_in_dim3A_673, %add3A_676] : memref<64x32xf32, #tpu.memory_space<vmem>>[vector<16xi32>, vector<16xi32>], vector<16xf32>,
        %swap3A_678 = arith.constant 0 : i32
        %swap3A_679 = arith.index_cast %while3A_651 : i32 to index
        %swap3A_680 = arith.index_cast %swap3A_678 : i32 to index
        %swap3A_681 = arith.constant 0 : index
        %swap3A_682 = tpu.vector_load %arg16[%swap3A_679, %swap3A_680, %swap3A_681] {strides = array<i32>} : memref<128x1x128xf32, #tpu.memory_space<vmem>>, vector<16xf32>,
        tpu.vector_store %arg16[%swap3A_679, %swap3A_680, %swap3A_681], %gather3A_670 {strides = array<i32>} : memref<128x1x128xf32, #tpu.memory_space<vmem>>, vector<16xf32>,
        %swap3A_683 = arith.constant 0 : i32
        %swap3A_684 = arith.index_cast %while3A_651 : i32 to index
        %swap3A_685 = arith.index_cast %swap3A_683 : i32 to index
        %swap3A_686 = arith.constant 16 : index
        %swap3A_687 = tpu.vector_load %arg16[%swap3A_684, %swap3A_685, %swap3A_686] {strides = array<i32>} : memref<128x1x128xf32, #tpu.memory_space<vmem>>, vector<16xf32>,
        tpu.vector_store %arg16[%swap3A_684, %swap3A_685, %swap3A_686], %gather3A_677 {strides = array<i32>} : memref<128x1x128xf32, #tpu.memory_space<vmem>>, vector<16xf32>,
        %broadcast_in_dim3A_688 = vector.broadcast %while3A_651 : i32 to vector<16xi32>
        %broadcast_in_dim3A_689 = vector.broadcast %squeeze3A_664 : i32 to vector<16xi32>
        tpu.vector_store_idx %arg17[%broadcast_in_dim3A_688], %broadcast_in_dim3A_689 masked %eq3A_5 : memref<128xi32, #tpu.memory_space<vmem>>[vector<16xi32>], vector<16xi32>, vector<16xi1>
        %add3A_690 = arith.constant 1 : i32
        %add3A_691 = arith.addi %while3A_651, %add3A_690 : i32
        %eq3A_692 = arith.constant 128 : i32
        %eq3A_693 = arith.cmpi eq, %add3A_691, %eq3A_692 : i32
        %convert_element_type3A_694 = arith.extui %eq3A_693 : i1 to i32
        %cond3A_695 = arith.constant 0 : i32
        %cond3A_696 = arith.cmpi ne, %convert_element_type3A_694, %cond3A_695 : i32
        scf.if %cond3A_696 {
          %dma_start3A_701 = arith.constant 0 : i32
          %dma_start3A_702 = arith.constant 0 : i32
          %dma_start3A_703 = arith.constant 0 : i32
          %dma_start3A_704 = tpu.memref_slice %arg9[%dma_start3A_701, %dma_start3A_702, %dma_start3A_703] : memref<16385x1x128xf32, #tpu.memory_space<hbm>> -> memref<16385x1x128xf32, #tpu.memory_space<hbm>>
          tpu.enqueue_indirect_dma source(%arg16 : memref<128x1x128xf32, #tpu.memory_space<vmem>>) target(%dma_start3A_704 : memref<16385x1x128xf32, #tpu.memory_space<hbm>>) offsets(%arg17 : memref<128xi32, #tpu.memory_space<vmem>>) semaphore(%arg19 : memref<!tpu.dma_semaphore, #tpu.memory_space<semaphore_mem>>)
          %dma_wait3A = arith.constant 0 : i32
          %dma_wait3A_705 = arith.constant 0 : i32
          %dma_wait3A_706 = arith.constant 0 : i32
          %dma_wait3A_707 = tpu.memref_slice %arg9[%dma_wait3A, %dma_wait3A_705, %dma_wait3A_706] : memref<16385x1x128xf32, #tpu.memory_space<hbm>> -> memref<16385x1x128xf32, #tpu.memory_space<hbm>>
          tpu.wait_indirect_dma semaphore(%arg19 : memref<!tpu.dma_semaphore, #tpu.memory_space<semaphore_mem>>) src(%arg16 : memref<128x1x128xf32, #tpu.memory_space<vmem>>) dst(%dma_wait3A_707 : memref<16385x1x128xf32, #tpu.memory_space<hbm>>)
          %broadcast_in_dim3A_708 = arith.constant 16384 : i32
          %broadcast_in_dim3A_709 = vector.broadcast %broadcast_in_dim3A_708 : i32 to vector<16xi32>
          %swap3A_710 = arith.constant 0 : index
          %swap3A_711 = tpu.vector_load %arg17[%swap3A_710] {strides = array<i32>} : memref<128xi32, #tpu.memory_space<vmem>>, vector<16xi32>,
          tpu.vector_store %arg17[%swap3A_710], %broadcast_in_dim3A_709 {strides = array<i32>} : memref<128xi32, #tpu.memory_space<vmem>>, vector<16xi32>,
          %broadcast_in_dim3A_712 = arith.constant 16384 : i32
          %broadcast_in_dim3A_713 = vector.broadcast %broadcast_in_dim3A_712 : i32 to vector<16xi32>
          %swap3A_714 = arith.constant 16 : index
          %swap3A_715 = tpu.vector_load %arg17[%swap3A_714] {strides = array<i32>} : memref<128xi32, #tpu.memory_space<vmem>>, vector<16xi32>,
          tpu.vector_store %arg17[%swap3A_714], %broadcast_in_dim3A_713 {strides = array<i32>} : memref<128xi32, #tpu.memory_space<vmem>>, vector<16xi32>,
          %broadcast_in_dim3A_716 = arith.constant 16384 : i32
          %broadcast_in_dim3A_717 = vector.broadcast %broadcast_in_dim3A_716 : i32 to vector<16xi32>
          %swap3A_718 = arith.constant 32 : index
          %swap3A_719 = tpu.vector_load %arg17[%swap3A_718] {strides = array<i32>} : memref<128xi32, #tpu.memory_space<vmem>>, vector<16xi32>,
          tpu.vector_store %arg17[%swap3A_718], %broadcast_in_dim3A_717 {strides = array<i32>} : memref<128xi32, #tpu.memory_space<vmem>>, vector<16xi32>,
          %broadcast_in_dim3A_720 = arith.constant 16384 : i32
          %broadcast_in_dim3A_721 = vector.broadcast %broadcast_in_dim3A_720 : i32 to vector<16xi32>
          %swap3A_722 = arith.constant 48 : index
          %swap3A_723 = tpu.vector_load %arg17[%swap3A_722] {strides = array<i32>} : memref<128xi32, #tpu.memory_space<vmem>>, vector<16xi32>,
          tpu.vector_store %arg17[%swap3A_722], %broadcast_in_dim3A_721 {strides = array<i32>} : memref<128xi32, #tpu.memory_space<vmem>>, vector<16xi32>,
          %broadcast_in_dim3A_724 = arith.constant 16384 : i32
          %broadcast_in_dim3A_725 = vector.broadcast %broadcast_in_dim3A_724 : i32 to vector<16xi32>
          %swap3A_726 = arith.constant 64 : index
          %swap3A_727 = tpu.vector_load %arg17[%swap3A_726] {strides = array<i32>} : memref<128xi32, #tpu.memory_space<vmem>>, vector<16xi32>,
          tpu.vector_store %arg17[%swap3A_726], %broadcast_in_dim3A_725 {strides = array<i32>} : memref<128xi32, #tpu.memory_space<vmem>>, vector<16xi32>,
          %broadcast_in_dim3A_728 = arith.constant 16384 : i32
          %broadcast_in_dim3A_729 = vector.broadcast %broadcast_in_dim3A_728 : i32 to vector<16xi32>
          %swap3A_730 = arith.constant 80 : index
          %swap3A_731 = tpu.vector_load %arg17[%swap3A_730] {strides = array<i32>} : memref<128xi32, #tpu.memory_space<vmem>>, vector<16xi32>,
          tpu.vector_store %arg17[%swap3A_730], %broadcast_in_dim3A_729 {strides = array<i32>} : memref<128xi32, #tpu.memory_space<vmem>>, vector<16xi32>,
          %broadcast_in_dim3A_732 = arith.constant 16384 : i32
          %broadcast_in_dim3A_733 = vector.broadcast %broadcast_in_dim3A_732 : i32 to vector<16xi32>
          %swap3A_734 = arith.constant 96 : index
          %swap3A_735 = tpu.vector_load %arg17[%swap3A_734] {strides = array<i32>} : memref<128xi32, #tpu.memory_space<vmem>>, vector<16xi32>,
          tpu.vector_store %arg17[%swap3A_734], %broadcast_in_dim3A_733 {strides = array<i32>} : memref<128xi32, #tpu.memory_space<vmem>>, vector<16xi32>,
          %broadcast_in_dim3A_736 = arith.constant 16384 : i32
          %broadcast_in_dim3A_737 = vector.broadcast %broadcast_in_dim3A_736 : i32 to vector<16xi32>
          %swap3A_738 = arith.constant 112 : index
          %swap3A_739 = tpu.vector_load %arg17[%swap3A_738] {strides = array<i32>} : memref<128xi32, #tpu.memory_space<vmem>>, vector<16xi32>,
          tpu.vector_store %arg17[%swap3A_738], %broadcast_in_dim3A_737 {strides = array<i32>} : memref<128xi32, #tpu.memory_space<vmem>>, vector<16xi32>,
        } else {
        }
        %eq3A_697 = arith.constant 128 : i32
        %eq3A_698 = arith.cmpi eq, %add3A_691, %eq3A_697 : i32
        %jit3A_699 = arith.constant 0 : i32
        %select_n3A_700 = arith.select %eq3A_698, %jit3A_699, %add3A_691 : i32
        scf.yield %select_n3A_700 : i32
      }
      %while3A_648 = arith.constant 1 : i32
      %while3A_649 = scf.for %while3A_650 = %while3A_645 to %while3A_641 step %while3A_648 iter_args(%while3A_651 = %while3A_647) -> (i32)  : i32 {
        %mul3A_652 = arith.constant 16 : i32
        %mul3A_653 = arith.muli %select_n3A_13, %mul3A_652 : i32
        %add3A_654 = arith.addi %mul3A_653, %while3A_650 : i32
        %broadcast_in_dim3A_655 = vector.broadcast %add3A_654 : i32 to vector<16xi32>
        %gather3A = tpu.vector_load_idx %arg11[%broadcast_in_dim3A_655] : memref<3936xi32, #tpu.memory_space<vmem>>[vector<16xi32>], vector<16xi32>,
        %slice3A_656 = vector.extract_strided_slice %gather3A {offsets = [0], sizes = [1], strides = [1]} : vector<16xi32> to vector<1xi32>
        %squeeze3A_657 = vector.extract %slice3A_656[0] : i32 from vector<1xi32>
        %mul3A_658 = arith.constant 16 : i32
        %mul3A_659 = arith.muli %select_n3A_13, %mul3A_658 : i32
        %add3A_660 = arith.addi %mul3A_659, %while3A_650 : i32
        %broadcast_in_dim3A_661 = vector.broadcast %add3A_660 : i32 to vector<16xi32>
        %gather3A_662 = tpu.vector_load_idx %arg12[%broadcast_in_dim3A_661] : memref<3936xi32, #tpu.memory_space<vmem>>[vector<16xi32>], vector<16xi32>,
        %slice3A_663 = vector.extract_strided_slice %gather3A_662 {offsets = [0], sizes = [1], strides = [1]} : vector<16xi32> to vector<1xi32>
        %squeeze3A_664 = vector.extract %slice3A_663[0] : i32 from vector<1xi32>
        %and3A_665 = arith.constant 127 : i32
        %and3A_666 = arith.andi %squeeze3A_657, %and3A_665 : i32
        %sub3A_667 = arith.constant 999936 : i32
        %sub3A_668 = arith.subi %squeeze3A_657, %sub3A_667 : i32
        %broadcast_in_dim3A_669 = vector.broadcast %sub3A_668 : i32 to vector<16xi32>
        %gather3A_670 = tpu.vector_load_idx %arg15[%broadcast_in_dim3A_669, %iota3A] : memref<64x32xf32, #tpu.memory_space<vmem>>[vector<16xi32>, vector<16xi32>], vector<16xf32>,
        %sub3A_671 = arith.constant 999936 : i32
        %sub3A_672 = arith.subi %squeeze3A_657, %sub3A_671 : i32
        %broadcast_in_dim3A_673 = vector.broadcast %sub3A_672 : i32 to vector<16xi32>
        %add3A_674 = arith.constant 16 : i32
        %add3A_675 = vector.broadcast %add3A_674 : i32 to vector<16xi32>
        %add3A_676 = arith.addi %iota3A, %add3A_675 : vector<16xi32>
        %gather3A_677 = tpu.vector_load_idx %arg15[%broadcast_in_dim3A_673, %add3A_676] : memref<64x32xf32, #tpu.memory_space<vmem>>[vector<16xi32>, vector<16xi32>], vector<16xf32>,
        %swap3A_678 = arith.constant 0 : i32
        %swap3A_679 = arith.index_cast %while3A_651 : i32 to index
        %swap3A_680 = arith.index_cast %swap3A_678 : i32 to index
        %swap3A_681 = arith.constant 0 : index
        %swap3A_682 = tpu.vector_load %arg16[%swap3A_679, %swap3A_680, %swap3A_681] {strides = array<i32>} : memref<128x1x128xf32, #tpu.memory_space<vmem>>, vector<16xf32>,
        tpu.vector_store %arg16[%swap3A_679, %swap3A_680, %swap3A_681], %gather3A_670 {strides = array<i32>} : memref<128x1x128xf32, #tpu.memory_space<vmem>>, vector<16xf32>,
        %swap3A_683 = arith.constant 0 : i32
        %swap3A_684 = arith.index_cast %while3A_651 : i32 to index
        %swap3A_685 = arith.index_cast %swap3A_683 : i32 to index
        %swap3A_686 = arith.constant 16 : index
        %swap3A_687 = tpu.vector_load %arg16[%swap3A_684, %swap3A_685, %swap3A_686] {strides = array<i32>} : memref<128x1x128xf32, #tpu.memory_space<vmem>>, vector<16xf32>,
        tpu.vector_store %arg16[%swap3A_684, %swap3A_685, %swap3A_686], %gather3A_677 {strides = array<i32>} : memref<128x1x128xf32, #tpu.memory_space<vmem>>, vector<16xf32>,
        %broadcast_in_dim3A_688 = vector.broadcast %while3A_651 : i32 to vector<16xi32>
        %broadcast_in_dim3A_689 = vector.broadcast %squeeze3A_664 : i32 to vector<16xi32>
        tpu.vector_store_idx %arg17[%broadcast_in_dim3A_688], %broadcast_in_dim3A_689 masked %eq3A_5 : memref<128xi32, #tpu.memory_space<vmem>>[vector<16xi32>], vector<16xi32>, vector<16xi1>
        %add3A_690 = arith.constant 1 : i32
        %add3A_691 = arith.addi %while3A_651, %add3A_690 : i32
        %eq3A_692 = arith.constant 128 : i32
        %eq3A_693 = arith.cmpi eq, %add3A_691, %eq3A_692 : i32
        %convert_element_type3A_694 = arith.extui %eq3A_693 : i1 to i32
        %cond3A_695 = arith.constant 0 : i32
        %cond3A_696 = arith.cmpi ne, %convert_element_type3A_694, %cond3A_695 : i32
        scf.if %cond3A_696 {
          %dma_start3A_701 = arith.constant 0 : i32
          %dma_start3A_702 = arith.constant 0 : i32
          %dma_start3A_703 = arith.constant 0 : i32
          %dma_start3A_704 = tpu.memref_slice %arg9[%dma_start3A_701, %dma_start3A_702, %dma_start3A_703] : memref<16385x1x128xf32, #tpu.memory_space<hbm>> -> memref<16385x1x128xf32, #tpu.memory_space<hbm>>
          tpu.enqueue_indirect_dma source(%arg16 : memref<128x1x128xf32, #tpu.memory_space<vmem>>) target(%dma_start3A_704 : memref<16385x1x128xf32, #tpu.memory_space<hbm>>) offsets(%arg17 : memref<128xi32, #tpu.memory_space<vmem>>) semaphore(%arg19 : memref<!tpu.dma_semaphore, #tpu.memory_space<semaphore_mem>>)
          %dma_wait3A = arith.constant 0 : i32
          %dma_wait3A_705 = arith.constant 0 : i32
          %dma_wait3A_706 = arith.constant 0 : i32
          %dma_wait3A_707 = tpu.memref_slice %arg9[%dma_wait3A, %dma_wait3A_705, %dma_wait3A_706] : memref<16385x1x128xf32, #tpu.memory_space<hbm>> -> memref<16385x1x128xf32, #tpu.memory_space<hbm>>
          tpu.wait_indirect_dma semaphore(%arg19 : memref<!tpu.dma_semaphore, #tpu.memory_space<semaphore_mem>>) src(%arg16 : memref<128x1x128xf32, #tpu.memory_space<vmem>>) dst(%dma_wait3A_707 : memref<16385x1x128xf32, #tpu.memory_space<hbm>>)
          %broadcast_in_dim3A_708 = arith.constant 16384 : i32
          %broadcast_in_dim3A_709 = vector.broadcast %broadcast_in_dim3A_708 : i32 to vector<16xi32>
          %swap3A_710 = arith.constant 0 : index
          %swap3A_711 = tpu.vector_load %arg17[%swap3A_710] {strides = array<i32>} : memref<128xi32, #tpu.memory_space<vmem>>, vector<16xi32>,
          tpu.vector_store %arg17[%swap3A_710], %broadcast_in_dim3A_709 {strides = array<i32>} : memref<128xi32, #tpu.memory_space<vmem>>, vector<16xi32>,
          %broadcast_in_dim3A_712 = arith.constant 16384 : i32
          %broadcast_in_dim3A_713 = vector.broadcast %broadcast_in_dim3A_712 : i32 to vector<16xi32>
          %swap3A_714 = arith.constant 16 : index
          %swap3A_715 = tpu.vector_load %arg17[%swap3A_714] {strides = array<i32>} : memref<128xi32, #tpu.memory_space<vmem>>, vector<16xi32>,
          tpu.vector_store %arg17[%swap3A_714], %broadcast_in_dim3A_713 {strides = array<i32>} : memref<128xi32, #tpu.memory_space<vmem>>, vector<16xi32>,
          %broadcast_in_dim3A_716 = arith.constant 16384 : i32
          %broadcast_in_dim3A_717 = vector.broadcast %broadcast_in_dim3A_716 : i32 to vector<16xi32>
          %swap3A_718 = arith.constant 32 : index
          %swap3A_719 = tpu.vector_load %arg17[%swap3A_718] {strides = array<i32>} : memref<128xi32, #tpu.memory_space<vmem>>, vector<16xi32>,
          tpu.vector_store %arg17[%swap3A_718], %broadcast_in_dim3A_717 {strides = array<i32>} : memref<128xi32, #tpu.memory_space<vmem>>, vector<16xi32>,
          %broadcast_in_dim3A_720 = arith.constant 16384 : i32
          %broadcast_in_dim3A_721 = vector.broadcast %broadcast_in_dim3A_720 : i32 to vector<16xi32>
          %swap3A_722 = arith.constant 48 : index
          %swap3A_723 = tpu.vector_load %arg17[%swap3A_722] {strides = array<i32>} : memref<128xi32, #tpu.memory_space<vmem>>, vector<16xi32>,
          tpu.vector_store %arg17[%swap3A_722], %broadcast_in_dim3A_721 {strides = array<i32>} : memref<128xi32, #tpu.memory_space<vmem>>, vector<16xi32>,
          %broadcast_in_dim3A_724 = arith.constant 16384 : i32
          %broadcast_in_dim3A_725 = vector.broadcast %broadcast_in_dim3A_724 : i32 to vector<16xi32>
          %swap3A_726 = arith.constant 64 : index
          %swap3A_727 = tpu.vector_load %arg17[%swap3A_726] {strides = array<i32>} : memref<128xi32, #tpu.memory_space<vmem>>, vector<16xi32>,
          tpu.vector_store %arg17[%swap3A_726], %broadcast_in_dim3A_725 {strides = array<i32>} : memref<128xi32, #tpu.memory_space<vmem>>, vector<16xi32>,
          %broadcast_in_dim3A_728 = arith.constant 16384 : i32
          %broadcast_in_dim3A_729 = vector.broadcast %broadcast_in_dim3A_728 : i32 to vector<16xi32>
          %swap3A_730 = arith.constant 80 : index
          %swap3A_731 = tpu.vector_load %arg17[%swap3A_730] {strides = array<i32>} : memref<128xi32, #tpu.memory_space<vmem>>, vector<16xi32>,
          tpu.vector_store %arg17[%swap3A_730], %broadcast_in_dim3A_729 {strides = array<i32>} : memref<128xi32, #tpu.memory_space<vmem>>, vector<16xi32>,
          %broadcast_in_dim3A_732 = arith.constant 16384 : i32
          %broadcast_in_dim3A_733 = vector.broadcast %broadcast_in_dim3A_732 : i32 to vector<16xi32>
          %swap3A_734 = arith.constant 96 : index
          %swap3A_735 = tpu.vector_load %arg17[%swap3A_734] {strides = array<i32>} : memref<128xi32, #tpu.memory_space<vmem>>, vector<16xi32>,
          tpu.vector_store %arg17[%swap3A_734], %broadcast_in_dim3A_733 {strides = array<i32>} : memref<128xi32, #tpu.memory_space<vmem>>, vector<16xi32>,
          %broadcast_in_dim3A_736 = arith.constant 16384 : i32
          %broadcast_in_dim3A_737 = vector.broadcast %broadcast_in_dim3A_736 : i32 to vector<16xi32>
          %swap3A_738 = arith.constant 112 : index
          %swap3A_739 = tpu.vector_load %arg17[%swap3A_738] {strides = array<i32>} : memref<128xi32, #tpu.memory_space<vmem>>, vector<16xi32>,
          tpu.vector_store %arg17[%swap3A_738], %broadcast_in_dim3A_737 {strides = array<i32>} : memref<128xi32, #tpu.memory_space<vmem>>, vector<16xi32>,
        } else {
        }
        %eq3A_697 = arith.constant 128 : i32
        %eq3A_698 = arith.cmpi eq, %add3A_691, %eq3A_697 : i32
        %jit3A_699 = arith.constant 0 : i32
        %select_n3A_700 = arith.select %eq3A_698, %jit3A_699, %add3A_691 : i32
        scf.yield %select_n3A_700 : i32
      }
      scf.yield %while3A_649 : i32
    } else {
      scf.yield %while3A_618 : i32
    }
    %gt3A_630 = arith.constant 0 : i32
    %gt3A_631 = arith.cmpi sgt, %cond3A_629, %gt3A_630 : i32
    %convert_element_type3A_632 = arith.extui %gt3A_631 : i1 to i32
    %cond3A_633 = arith.constant 0 : i32
    %cond3A_634 = arith.cmpi ne, %convert_element_type3A_632, %cond3A_633 : i32
    scf.if %cond3A_634 {
      %dma_start3A_635 = arith.constant 0 : i32
      %dma_start3A_636 = arith.constant 0 : i32
      %dma_start3A_637 = arith.constant 0 : i32
      %dma_start3A_638 = tpu.memref_slice %arg9[%dma_start3A_635, %dma_start3A_636, %dma_start3A_637] : memref<16385x1x128xf32, #tpu.memory_space<hbm>> -> memref<16385x1x128xf32, #tpu.memory_space<hbm>>
      tpu.enqueue_indirect_dma source(%arg16 : memref<128x1x128xf32, #tpu.memory_space<vmem>>) target(%dma_start3A_638 : memref<16385x1x128xf32, #tpu.memory_space<hbm>>) offsets(%arg17 : memref<128xi32, #tpu.memory_space<vmem>>) semaphore(%arg19 : memref<!tpu.dma_semaphore, #tpu.memory_space<semaphore_mem>>)
      %dma_wait3A = arith.constant 0 : i32
      %dma_wait3A_639 = arith.constant 0 : i32
      %dma_wait3A_640 = arith.constant 0 : i32
      %dma_wait3A_641 = tpu.memref_slice %arg9[%dma_wait3A, %dma_wait3A_639, %dma_wait3A_640] : memref<16385x1x128xf32, #tpu.memory_space<hbm>> -> memref<16385x1x128xf32, #tpu.memory_space<hbm>>
      tpu.wait_indirect_dma semaphore(%arg19 : memref<!tpu.dma_semaphore, #tpu.memory_space<semaphore_mem>>) src(%arg16 : memref<128x1x128xf32, #tpu.memory_space<vmem>>) dst(%dma_wait3A_641 : memref<16385x1x128xf32, #tpu.memory_space<hbm>>)
      %broadcast_in_dim3A_642 = arith.constant 16384 : i32
      %broadcast_in_dim3A_643 = vector.broadcast %broadcast_in_dim3A_642 : i32 to vector<16xi32>
      %swap3A_644 = arith.constant 0 : index
      %swap3A_645 = tpu.vector_load %arg17[%swap3A_644] {strides = array<i32>} : memref<128xi32, #tpu.memory_space<vmem>>, vector<16xi32>,
      tpu.vector_store %arg17[%swap3A_644], %broadcast_in_dim3A_643 {strides = array<i32>} : memref<128xi32, #tpu.memory_space<vmem>>, vector<16xi32>,
      %broadcast_in_dim3A_646 = arith.constant 16384 : i32
      %broadcast_in_dim3A_647 = vector.broadcast %broadcast_in_dim3A_646 : i32 to vector<16xi32>
      %swap3A_648 = arith.constant 16 : index
      %swap3A_649 = tpu.vector_load %arg17[%swap3A_648] {strides = array<i32>} : memref<128xi32, #tpu.memory_space<vmem>>, vector<16xi32>,
      tpu.vector_store %arg17[%swap3A_648], %broadcast_in_dim3A_647 {strides = array<i32>} : memref<128xi32, #tpu.memory_space<vmem>>, vector<16xi32>,
      %broadcast_in_dim3A_650 = arith.constant 16384 : i32
      %broadcast_in_dim3A_651 = vector.broadcast %broadcast_in_dim3A_650 : i32 to vector<16xi32>
      %swap3A_652 = arith.constant 32 : index
      %swap3A_653 = tpu.vector_load %arg17[%swap3A_652] {strides = array<i32>} : memref<128xi32, #tpu.memory_space<vmem>>, vector<16xi32>,
      tpu.vector_store %arg17[%swap3A_652], %broadcast_in_dim3A_651 {strides = array<i32>} : memref<128xi32, #tpu.memory_space<vmem>>, vector<16xi32>,
      %broadcast_in_dim3A_654 = arith.constant 16384 : i32
      %broadcast_in_dim3A_655 = vector.broadcast %broadcast_in_dim3A_654 : i32 to vector<16xi32>
      %swap3A_656 = arith.constant 48 : index
      %swap3A_657 = tpu.vector_load %arg17[%swap3A_656] {strides = array<i32>} : memref<128xi32, #tpu.memory_space<vmem>>, vector<16xi32>,
      tpu.vector_store %arg17[%swap3A_656], %broadcast_in_dim3A_655 {strides = array<i32>} : memref<128xi32, #tpu.memory_space<vmem>>, vector<16xi32>,
      %broadcast_in_dim3A_658 = arith.constant 16384 : i32
      %broadcast_in_dim3A_659 = vector.broadcast %broadcast_in_dim3A_658 : i32 to vector<16xi32>
      %swap3A_660 = arith.constant 64 : index
      %swap3A_661 = tpu.vector_load %arg17[%swap3A_660] {strides = array<i32>} : memref<128xi32, #tpu.memory_space<vmem>>, vector<16xi32>,
      tpu.vector_store %arg17[%swap3A_660], %broadcast_in_dim3A_659 {strides = array<i32>} : memref<128xi32, #tpu.memory_space<vmem>>, vector<16xi32>,
      %broadcast_in_dim3A_662 = arith.constant 16384 : i32
      %broadcast_in_dim3A_663 = vector.broadcast %broadcast_in_dim3A_662 : i32 to vector<16xi32>
      %swap3A_664 = arith.constant 80 : index
      %swap3A_665 = tpu.vector_load %arg17[%swap3A_664] {strides = array<i32>} : memref<128xi32, #tpu.memory_space<vmem>>, vector<16xi32>,
      tpu.vector_store %arg17[%swap3A_664], %broadcast_in_dim3A_663 {strides = array<i32>} : memref<128xi32, #tpu.memory_space<vmem>>, vector<16xi32>,
      %broadcast_in_dim3A_666 = arith.constant 16384 : i32
      %broadcast_in_dim3A_667 = vector.broadcast %broadcast_in_dim3A_666 : i32 to vector<16xi32>
      %swap3A_668 = arith.constant 96 : index
      %swap3A_669 = tpu.vector_load %arg17[%swap3A_668] {strides = array<i32>} : memref<128xi32, #tpu.memory_space<vmem>>, vector<16xi32>,
      tpu.vector_store %arg17[%swap3A_668], %broadcast_in_dim3A_667 {strides = array<i32>} : memref<128xi32, #tpu.memory_space<vmem>>, vector<16xi32>,
      %broadcast_in_dim3A_670 = arith.constant 16384 : i32
      %broadcast_in_dim3A_671 = vector.broadcast %broadcast_in_dim3A_670 : i32 to vector<16xi32>
      %swap3A_672 = arith.constant 112 : index
      %swap3A_673 = tpu.vector_load %arg17[%swap3A_672] {strides = array<i32>} : memref<128xi32, #tpu.memory_space<vmem>>, vector<16xi32>,
      tpu.vector_store %arg17[%swap3A_672], %broadcast_in_dim3A_671 {strides = array<i32>} : memref<128xi32, #tpu.memory_space<vmem>>, vector<16xi32>,
    } else {
    }
    return
  }
}

module attributes {stable_mosaic.version = 14 : i64} {
  func.func @body(%arg0: i32, %arg1: memref<1024x1x128xf32, #tpu.memory_space<vmem>>, %arg2: memref<1024x1x128xf32, #tpu.memory_space<vmem>>, %arg3: memref<1024xf32, #tpu.memory_space<vmem>>) attributes {dimension_semantics = [#tpu.dimension_semantics<arbitrary>], iteration_bounds = array<i64: 16>, scalar_prefetch = 0 : i64, scratch_operands = 0 : i64, tpu.core_type = #tpu.core_type<tc>, window_params = [{transform_indices = @transform_0, window_bounds = array<i64: 1024, 1, 128>}, {transform_indices = @transform_1, window_bounds = array<i64: 1024, 1, 128>}, {transform_indices = @transform_2, window_bounds = array<i64: 1024>}]} {
    %get3A = arith.constant 0 : index
    %get3A_0 = arith.constant 0 : index
    %get3A_1 = arith.constant 0 : index
    %get3A_2 = vector.load %arg1[%get3A, %get3A_0, %get3A_1] : memref<1024x1x128xf32, #tpu.memory_space<vmem>>, vector<1024x1x128xf32>
    %slice3A = vector.extract_strided_slice %get3A_2 {offsets = [0, 0, 0], sizes = [1024, 1, 32], strides = [1, 1, 1]} : vector<1024x1x128xf32> to vector<1024x1x32xf32>
    %squeeze3A = vector.shape_cast %slice3A : vector<1024x1x32xf32> to vector<1024x32xf32>
    %get3A_3 = arith.constant 0 : index
    %get3A_4 = arith.constant 0 : index
    %get3A_5 = arith.constant 0 : index
    %get3A_6 = vector.load %arg2[%get3A_3, %get3A_4, %get3A_5] : memref<1024x1x128xf32, #tpu.memory_space<vmem>>, vector<1024x1x128xf32>
    %slice3A_7 = vector.extract_strided_slice %get3A_6 {offsets = [0, 0, 0], sizes = [1024, 1, 32], strides = [1, 1, 1]} : vector<1024x1x128xf32> to vector<1024x1x32xf32>
    %squeeze3A_8 = vector.shape_cast %slice3A_7 : vector<1024x1x32xf32> to vector<1024x32xf32>
    %mul3A = arith.mulf %squeeze3A, %squeeze3A_8 : vector<1024x32xf32>
    %reduce_sum3A = arith.constant dense<0.000000e+00> : vector<1024xf32>
    %reduce_sum3A_9 = vector.multi_reduction <add>, %mul3A, %reduce_sum3A [1] : vector<1024x32xf32> to vector<1024xf32>
    %mul3A_10 = arith.mulf %squeeze3A, %squeeze3A : vector<1024x32xf32>
    %reduce_sum3A_11 = arith.constant dense<0.000000e+00> : vector<1024xf32>
    %reduce_sum3A_12 = vector.multi_reduction <add>, %mul3A_10, %reduce_sum3A_11 [1] : vector<1024x32xf32> to vector<1024xf32>
    %sqrt3A = math.sqrt %reduce_sum3A_12 : vector<1024xf32>
    %mul3A_13 = arith.mulf %squeeze3A_8, %squeeze3A_8 : vector<1024x32xf32>
    %reduce_sum3A_14 = arith.constant dense<0.000000e+00> : vector<1024xf32>
    %reduce_sum3A_15 = vector.multi_reduction <add>, %mul3A_13, %reduce_sum3A_14 [1] : vector<1024x32xf32> to vector<1024xf32>
    %sqrt3A_16 = math.sqrt %reduce_sum3A_15 : vector<1024xf32>
    %gt3A = arith.constant 1.000000e+00 : f32
    %gt3A_17 = vector.broadcast %gt3A : f32 to vector<1024xf32>
    %gt3A_18 = arith.cmpf ogt, %sqrt3A, %gt3A_17 : vector<1024xf32>
    %add3A = arith.constant 1.000000e-07 : f32
    %add3A_19 = vector.broadcast %add3A : f32 to vector<1024xf32>
    %add3A_20 = arith.addf %sqrt3A, %add3A_19 : vector<1024xf32>
    %div3A = arith.constant 1.000000e+00 : f32
    %div3A_21 = vector.broadcast %div3A : f32 to vector<1024xf32>
    %div3A_22 = arith.divf %div3A_21, %add3A_20 : vector<1024xf32>
    %jit3A = arith.constant 1.000000e+00 : f32
    %broadcast_in_dim3A = vector.broadcast %jit3A : f32 to vector<1024xf32>
    %select_n3A = arith.select %gt3A_18, %div3A_22, %broadcast_in_dim3A : vector<1024xi1>, vector<1024xf32>
    %gt3A_23 = arith.constant 1.000000e+00 : f32
    %gt3A_24 = vector.broadcast %gt3A_23 : f32 to vector<1024xf32>
    %gt3A_25 = arith.cmpf ogt, %sqrt3A_16, %gt3A_24 : vector<1024xf32>
    %add3A_26 = arith.constant 1.000000e-07 : f32
    %add3A_27 = vector.broadcast %add3A_26 : f32 to vector<1024xf32>
    %add3A_28 = arith.addf %sqrt3A_16, %add3A_27 : vector<1024xf32>
    %div3A_29 = arith.constant 1.000000e+00 : f32
    %div3A_30 = vector.broadcast %div3A_29 : f32 to vector<1024xf32>
    %div3A_31 = arith.divf %div3A_30, %add3A_28 : vector<1024xf32>
    %jit3A_32 = arith.constant 1.000000e+00 : f32
    %broadcast_in_dim3A_33 = vector.broadcast %jit3A_32 : f32 to vector<1024xf32>
    %select_n3A_34 = arith.select %gt3A_25, %div3A_31, %broadcast_in_dim3A_33 : vector<1024xi1>, vector<1024xf32>
    %mul3A_35 = arith.mulf %sqrt3A, %select_n3A : vector<1024xf32>
    %mul3A_36 = arith.mulf %mul3A_35, %sqrt3A_16 : vector<1024xf32>
    %mul3A_37 = arith.mulf %mul3A_36, %select_n3A_34 : vector<1024xf32>
    %max3A = arith.constant 9.99999993E-9 : f32
    %max3A_38 = vector.broadcast %max3A : f32 to vector<1024xf32>
    %max3A_39 = arith.maximumf %mul3A_37, %max3A_38 : vector<1024xf32>
    %mul3A_40 = arith.mulf %reduce_sum3A_9, %select_n3A : vector<1024xf32>
    %mul3A_41 = arith.mulf %mul3A_40, %select_n3A_34 : vector<1024xf32>
    %div3A_42 = arith.divf %mul3A_41, %max3A_39 : vector<1024xf32>
    %mul3A_43 = arith.constant 2.000000e+00 : f32
    %mul3A_44 = vector.broadcast %mul3A_43 : f32 to vector<1024xf32>
    %mul3A_45 = arith.mulf %div3A_42, %mul3A_44 : vector<1024xf32>
    %add3A_46 = arith.constant 3.000000e+00 : f32
    %add3A_47 = vector.broadcast %add3A_46 : f32 to vector<1024xf32>
    %add3A_48 = arith.addf %mul3A_45, %add3A_47 : vector<1024xf32>
    %swap3A = arith.constant 0 : index
    %swap3A_49 = vector.load %arg3[%swap3A] : memref<1024xf32, #tpu.memory_space<vmem>>, vector<1024xf32>
    tpu.vector_store %arg3[%swap3A], %add3A_48 {strides = array<i32>} : memref<1024xf32, #tpu.memory_space<vmem>>, vector<1024xf32>,
    return
  }
  func.func @transform_0(%arg0: i32) -> (i32, i32, i32) {
    %c0_i32 = arith.constant 0 : i32
    %c0_i32_0 = arith.constant 0 : i32
    %c0_i32_1 = arith.constant 0 : i32
    return %arg0, %c0_i32, %c0_i32_0 : i32, i32, i32
  }
  func.func @transform_1(%arg0: i32) -> (i32, i32, i32) {
    %c0_i32 = arith.constant 0 : i32
    %c0_i32_0 = arith.constant 0 : i32
    %c0_i32_1 = arith.constant 0 : i32
    return %arg0, %c0_i32, %c0_i32_0 : i32, i32, i32
  }
  func.func @transform_2(%arg0: i32) -> i32 {
    %c0_i32 = arith.constant 0 : i32
    return %arg0 : i32
  }
}

</mosaic_0001>

<sc_bundles>
// kernel: kernel.4.cloned.1.call-start
scs
__scs_entry_jumppad:
0x0: {  	(pc) =	sbr.rel $0x88, $3  }
0x1: {  	(tag) =	ssettag $0x0;
	lr =	simm.s32 $0x1  }
0x2: {  	[smem:$0x3F9D] =	sst lr;
	_ =	strace $0xD0000000  }
0x3: {  	_ = 	snop  }
0x4: {  	_ = 	snop  }
0x5: {  	_ = 	snop  }
0x6: {  	_ = 	snop  }
0x7: {  	_ = 	snop  }
__scs_overlays_trampoline_lowered:
0x8: {  	[smem:$0x3FAC] =	sst s0  }
0x9: {  	[smem:$0x3FAD] =	sst s1  }
0xa: {  	[smem:$0x3FAE] =	sst s2  }
0xb: {  	[smem:$0x3FAF] =	sst s3  }
0xc: {  	[smem:$0x3FB0] =	sst s4  }
0xd: {  	[smem:$0x3FB1] =	sst s5  }
0xe: {  	[smem:$0x3FB2] =	sst s6  }
0xf: {  	[smem:$0x3FB3] =	sst s7  }
0x10: {  	[smem:$0x3FB4] =	sst s8  }
0x11: {  	[smem:$0x3FB5] =	sst s9;
	s0 =	simm.s32 @!p0 $0x0  }
0x12: {  	s1 =	sld [smem:$0x3F9B];
	s0 =	simm.s32 @p0 $0x1  }
0x13: {  	[smem:$0x3FB6] =	sst s0;
	s0 =	simm.s32 @!p1 $0x0  }
0x14: {  	s2 =	sld [smem:$0x3F9A];
	s0 =	simm.s32 @p1 $0x1  }
0x15: {  	[smem:$0x3FB7] =	sst s0;
	s0 =	simm.s32 @!p2 $0x0  }
0x16: {  	s3 =	sld [smem:$0x3FDB];
	s0 =	simm.s32 @p2 $0x1  }
0x17: {  	s4 =	simm.s32 $0x1BF5;
	[smem:$0x3FB9] =	sst s0  }
0x18: {  	s0 =	sld [smem:$0x3F9C];
	_ =	swait.ge [sflag:s4], $0x0  }
0x19: {  	s7 =	sld [smem:$0x3F9D]  }
0x1a: {  	s8 =	sadd.s32 $0xFFFFE003, lr  }
0x1b: {  	s9 =	sadd.s32 $0xFFFFFEF7, lr;
	s5 =	simm.s32 $0xFFFFFFFF;
	p2 =	slt.u32 s8, $0xFFFFF086  }
0x1c: {  	p1 =	slt.u32 s9, $0xF7A;
	s5 =	simm.s32 @!p2 $0x0  }
0x1d: {  	s5 =	simm.s32 @p1 $0x1;
	p0 =	seq.s32 s7, s2  }
0x1e: {  	s7 =	smul.u32 @!p0 $0xF7A, s2;
	p2 =	seq.s32 @!p0 s5, $0x0  }
0x1f: {  	s9 =	smul.u32 $0xF7A, s1;
	s8 =	simm.s32 @!p0 $0x1BF5;
	p2 =	por !p2, p0  }
0x20: {  	[sflag:s8] =	ssyncset.s32 @!p0 $0xFFFFF086;
	s6 =	sadd.s32 @!p0 s3, s7;
	s7 =	simm.s32 @!p0 $0x108  }
0x21: {  	s3 =	sadd.s32 s3, s9;
	s6 =	sadd.s32 @!p0 $0x88, s6;
	s7 =	simm.s32 @p2 $0x1082  }
0x22: {  	[simem:s7], [sflag:s8] =	dma.local @!p0 [hbm:s6], $0xF7A  }
0x23: {  	s9 =	sor.u32 $0xD0000000, s2;
	s6 =	simm.s32 $0x108;
	_ =	swait.ge @!p0 [sflag:s8], $0x0  }
0x24: {  	s3 =	sadd.s32 $0x88, s3;
	s6 =	simm.s32 @!p1 $0x1082;
	[sflag:s4] =	ssyncset.s32 $0xFFFFF086  }
0x25: {  	[simem:s6], [sflag:s4] =	dma.local [hbm:s3], $0xF7A  }
0x26: {  	[smem:$0x3F9D] =	sst s1;
	(tag) =	ssettag s2;
	_ =	strace s9  }
0x27: {  	s1 =	sld [smem:$0x3FAD]  }
0x28: {  	s2 =	sld [smem:$0x3FAE]  }
0x29: {  	s4 =	sld [smem:$0x3FB0]  }
0x2a: {  	p0 =	seq.s32 s5, $0x0;
	s5 =	sld [smem:$0x3FB1]  }
0x2b: {  	s6 =	sld [smem:$0x3FB2]  }
0x2c: {  	s7 =	sld [smem:$0x3FB3]  }
0x2d: {  	s3 =	simm.s32 $0x108;
	s8 =	sld [smem:$0x3FB4]  }
0x2e: {  	s3 =	simm.s32 @!p0 $0x1082;
	s9 =	sld [smem:$0x3FB5]  }
0x2f: {  	lr =	sadd.s32 s0, s3;
	s0 =	sld [smem:$0x3FAC]  }
0x30: {  	s3 =	sld [smem:$0x3FAF]  }
0x31: {  	[smem:$0x3FB8] =	sst s10  }
0x32: {  	s10 =	sld [smem:$0x3FB6];
	_ =	sdelay $0x3  }
0x33: {  	p0 =	seq.s32 s10, $0x1;
	s10 =	sld [smem:$0x3FB8];
	_ =	sdelay $0x3  }
0x34: {  	[smem:$0x3FB8] =	sst s10  }
0x35: {  	s10 =	sld [smem:$0x3FB7];
	_ =	sdelay $0x3  }
0x36: {  	p1 =	seq.s32 s10, $0x1;
	s10 =	sld [smem:$0x3FB8];
	_ =	sdelay $0x3  }
0x37: {  	[smem:$0x3FB8] =	sst s10  }
0x38: {  	s10 =	sld [smem:$0x3FB9]  }
0x39: {  	_ = 	snop;
	(pc) =	sbr.ind lr, $3  }
0x3a: {  	_ = 	snop  }
0x3b: {  	_ = 	snop  }
0x3c: {  	p2 =	seq.s32 s10, $0x1;
	s10 =	sld [smem:$0x3FB8]  }
0x3d: {  	_ =	shalt  }
0x3e: {  	_ =	shalt  }
0x3f: {  	_ =	shalt  }
0x40: {  	_ =	shalt  }
0x41: {  	_ =	shalt  }
0x42: {  	_ =	shalt  }
0x43: {  	_ =	shalt  }
0x44: {  	_ =	shalt  }
0x45: {  	_ =	shalt  }
0x46: {  	_ =	shalt  }
0x47: {  	_ =	shalt  }
0x48: {  	_ =	shalt  }
0x49: {  	_ =	shalt  }
0x4a: {  	_ =	shalt  }
0x4b: {  	_ =	shalt  }
0x4c: {  	_ =	shalt  }
0x4d: {  	_ =	shalt  }
0x4e: {  	_ =	shalt  }
0x4f: {  	_ =	shalt  }
0x50: {  	_ =	shalt  }
0x51: {  	_ =	shalt  }
0x52: {  	_ =	shalt  }
0x53: {  	_ =	shalt  }
0x54: {  	_ =	shalt  }
0x55: {  	_ =	shalt  }
0x56: {  	_ =	shalt  }
0x57: {  	_ =	shalt  }
0x58: {  	_ =	shalt  }
0x59: {  	_ =	shalt  }
0x5a: {  	_ =	shalt  }
0x5b: {  	_ =	shalt  }
0x5c: {  	_ =	shalt  }
0x5d: {  	_ =	shalt  }
0x5e: {  	_ =	shalt  }
0x5f: {  	_ =	shalt  }
0x60: {  	_ =	shalt  }
0x61: {  	_ =	shalt  }
0x62: {  	_ =	shalt  }
0x63: {  	_ =	shalt  }
0x64: {  	_ =	shalt  }
0x65: {  	_ =	shalt  }
0x66: {  	_ =	shalt  }
0x67: {  	_ =	shalt  }
0x68: {  	_ =	shalt  }
0x69: {  	_ =	shalt  }
0x6a: {  	_ =	shalt  }
0x6b: {  	_ =	shalt  }
0x6c: {  	_ =	shalt  }
0x6d: {  	_ =	shalt  }
0x6e: {  	_ =	shalt  }
0x6f: {  	_ =	shalt  }
0x70: {  	_ =	shalt  }
0x71: {  	_ =	shalt  }
0x72: {  	_ =	shalt  }
0x73: {  	_ =	shalt  }
0x74: {  	_ =	shalt  }
0x75: {  	_ =	shalt  }
0x76: {  	_ =	shalt  }
0x77: {  	_ =	shalt  }
0x78: {  	_ =	shalt  }
0x79: {  	_ =	shalt  }
0x7a: {  	_ =	shalt  }
0x7b: {  	_ =	shalt  }
0x7c: {  	_ =	shalt  }
0x7d: {  	_ =	shalt  }
0x7e: {  	_ =	shalt  }
0x7f: {  	_ =	shalt  }
0x80: {  	_ =	shalt  }
0x81: {  	_ =	shalt  }
0x82: {  	_ =	shalt  }
0x83: {  	_ =	shalt  }
0x84: {  	_ =	shalt  }
0x85: {  	_ =	shalt  }
0x86: {  	_ =	shalt  }
0x87: {  	_ =	shalt  }
.Lfunc_end0:
.L_simem_size_0:
called_computation_lowered:
.L_overlay_start_0:
0x88: {  	s2 =	sld [smem:$0x3FD9]  }
0x89: {  	s3 =	sld [smem:$0x3FFE];
	_ =	sdelay $0x1  }
0x8a: {  	s1 =	srdreg.scid  }
0x8b: {  	s0 =	sand.u32 $0x1, s1  }
0x8c: {  	s17 =	sshll.u32 s0, $0xA;
	s2 =	sadd.s32 s3, s2  }
0x8d: {  	s2 =	sadd.s32 s2, s17  }
0x8e: {  	[smem:$0x3FC4] =	sst s2  }
0x8f: {  	_ = 	snop  }
0x90: {  	s2 =	sld [smem:$0x3FC9]  }
0x91: {  	s18 =	sld [smem:$0x3FC8]  }
0x92: {  	s4 =	sld [smem:$0x3FC7]  }
0x93: {  	s5 =	sld [smem:$0x3FC6]  }
0x94: {  	s6 =	sld [smem:$0x3FD0];
	(tm) =	ssettm $0x1  }
0x95: {  	s7 =	sld [smem:$0x3FFB];
	_ =	sdelay $0x3  }
0x96: {  	_ =	strace s7  }
0x97: {  	s7 =	sld [smem:$0x3FFC];
	_ =	sdelay $0x3  }
0x98: {  	_ =	strace s7  }
0x99: {  	s7 =	sld [smem:$0x3FFD];
	_ =	sdelay $0x3  }
0x9a: {  	_ =	strace s7  }
0x9b: {  	_ =	strace $0x8FFFFFFF  }
0x9c: {  	s19 =	sld [smem:$0x3FDB];
	_ =	sdelay $0x1  }
0x9d: {  	s8 =	simm.s32 $_scs_section_size  }
0x9e: {  	s9 =	simm.s32 $_size__tile_overlayer_lowered;
	s10 =	simm.s32 $_tile_overlayer_lowered  }
0x9f: {  	s22 =	simm.s32 $0x1BFF;
	s21 =	sshll.u32 s10, $0x1;
	s7 =	sadd.s32 s8, s19  }
0xa0: {  	s11 =	simm.s32 $0x0;
	s20 =	sshll.u32 s9, $0x1;
	s9 =	sadd.s32 s21, s7  }
0xa1: {  	[timem:s11], [sflag:s22] =	dma.local [hbm:s9], s20  }
0xa2: {  	_ =	swait.ge [sflag:s22], s20  }
0xa3: {  	s8 =	ssub.s32 $0x0, s20;
	[sflag:s22] =	ssyncset.done $0x0  }
0xa4: {  	[sflag:s22] =	ssyncadd.s32 s8;
	_ =	sdelay $0x1  }
0xa5: {  	s23 =	simm.s32 $0x1B8B  }
0xa6: {  	_ =	swait.ge [sflag:s23], $0x1  }
0xa7: {  	[sflag:s23] =	ssyncset.done $0x0  }
0xa8: {  	s25 =	simm.s32 $0x1B8E;
	s24 =	sld [smem:$0x3FFE];
	[sflag:s23] =	ssyncadd.s32 $0xFFFFFFFF  }
0xa9: {  	s26 =	simm.s32 $execute0_lowered;
	[smem:$0x3FD2] =	sst s25  }
0xaa: {  	s9 =	sshll.u32 s26, $0x1;
	_ =	strace $0x80000046;
	[dreg:$0x1] =	wrdreg $0xFFFFFFFF  }
0xab: {  	s28 =	simm.s32 $_size_execute0_lowered;
	s7 =	sadd.s32 s7, s9;
	[dreg:$0x0] =	wrdreg $0x0  }
0xac: {  	s9 =	sshll.u32 s28, $0x1;
	[dreg:$0x2] =	wrdreg s7  }
0xad: {  	[dreg:$0x3] =	wrdreg s9  }
0xae: {  	[dreg:$0x4] =	wrdreg $0xC0  }
0xaf: {  	_ =	task [dreg:s11], $0x5FFFF  }
0xb0: {  	[dreg:$0x1] =	wrdreg $0xFFFFFFFF  }
0xb1: {  	[dreg:$0x0] =	wrdreg $0x60  }
0xb2: {  	[dreg:$0x2] =	wrdreg s2  }
0xb3: {  	[dreg:$0x3] =	wrdreg s18  }
0xb4: {  	[dreg:$0x4] =	wrdreg s4  }
0xb5: {  	[dreg:$0x5] =	wrdreg s5  }
0xb6: {  	[dreg:$0x6] =	wrdreg s6  }
0xb7: {  	[dreg:$0x7] =	wrdreg s24  }
0xb8: {  	[dreg:$0x8] =	wrdreg $0x9  }
0xb9: {  	_ =	task.clear_ibuf [dreg:s11], $0x9FFFF;
	_ =	strace $0x90000046  }
0xba: {  	s29 =	simm.s32 $0x9;
	_ =	strace $0x80000048  }
0xbb: {  	_ =	swait.ge [sflag:s29], $0x1  }
0xbc: {  	[sflag:s29] =	ssyncadd.s32 $0xFFFFFFFF  }
0xbd: {  	_ =	strace $0x90000048  }
0xbe: {  	_ =	sfence  }
0xbf: {  	s30 =	sld [smem:$0x0];
	_ =	sdelay $0x2  }
0xc0: {  	s31 =	sshll.u32 s1, $0xD;
	s1 =	sshrl.u32 s1, $0x2  }
0xc1: {  	s3 =	sand.u32 $0x4000, s31;
	s1 =	sadd.s32 s1, s30  }
0xc2: {  	s0 =	sor.u32 s3, s0;
	s1 =	sshll.u32 s1, $0x11  }
0xc3: {  	s0 =	sor.u32 s1, s0  }
0xc4: {  	s0 =	sadd.s32 $0x8F2B, s0  }
0xc5: {  	[sflag:s0] =	ssyncadd.remote.s32 $0x1  }
0xc6: {  	_ =	sfence.sel $0xFFFF  }
0xc7: {  	[dreg:$0x0] =	wrdreg $0xFFFFFFFF;
	(pc) =	sbr.abs _section_cstart, $3  }
0xc8: {  	[dreg:$0x1] =	wrdreg $0xFFFFFFFF  }
0xc9: {  	_ =	task.clear_ibuf [dreg:s11], $0x2FFFF;
	_ =	strace $0x9FFFFFFF  }
0xca: {  	(tm) =	ssettm $0x7FFFFFFF  }
0xcb: {  	_ =	shalt  }
tec
execute0_lowered:
.L_overlay_start_1:
0x0: {  	(tag) =	ssettag $0x1  }
0x1: {  	s2 =	rddreg [dreg:$0x2]  }
0x2: {  	v0 =	vimm.s32 $0xB80;
	vm14 =	vcmask $0x300;
	vm13 =	vcmask $0x704;
	s4 =	rddreg [dreg:$0x3];
	s0 =	srdreg.scid  }
0x3: {  	vm12 =	vcmask $0xB08;
	vm11 =	vcmask $0xF0C;
	vm10 =	vcmask $0x1310;
	s1 =	stileid.u32;
	s3 =	rddreg [dreg:$0x5]  }
0x4: {  	vm8 =	vcmask $0x1714;
	vm9 =	vcmask $0x1B18;
	vm5 =	vcmask $0x1F1C;
	s7 =	simm.s32 $0x0;
	s6 =	simm.s32 $0xDA;
	s29 =	simm.s32 $0x16080  }
0x5: {  	vm6 =	vcmask $0x2320;
	vm7 =	vcmask $0x2724;
	vm4 =	vcmask $0x2B28;
	s0 =	sand.u32 $0x1, s0;
	s1 =	sshll.u32 s1, $0x1;
	[smem:$0x7FF] =	sst s7  }
0x6: {  	vm0 =	vcmask $0x2F2C;
	vm1 =	vcmask $0x3330;
	vm2 =	vcmask $0x3734;
	s22 =	sadd.s32 $0xC00, s3;
	s10 =	sadd.s32 $0x1000, s3;
	s1 =	sor.u32 s0, s1  }
0x7: {  	vm3 =	vcmask $0x3B38;
	v6 =	vimm.s32 $0x1B80;
	s11 =	sadd.s32 $0x41200, s3;
	_ =	strace $0x80000047;
	s5 =	smul.u32 $0xF5, s1  }
0x8: {  	v7 =	vimm.s32 $0xF80;
	v8 =	vimm.s32 $0x1F80;
	v0 =	vsel vm14, $0x0, v0;
	[dreg:$0x7] =	wrdreg s22;
	s0 =	ssub.s32 $0x2, s0;
	s8 =	smul.u32 $0x7A80, s1  }
0x9: {  	v6 =	vsel vm14, $0x1000, v6;
	v7 =	vsel vm14, $0x400, v7;
	v8 =	vsel vm14, $0x1400, v8;
	p0 =	seq.s32 s1, $0x1F;
	s9 =	smul.u32 $0x3D400, s1;
	s23 =	sshrl.u32 s0, $0x1  }
0xa: {  	v0 =	vsel vm13, $0x80, v0;
	v6 =	vsel vm13, $0x1080, v6;
	v7 =	vsel vm13, $0x480, v7;
	s6 =	simm.s32 @!p0 $0xF5;
	s0 =	ssub.s32 s0, s23;
	s14 =	sadd.s32 s2, s8  }
0xb: {  	v8 =	vsel vm13, $0x1480, v8;
	v0 =	vsel vm12, $0x100, v0;
	v6 =	vsel vm12, $0x1100, v6;
	s13 =	sshrl.u32 s9, $0x3;
	s8 =	sadd.s32 s4, s8;
	[dreg:$0x8] =	wrdreg s14  }
0xc: {  	v7 =	vsel vm12, $0x500, v7;
	v8 =	vsel vm12, $0x1500, v8;
	v0 =	vsel vm11, $0x180, v0;
	s0 =	smax.u32 s0, $0x1;
	s24 =	sadd.s32 $0x100, s13;
	[dreg:$0xc] =	wrdreg s8  }
0xd: {  	v6 =	vsel vm11, $0x1180, v6;
	v7 =	vsel vm11, $0x580, v7;
	v8 =	vsel vm11, $0x1580, v8;
	s26 =	sadd.s32 $0x200, s13;
	[dreg:$0x18] =	wrdreg s0;
	s25 =	sadd.s32 s2, s24  }
0xe: {  	v0 =	vsel vm10, $0x200, v0;
	v6 =	vsel vm10, $0x1200, v6;
	v7 =	vsel vm10, $0x600, v7;
	s17 =	sadd.s32 $0x300, s13;
	s3 =	sadd.s32 s4, s24;
	[dreg:$0x9] =	wrdreg s25  }
0xf: {  	v8 =	vsel vm10, $0x1600, v8;
	v0 =	vsel vm8, $0x280, v0;
	s18 =	sadd.s32 $0x400, s13;
	v6 =	vsel vm8, $0x1280, v6;
	s16 =	sadd.s32 s2, s26;
	[dreg:$0xd] =	wrdreg s3  }
0x10: {  	s28 =	sadd.s32 $0x500, s13;
	v7 =	vsel vm8, $0x680, v7;
	v8 =	vsel vm8, $0x1680, v8;
	v0 =	vsel vm9, $0x300, v0;
	s19 =	sadd.s32 s4, s26;
	[dreg:$0xe] =	wrdreg s16  }
0x11: {  	s13 =	sadd.s32 $0x600, s13;
	v6 =	vsel vm9, $0x1300, v6;
	s20 =	sadd.s32 s2, s17;
	v7 =	vsel vm9, $0x700, v7;
	v8 =	vsel vm9, $0x1700, v8;
	[dreg:$0xf] =	wrdreg s19  }
0x12: {  	s0 =	simm.s32 $0xA;
	s21 =	sadd.s32 s4, s17;
	v0 =	vsel vm5, $0x380, v0;
	[dreg:$0x10] =	wrdreg s20;
	v6 =	vsel vm5, $0x1380, v6;
	v7 =	vsel vm5, $0x780, v7  }
0x13: {  	s8 =	simm.s32 $0x4F80;
	s22 =	sadd.s32 s2, s18;
	[dreg:$0x11] =	wrdreg s21;
	v8 =	vsel vm5, $0x1780, v8;
	v1 =	vsel vm6, $0x800, v0;
	v0 =	vmov s5  }
0x14: {  	s14 =	simm.s32 $0x7A1400;
	s23 =	sadd.s32 s4, s18;
	[dreg:$0x12] =	wrdreg s22;
	v6 =	vsel vm6, $0x1800, v6;
	v7 =	vsel vm6, $0xC00, v7;
	v8 =	vsel vm6, $0x1C00, v8  }
0x15: {  	s24 =	sadd.s32 s2, s28;
	s26 =	sadd.s32 s4, s13;
	[dreg:$0x13] =	wrdreg s23;
	v2 =	vsel vm7, $0x880, v1;
	v1 =	vmov s6;
	v6 =	vsel vm7, $0x1880, v6  }
0x16: {  	s17 =	simm.s32 $0x6080;
	s18 =	simm.s32 $0x0;
	[dreg:$0x14] =	wrdreg s24;
	v7 =	vsel vm7, $0xC80, v7;
	v8 =	vsel vm7, $0x1C80, v8;
	v3 =	vsel vm4, $0x900, v2  }
0x17: {  	s25 =	sadd.s32 s2, s13;
	[dreg:$0x17] =	wrdreg s26;
	s6 =	simm.s32 $0xD9;
	v2 =	vimm.s32 $0x0;
	v6 =	vsel vm4, $0x1900, v6;
	v7 =	vsel vm4, $0xD00, v7  }
0x18: {  	[dreg:$0x16] =	wrdreg s25;
	s6 =	simm.s32 @!p0 $0xF5;
	p0 =	sne.s32 s1, $0x1F;
	v8 =	vsel vm4, $0x1D00, v8;
	v4 =	vsel vm0, $0x980, v3;
	v3 =	vimm.s32 $0x4000  }
0x19: {  	s1 =	sadd.s32 s4, s28;
	s12 =	sshrl.u32 s6, $0x1;
	s15 =	sadd.s32 $0xFFFFFFFF, s6;
	v9 =	vsel vm0, $0x1980, v6;
	v6 =	vimm.s32 $0x1;
	v7 =	vsel vm0, $0xD80, v7  }
.Ltmp0:
0x1a: {  	s6 =	sshll.u32 s6, $0x4;
	[dreg:$0x15] =	wrdreg s1;
	v8 =	vsel vm0, $0x1D80, v8;
	v4 =	vsel vm1, $0xA00, v4;
	v9 =	vsel vm1, $0x1A00, v9;
	(pc) =	sbr.rel .LBB2_1-.Ltmp0, $4  }
0x1b: {  	s13 =	simm.s32 $0x800;
	s24 =	simm.s32 $0x1C080;
	[dreg:$0xb] =	wrdreg s6;
	v10 =	vsel vm1, $0xE00, v7;
	v8 =	vsel vm1, $0x1E00, v8;
	v5 =	vsel vm2, $0xA80, v4  }
0x1c: {  	s5 =	sadd.s32 s5, s15;
	[dreg:$0xa] =	wrdreg s15;
	s28 =	sshll.u32 s15, $0x4;
	v4 =	vlaneseq.u32;
	v9 =	vsel vm2, $0x1A80, v9;
	v5 =	vsel vm3, $0xB00, v5  }
0x1d: {  	s1 =	simm.s32 $0x5F00;
	s5 =	sshll.u32 s5, $0x7;
	[dreg:$0x19] =	wrdreg s28;
	v7 =	vsel vm3, $0x1B00, v9;
	v9 =	vsel vm2, $0xE80, v10;
	v10 =	vsel vm2, $0x1E80, v8  }
0x1e: {  	s30 =	sadd.s32 s2, s5;
	s31 =	sadd.s32 s4, s5;
	s5 =	simm.s32 $0x4000;
	v8 =	vsel vm3, $0xF00, v9;
	v9 =	vsel vm3, $0x1F00, v10;
	v10 =	vor.u32 $0x10, v4  }
.LBB2_39:
0x1f: {  	s19 =	smov.u32 @p0 s19  }
.LBB2_43:
0x20: {  	p1 =	slt.s32 s19, $0x1  }
0x21: {  	s3 =	simm.s32 @!p1 $0x80;
	s6 =	simm.s32 @!p1 $0x1C080;
	s15 =	simm.s32 @!p1 $0x18080  }
0x22: {  	[hbm4b:s11+s3] =	stream.indirect.scatter @!p1 [tilespmem:s15], [sflag:$0x9], $0x80, s6, s3, $0xb8;
	[tilespmem:$0x1C100] =	vst v63  }
0x23: {  	s3 =	simm.s32 @!p1 $0x9  }
0x24: {  	_ =	swait.ge @!p1 [sflag:s3], $0x4000  }
0x25: {  	[sflag:s3] =	ssyncset.done @!p1 $0x0  }
0x26: {  	v11 =	vimm.s32 @!p1 $0x4000;
	[sflag:s3] =	ssyncadd.s32 @!p1 $0xFFFFC000  }
0x27: {  	[tilespmem:$0x1C080] =	vst @!p1 v11  }
0x28: {  	s18 =	sadd.s32 $0x1, s18;
	s28 =	rddreg [dreg:$0x18];
	[tilespmem:$0x1C090] =	vst @!p1 v11  }
0x29: {  	p2 =	sne.s32 s18, s28;
	[tilespmem:$0x1C0A0] =	vst @!p1 v11  }
.Ltmp1:
0x2a: {  	[tilespmem:$0x1C0B0] =	vst @!p1 v11;
	(pc) =	sbr.rel @!p2 .LBB2_44-.Ltmp1, $4  }
0x2b: {  	[tilespmem:$0x1C0C0] =	vst @!p1 v11  }
0x2c: {  	[tilespmem:$0x1C0D0] =	vst @!p1 v11  }
0x2d: {  	[tilespmem:$0x1C0E0] =	vst @!p1 v11  }
0x2e: {  	[tilespmem:$0x1C0F0] =	vst @!p1 v11  }
.LBB2_1:
0x2f: {  	s3 =	rddreg [dreg:$0x0]  }
0x30: {  	[tilespmem:s7], [sflag:$0xA] =	stream.linear.gather [hbm4b:s3+s7], $0x4000, $0x38;
	[tilespmem:$0x1C100] =	vst v63  }
0x31: {  	_ =	swait.ge [sflag:s0], $0x4000  }
0x32: {  	[sflag:s0] =	ssyncset.done $0x0  }
0x33: {  	[sflag:s0] =	ssyncadd.s32 $0xFFFFC000  }
0x34: {  	[tilespmem:$0x5F00] =	vst v2  }
0x35: {  	[tilespmem:$0x5F10] =	vst v2  }
0x36: {  	[tilespmem:$0x5F20] =	vst v2  }
0x37: {  	[tilespmem:$0x5F30] =	vst v2  }
0x38: {  	[tilespmem:$0x5F40] =	vst v2  }
0x39: {  	[tilespmem:$0x5F50] =	vst v2  }
0x3a: {  	[tilespmem:$0x5F60] =	vst v2  }
0x3b: {  	[tilespmem:$0x5F70] =	vst v2  }
0x3c: {  	[tilespmem:$0x5F80] =	vst v2  }
0x3d: {  	[tilespmem:$0x5F90] =	vst v2  }
0x3e: {  	[tilespmem:$0x5FA0] =	vst v2  }
0x3f: {  	[tilespmem:$0x5FB0] =	vst v2  }
0x40: {  	[tilespmem:$0x5FC0] =	vst v2  }
0x41: {  	[tilespmem:$0x5FD0] =	vst v2  }
0x42: {  	[tilespmem:$0x5FE0] =	vst v2  }
0x43: {  	[tilespmem:$0x5FF0] =	vst v2  }
0x44: {  	[tilespmem:$0x6000] =	vst v2  }
0x45: {  	[tilespmem:$0x1C080] =	vst v3  }
0x46: {  	[tilespmem:$0x1C090] =	vst v3  }
0x47: {  	[tilespmem:$0x1C0A0] =	vst v3  }
0x48: {  	[tilespmem:$0x1C0B0] =	vst v3  }
0x49: {  	[tilespmem:$0x1C0C0] =	vst v3  }
0x4a: {  	[tilespmem:$0x1C0D0] =	vst v3  }
0x4b: {  	[tilespmem:$0x1C0E0] =	vst v3  }
0x4c: {  	s6 =	simm.s32 $0x10;
	s19 =	simm.s32 $0x0;
	[tilespmem:$0x1C0F0] =	vst v3  }
.LBB2_2:
0x4d: {  	v11 =	vld [tilespmem:s6+$0xFFFFFFF0];
	_ =	sdelay $0x4  }
0x4e: {  	v12 =	vshra.s32 v11, $0x7  }
0x4f: {  	v12 =	vsub.s32 v12, v0  }
0x50: {  	vm0 =	vgt.s32 v12, $0x0  }
0x51: {  	vm1 =	vgt.s32 v12, $0xFFFFFFFF;
	vm10 =	vlt.s32 v12, v1;
	v13 =	vnsel vm0, $0x0, v12  }
0x52: {  	vm0 =	vmand vm1, vm10;
	v57 =	vmin.u32 v13, $0xF4  }
0x53: {  	(xrf1) =	vunique.msk.u32 vm0, v57;
	_ =	sdelay $0x9  }
0x54: {  	v13 =	vld.idx.msk [tilespmem:v57+s1+$0x0], vm0;
	_ =	sdelay $0x3  }
0x55: {  	_, v14, _ =	vpop (xrf1)  }
0x56: {  	v13 =	vadd.s32 v14, v13  }
0x57: {  	v13 =	vadd.s32 $0xFFFFFFFF, v13  }
0x58: {  	vm11 =	vlt.s32 v13, $0xF  }
0x59: {  	v58 =	vshll.u32 v57, $0x4;
	v13 =	vnsel vm11, $0xF, v13  }
0x5a: {  	v13 =	vadd.s32 v58, v13;
	_ =	sdelay $0x4  }
0x5b: {  	[tilespmem:v13+s5+$0x0] =	vst.idx.msk vm0, v11;
	v11 =	vor.u32 s19, v4  }
0x5c: {  	[tilespmem:v13+s8+$0x0] =	vst.idx.msk vm0, v11  }
0x5d: {  	[tilespmem:v57+s1+$0x0] =	vst.idx.add.s32.msk vm0, v6  }
0x5e: {  	v11 =	vld [tilespmem:s6+$0x0];
	_ =	sdelay $0x4  }
0x5f: {  	v59 =	vshra.s32 v11, $0x7  }
0x60: {  	v12 =	vsub.s32 v59, v0  }
0x61: {  	vm12 =	vgt.s32 v12, $0x0  }
0x62: {  	vm13 =	vgt.s32 v12, $0xFFFFFFFF;
	vm14 =	vlt.s32 v12, v1;
	v60 =	vnsel vm12, $0x0, v12  }
0x63: {  	vm0 =	vmand vm13, vm14;
	v61 =	vmin.u32 v60, $0xF4  }
0x64: {  	(xrf1) =	vunique.msk.u32 vm0, v61;
	_ =	sdelay $0x9  }
0x65: {  	v13 =	vld.idx.msk [tilespmem:v61+s1+$0x0], vm0;
	_ =	sdelay $0x3  }
0x66: {  	_, v62, _ =	vpop (xrf1)  }
0x67: {  	v13 =	vadd.s32 v62, v13  }
0x68: {  	v13 =	vadd.s32 $0xFFFFFFFF, v13  }
0x69: {  	vm15 =	vlt.s32 v13, $0xF  }
0x6a: {  	v63 =	vshll.u32 v61, $0x4;
	v13 =	vnsel vm15, $0xF, v13  }
0x6b: {  	v13 =	vadd.s32 v63, v13;
	_ =	sdelay $0x1  }
0x6c: {  	p1 =	sne.s32 s19, $0x3FE0  }
.Ltmp2:
0x6d: {  	_ = 	snop;
	(pc) =	sbr.rel @p1 .LBB2_2-.Ltmp2, $4  }
0x6e: {  	s20 =	sadd.s32 $0x10, s19  }
0x6f: {  	[tilespmem:v13+s5+$0x0] =	vst.idx.msk vm0, v11;
	v11 =	vor.u32 s20, v4  }
0x70: {  	[tilespmem:v13+s8+$0x0] =	vst.idx.msk vm0, v11  }
0x71: {  	s19 =	sadd.s32 $0x20, s19;
	s6 =	sadd.s32 $0x20, s6;
	[tilespmem:v61+s1+$0x0] =	vst.idx.add.s32.msk vm0, v6  }
0x72: {  	s3 =	rddreg [dreg:$0x8]  }
0x73: {  	[tilespmem:s17], [sflag:$0x1] =	stream.strided.gather [hbm4b:s3+s13], $0x2000, s14, s13, $0x38;
	[tilespmem:$0x1C100] =	vst v63  }
0x74: {  	s28 =	rddreg [dreg:$0x9];
	s6 =	simm.s32 $0x8080  }
0x75: {  	[tilespmem:s6], [sflag:$0x2] =	stream.strided.gather [hbm4b:s28+s13], $0x2000, s14, s13, $0x38;
	[tilespmem:$0x1C100] =	vst v63  }
0x76: {  	s15 =	rddreg [dreg:$0xe];
	s16 =	simm.s32 $0xA080  }
0x77: {  	[tilespmem:s16], [sflag:$0x3] =	stream.strided.gather [hbm4b:s15+s13], $0x2000, s14, s13, $0x38;
	[tilespmem:$0x1C100] =	vst v63  }
0x78: {  	s19 =	rddreg [dreg:$0x10];
	s20 =	simm.s32 $0xC080  }
0x79: {  	[tilespmem:s20], [sflag:$0x4] =	stream.strided.gather [hbm4b:s19+s13], $0x2000, s14, s13, $0x38;
	[tilespmem:$0x1C100] =	vst v63  }
0x7a: {  	s21 =	rddreg [dreg:$0x12];
	s22 =	simm.s32 $0xE080  }
0x7b: {  	[tilespmem:s22], [sflag:$0x5] =	stream.strided.gather [hbm4b:s21+s13], $0x2000, s14, s13, $0x38;
	[tilespmem:$0x1C100] =	vst v63  }
.Ltmp3:
0x7c: {  	s23 =	rddreg [dreg:$0x14];
	s25 =	simm.s32 $0x10080;
	(pc) =	sbr.rel .LBB2_4-.Ltmp3, $4  }
0x7d: {  	[tilespmem:s25], [sflag:$0x6] =	stream.strided.gather [hbm4b:s23+s13], $0x2000, s14, s13, $0x38;
	[tilespmem:$0x1C100] =	vst v63  }
0x7e: {  	s26 =	rddreg [dreg:$0x16];
	s28 =	simm.s32 $0x12080;
	s6 =	simm.s32 $0x10  }
0x7f: {  	[tilespmem:s28], [sflag:$0x7] =	stream.strided.gather [hbm4b:s26+s13], $0x2000, s14, s13, $0x38;
	[tilespmem:$0x1C100] =	vst v63  }
0x80: {  	s19 =	simm.s32 $0x0;
	s21 =	simm.s32 $0x0;
	s26 =	simm.s32 $0x0  }
.LBB2_11:
0x81: {  	[sflag:s23] =	ssyncadd.s32 @!p2 $0xFFFFC000  }
0x82: {  	[tilespmem:$0x1C0F0] =	vst @!p2 v13  }
0x83: {  	[tilespmem:$0x1C0E0] =	vst @!p2 v13  }
0x84: {  	[tilespmem:$0x1C0D0] =	vst @!p2 v13  }
0x85: {  	[tilespmem:$0x1C0C0] =	vst @!p2 v13  }
0x86: {  	[tilespmem:$0x1C0B0] =	vst @!p2 v13  }
0x87: {  	[tilespmem:$0x1C0A0] =	vst @!p2 v13  }
0x88: {  	[tilespmem:$0x1C080] =	vst @!p2 v13  }
0x89: {  	[tilespmem:$0x1C090] =	vst @!p2 v13  }
.LBB2_12:
0x8a: {  	s21 =	sadd.s32 $0x1, s21  }
0x8b: {  	p1 =	sne.s32 s21, s12  }
.Ltmp4:
0x8c: {  	_ = 	snop;
	(pc) =	sbr.rel @!p1 .LBB2_13-.Ltmp4, $2  }
0x8d: {  	_ =	sdelay $0x2  }
0x8e: {  	s26 =	sadd.s32 $0x20, s26;
	s6 =	sadd.s32 $0x20, s6  }
.LBB2_4:
0x8f: {  	s20 =	sadd.s32 $0x7, s21  }
0x90: {  	p1 =	sge.u32 s20, s12  }
0x91: {  	s25 =	sand.u32 $0x7, s21;
	s22 =	sshll.u32 @!p1 s20, $0xB  }
0x92: {  	s20 =	sand.u32 @!p1 $0x7, s20;
	s28 =	simm.s32 @!p1 $0x800;
	s22 =	sadd.s32 @!p1 s9, s22  }
0x93: {  	s15 =	simm.s32 @!p1 $0x7A1400;
	s23 =	sshll.u32 @!p1 s20, $0xD;
	s22 =	sshrl.u32 @!p1 s22, $0x3  }
0x94: {  	s20 =	sadd.s32 @!p1 $0x1, s20;
	s23 =	sadd.s32 @!p1 $0x6080, s23;
	s22 =	sadd.s32 @!p1 s2, s22  }
0x95: {  	[tilespmem:s23], [sflag:s20] =	stream.strided.gather @!p1 [hbm4b:s22+s28], $0x2000, s15, s28, $0x38;
	[tilespmem:$0x1C100] =	vst v63  }
0x96: {  	s23 =	sadd.s32 $0x1, s25  }
0x97: {  	_ =	swait.ge [sflag:s23], $0x2000  }
0x98: {  	s28 =	sshll.u32 s21, $0x3;
	[sflag:s23] =	ssyncset.done $0x0  }
0x99: {  	[sflag:s23] =	ssyncadd.s32 $0xFFFFE000;
	s23 =	sshra.s32 s28, $0x2  }
0x9a: {  	v11 =	vld [tilespmem:s23+$0x5F00];
	_ =	sdelay $0x4  }
0x9b: {  	(v2sf) =	vpush v11, $0x0;
	_ =	sdelay $0xe  }
0x9c: {  	s20 =	spop (v2sf)  }
0x9d: {  	p1 =	slt.s32 s20, $0x1  }
.Ltmp5:
0x9e: {  	_ = 	snop;
	(pc) =	sbr.rel @p1 .LBB2_8-.Ltmp5, $2  }
0x9f: {  	_ =	sdelay $0x2  }
0xa0: {  	s22 =	sshll.u32 s25, $0xD  }
0xa1: {  	v13 =	vmov s26;
	_ =	sdelay $0x4  }
0xa2: {  	v11 =	vld.idx.msk [tilespmem:v13+s5+$0x0], $0xffff;
	_ =	sdelay $0x4  }
0xa3: {  	(v2sf) =	vpush v11, $0x0;
	_ =	sdelay $0xe  }
0xa4: {  	s15 =	spop (v2sf)  }
0xa5: {  	v11 =	vor.u32 s22, v5;
	s15 =	sand.u32 $0x7F, s15  }
0xa6: {  	v12 =	vor.u32 s22, v7;
	v14 =	vor.u32 s15, v11  }
0xa7: {  	v15 =	vor.u32 s15, v12;
	_ =	sdelay $0x2  }
0xa8: {  	v13 =	vld.idx.msk [tilespmem:v13+s8+$0x0], $0xffff  }
0xa9: {  	v14 =	vld.idx.msk [tilespmem:v14+s17+$0x0], $0xffff  }
0xaa: {  	v15 =	vld.idx.msk [tilespmem:v15+s17+$0x0], $0xffff  }
0xab: {  	v16 =	vmov s19  }
0xac: {  	s25 =	sshll.u32 s19, $0x9  }
0xad: {  	s19 =	sadd.s32 $0x1, s19;
	s15 =	sshra.s32 s25, $0x2;
	s25 =	sadd.s32 $0xFFFFFFFF, s20  }
0xae: {  	p2 =	sne.s32 s19, $0x80;
	v13 =	vbroadcast v13, $0x0;
	p1 =	sne.s32 s25, $0x0;
	[tilespmem:s15+$0x18080] =	vst v14  }
.Ltmp6:
0xaf: {  	s16 =	simm.s32 @!p2 $0x18080;
	[tilespmem:s15+$0x18090] =	vst v15;
	(pc) =	sbr.rel @!p1 .LBB2_7-.Ltmp6, $4  }
0xb0: {  	s28 =	simm.s32 @!p2 $0x9;
	s20 =	simm.s32 @!p2 $0x1C080;
	s15 =	simm.s32 @!p2 $0x80;
	[tilespmem:v16+s24+$0x0] =	vst.idx.msk $0x1, v13  }
0xb1: {  	[hbm4b:s10+s15] =	stream.indirect.scatter @!p2 [tilespmem:s16], [sflag:$0x9], $0x80, s20, s15, $0xb8;
	[tilespmem:$0x1C100] =	vst v63  }
0xb2: {  	_ =	swait.ge @!p2 [sflag:s28], $0x4000  }
0xb3: {  	s19 =	simm.s32 @!p2 $0x0;
	v13 =	vimm.s32 @!p2 $0x4000;
	s20 =	smov.u32 s26;
	[sflag:s28] =	ssyncset.done @!p2 $0x0  }
.LBB2_6:
0xb4: {  	s25 =	sadd.s32 $0xFFFFFFFF, s25;
	[sflag:s28] =	ssyncadd.s32 @!p2 $0xFFFFC000;
	s20 =	sadd.s32 $0x1, s20  }
0xb5: {  	p1 =	sne.s32 s25, $0x0;
	[tilespmem:$0x1C0F0] =	vst @!p2 v13  }
0xb6: {  	[tilespmem:$0x1C0E0] =	vst @!p2 v13  }
0xb7: {  	[tilespmem:$0x1C0D0] =	vst @!p2 v13  }
0xb8: {  	v14 =	vmov s20;
	[tilespmem:$0x1C0C0] =	vst @!p2 v13  }
0xb9: {  	[tilespmem:$0x1C0B0] =	vst @!p2 v13  }
0xba: {  	[tilespmem:$0x1C0A0] =	vst @!p2 v13  }
0xbb: {  	[tilespmem:$0x1C080] =	vst @!p2 v13  }
0xbc: {  	[tilespmem:$0x1C090] =	vst @!p2 v13  }
0xbd: {  	v13 =	vld.idx.msk [tilespmem:v14+s5+$0x0], $0xffff;
	_ =	sdelay $0x5  }
0xbe: {  	(v2sf) =	vpush v13, $0x0;
	_ =	sdelay $0xe  }
0xbf: {  	s15 =	spop (v2sf)  }
0xc0: {  	s15 =	sand.u32 $0x7F, s15  }
0xc1: {  	v13 =	vor.u32 s15, v11;
	v15 =	vor.u32 s15, v12;
	_ =	sdelay $0x3  }
0xc2: {  	v14 =	vld.idx.msk [tilespmem:v14+s8+$0x0], $0xffff  }
0xc3: {  	v13 =	vld.idx.msk [tilespmem:v13+s17+$0x0], $0xffff  }
0xc4: {  	v15 =	vld.idx.msk [tilespmem:v15+s17+$0x0], $0xffff  }
0xc5: {  	v16 =	vmov s19;
	_ =	sdelay $0x1  }
0xc6: {  	s15 =	sshll.u32 s19, $0x9;
	s19 =	sadd.s32 $0x1, s19  }
0xc7: {  	s15 =	sshra.s32 s15, $0x2;
	p2 =	sne.s32 s19, $0x80;
	v14 =	vbroadcast v14, $0x0  }
0xc8: {  	s16 =	simm.s32 @!p2 $0x1C080;
	[tilespmem:s15+$0x18080] =	vst v13  }
.Ltmp7:
0xc9: {  	s3 =	simm.s32 @!p2 $0x18080;
	v13 =	vimm.s32 @!p2 $0x4000;
	[tilespmem:s15+$0x18090] =	vst v15;
	s15 =	simm.s32 @!p2 $0x80;
	(pc) =	sbr.rel @p1 .LBB2_6-.Ltmp7, $4  }
0xca: {  	s28 =	simm.s32 @!p2 $0x9;
	s19 =	simm.s32 @!p2 $0x0;
	[tilespmem:v16+s24+$0x0] =	vst.idx.msk $0x1, v14  }
0xcb: {  	[hbm4b:s10+s15] =	stream.indirect.scatter @!p2 [tilespmem:s3], [sflag:$0x9], $0x80, s16, s15, $0xb8;
	[tilespmem:$0x1C100] =	vst v63  }
0xcc: {  	_ =	swait.ge @!p2 [sflag:s28], $0x4000  }
0xcd: {  	[sflag:s28] =	ssyncset.done @!p2 $0x0  }
.LBB2_7:
0xce: {  	[sflag:s28] =	ssyncadd.s32 @!p2 $0xFFFFC000  }
0xcf: {  	[tilespmem:$0x1C0F0] =	vst @!p2 v13  }
0xd0: {  	[tilespmem:$0x1C0E0] =	vst @!p2 v13  }
0xd1: {  	[tilespmem:$0x1C0D0] =	vst @!p2 v13  }
0xd2: {  	[tilespmem:$0x1C0C0] =	vst @!p2 v13  }
0xd3: {  	[tilespmem:$0x1C0B0] =	vst @!p2 v13  }
0xd4: {  	[tilespmem:$0x1C0A0] =	vst @!p2 v13  }
0xd5: {  	[tilespmem:$0x1C080] =	vst @!p2 v13  }
0xd6: {  	[tilespmem:$0x1C090] =	vst @!p2 v13  }
.LBB2_8:
0xd7: {  	v11 =	vld [tilespmem:s23+$0x5F01];
	_ =	sdelay $0x4  }
0xd8: {  	(v2sf) =	vpush v11, $0x0;
	_ =	sdelay $0xe  }
0xd9: {  	s20 =	spop (v2sf)  }
0xda: {  	p1 =	slt.s32 s20, $0x1  }
.Ltmp8:
0xdb: {  	_ = 	snop;
	(pc) =	sbr.rel @p1 .LBB2_12-.Ltmp8, $1  }
0xdc: {  	_ =	sdelay $0x3  }
0xdd: {  	v13 =	vmov s6;
	_ =	sdelay $0x4  }
0xde: {  	v11 =	vld.idx.msk [tilespmem:v13+s5+$0x0], $0xffff;
	_ =	sdelay $0x4  }
0xdf: {  	v11 =	vand.u32 $0x7F, v11  }
0xe0: {  	v14 =	vbroadcast v11, $0x0  }
0xe1: {  	v11 =	vor.u32 s22, v8  }
0xe2: {  	v12 =	vor.u32 s22, v9;
	v15 =	vor.u32 v11, v14  }
0xe3: {  	v14 =	vor.u32 v12, v14;
	_ =	sdelay $0x2  }
0xe4: {  	v13 =	vld.idx.msk [tilespmem:v13+s8+$0x0], $0xffff  }
0xe5: {  	v15 =	vld.idx.msk [tilespmem:v15+s17+$0x0], $0xffff  }
0xe6: {  	v14 =	vld.idx.msk [tilespmem:v14+s17+$0x0], $0xffff  }
0xe7: {  	v16 =	vmov s19  }
0xe8: {  	s3 =	sshll.u32 s19, $0x9  }
0xe9: {  	s19 =	sadd.s32 $0x1, s19;
	s20 =	sadd.s32 $0xFFFFFFFF, s20;
	s3 =	sshra.s32 s3, $0x2  }
0xea: {  	p2 =	sne.s32 s19, $0x80;
	p1 =	sne.s32 s20, $0x0;
	v13 =	vbroadcast v13, $0x0;
	[tilespmem:s3+$0x18080] =	vst v15  }
.Ltmp9:
0xeb: {  	s15 =	simm.s32 @!p2 $0x1C080;
	[tilespmem:s3+$0x18090] =	vst v14;
	(pc) =	sbr.rel @!p1 .LBB2_11-.Ltmp9, $4  }
0xec: {  	s16 =	simm.s32 @!p2 $0x18080;
	s23 =	simm.s32 @!p2 $0x9;
	s3 =	simm.s32 @!p2 $0x80;
	[tilespmem:v16+s24+$0x0] =	vst.idx.msk $0x1, v13  }
0xed: {  	[hbm4b:s10+s3] =	stream.indirect.scatter @!p2 [tilespmem:s16], [sflag:$0x9], $0x80, s15, s3, $0xb8;
	[tilespmem:$0x1C100] =	vst v63  }
0xee: {  	_ =	swait.ge @!p2 [sflag:s23], $0x4000  }
0xef: {  	s19 =	simm.s32 @!p2 $0x0;
	s22 =	smov.u32 s6;
	v13 =	vimm.s32 @!p2 $0x4000;
	[sflag:s23] =	ssyncset.done @!p2 $0x0  }
.LBB2_10:
0xf0: {  	s20 =	sadd.s32 $0xFFFFFFFF, s20;
	[sflag:s23] =	ssyncadd.s32 @!p2 $0xFFFFC000;
	s22 =	sadd.s32 $0x1, s22  }
0xf1: {  	p1 =	sne.s32 s20, $0x0;
	[tilespmem:$0x1C0F0] =	vst @!p2 v13  }
0xf2: {  	[tilespmem:$0x1C0E0] =	vst @!p2 v13  }
0xf3: {  	[tilespmem:$0x1C0D0] =	vst @!p2 v13  }
0xf4: {  	v14 =	vmov s22;
	[tilespmem:$0x1C0C0] =	vst @!p2 v13  }
0xf5: {  	[tilespmem:$0x1C0B0] =	vst @!p2 v13  }
0xf6: {  	[tilespmem:$0x1C0A0] =	vst @!p2 v13  }
0xf7: {  	[tilespmem:$0x1C080] =	vst @!p2 v13  }
0xf8: {  	[tilespmem:$0x1C090] =	vst @!p2 v13  }
0xf9: {  	v13 =	vld.idx.msk [tilespmem:v14+s5+$0x0], $0xffff;
	_ =	sdelay $0x5  }
0xfa: {  	v13 =	vand.u32 $0x7F, v13  }
0xfb: {  	v13 =	vbroadcast v13, $0x0;
	_ =	sdelay $0x1  }
0xfc: {  	v15 =	vor.u32 v11, v13;
	v13 =	vor.u32 v12, v13;
	_ =	sdelay $0x3  }
0xfd: {  	v14 =	vld.idx.msk [tilespmem:v14+s8+$0x0], $0xffff  }
0xfe: {  	v15 =	vld.idx.msk [tilespmem:v15+s17+$0x0], $0xffff  }
0xff: {  	v13 =	vld.idx.msk [tilespmem:v13+s17+$0x0], $0xffff  }
0x100: {  	v16 =	vmov s19;
	_ =	sdelay $0x1  }
0x101: {  	s3 =	sshll.u32 s19, $0x9;
	s19 =	sadd.s32 $0x1, s19  }
0x102: {  	s3 =	sshra.s32 s3, $0x2;
	p2 =	sne.s32 s19, $0x80;
	v14 =	vbroadcast v14, $0x0  }
0x103: {  	s15 =	simm.s32 @!p2 $0x1C080;
	[tilespmem:s3+$0x18080] =	vst v15  }
.Ltmp10:
0x104: {  	s16 =	simm.s32 @!p2 $0x18080;
	[tilespmem:s3+$0x18090] =	vst v13;
	s3 =	simm.s32 @!p2 $0x80;
	v13 =	vimm.s32 @!p2 $0x4000;
	(pc) =	sbr.rel @p1 .LBB2_10-.Ltmp10, $4  }
0x105: {  	s23 =	simm.s32 @!p2 $0x9;
	s19 =	simm.s32 @!p2 $0x0;
	[tilespmem:v16+s24+$0x0] =	vst.idx.msk $0x1, v14  }
0x106: {  	[hbm4b:s10+s3] =	stream.indirect.scatter @!p2 [tilespmem:s16], [sflag:$0x9], $0x80, s15, s3, $0xb8;
	[tilespmem:$0x1C100] =	vst v63  }
0x107: {  	_ =	swait.ge @!p2 [sflag:s23], $0x4000  }
0x108: {  	[sflag:s23] =	ssyncset.done @!p2 $0x0  }
.Ltmp11:
0x109: {  	_ = 	snop;
	(pc) =	sbr.rel .LBB2_11-.Ltmp11, $1  }
0x10a: {  	_ =	sdelay $0x3  }
.LBB2_13:
0x10b: {  	[tilespmem:s17], [sflag:$0xA] =	stream.linear.gather [hbm4b:s30+s7], $0x400, $0x38;
	[tilespmem:$0x1C100] =	vst v63  }
0x10c: {  	s3 =	sadd.s32 $0xF4280, s30;
	s6 =	simm.s32 $0x6880  }
0x10d: {  	[tilespmem:s6], [sflag:$0xA] =	stream.linear.gather [hbm4b:s3+s7], $0x400, $0x38;
	[tilespmem:$0x1C100] =	vst v63  }
0x10e: {  	s22 =	sadd.s32 $0x1E8500, s30;
	s23 =	simm.s32 $0x7080  }
0x10f: {  	[tilespmem:s23], [sflag:$0xA] =	stream.linear.gather [hbm4b:s22+s7], $0x400, $0x38;
	[tilespmem:$0x1C100] =	vst v63  }
0x110: {  	s25 =	sadd.s32 $0x2DC780, s30;
	s26 =	simm.s32 $0x7880  }
0x111: {  	[tilespmem:s26], [sflag:$0xA] =	stream.linear.gather [hbm4b:s25+s7], $0x400, $0x38;
	[tilespmem:$0x1C100] =	vst v63  }
0x112: {  	_ =	swait.ge [sflag:s0], $0x1000  }
0x113: {  	[sflag:s0] =	ssyncset.done $0x0  }
0x114: {  	s28 =	rddreg [dreg:$0xa];
	[sflag:s0] =	ssyncadd.s32 $0xFFFFF000  }
0x115: {  	v11 =	vld [tilespmem:s28+$0x5F00];
	_ =	sdelay $0x4  }
0x116: {  	(v2sf) =	vpush v11, $0x0;
	_ =	sdelay $0xe  }
0x117: {  	s6 =	spop (v2sf)  }
0x118: {  	p1 =	slt.s32 s6, $0x1  }
.Ltmp12:
0x119: {  	_ = 	snop;
	(pc) =	sbr.rel @p1 .LBB2_17-.Ltmp12, $1  }
0x11a: {  	_ =	sdelay $0x3  }
0x11b: {  	s20 =	rddreg [dreg:$0x19]  }
0x11c: {  	v11 =	vmov s20;
	_ =	sdelay $0x4  }
0x11d: {  	v12 =	vld.idx.msk [tilespmem:v11+s5+$0x0], $0xffff;
	_ =	sdelay $0x4  }
0x11e: {  	(v2sf) =	vpush v12, $0x0;
	_ =	sdelay $0xe  }
0x11f: {  	s3 =	spop (v2sf)  }
0x120: {  	s3 =	sand.u32 $0x7F, s3  }
0x121: {  	v63 =	vor.u32 s3, v5  }
0x122: {  	v13 =	vor.u32 s3, v7;
	_ =	sdelay $0x2  }
0x123: {  	v11 =	vld.idx.msk [tilespmem:v11+s8+$0x0], $0xffff  }
0x124: {  	v12 =	vld.idx.msk [tilespmem:v63+s17+$0x0], $0xffff  }
0x125: {  	v13 =	vld.idx.msk [tilespmem:v13+s17+$0x0], $0xffff  }
0x126: {  	v14 =	vmov s19  }
0x127: {  	s28 =	sshll.u32 s19, $0x9  }
0x128: {  	s19 =	sadd.s32 $0x1, s19;
	s6 =	sadd.s32 $0xFFFFFFFF, s6;
	s3 =	sshra.s32 s28, $0x2  }
0x129: {  	p2 =	sne.s32 s19, $0x80;
	p1 =	sne.s32 s6, $0x0;
	v11 =	vbroadcast v11, $0x0;
	[tilespmem:s3+$0x18080] =	vst v12  }
.Ltmp13:
0x12a: {  	s15 =	simm.s32 @!p2 $0x1C080;
	[tilespmem:s3+$0x18090] =	vst v13;
	(pc) =	sbr.rel @!p1 .LBB2_16-.Ltmp13, $4  }
0x12b: {  	s16 =	simm.s32 @!p2 $0x18080;
	s21 =	simm.s32 @!p2 $0x9;
	s3 =	simm.s32 @!p2 $0x80;
	[tilespmem:v14+s24+$0x0] =	vst.idx.msk $0x1, v11  }
0x12c: {  	[hbm4b:s10+s3] =	stream.indirect.scatter @!p2 [tilespmem:s16], [sflag:$0x9], $0x80, s15, s3, $0xb8;
	[tilespmem:$0x1C100] =	vst v63  }
0x12d: {  	_ =	swait.ge @!p2 [sflag:s21], $0x4000  }
0x12e: {  	s19 =	simm.s32 @!p2 $0x0;
	v11 =	vimm.s32 @!p2 $0x4000;
	[sflag:s21] =	ssyncset.done @!p2 $0x0  }
.LBB2_15:
0x12f: {  	s6 =	sadd.s32 $0xFFFFFFFF, s6;
	[sflag:s21] =	ssyncadd.s32 @!p2 $0xFFFFC000;
	s20 =	sadd.s32 $0x1, s20  }
0x130: {  	p1 =	sne.s32 s6, $0x0;
	[tilespmem:$0x1C0F0] =	vst @!p2 v11  }
0x131: {  	[tilespmem:$0x1C0E0] =	vst @!p2 v11  }
0x132: {  	[tilespmem:$0x1C0D0] =	vst @!p2 v11  }
0x133: {  	v12 =	vmov s20;
	[tilespmem:$0x1C0C0] =	vst @!p2 v11  }
0x134: {  	[tilespmem:$0x1C0B0] =	vst @!p2 v11  }
0x135: {  	[tilespmem:$0x1C0A0] =	vst @!p2 v11  }
0x136: {  	[tilespmem:$0x1C080] =	vst @!p2 v11  }
0x137: {  	[tilespmem:$0x1C090] =	vst @!p2 v11  }
0x138: {  	v11 =	vld.idx.msk [tilespmem:v12+s5+$0x0], $0xffff;
	_ =	sdelay $0x5  }
0x139: {  	(v2sf) =	vpush v11, $0x0;
	_ =	sdelay $0xe  }
0x13a: {  	s3 =	spop (v2sf)  }
0x13b: {  	s3 =	sand.u32 $0x7F, s3  }
0x13c: {  	v11 =	vor.u32 s3, v5;
	v13 =	vor.u32 s3, v7;
	_ =	sdelay $0x3  }
0x13d: {  	v12 =	vld.idx.msk [tilespmem:v12+s8+$0x0], $0xffff  }
0x13e: {  	v11 =	vld.idx.msk [tilespmem:v11+s17+$0x0], $0xffff  }
0x13f: {  	v13 =	vld.idx.msk [tilespmem:v13+s17+$0x0], $0xffff  }
0x140: {  	v14 =	vmov s19;
	_ =	sdelay $0x1  }
0x141: {  	s3 =	sshll.u32 s19, $0x9;
	s19 =	sadd.s32 $0x1, s19  }
0x142: {  	s3 =	sshra.s32 s3, $0x2;
	p2 =	sne.s32 s19, $0x80;
	v12 =	vbroadcast v12, $0x0  }
0x143: {  	s15 =	simm.s32 @!p2 $0x1C080;
	[tilespmem:s3+$0x18080] =	vst v11  }
.Ltmp14:
0x144: {  	s16 =	simm.s32 @!p2 $0x18080;
	v11 =	vimm.s32 @!p2 $0x4000;
	[tilespmem:s3+$0x18090] =	vst v13;
	s3 =	simm.s32 @!p2 $0x80;
	(pc) =	sbr.rel @p1 .LBB2_15-.Ltmp14, $4  }
0x145: {  	s21 =	simm.s32 @!p2 $0x9;
	s19 =	simm.s32 @!p2 $0x0;
	[tilespmem:v14+s24+$0x0] =	vst.idx.msk $0x1, v12  }
0x146: {  	[hbm4b:s10+s3] =	stream.indirect.scatter @!p2 [tilespmem:s16], [sflag:$0x9], $0x80, s15, s3, $0xb8;
	[tilespmem:$0x1C100] =	vst v63  }
0x147: {  	_ =	swait.ge @!p2 [sflag:s21], $0x4000  }
0x148: {  	[sflag:s21] =	ssyncset.done @!p2 $0x0  }
.LBB2_16:
0x149: {  	[sflag:s21] =	ssyncadd.s32 @!p2 $0xFFFFC000  }
0x14a: {  	[tilespmem:$0x1C0F0] =	vst @!p2 v11  }
0x14b: {  	[tilespmem:$0x1C0E0] =	vst @!p2 v11  }
0x14c: {  	[tilespmem:$0x1C0D0] =	vst @!p2 v11  }
0x14d: {  	[tilespmem:$0x1C0C0] =	vst @!p2 v11  }
0x14e: {  	[tilespmem:$0x1C0B0] =	vst @!p2 v11  }
0x14f: {  	[tilespmem:$0x1C0A0] =	vst @!p2 v11  }
0x150: {  	[tilespmem:$0x1C080] =	vst @!p2 v11  }
0x151: {  	[tilespmem:$0x1C090] =	vst @!p2 v11  }
.LBB2_17:
0x152: {  	s3 =	simm.s32 @!p0 $0x0;
	s6 =	simm.s32 @!p0 $0x16080;
	s15 =	rddreg [dreg:$0x4]  }
0x153: {  	[tilespmem:s6], [sflag:$0xA] =	stream.linear.gather @!p0 [hbm4b:s15+s3], $0x2000, $0x38;
	[tilespmem:$0x1C100] =	vst v63  }
0x154: {  	s3 =	simm.s32 @!p0 $0xA  }
0x155: {  	_ =	swait.ge @!p0 [sflag:s3], $0x2000  }
0x156: {  	[sflag:s3] =	ssyncset.done @!p0 $0x0  }
0x157: {  	[sflag:s3] =	ssyncadd.s32 @!p0 $0xFFFFE000  }
0x158: {  	v11 =	vld @!p0 [tilespmem:$0x5FD9];
	_ =	sdelay $0x4  }
0x159: {  	(v2sf) =	vpush @!p0 v11, $0x0;
	_ =	sdelay $0xe  }
0x15a: {  	s6 =	spop @!p0 (v2sf)  }
0x15b: {  	p1 =	slt.s32 @!p0 s6, $0x1  }
0x15c: {  	p1 =	por p0, p1  }
.Ltmp15:
0x15d: {  	_ = 	snop;
	(pc) =	sbr.rel @p1 .LBB2_18-.Ltmp15, $1  }
0x15e: {  	_ =	sdelay $0x3  }
0x15f: {  	s20 =	rddreg [dreg:$0xb]  }
0x160: {  	v11 =	vmov s20;
	_ =	sdelay $0x4  }
0x161: {  	v12 =	vld.idx.msk [tilespmem:v11+s5+$0x0], $0xffff;
	_ =	sdelay $0x4  }
0x162: {  	(v2sf) =	vpush v12, $0x0;
	_ =	sdelay $0xe  }
0x163: {  	s3 =	spop (v2sf)  }
0x164: {  	s3 =	sshll.u32 s3, $0x7  }
0x165: {  	s3 =	sadd.s32 $0xF85F0000, s3  }
0x166: {  	v63 =	vor.u32 s3, v4  }
0x167: {  	v13 =	vor.u32 s3, v10;
	_ =	sdelay $0x2  }
0x168: {  	v11 =	vld.idx.msk [tilespmem:v11+s8+$0x0], $0xffff  }
0x169: {  	v12 =	vld.idx.msk [tilespmem:v63+s29+$0x0], $0xffff  }
0x16a: {  	v13 =	vld.idx.msk [tilespmem:v13+s29+$0x0], $0xffff  }
0x16b: {  	v14 =	vmov s19  }
0x16c: {  	s28 =	sshll.u32 s19, $0x9  }
0x16d: {  	s19 =	sadd.s32 $0x1, s19;
	s6 =	sadd.s32 $0xFFFFFFFF, s6;
	s3 =	sshra.s32 s28, $0x2  }
0x16e: {  	p2 =	sne.s32 s19, $0x80;
	p1 =	sne.s32 s6, $0x0;
	v11 =	vbroadcast v11, $0x0;
	[tilespmem:s3+$0x18080] =	vst v12  }
.Ltmp16:
0x16f: {  	s15 =	simm.s32 @!p2 $0x1C080;
	[tilespmem:s3+$0x18090] =	vst v13;
	(pc) =	sbr.rel @!p1 .LBB2_21-.Ltmp16, $4  }
0x170: {  	s16 =	simm.s32 @!p2 $0x18080;
	s21 =	simm.s32 @!p2 $0x9;
	s3 =	simm.s32 @!p2 $0x80;
	[tilespmem:v14+s24+$0x0] =	vst.idx.msk $0x1, v11  }
0x171: {  	[hbm4b:s10+s3] =	stream.indirect.scatter @!p2 [tilespmem:s16], [sflag:$0x9], $0x80, s15, s3, $0xb8;
	[tilespmem:$0x1C100] =	vst v63  }
0x172: {  	_ =	swait.ge @!p2 [sflag:s21], $0x4000  }
0x173: {  	s19 =	simm.s32 @!p2 $0x0;
	v11 =	vimm.s32 @!p2 $0x4000;
	[sflag:s21] =	ssyncset.done @!p2 $0x0  }
.LBB2_20:
0x174: {  	s6 =	sadd.s32 $0xFFFFFFFF, s6;
	[sflag:s21] =	ssyncadd.s32 @!p2 $0xFFFFC000;
	s20 =	sadd.s32 $0x1, s20  }
0x175: {  	p1 =	sne.s32 s6, $0x0;
	[tilespmem:$0x1C0F0] =	vst @!p2 v11  }
0x176: {  	[tilespmem:$0x1C0E0] =	vst @!p2 v11  }
0x177: {  	[tilespmem:$0x1C0D0] =	vst @!p2 v11  }
0x178: {  	v12 =	vmov s20;
	[tilespmem:$0x1C0C0] =	vst @!p2 v11  }
0x179: {  	[tilespmem:$0x1C0B0] =	vst @!p2 v11  }
0x17a: {  	[tilespmem:$0x1C0A0] =	vst @!p2 v11  }
0x17b: {  	[tilespmem:$0x1C080] =	vst @!p2 v11  }
0x17c: {  	[tilespmem:$0x1C090] =	vst @!p2 v11  }
0x17d: {  	v11 =	vld.idx.msk [tilespmem:v12+s5+$0x0], $0xffff;
	_ =	sdelay $0x5  }
0x17e: {  	(v2sf) =	vpush v11, $0x0;
	_ =	sdelay $0xe  }
0x17f: {  	s3 =	spop (v2sf)  }
0x180: {  	s3 =	sshll.u32 s3, $0x7  }
0x181: {  	s3 =	sadd.s32 $0xF85F0000, s3  }
0x182: {  	v11 =	vor.u32 s3, v4;
	v13 =	vor.u32 s3, v10;
	_ =	sdelay $0x3  }
0x183: {  	v12 =	vld.idx.msk [tilespmem:v12+s8+$0x0], $0xffff  }
0x184: {  	v11 =	vld.idx.msk [tilespmem:v11+s29+$0x0], $0xffff  }
0x185: {  	v13 =	vld.idx.msk [tilespmem:v13+s29+$0x0], $0xffff  }
0x186: {  	v14 =	vmov s19;
	_ =	sdelay $0x1  }
0x187: {  	s3 =	sshll.u32 s19, $0x9;
	s19 =	sadd.s32 $0x1, s19  }
0x188: {  	s3 =	sshra.s32 s3, $0x2;
	p2 =	sne.s32 s19, $0x80;
	v12 =	vbroadcast v12, $0x0  }
0x189: {  	s15 =	simm.s32 @!p2 $0x1C080;
	[tilespmem:s3+$0x18080] =	vst v11  }
.Ltmp17:
0x18a: {  	s16 =	simm.s32 @!p2 $0x18080;
	v11 =	vimm.s32 @!p2 $0x4000;
	[tilespmem:s3+$0x18090] =	vst v13;
	s3 =	simm.s32 @!p2 $0x80;
	(pc) =	sbr.rel @p1 .LBB2_20-.Ltmp17, $4  }
0x18b: {  	s21 =	simm.s32 @!p2 $0x9;
	s19 =	simm.s32 @!p2 $0x0;
	[tilespmem:v14+s24+$0x0] =	vst.idx.msk $0x1, v12  }
0x18c: {  	[hbm4b:s10+s3] =	stream.indirect.scatter @!p2 [tilespmem:s16], [sflag:$0x9], $0x80, s15, s3, $0xb8;
	[tilespmem:$0x1C100] =	vst v63  }
0x18d: {  	_ =	swait.ge @!p2 [sflag:s21], $0x4000  }
0x18e: {  	[sflag:s21] =	ssyncset.done @!p2 $0x0  }
.LBB2_21:
0x18f: {  	[sflag:s21] =	ssyncadd.s32 @!p2 $0xFFFFC000  }
0x190: {  	[tilespmem:$0x1C0F0] =	vst @!p2 v11  }
0x191: {  	[tilespmem:$0x1C0E0] =	vst @!p2 v11  }
0x192: {  	[tilespmem:$0x1C0D0] =	vst @!p2 v11  }
.Ltmp18:
0x193: {  	[tilespmem:$0x1C0C0] =	vst @!p2 v11;
	(pc) =	sbr.rel .LBB2_22-.Ltmp18, $4  }
0x194: {  	[tilespmem:$0x1C0B0] =	vst @!p2 v11  }
0x195: {  	[tilespmem:$0x1C0A0] =	vst @!p2 v11  }
0x196: {  	[tilespmem:$0x1C080] =	vst @!p2 v11  }
0x197: {  	[tilespmem:$0x1C090] =	vst @!p2 v11  }
.LBB2_18:
0x198: {  	s19 =	smov.u32 @p0 s19  }
.LBB2_22:
0x199: {  	p1 =	slt.s32 s19, $0x1  }
0x19a: {  	s3 =	simm.s32 @!p1 $0x80;
	s6 =	simm.s32 @!p1 $0x1C080;
	s15 =	simm.s32 @!p1 $0x18080  }
0x19b: {  	[hbm4b:s10+s3] =	stream.indirect.scatter @!p1 [tilespmem:s15], [sflag:$0x9], $0x80, s6, s3, $0xb8;
	[tilespmem:$0x1C100] =	vst v63  }
0x19c: {  	s3 =	simm.s32 @!p1 $0x9  }
0x19d: {  	_ =	swait.ge @!p1 [sflag:s3], $0x4000  }
0x19e: {  	[sflag:s3] =	ssyncset.done @!p1 $0x0  }
0x19f: {  	v11 =	vimm.s32 @!p1 $0x4000;
	[sflag:s3] =	ssyncadd.s32 @!p1 $0xFFFFC000  }
0x1a0: {  	[tilespmem:$0x1C080] =	vst @!p1 v11  }
0x1a1: {  	[tilespmem:$0x1C090] =	vst @!p1 v11  }
0x1a2: {  	[tilespmem:$0x1C0A0] =	vst @!p1 v11  }
0x1a3: {  	[tilespmem:$0x1C0B0] =	vst @!p1 v11  }
0x1a4: {  	[tilespmem:$0x1C0C0] =	vst @!p1 v11  }
0x1a5: {  	[tilespmem:$0x1C0D0] =	vst @!p1 v11  }
0x1a6: {  	[tilespmem:$0x1C0E0] =	vst @!p1 v11  }
0x1a7: {  	s6 =	simm.s32 $0x0;
	[tilespmem:$0x1C0F0] =	vst @!p1 v11;
	s3 =	rddreg [dreg:$0x1]  }
0x1a8: {  	[tilespmem:s6], [sflag:$0xA] =	stream.linear.gather [hbm4b:s3+s6], $0x4000, $0x38;
	[tilespmem:$0x1C100] =	vst v63  }
0x1a9: {  	_ =	swait.ge [sflag:s0], $0x4000  }
0x1aa: {  	[sflag:s0] =	ssyncset.done $0x0  }
0x1ab: {  	[sflag:s0] =	ssyncadd.s32 $0xFFFFC000  }
0x1ac: {  	[tilespmem:$0x5F00] =	vst v2  }
0x1ad: {  	[tilespmem:$0x5F10] =	vst v2  }
0x1ae: {  	[tilespmem:$0x5F20] =	vst v2  }
0x1af: {  	[tilespmem:$0x5F30] =	vst v2  }
0x1b0: {  	[tilespmem:$0x5F40] =	vst v2  }
0x1b1: {  	[tilespmem:$0x5F50] =	vst v2  }
0x1b2: {  	[tilespmem:$0x5F60] =	vst v2  }
0x1b3: {  	[tilespmem:$0x5F70] =	vst v2  }
0x1b4: {  	[tilespmem:$0x5F80] =	vst v2  }
0x1b5: {  	[tilespmem:$0x5F90] =	vst v2  }
0x1b6: {  	[tilespmem:$0x5FA0] =	vst v2  }
0x1b7: {  	[tilespmem:$0x5FB0] =	vst v2  }
0x1b8: {  	[tilespmem:$0x5FC0] =	vst v2  }
0x1b9: {  	[tilespmem:$0x5FD0] =	vst v2  }
0x1ba: {  	[tilespmem:$0x5FE0] =	vst v2  }
0x1bb: {  	[tilespmem:$0x5FF0] =	vst v2  }
0x1bc: {  	[tilespmem:$0x6000] =	vst v2  }
0x1bd: {  	[tilespmem:$0x1C080] =	vst v3  }
0x1be: {  	[tilespmem:$0x1C090] =	vst v3  }
0x1bf: {  	[tilespmem:$0x1C0A0] =	vst v3  }
0x1c0: {  	[tilespmem:$0x1C0B0] =	vst v3  }
0x1c1: {  	[tilespmem:$0x1C0C0] =	vst v3  }
0x1c2: {  	[tilespmem:$0x1C0D0] =	vst v3  }
0x1c3: {  	[tilespmem:$0x1C0E0] =	vst v3  }
0x1c4: {  	s19 =	simm.s32 $0x10;
	[tilespmem:$0x1C0F0] =	vst v3  }
.LBB2_23:
0x1c5: {  	v11 =	vld [tilespmem:s19+$0xFFFFFFF0];
	_ =	sdelay $0x4  }
0x1c6: {  	v12 =	vshra.s32 v11, $0x7  }
0x1c7: {  	v12 =	vsub.s32 v12, v0  }
0x1c8: {  	vm0 =	vgt.s32 v12, $0x0  }
0x1c9: {  	vm1 =	vgt.s32 v12, $0xFFFFFFFF;
	vm10 =	vlt.s32 v12, v1;
	v13 =	vnsel vm0, $0x0, v12  }
0x1ca: {  	vm0 =	vmand vm1, vm10;
	v57 =	vmin.u32 v13, $0xF4  }
0x1cb: {  	(xrf1) =	vunique.msk.u32 vm0, v57;
	_ =	sdelay $0x9  }
0x1cc: {  	v13 =	vld.idx.msk [tilespmem:v57+s1+$0x0], vm0;
	_ =	sdelay $0x3  }
0x1cd: {  	_, v14, _ =	vpop (xrf1)  }
0x1ce: {  	v13 =	vadd.s32 v14, v13  }
0x1cf: {  	v13 =	vadd.s32 $0xFFFFFFFF, v13  }
0x1d0: {  	vm11 =	vlt.s32 v13, $0xF  }
0x1d1: {  	v58 =	vshll.u32 v57, $0x4;
	v13 =	vnsel vm11, $0xF, v13  }
0x1d2: {  	v13 =	vadd.s32 v58, v13;
	_ =	sdelay $0x4  }
0x1d3: {  	[tilespmem:v13+s5+$0x0] =	vst.idx.msk vm0, v11;
	v11 =	vor.u32 s6, v4  }
0x1d4: {  	[tilespmem:v13+s8+$0x0] =	vst.idx.msk vm0, v11  }
0x1d5: {  	[tilespmem:v57+s1+$0x0] =	vst.idx.add.s32.msk vm0, v6  }
0x1d6: {  	v11 =	vld [tilespmem:s19+$0x0];
	_ =	sdelay $0x4  }
0x1d7: {  	v59 =	vshra.s32 v11, $0x7  }
0x1d8: {  	v12 =	vsub.s32 v59, v0  }
0x1d9: {  	vm12 =	vgt.s32 v12, $0x0  }
0x1da: {  	vm13 =	vgt.s32 v12, $0xFFFFFFFF;
	vm14 =	vlt.s32 v12, v1;
	v60 =	vnsel vm12, $0x0, v12  }
0x1db: {  	vm0 =	vmand vm13, vm14;
	v61 =	vmin.u32 v60, $0xF4  }
0x1dc: {  	(xrf1) =	vunique.msk.u32 vm0, v61;
	_ =	sdelay $0x9  }
0x1dd: {  	v13 =	vld.idx.msk [tilespmem:v61+s1+$0x0], vm0;
	_ =	sdelay $0x3  }
0x1de: {  	_, v62, _ =	vpop (xrf1)  }
0x1df: {  	v13 =	vadd.s32 v62, v13  }
0x1e0: {  	v13 =	vadd.s32 $0xFFFFFFFF, v13  }
0x1e1: {  	vm15 =	vlt.s32 v13, $0xF  }
0x1e2: {  	v63 =	vshll.u32 v61, $0x4;
	v13 =	vnsel vm15, $0xF, v13  }
0x1e3: {  	v13 =	vadd.s32 v63, v13;
	_ =	sdelay $0x1  }
0x1e4: {  	p1 =	sne.s32 s6, $0x3FE0  }
.Ltmp19:
0x1e5: {  	_ = 	snop;
	(pc) =	sbr.rel @p1 .LBB2_23-.Ltmp19, $4  }
0x1e6: {  	s3 =	sadd.s32 $0x10, s6  }
0x1e7: {  	[tilespmem:v13+s5+$0x0] =	vst.idx.msk vm0, v11;
	v11 =	vor.u32 s3, v4  }
0x1e8: {  	[tilespmem:v13+s8+$0x0] =	vst.idx.msk vm0, v11  }
0x1e9: {  	s6 =	sadd.s32 $0x20, s6;
	s19 =	sadd.s32 $0x20, s19;
	[tilespmem:v61+s1+$0x0] =	vst.idx.add.s32.msk vm0, v6  }
0x1ea: {  	s3 =	rddreg [dreg:$0xc]  }
0x1eb: {  	[tilespmem:s17], [sflag:$0x1] =	stream.strided.gather [hbm4b:s3+s13], $0x2000, s14, s13, $0x38;
	[tilespmem:$0x1C100] =	vst v63  }
0x1ec: {  	s28 =	rddreg [dreg:$0xd];
	s6 =	simm.s32 $0x8080  }
0x1ed: {  	[tilespmem:s6], [sflag:$0x2] =	stream.strided.gather [hbm4b:s28+s13], $0x2000, s14, s13, $0x38;
	[tilespmem:$0x1C100] =	vst v63  }
0x1ee: {  	s15 =	rddreg [dreg:$0xf];
	s16 =	simm.s32 $0xA080  }
0x1ef: {  	[tilespmem:s16], [sflag:$0x3] =	stream.strided.gather [hbm4b:s15+s13], $0x2000, s14, s13, $0x38;
	[tilespmem:$0x1C100] =	vst v63  }
0x1f0: {  	s19 =	rddreg [dreg:$0x11];
	s20 =	simm.s32 $0xC080  }
0x1f1: {  	[tilespmem:s20], [sflag:$0x4] =	stream.strided.gather [hbm4b:s19+s13], $0x2000, s14, s13, $0x38;
	[tilespmem:$0x1C100] =	vst v63  }
0x1f2: {  	s21 =	rddreg [dreg:$0x13];
	s22 =	simm.s32 $0xE080  }
0x1f3: {  	[tilespmem:s22], [sflag:$0x5] =	stream.strided.gather [hbm4b:s21+s13], $0x2000, s14, s13, $0x38;
	[tilespmem:$0x1C100] =	vst v63  }
.Ltmp20:
0x1f4: {  	s23 =	rddreg [dreg:$0x15];
	s25 =	simm.s32 $0x10080;
	(pc) =	sbr.rel .LBB2_25-.Ltmp20, $4  }
0x1f5: {  	s26 =	rddreg [dreg:$0x17];
	s28 =	simm.s32 $0x12080;
	s6 =	simm.s32 $0x10  }
0x1f6: {  	[tilespmem:s25], [sflag:$0x6] =	stream.strided.gather [hbm4b:s23+s13], $0x2000, s14, s13, $0x38;
	[tilespmem:$0x1C100] =	vst v63  }
0x1f7: {  	s20 =	simm.s32 $0x0;
	s19 =	simm.s32 $0x0;
	s21 =	simm.s32 $0x0  }
0x1f8: {  	[tilespmem:s28], [sflag:$0x7] =	stream.strided.gather [hbm4b:s26+s13], $0x2000, s14, s13, $0x38;
	[tilespmem:$0x1C100] =	vst v63  }
.LBB2_32:
0x1f9: {  	[sflag:s25] =	ssyncadd.s32 @!p2 $0xFFFFC000  }
0x1fa: {  	[tilespmem:$0x1C0F0] =	vst @!p2 v13  }
0x1fb: {  	[tilespmem:$0x1C0E0] =	vst @!p2 v13  }
0x1fc: {  	[tilespmem:$0x1C0D0] =	vst @!p2 v13  }
0x1fd: {  	[tilespmem:$0x1C0C0] =	vst @!p2 v13  }
0x1fe: {  	[tilespmem:$0x1C0B0] =	vst @!p2 v13  }
0x1ff: {  	[tilespmem:$0x1C0A0] =	vst @!p2 v13  }
0x200: {  	[tilespmem:$0x1C080] =	vst @!p2 v13  }
0x201: {  	[tilespmem:$0x1C090] =	vst @!p2 v13  }
.LBB2_33:
0x202: {  	s21 =	sadd.s32 $0x1, s21  }
0x203: {  	p1 =	sne.s32 s21, s12  }
.Ltmp21:
0x204: {  	_ = 	snop;
	(pc) =	sbr.rel @!p1 .LBB2_34-.Ltmp21, $2  }
0x205: {  	_ =	sdelay $0x2  }
0x206: {  	s20 =	sadd.s32 $0x20, s20;
	s6 =	sadd.s32 $0x20, s6  }
.LBB2_25:
0x207: {  	s3 =	sadd.s32 $0x7, s21  }
0x208: {  	s16 =	sand.u32 $0x7, s21;
	p1 =	sge.u32 s3, s12  }
0x209: {  	s26 =	sadd.s32 $0x1, s16;
	s15 =	sshll.u32 @!p1 s3, $0xB  }
0x20a: {  	s3 =	sand.u32 @!p1 $0x7, s3;
	s23 =	simm.s32 @!p1 $0x800;
	s15 =	sadd.s32 @!p1 s9, s15  }
0x20b: {  	s25 =	simm.s32 @!p1 $0x7A1400;
	s22 =	sshll.u32 @!p1 s3, $0xD;
	s15 =	sshrl.u32 @!p1 s15, $0x3  }
0x20c: {  	s3 =	sadd.s32 @!p1 $0x1, s3;
	s22 =	sadd.s32 @!p1 $0x6080, s22;
	s15 =	sadd.s32 @!p1 s4, s15  }
0x20d: {  	[tilespmem:s22], [sflag:s3] =	stream.strided.gather @!p1 [hbm4b:s15+s23], $0x2000, s25, s23, $0x38;
	[tilespmem:$0x1C100] =	vst v63  }
0x20e: {  	_ =	swait.ge [sflag:s26], $0x2000  }
0x20f: {  	s28 =	sshll.u32 s21, $0x3;
	[sflag:s26] =	ssyncset.done $0x0  }
0x210: {  	s23 =	sshra.s32 s28, $0x2;
	[sflag:s26] =	ssyncadd.s32 $0xFFFFE000  }
0x211: {  	v11 =	vld [tilespmem:s23+$0x5F00];
	_ =	sdelay $0x4  }
0x212: {  	(v2sf) =	vpush v11, $0x0;
	_ =	sdelay $0xe  }
0x213: {  	s25 =	spop (v2sf)  }
0x214: {  	p1 =	slt.s32 s25, $0x1  }
.Ltmp22:
0x215: {  	_ = 	snop;
	(pc) =	sbr.rel @p1 .LBB2_29-.Ltmp22, $2  }
0x216: {  	_ =	sdelay $0x2  }
0x217: {  	s22 =	sshll.u32 s16, $0xD  }
0x218: {  	v13 =	vmov s20;
	_ =	sdelay $0x4  }
0x219: {  	v11 =	vld.idx.msk [tilespmem:v13+s5+$0x0], $0xffff;
	_ =	sdelay $0x4  }
0x21a: {  	(v2sf) =	vpush v11, $0x0;
	_ =	sdelay $0xe  }
0x21b: {  	s3 =	spop (v2sf)  }
0x21c: {  	v11 =	vor.u32 s22, v5;
	s3 =	sand.u32 $0x7F, s3  }
0x21d: {  	v12 =	vor.u32 s22, v7;
	v14 =	vor.u32 s3, v11  }
0x21e: {  	v15 =	vor.u32 s3, v12;
	_ =	sdelay $0x2  }
0x21f: {  	v13 =	vld.idx.msk [tilespmem:v13+s8+$0x0], $0xffff  }
0x220: {  	v14 =	vld.idx.msk [tilespmem:v14+s17+$0x0], $0xffff  }
0x221: {  	v15 =	vld.idx.msk [tilespmem:v15+s17+$0x0], $0xffff  }
0x222: {  	v16 =	vmov s19  }
0x223: {  	s26 =	sshll.u32 s19, $0x9  }
0x224: {  	s19 =	sadd.s32 $0x1, s19;
	s25 =	sadd.s32 $0xFFFFFFFF, s25;
	s3 =	sshra.s32 s26, $0x2  }
0x225: {  	p2 =	sne.s32 s19, $0x80;
	p1 =	sne.s32 s25, $0x0;
	v13 =	vbroadcast v13, $0x0;
	[tilespmem:s3+$0x18080] =	vst v14  }
.Ltmp23:
0x226: {  	s15 =	simm.s32 @!p2 $0x1C080;
	[tilespmem:s3+$0x18090] =	vst v15;
	(pc) =	sbr.rel @!p1 .LBB2_28-.Ltmp23, $4  }
0x227: {  	s16 =	simm.s32 @!p2 $0x18080;
	s28 =	simm.s32 @!p2 $0x9;
	s3 =	simm.s32 @!p2 $0x80;
	[tilespmem:v16+s24+$0x0] =	vst.idx.msk $0x1, v13  }
0x228: {  	[hbm4b:s11+s3] =	stream.indirect.scatter @!p2 [tilespmem:s16], [sflag:$0x9], $0x80, s15, s3, $0xb8;
	[tilespmem:$0x1C100] =	vst v63  }
0x229: {  	_ =	swait.ge @!p2 [sflag:s28], $0x4000  }
0x22a: {  	s19 =	simm.s32 @!p2 $0x0;
	s26 =	smov.u32 s20;
	v13 =	vimm.s32 @!p2 $0x4000;
	[sflag:s28] =	ssyncset.done @!p2 $0x0  }
.LBB2_27:
0x22b: {  	s25 =	sadd.s32 $0xFFFFFFFF, s25;
	[sflag:s28] =	ssyncadd.s32 @!p2 $0xFFFFC000;
	s26 =	sadd.s32 $0x1, s26  }
0x22c: {  	p1 =	sne.s32 s25, $0x0;
	[tilespmem:$0x1C0F0] =	vst @!p2 v13  }
0x22d: {  	[tilespmem:$0x1C0E0] =	vst @!p2 v13  }
0x22e: {  	[tilespmem:$0x1C0D0] =	vst @!p2 v13  }
0x22f: {  	v14 =	vmov s26;
	[tilespmem:$0x1C0C0] =	vst @!p2 v13  }
0x230: {  	[tilespmem:$0x1C0B0] =	vst @!p2 v13  }
0x231: {  	[tilespmem:$0x1C0A0] =	vst @!p2 v13  }
0x232: {  	[tilespmem:$0x1C080] =	vst @!p2 v13  }
0x233: {  	[tilespmem:$0x1C090] =	vst @!p2 v13  }
0x234: {  	v13 =	vld.idx.msk [tilespmem:v14+s5+$0x0], $0xffff;
	_ =	sdelay $0x5  }
0x235: {  	(v2sf) =	vpush v13, $0x0;
	_ =	sdelay $0xe  }
0x236: {  	s3 =	spop (v2sf)  }
0x237: {  	s3 =	sand.u32 $0x7F, s3  }
0x238: {  	v13 =	vor.u32 s3, v11;
	v15 =	vor.u32 s3, v12;
	_ =	sdelay $0x3  }
0x239: {  	v14 =	vld.idx.msk [tilespmem:v14+s8+$0x0], $0xffff  }
0x23a: {  	v13 =	vld.idx.msk [tilespmem:v13+s17+$0x0], $0xffff  }
0x23b: {  	v15 =	vld.idx.msk [tilespmem:v15+s17+$0x0], $0xffff  }
0x23c: {  	v16 =	vmov s19;
	_ =	sdelay $0x1  }
0x23d: {  	s3 =	sshll.u32 s19, $0x9;
	s19 =	sadd.s32 $0x1, s19  }
0x23e: {  	s3 =	sshra.s32 s3, $0x2;
	p2 =	sne.s32 s19, $0x80;
	v14 =	vbroadcast v14, $0x0  }
0x23f: {  	s15 =	simm.s32 @!p2 $0x1C080;
	[tilespmem:s3+$0x18080] =	vst v13  }
.Ltmp24:
0x240: {  	s16 =	simm.s32 @!p2 $0x18080;
	v13 =	vimm.s32 @!p2 $0x4000;
	[tilespmem:s3+$0x18090] =	vst v15;
	s3 =	simm.s32 @!p2 $0x80;
	(pc) =	sbr.rel @p1 .LBB2_27-.Ltmp24, $4  }
0x241: {  	s28 =	simm.s32 @!p2 $0x9;
	s19 =	simm.s32 @!p2 $0x0;
	[tilespmem:v16+s24+$0x0] =	vst.idx.msk $0x1, v14  }
0x242: {  	[hbm4b:s11+s3] =	stream.indirect.scatter @!p2 [tilespmem:s16], [sflag:$0x9], $0x80, s15, s3, $0xb8;
	[tilespmem:$0x1C100] =	vst v63  }
0x243: {  	_ =	swait.ge @!p2 [sflag:s28], $0x4000  }
0x244: {  	[sflag:s28] =	ssyncset.done @!p2 $0x0  }
.LBB2_28:
0x245: {  	[sflag:s28] =	ssyncadd.s32 @!p2 $0xFFFFC000  }
0x246: {  	[tilespmem:$0x1C0F0] =	vst @!p2 v13  }
0x247: {  	[tilespmem:$0x1C0E0] =	vst @!p2 v13  }
0x248: {  	[tilespmem:$0x1C0D0] =	vst @!p2 v13  }
0x249: {  	[tilespmem:$0x1C0C0] =	vst @!p2 v13  }
0x24a: {  	[tilespmem:$0x1C0B0] =	vst @!p2 v13  }
0x24b: {  	[tilespmem:$0x1C0A0] =	vst @!p2 v13  }
0x24c: {  	[tilespmem:$0x1C080] =	vst @!p2 v13  }
0x24d: {  	[tilespmem:$0x1C090] =	vst @!p2 v13  }
.LBB2_29:
0x24e: {  	v11 =	vld [tilespmem:s23+$0x5F01];
	_ =	sdelay $0x4  }
0x24f: {  	(v2sf) =	vpush v11, $0x0;
	_ =	sdelay $0xe  }
0x250: {  	s23 =	spop (v2sf)  }
0x251: {  	p1 =	slt.s32 s23, $0x1  }
.Ltmp25:
0x252: {  	_ = 	snop;
	(pc) =	sbr.rel @p1 .LBB2_33-.Ltmp25, $1  }
0x253: {  	_ =	sdelay $0x3  }
0x254: {  	v13 =	vmov s6;
	_ =	sdelay $0x4  }
0x255: {  	v11 =	vld.idx.msk [tilespmem:v13+s5+$0x0], $0xffff;
	_ =	sdelay $0x4  }
0x256: {  	v11 =	vand.u32 $0x7F, v11  }
0x257: {  	v14 =	vbroadcast v11, $0x0  }
0x258: {  	v11 =	vor.u32 s22, v8  }
0x259: {  	v12 =	vor.u32 s22, v9;
	v15 =	vor.u32 v11, v14  }
0x25a: {  	v14 =	vor.u32 v12, v14;
	_ =	sdelay $0x2  }
0x25b: {  	v13 =	vld.idx.msk [tilespmem:v13+s8+$0x0], $0xffff  }
0x25c: {  	v15 =	vld.idx.msk [tilespmem:v15+s17+$0x0], $0xffff  }
0x25d: {  	v14 =	vld.idx.msk [tilespmem:v14+s17+$0x0], $0xffff  }
0x25e: {  	v16 =	vmov s19  }
0x25f: {  	s3 =	sshll.u32 s19, $0x9  }
0x260: {  	s19 =	sadd.s32 $0x1, s19;
	s3 =	sshra.s32 s3, $0x2;
	s22 =	sadd.s32 $0xFFFFFFFF, s23  }
0x261: {  	p2 =	sne.s32 s19, $0x80;
	v13 =	vbroadcast v13, $0x0;
	p1 =	sne.s32 s22, $0x0;
	[tilespmem:s3+$0x18080] =	vst v15  }
.Ltmp26:
0x262: {  	s15 =	simm.s32 @!p2 $0x1C080;
	[tilespmem:s3+$0x18090] =	vst v14;
	(pc) =	sbr.rel @!p1 .LBB2_32-.Ltmp26, $4  }
0x263: {  	s16 =	simm.s32 @!p2 $0x18080;
	s25 =	simm.s32 @!p2 $0x9;
	s3 =	simm.s32 @!p2 $0x80;
	[tilespmem:v16+s24+$0x0] =	vst.idx.msk $0x1, v13  }
0x264: {  	[hbm4b:s11+s3] =	stream.indirect.scatter @!p2 [tilespmem:s16], [sflag:$0x9], $0x80, s15, s3, $0xb8;
	[tilespmem:$0x1C100] =	vst v63  }
0x265: {  	_ =	swait.ge @!p2 [sflag:s25], $0x4000  }
0x266: {  	s19 =	simm.s32 @!p2 $0x0;
	s23 =	smov.u32 s6;
	v13 =	vimm.s32 @!p2 $0x4000;
	[sflag:s25] =	ssyncset.done @!p2 $0x0  }
.LBB2_31:
0x267: {  	s22 =	sadd.s32 $0xFFFFFFFF, s22;
	[sflag:s25] =	ssyncadd.s32 @!p2 $0xFFFFC000;
	s23 =	sadd.s32 $0x1, s23  }
0x268: {  	p1 =	sne.s32 s22, $0x0;
	[tilespmem:$0x1C0F0] =	vst @!p2 v13  }
0x269: {  	[tilespmem:$0x1C0E0] =	vst @!p2 v13  }
0x26a: {  	[tilespmem:$0x1C0D0] =	vst @!p2 v13  }
0x26b: {  	v14 =	vmov s23;
	[tilespmem:$0x1C0C0] =	vst @!p2 v13  }
0x26c: {  	[tilespmem:$0x1C0B0] =	vst @!p2 v13  }
0x26d: {  	[tilespmem:$0x1C0A0] =	vst @!p2 v13  }
0x26e: {  	[tilespmem:$0x1C080] =	vst @!p2 v13  }
0x26f: {  	[tilespmem:$0x1C090] =	vst @!p2 v13  }
0x270: {  	v13 =	vld.idx.msk [tilespmem:v14+s5+$0x0], $0xffff;
	_ =	sdelay $0x5  }
0x271: {  	v13 =	vand.u32 $0x7F, v13  }
0x272: {  	v13 =	vbroadcast v13, $0x0;
	_ =	sdelay $0x1  }
0x273: {  	v15 =	vor.u32 v11, v13;
	v13 =	vor.u32 v12, v13;
	_ =	sdelay $0x3  }
0x274: {  	v14 =	vld.idx.msk [tilespmem:v14+s8+$0x0], $0xffff  }
0x275: {  	v15 =	vld.idx.msk [tilespmem:v15+s17+$0x0], $0xffff  }
0x276: {  	v13 =	vld.idx.msk [tilespmem:v13+s17+$0x0], $0xffff  }
0x277: {  	v16 =	vmov s19;
	_ =	sdelay $0x1  }
0x278: {  	s3 =	sshll.u32 s19, $0x9;
	s19 =	sadd.s32 $0x1, s19  }
0x279: {  	s3 =	sshra.s32 s3, $0x2;
	p2 =	sne.s32 s19, $0x80;
	v14 =	vbroadcast v14, $0x0  }
0x27a: {  	s15 =	simm.s32 @!p2 $0x1C080;
	[tilespmem:s3+$0x18080] =	vst v15  }
.Ltmp27:
0x27b: {  	s16 =	simm.s32 @!p2 $0x18080;
	[tilespmem:s3+$0x18090] =	vst v13;
	s3 =	simm.s32 @!p2 $0x80;
	v13 =	vimm.s32 @!p2 $0x4000;
	(pc) =	sbr.rel @p1 .LBB2_31-.Ltmp27, $4  }
0x27c: {  	s25 =	simm.s32 @!p2 $0x9;
	s19 =	simm.s32 @!p2 $0x0;
	[tilespmem:v16+s24+$0x0] =	vst.idx.msk $0x1, v14  }
0x27d: {  	[hbm4b:s11+s3] =	stream.indirect.scatter @!p2 [tilespmem:s16], [sflag:$0x9], $0x80, s15, s3, $0xb8;
	[tilespmem:$0x1C100] =	vst v63  }
0x27e: {  	_ =	swait.ge @!p2 [sflag:s25], $0x4000  }
0x27f: {  	[sflag:s25] =	ssyncset.done @!p2 $0x0  }
.Ltmp28:
0x280: {  	_ = 	snop;
	(pc) =	sbr.rel .LBB2_32-.Ltmp28, $1  }
0x281: {  	_ =	sdelay $0x3  }
.LBB2_34:
0x282: {  	[tilespmem:s17], [sflag:$0xA] =	stream.linear.gather [hbm4b:s31+s7], $0x400, $0x38;
	[tilespmem:$0x1C100] =	vst v63  }
0x283: {  	s3 =	sadd.s32 $0xF4280, s31;
	s6 =	simm.s32 $0x6880  }
0x284: {  	[tilespmem:s6], [sflag:$0xA] =	stream.linear.gather [hbm4b:s3+s7], $0x400, $0x38;
	[tilespmem:$0x1C100] =	vst v63  }
0x285: {  	s22 =	sadd.s32 $0x1E8500, s31;
	s23 =	simm.s32 $0x7080  }
0x286: {  	[tilespmem:s23], [sflag:$0xA] =	stream.linear.gather [hbm4b:s22+s7], $0x400, $0x38;
	[tilespmem:$0x1C100] =	vst v63  }
0x287: {  	s25 =	sadd.s32 $0x2DC780, s31;
	s26 =	simm.s32 $0x7880  }
0x288: {  	[tilespmem:s26], [sflag:$0xA] =	stream.linear.gather [hbm4b:s25+s7], $0x400, $0x38;
	[tilespmem:$0x1C100] =	vst v63  }
0x289: {  	_ =	swait.ge [sflag:s0], $0x1000  }
0x28a: {  	[sflag:s0] =	ssyncset.done $0x0  }
0x28b: {  	s28 =	rddreg [dreg:$0xa];
	[sflag:s0] =	ssyncadd.s32 $0xFFFFF000  }
0x28c: {  	v11 =	vld [tilespmem:s28+$0x5F00];
	_ =	sdelay $0x4  }
0x28d: {  	(v2sf) =	vpush v11, $0x0;
	_ =	sdelay $0xe  }
0x28e: {  	s6 =	spop (v2sf)  }
0x28f: {  	p1 =	slt.s32 s6, $0x1  }
.Ltmp29:
0x290: {  	_ = 	snop;
	(pc) =	sbr.rel @p1 .LBB2_38-.Ltmp29, $1  }
0x291: {  	_ =	sdelay $0x3  }
0x292: {  	s20 =	rddreg [dreg:$0x19]  }
0x293: {  	v11 =	vmov s20;
	_ =	sdelay $0x4  }
0x294: {  	v12 =	vld.idx.msk [tilespmem:v11+s5+$0x0], $0xffff;
	_ =	sdelay $0x4  }
0x295: {  	(v2sf) =	vpush v12, $0x0;
	_ =	sdelay $0xe  }
0x296: {  	s3 =	spop (v2sf)  }
0x297: {  	s3 =	sand.u32 $0x7F, s3  }
0x298: {  	v63 =	vor.u32 s3, v5  }
0x299: {  	v13 =	vor.u32 s3, v7;
	_ =	sdelay $0x2  }
0x29a: {  	v11 =	vld.idx.msk [tilespmem:v11+s8+$0x0], $0xffff  }
0x29b: {  	v12 =	vld.idx.msk [tilespmem:v63+s17+$0x0], $0xffff  }
0x29c: {  	v13 =	vld.idx.msk [tilespmem:v13+s17+$0x0], $0xffff  }
0x29d: {  	v14 =	vmov s19  }
0x29e: {  	s28 =	sshll.u32 s19, $0x9  }
0x29f: {  	s19 =	sadd.s32 $0x1, s19;
	s6 =	sadd.s32 $0xFFFFFFFF, s6;
	s3 =	sshra.s32 s28, $0x2  }
0x2a0: {  	p2 =	sne.s32 s19, $0x80;
	p1 =	sne.s32 s6, $0x0;
	v11 =	vbroadcast v11, $0x0;
	[tilespmem:s3+$0x18080] =	vst v12  }
.Ltmp30:
0x2a1: {  	s15 =	simm.s32 @!p2 $0x1C080;
	[tilespmem:s3+$0x18090] =	vst v13;
	(pc) =	sbr.rel @!p1 .LBB2_37-.Ltmp30, $4  }
0x2a2: {  	s16 =	simm.s32 @!p2 $0x18080;
	s21 =	simm.s32 @!p2 $0x9;
	s3 =	simm.s32 @!p2 $0x80;
	[tilespmem:v14+s24+$0x0] =	vst.idx.msk $0x1, v11  }
0x2a3: {  	[hbm4b:s11+s3] =	stream.indirect.scatter @!p2 [tilespmem:s16], [sflag:$0x9], $0x80, s15, s3, $0xb8;
	[tilespmem:$0x1C100] =	vst v63  }
0x2a4: {  	_ =	swait.ge @!p2 [sflag:s21], $0x4000  }
0x2a5: {  	s19 =	simm.s32 @!p2 $0x0;
	v11 =	vimm.s32 @!p2 $0x4000;
	[sflag:s21] =	ssyncset.done @!p2 $0x0  }
.LBB2_36:
0x2a6: {  	s6 =	sadd.s32 $0xFFFFFFFF, s6;
	[sflag:s21] =	ssyncadd.s32 @!p2 $0xFFFFC000;
	s20 =	sadd.s32 $0x1, s20  }
0x2a7: {  	p1 =	sne.s32 s6, $0x0;
	[tilespmem:$0x1C0F0] =	vst @!p2 v11  }
0x2a8: {  	[tilespmem:$0x1C0E0] =	vst @!p2 v11  }
0x2a9: {  	[tilespmem:$0x1C0D0] =	vst @!p2 v11  }
0x2aa: {  	v12 =	vmov s20;
	[tilespmem:$0x1C0C0] =	vst @!p2 v11  }
0x2ab: {  	[tilespmem:$0x1C0B0] =	vst @!p2 v11  }
0x2ac: {  	[tilespmem:$0x1C0A0] =	vst @!p2 v11  }
0x2ad: {  	[tilespmem:$0x1C080] =	vst @!p2 v11  }
0x2ae: {  	[tilespmem:$0x1C090] =	vst @!p2 v11  }
0x2af: {  	v11 =	vld.idx.msk [tilespmem:v12+s5+$0x0], $0xffff;
	_ =	sdelay $0x5  }
0x2b0: {  	(v2sf) =	vpush v11, $0x0;
	_ =	sdelay $0xe  }
0x2b1: {  	s3 =	spop (v2sf)  }
0x2b2: {  	s3 =	sand.u32 $0x7F, s3  }
0x2b3: {  	v11 =	vor.u32 s3, v5;
	v13 =	vor.u32 s3, v7;
	_ =	sdelay $0x3  }
0x2b4: {  	v12 =	vld.idx.msk [tilespmem:v12+s8+$0x0], $0xffff  }
0x2b5: {  	v11 =	vld.idx.msk [tilespmem:v11+s17+$0x0], $0xffff  }
0x2b6: {  	v13 =	vld.idx.msk [tilespmem:v13+s17+$0x0], $0xffff  }
0x2b7: {  	v14 =	vmov s19;
	_ =	sdelay $0x1  }
0x2b8: {  	s3 =	sshll.u32 s19, $0x9;
	s19 =	sadd.s32 $0x1, s19  }
0x2b9: {  	s3 =	sshra.s32 s3, $0x2;
	p2 =	sne.s32 s19, $0x80;
	v12 =	vbroadcast v12, $0x0  }
0x2ba: {  	s15 =	simm.s32 @!p2 $0x1C080;
	[tilespmem:s3+$0x18080] =	vst v11  }
.Ltmp31:
0x2bb: {  	s16 =	simm.s32 @!p2 $0x18080;
	v11 =	vimm.s32 @!p2 $0x4000;
	[tilespmem:s3+$0x18090] =	vst v13;
	s3 =	simm.s32 @!p2 $0x80;
	(pc) =	sbr.rel @p1 .LBB2_36-.Ltmp31, $4  }
0x2bc: {  	s21 =	simm.s32 @!p2 $0x9;
	s19 =	simm.s32 @!p2 $0x0;
	[tilespmem:v14+s24+$0x0] =	vst.idx.msk $0x1, v12  }
0x2bd: {  	[hbm4b:s11+s3] =	stream.indirect.scatter @!p2 [tilespmem:s16], [sflag:$0x9], $0x80, s15, s3, $0xb8;
	[tilespmem:$0x1C100] =	vst v63  }
0x2be: {  	_ =	swait.ge @!p2 [sflag:s21], $0x4000  }
0x2bf: {  	[sflag:s21] =	ssyncset.done @!p2 $0x0  }
.LBB2_37:
0x2c0: {  	[sflag:s21] =	ssyncadd.s32 @!p2 $0xFFFFC000  }
0x2c1: {  	[tilespmem:$0x1C0F0] =	vst @!p2 v11  }
0x2c2: {  	[tilespmem:$0x1C0E0] =	vst @!p2 v11  }
0x2c3: {  	[tilespmem:$0x1C0D0] =	vst @!p2 v11  }
0x2c4: {  	[tilespmem:$0x1C0C0] =	vst @!p2 v11  }
0x2c5: {  	[tilespmem:$0x1C0B0] =	vst @!p2 v11  }
0x2c6: {  	[tilespmem:$0x1C0A0] =	vst @!p2 v11  }
0x2c7: {  	[tilespmem:$0x1C080] =	vst @!p2 v11  }
0x2c8: {  	[tilespmem:$0x1C090] =	vst @!p2 v11  }
.LBB2_38:
0x2c9: {  	s3 =	simm.s32 @!p0 $0x0;
	s6 =	simm.s32 @!p0 $0x16080;
	s15 =	rddreg [dreg:$0x7]  }
0x2ca: {  	[tilespmem:s6], [sflag:$0xA] =	stream.linear.gather @!p0 [hbm4b:s15+s3], $0x2000, $0x38;
	[tilespmem:$0x1C100] =	vst v63  }
0x2cb: {  	s3 =	simm.s32 @!p0 $0xA  }
0x2cc: {  	_ =	swait.ge @!p0 [sflag:s3], $0x2000  }
0x2cd: {  	[sflag:s3] =	ssyncset.done @!p0 $0x0  }
0x2ce: {  	[sflag:s3] =	ssyncadd.s32 @!p0 $0xFFFFE000  }
0x2cf: {  	v11 =	vld @!p0 [tilespmem:$0x5FD9];
	_ =	sdelay $0x4  }
0x2d0: {  	(v2sf) =	vpush @!p0 v11, $0x0;
	_ =	sdelay $0xe  }
0x2d1: {  	s6 =	spop @!p0 (v2sf)  }
0x2d2: {  	p1 =	slt.s32 @!p0 s6, $0x1  }
0x2d3: {  	p1 =	por p0, p1  }
.Ltmp32:
0x2d4: {  	_ = 	snop;
	(pc) =	sbr.rel @p1 .LBB2_39-.Ltmp32, $1  }
0x2d5: {  	_ =	sdelay $0x3  }
0x2d6: {  	s20 =	rddreg [dreg:$0xb]  }
0x2d7: {  	v11 =	vmov s20;
	_ =	sdelay $0x4  }
0x2d8: {  	v12 =	vld.idx.msk [tilespmem:v11+s5+$0x0], $0xffff;
	_ =	sdelay $0x4  }
0x2d9: {  	(v2sf) =	vpush v12, $0x0;
	_ =	sdelay $0xe  }
0x2da: {  	s3 =	spop (v2sf)  }
0x2db: {  	s3 =	sshll.u32 s3, $0x7  }
0x2dc: {  	s3 =	sadd.s32 $0xF85F0000, s3  }
0x2dd: {  	v63 =	vor.u32 s3, v4  }
0x2de: {  	v13 =	vor.u32 s3, v10;
	_ =	sdelay $0x2  }
0x2df: {  	v11 =	vld.idx.msk [tilespmem:v11+s8+$0x0], $0xffff  }
0x2e0: {  	v12 =	vld.idx.msk [tilespmem:v63+s29+$0x0], $0xffff  }
0x2e1: {  	v13 =	vld.idx.msk [tilespmem:v13+s29+$0x0], $0xffff  }
0x2e2: {  	v14 =	vmov s19  }
0x2e3: {  	s28 =	sshll.u32 s19, $0x9  }
0x2e4: {  	s19 =	sadd.s32 $0x1, s19;
	s6 =	sadd.s32 $0xFFFFFFFF, s6;
	s3 =	sshra.s32 s28, $0x2  }
0x2e5: {  	p2 =	sne.s32 s19, $0x80;
	p1 =	sne.s32 s6, $0x0;
	v11 =	vbroadcast v11, $0x0;
	[tilespmem:s3+$0x18080] =	vst v12  }
.Ltmp33:
0x2e6: {  	s15 =	simm.s32 @!p2 $0x1C080;
	[tilespmem:s3+$0x18090] =	vst v13;
	(pc) =	sbr.rel @!p1 .LBB2_42-.Ltmp33, $4  }
0x2e7: {  	s16 =	simm.s32 @!p2 $0x18080;
	s21 =	simm.s32 @!p2 $0x9;
	s3 =	simm.s32 @!p2 $0x80;
	[tilespmem:v14+s24+$0x0] =	vst.idx.msk $0x1, v11  }
0x2e8: {  	[hbm4b:s11+s3] =	stream.indirect.scatter @!p2 [tilespmem:s16], [sflag:$0x9], $0x80, s15, s3, $0xb8;
	[tilespmem:$0x1C100] =	vst v63  }
0x2e9: {  	_ =	swait.ge @!p2 [sflag:s21], $0x4000  }
0x2ea: {  	s19 =	simm.s32 @!p2 $0x0;
	v11 =	vimm.s32 @!p2 $0x4000;
	[sflag:s21] =	ssyncset.done @!p2 $0x0  }
.LBB2_41:
0x2eb: {  	s6 =	sadd.s32 $0xFFFFFFFF, s6;
	[sflag:s21] =	ssyncadd.s32 @!p2 $0xFFFFC000;
	s20 =	sadd.s32 $0x1, s20  }
0x2ec: {  	p1 =	sne.s32 s6, $0x0;
	[tilespmem:$0x1C0F0] =	vst @!p2 v11  }
0x2ed: {  	[tilespmem:$0x1C0E0] =	vst @!p2 v11  }
0x2ee: {  	[tilespmem:$0x1C0D0] =	vst @!p2 v11  }
0x2ef: {  	v12 =	vmov s20;
	[tilespmem:$0x1C0C0] =	vst @!p2 v11  }
0x2f0: {  	[tilespmem:$0x1C0B0] =	vst @!p2 v11  }
0x2f1: {  	[tilespmem:$0x1C0A0] =	vst @!p2 v11  }
0x2f2: {  	[tilespmem:$0x1C080] =	vst @!p2 v11  }
0x2f3: {  	[tilespmem:$0x1C090] =	vst @!p2 v11  }
0x2f4: {  	v11 =	vld.idx.msk [tilespmem:v12+s5+$0x0], $0xffff;
	_ =	sdelay $0x5  }
0x2f5: {  	(v2sf) =	vpush v11, $0x0;
	_ =	sdelay $0xe  }
0x2f6: {  	s3 =	spop (v2sf)  }
0x2f7: {  	s3 =	sshll.u32 s3, $0x7  }
0x2f8: {  	s3 =	sadd.s32 $0xF85F0000, s3  }
0x2f9: {  	v11 =	vor.u32 s3, v4;
	v13 =	vor.u32 s3, v10;
	_ =	sdelay $0x3  }
0x2fa: {  	v12 =	vld.idx.msk [tilespmem:v12+s8+$0x0], $0xffff  }
0x2fb: {  	v11 =	vld.idx.msk [tilespmem:v11+s29+$0x0], $0xffff  }
0x2fc: {  	v13 =	vld.idx.msk [tilespmem:v13+s29+$0x0], $0xffff  }
0x2fd: {  	v14 =	vmov s19;
	_ =	sdelay $0x1  }
0x2fe: {  	s3 =	sshll.u32 s19, $0x9;
	s19 =	sadd.s32 $0x1, s19  }
0x2ff: {  	s3 =	sshra.s32 s3, $0x2;
	p2 =	sne.s32 s19, $0x80;
	v12 =	vbroadcast v12, $0x0  }
0x300: {  	s15 =	simm.s32 @!p2 $0x1C080;
	[tilespmem:s3+$0x18080] =	vst v11  }
.Ltmp34:
0x301: {  	s16 =	simm.s32 @!p2 $0x18080;
	v11 =	vimm.s32 @!p2 $0x4000;
	[tilespmem:s3+$0x18090] =	vst v13;
	s3 =	simm.s32 @!p2 $0x80;
	(pc) =	sbr.rel @p1 .LBB2_41-.Ltmp34, $4  }
0x302: {  	s21 =	simm.s32 @!p2 $0x9;
	s19 =	simm.s32 @!p2 $0x0;
	[tilespmem:v14+s24+$0x0] =	vst.idx.msk $0x1, v12  }
0x303: {  	[hbm4b:s11+s3] =	stream.indirect.scatter @!p2 [tilespmem:s16], [sflag:$0x9], $0x80, s15, s3, $0xb8;
	[tilespmem:$0x1C100] =	vst v63  }
0x304: {  	_ =	swait.ge @!p2 [sflag:s21], $0x4000  }
0x305: {  	[sflag:s21] =	ssyncset.done @!p2 $0x0  }
.LBB2_42:
0x306: {  	[sflag:s21] =	ssyncadd.s32 @!p2 $0xFFFFC000  }
0x307: {  	[tilespmem:$0x1C0F0] =	vst @!p2 v11  }
0x308: {  	[tilespmem:$0x1C0E0] =	vst @!p2 v11  }
0x309: {  	[tilespmem:$0x1C0D0] =	vst @!p2 v11  }
.Ltmp35:
0x30a: {  	[tilespmem:$0x1C0C0] =	vst @!p2 v11;
	(pc) =	sbr.rel .LBB2_43-.Ltmp35, $4  }
0x30b: {  	[tilespmem:$0x1C0B0] =	vst @!p2 v11  }
0x30c: {  	[tilespmem:$0x1C0A0] =	vst @!p2 v11  }
0x30d: {  	[tilespmem:$0x1C080] =	vst @!p2 v11  }
0x30e: {  	[tilespmem:$0x1C090] =	vst @!p2 v11  }
.LBB2_44:
0x30f: {  	_ =	sfence.sel $0x180000  }
0x310: {  	[bflag:$0x0] =	sbarrier.arrive $0xFFFF  }
0x311: {  	_ =	strace $0x90000047  }
0x312: {  	s0 =	stileid.u32;
	[bflag:$0x2] =	sbarrier.arrive $0xFFFF  }
0x313: {  	p0 =	sne.s32 s0, $0x0;
	s0 =	rddreg [dreg:$0x6]  }
0x314: {  	s0 =	sadd.s32 @!p0 $0x100000, s0  }
0x315: {  	[sflag:s0] =	ssyncadd.tile.s32 @!p0 $0x1;
	_ =	shalt  }
.Lfunc_end2:
_tile_overlayer_lowered:
.L_overlay_start_2:
0x316: {  	(tag) =	ssettag $0x2  }
0x317: {  	s0 =	rddreg [dreg:$0x0];
	s2 =	stileid.u32  }
0x318: {  	s1 =	rddreg [dreg:$0x1];
	p0 =	sne.s32 s2, $0x0  }
0x319: {  	s3 =	rddreg [dreg:$0x2];
	[bflag:$0x3] =	sbarrier.arrive $0xFFFF;
	s2 =	simm.s32 @!p0 $0x1C0A  }
0x31a: {  	[timem:s3], [sflag:s2] =	dma.local @!p0 [hbm:s0], s1  }
0x31b: {  	s0 =	simm.s32 @!p0 $0xA  }
0x31c: {  	_ =	swait.ge @!p0 [sflag:s0], s1  }
0x31d: {  	s1 =	ssub.s32 @!p0 $0x0, s1;
	[sflag:s0] =	ssyncset.done @!p0 $0x0  }
0x31e: {  	[sflag:s0] =	ssyncadd.s32 @!p0 s1  }
0x31f: {  	[bflag:$0x3] =	sbarrier.arrive $0xFFFF  }
0x320: {  	_ =	shalt  }

</sc_bundles>
